<compile_context>
chip_gen: v7x
topology: tpu7x:2x2x1
jax: 0.10.2.dev20260603
libtpu: 0.0.44.dev20260713+nightly
codegen_flags: <defaults>
</compile_context>

<pallas_src>
import dataclasses
import functools

import jax
import jax.numpy as jnp
from jax import lax
from jax.experimental import pallas as pl
from jax.experimental.pallas import tpu as pltpu
from jax.experimental.pallas import tpu_sc as plsc

N = 10000
E = 320000
NC = 2
NS = 16
NW = NC * NS
EPT_DEG = E // NW
C = 64
EPAD = 327680
EPT = EPAD // NW
NCHUNK = EPT // C
NBUF = 4
NIDX = 2 * NBUF
NSB = NCHUNK // NIDX
NPAD = 10240
ROWS_PT = NPAD // NS

_MESH = plsc.VectorSubcoreMesh(core_axis_name="c", subcore_axis_name="s")
_NO_LAYOUT = dataclasses.replace(pltpu.CompilerParams(),
                                 needs_layout_passes=False)


def _sc_degree(dst):

    @functools.partial(
        pl.kernel,
        out_type=jax.ShapeDtypeStruct((NW * N,), jnp.float32),
        mesh=_MESH,
        scratch_types=[
            pltpu.VMEM((EPT_DEG,), jnp.int32),
            pltpu.VMEM((N,), jnp.float32),
        ],
        compiler_params=_NO_LAYOUT,
    )
    def k(dst_hbm, out_hbm, dbuf, acc):
        cid = lax.axis_index("c")
        sid = lax.axis_index("s")
        wid = sid * NC + cid

        @pl.loop(0, N // 16)
        def _(i):
            acc[pl.ds(i * 16, 16)] = jnp.zeros((16,), jnp.float32)

        pltpu.sync_copy(dst_hbm.at[pl.ds(wid * EPT_DEG, EPT_DEG)], dbuf)

        @pl.loop(0, EPT_DEG // 16)
        def _(i):
            vals = dbuf[pl.ds(i * 16, 16)]
            plsc.addupdate_scatter(acc, [vals], jnp.ones((16,), jnp.float32))

        pltpu.sync_copy(acc, out_hbm.at[pl.ds(wid * N, N)])

    return k(dst)


def _sc_propagate(g, idx2, zrows, d):

    @functools.partial(
        pl.kernel,
        out_type=jax.ShapeDtypeStruct((NC * NPAD, d), jnp.float32),
        mesh=_MESH,
        scratch_types=[
            [pltpu.VMEM((2, C), jnp.int32) for _ in range(NIDX)],
            [pltpu.VMEM((C, d), jnp.float32) for _ in range(NBUF)],
            pltpu.VMEM_SHARED((NPAD, d), jnp.float32),
            [pltpu.SemaphoreType.DMA for _ in range(NIDX)],
            [pltpu.SemaphoreType.DMA for _ in range(NBUF)],
            [pltpu.SemaphoreType.DMA for _ in range(NBUF)],
        ],
    )
    def k(g_hbm, idx_hbm, z_hbm, out_hbm, idx8, rows, acc, si, sg, ss):
        cid = lax.axis_index("c")
        sid = lax.axis_index("s")
        wid = sid * NC + cid
        row0 = sid * ROWS_PT
        base = wid * NCHUNK
        for s in range(NIDX):
            pltpu.async_copy(idx_hbm.at[base + s], idx8[s], si[s])
        for t in range(NBUF):
            pltpu.make_async_copy(idx_hbm.at[base + t], idx8[t], si[t]).wait()
            pltpu.async_copy(g_hbm.at[idx8[t].at[0]], rows[t], sg[t])
        pltpu.sync_copy(z_hbm, acc.at[pl.ds(row0, ROWS_PT)])
        plsc.subcore_barrier()

        @pl.loop(0, NSB)
        def _(sb):
            j0 = sb * NIDX
            for t in range(NBUF):
                j = j0 + t
                pltpu.make_async_copy(g_hbm.at[idx8[t].at[0]], rows[t],
                                      sg[t]).wait()
                pltpu.async_copy(rows[t], acc.at[idx8[t].at[1]], ss[t],
                                 add=True)
            for t in range(NBUF):
                j = j0 + t
                pltpu.make_async_copy(rows[t], acc.at[idx8[t].at[1]],
                                      ss[t]).wait()

                @pl.when(j + NIDX < NCHUNK)
                def _():
                    pltpu.async_copy(idx_hbm.at[base + j + NIDX], idx8[t],
                                     si[t])
                pltpu.make_async_copy(idx_hbm.at[base + j], idx8[t + NBUF],
                                      si[t + NBUF]).wait()
                pltpu.async_copy(g_hbm.at[idx8[t + NBUF].at[0]], rows[t],
                                 sg[t])
            for t in range(NBUF):
                j = j0 + NBUF + t
                pltpu.make_async_copy(g_hbm.at[idx8[t + NBUF].at[0]], rows[t],
                                      sg[t]).wait()
                pltpu.async_copy(rows[t], acc.at[idx8[t + NBUF].at[1]], ss[t],
                                 add=True)
            for t in range(NBUF):
                j = j0 + NBUF + t
                pltpu.make_async_copy(rows[t], acc.at[idx8[t + NBUF].at[1]],
                                      ss[t]).wait()

                @pl.when(j + NIDX < NCHUNK)
                def _():
                    pltpu.async_copy(idx_hbm.at[base + j + NIDX],
                                     idx8[t + NBUF], si[t + NBUF])

                @pl.when(j + NBUF < NCHUNK)
                def _():
                    pltpu.make_async_copy(idx_hbm.at[base + j], idx8[t],
                                          si[t]).wait()
                    pltpu.async_copy(g_hbm.at[idx8[t].at[0]], rows[t], sg[t])

        plsc.subcore_barrier()
        pltpu.sync_copy(
            acc.at[pl.ds(row0, ROWS_PT)],
            out_hbm.at[pl.ds(cid * NPAD + row0, ROWS_PT)],
        )

    return k(g, idx2, zrows)


def _dot(a, b):
    return jnp.dot(a, b, preferred_element_type=jnp.float32,
                   precision=lax.Precision.HIGHEST)


def _tc_disg(degp, x, w):

    def body(dp_ref, x_ref, w_ref, dis_ref, g_ref):
        deg = jnp.sum(dp_ref[...], axis=0) + 1.0
        dis = lax.rsqrt(deg)
        dis_ref[...] = dis
        g_ref[...] = _dot(x_ref[...], w_ref[...]) * dis[:, None]

    return pl.pallas_call(
        body,
        out_shape=(
            jax.ShapeDtypeStruct((N,), jnp.float32),
            jax.ShapeDtypeStruct((N, w.shape[1]), jnp.float32),
        ),
    )(degp, x, w)


def _tc_mid(p, g, dis, b, w):

    def body(p_ref, g_ref, dis_ref, b_ref, w_ref, o_ref):
        pr = p_ref[...]
        s = pr[:N] + pr[NPAD:NPAD + N] + g_ref[...]
        dis = dis_ref[...]
        h = jnp.maximum(dis[:, None] * s + b_ref[...][None, :], 0.0)
        o_ref[...] = _dot(h, w_ref[...]) * dis[:, None]

    return pl.pallas_call(
        body,
        out_shape=jax.ShapeDtypeStruct((N, w.shape[1]), jnp.float32),
    )(p, g, dis, b, w)


def _tc_final(p, g, dis, b):

    d_out = b.shape[0]

    def body(p_ref, g_ref, dis_ref, b_ref, o_ref):
        pr = p_ref[...]
        s = (pr[:N] + pr[NPAD:NPAD + N] + g_ref[...])[:, :d_out]
        dis = dis_ref[...]
        o_ref[...] = jax.nn.sigmoid(dis[:, None] * s + b_ref[...][None, :])

    return pl.pallas_call(
        body,
        out_shape=jax.ShapeDtypeStruct((N, d_out), jnp.float32),
    )(p, g, dis, b)


def kernel(x, edge_index, W1, b1, W2, b2, W3, b3):
    src = edge_index[0]
    dst = edge_index[1]
    pad = EPAD - E
    pad_src = (jnp.arange(pad, dtype=jnp.int32) * 13) % N
    pad_dst = N + jnp.arange(pad, dtype=jnp.int32) % (NPAD - N)
    srcp = jnp.concatenate([src, pad_src]).reshape(NW, NCHUNK, C)
    dstp = jnp.concatenate([dst, pad_dst]).reshape(NW, NCHUNK, C)
    idx2 = jnp.stack([srcp, dstp], axis=2).reshape(NW * NCHUNK, 2, C)
    z128 = jnp.zeros((ROWS_PT, 128), jnp.float32)
    W3p = jnp.concatenate(
        [W3, jnp.zeros((W3.shape[0], 128 - W3.shape[1]), jnp.float32)], axis=1)

    degp = _sc_degree(dst).reshape(NW, N)
    dis, g1 = _tc_disg(degp, x, W1)

    p1 = _sc_propagate(g1, idx2, z128, 128)
    g2 = _tc_mid(p1, g1, dis, b1, W2)
    p2 = _sc_propagate(g2, idx2, z128, 128)
    g3 = _tc_mid(p2, g2, dis, b2, W3p)
    p3 = _sc_propagate(g3, idx2, z128, 128)
    return _tc_final(p3, g3, dis, b3)

# --- scband reference (transcript-rebuilt; emitter-appended) ---
"""Pipeline reference for scband-gcn-34823594836259 (READ-ONLY COPY).

The authoritative reference and input builder live on the scoring server;
editing this copy changes nothing except your own understanding.
"""

import jax, jax.numpy as jnp
import numpy as np

N = 10000
E = 320000
D_IN = 128
D_H = 128
D_OUT = 64


def setup_inputs(seed: int = 0) -> dict:
    key = jax.random.key(seed)
    ks = jax.random.split(key, 9)
    x = jax.random.normal(ks[0], (N, D_IN), dtype=jnp.float32)
    edge_index = jax.random.randint(ks[1], (2, E), 0, N, dtype=jnp.int32)
    W1 = jax.random.normal(ks[2], (D_IN, D_H), dtype=jnp.float32) * 0.05
    b1 = jnp.zeros((D_H,), dtype=jnp.float32)
    W2 = jax.random.normal(ks[3], (D_H, D_H), dtype=jnp.float32) * 0.05
    b2 = jnp.zeros((D_H,), dtype=jnp.float32)
    W3 = jax.random.normal(ks[4], (D_H, D_OUT), dtype=jnp.float32) * 0.05
    b3 = jnp.zeros((D_OUT,), dtype=jnp.float32)
    return {"x": x, "edge_index": edge_index, "W1": W1, "b1": b1, "W2": W2, "b2": b2, "W3": W3, "b3": b3}


def _build_norm(edge_index):
    # add self-loops (PyG GCNConv default) and compute symmetric normalization
    src0, dst0 = edge_index[0], edge_index[1]
    loop = jnp.arange(N, dtype=src0.dtype)
    src = jnp.concatenate([src0, loop])
    dst = jnp.concatenate([dst0, loop])
    deg = jax.ops.segment_sum(jnp.ones_like(dst, dtype=jnp.float32), dst, num_segments=N)
    dis = jax.lax.rsqrt(jnp.maximum(deg, 1.0))
    norm = dis[src] * dis[dst]
    return src, dst, norm


def _gcn_conv(h, W, b, src, dst, norm):
    h = h @ W
    msg = h[src] * norm[:, None]
    out = jax.ops.segment_sum(msg, dst, num_segments=N)
    return out + b


def reference(x, edge_index, W1, b1, W2, b2, W3, b3):
    src, dst, norm = _build_norm(edge_index)
    h = _gcn_conv(x, W1, b1, src, dst, norm)
    h = jax.nn.relu(h)
    # dropout p=0.0 -> identity
    h = _gcn_conv(h, W2, b2, src, dst, norm)
    h = jax.nn.relu(h)
    h = _gcn_conv(h, W3, b3, src, dst, norm)
    return jax.nn.sigmoid(h)

if __name__ == "__main__":
    import jax
    _d = setup_inputs()
    print(jax.jit(kernel)(*tuple(_d.values())))

</pallas_src>

<mosaic_0001>
#map = affine_map<(d0, d1) -> (0)>
module attributes {stable_mosaic.version = 14 : i64} {
  func.func @k(%arg0: i32, %arg1: i32, %arg2: memref<320000xi32, #tpu.memory_space<hbm>>, %arg3: memref<320000xf32, #tpu.memory_space<hbm>>, %arg4: memref<10000xi32, #tpu.memory_space<vmem>>, %arg5: memref<10000xf32, #tpu.memory_space<vmem>>) attributes {dimension_semantics = [#tpu.dimension_semantics<core_parallel>, #tpu.dimension_semantics<subcore_parallel>], iteration_bounds = array<i64: 2, 16>, scalar_prefetch = 0 : i64, scratch_operands = 2 : i64, tpu.core_type = #tpu.core_type<sc_vector_subcore>, window_params = [{transform_indices = #map}, {transform_indices = #map}]} {
    %mul3A = arith.constant 2 : i32
    %mul3A_0 = arith.muli %arg1, %mul3A : i32
    %add3A = arith.addi %mul3A_0, %arg0 : i32
    %scan3A = arith.constant 0 : i32
    %scan3A_1 = arith.constant 625 : i32
    %scan3A_2 = arith.addi %scan3A, %scan3A_1 : i32
    %scan3A_3 = arith.constant 1 : i32
    scf.for %scan3A_14 = %scan3A to %scan3A_2 step %scan3A_3  : i32 {
      %mul3A_15 = arith.constant 1 : i32
      %mul3A_16 = arith.muli %scan3A_14, %mul3A_15 : i32
      %add3A_17 = arith.constant 0 : i32
      %add3A_18 = arith.addi %add3A_17, %mul3A_16 : i32
      %broadcast_in_dim3A = arith.constant 0.000000e+00 : f32
      %broadcast_in_dim3A_19 = vector.broadcast %broadcast_in_dim3A : f32 to vector<16xf32>
      %mul3A_20 = arith.constant 16 : i32
      %mul3A_21 = arith.muli %add3A_18, %mul3A_20 : i32
      %swap3A = arith.index_cast %mul3A_21 : i32 to index
      %swap3A_22 = tpu.vector_load %arg5[%swap3A] {strides = array<i32>} : memref<10000xf32, #tpu.memory_space<vmem>>, vector<16xf32>,
      tpu.vector_store %arg5[%swap3A], %broadcast_in_dim3A_19 {strides = array<i32>} : memref<10000xf32, #tpu.memory_space<vmem>>, vector<16xf32>,
    }
    %scan3A_4 = arith.constant 625 : i32
    %mul3A_5 = arith.constant 10000 : i32
    %mul3A_6 = arith.muli %add3A, %mul3A_5 : i32
    "tpu.region"() ({
      %run_scoped3A = tpu.sem_alloc : memref<!tpu.dma_semaphore, #tpu.memory_space<semaphore_mem>>
      %dma_start3A = tpu.memref_slice %arg2[%mul3A_6] : memref<320000xi32, #tpu.memory_space<hbm>> -> memref<10000xi32, #tpu.memory_space<hbm>>
      %dma_start3A_14 = tpu.memref_slice %arg2[%mul3A_6] : memref<320000xi32, #tpu.memory_space<hbm>> -> memref<10000xi32, #tpu.memory_space<hbm>>
      tpu.enqueue_dma source(%dma_start3A_14 : memref<10000xi32, #tpu.memory_space<hbm>>) target(%arg4 : memref<10000xi32, #tpu.memory_space<vmem>>) target_semaphore(%run_scoped3A : memref<!tpu.dma_semaphore, #tpu.memory_space<semaphore_mem>>)
      %dma_wait3A = tpu.memref_slice %arg2[%mul3A_6] : memref<320000xi32, #tpu.memory_space<hbm>> -> memref<10000xi32, #tpu.memory_space<hbm>>
      %dma_wait3A_15 = tpu.memref_slice %arg2[%mul3A_6] : memref<320000xi32, #tpu.memory_space<hbm>> -> memref<10000xi32, #tpu.memory_space<hbm>>
      tpu.wait_dma2 semaphore(%run_scoped3A : memref<!tpu.dma_semaphore, #tpu.memory_space<semaphore_mem>>) src(%dma_wait3A_15 : memref<10000xi32, #tpu.memory_space<hbm>>) dst(%arg4 : memref<10000xi32, #tpu.memory_space<vmem>>)
      tpu.yield
    }) : () -> ()
    %scan3A_7 = arith.constant 0 : i32
    %scan3A_8 = arith.constant 625 : i32
    %scan3A_9 = arith.addi %scan3A_7, %scan3A_8 : i32
    %scan3A_10 = arith.constant 1 : i32
    scf.for %scan3A_14 = %scan3A_7 to %scan3A_9 step %scan3A_10  : i32 {
      %mul3A_15 = arith.constant 1 : i32
      %mul3A_16 = arith.muli %scan3A_14, %mul3A_15 : i32
      %add3A_17 = arith.constant 0 : i32
      %add3A_18 = arith.addi %add3A_17, %mul3A_16 : i32
      %mul3A_19 = arith.constant 16 : i32
      %mul3A_20 = arith.muli %add3A_18, %mul3A_19 : i32
      %get3A = arith.index_cast %mul3A_20 : i32 to index
      %get3A_21 = tpu.vector_load %arg4[%get3A] {strides = array<i32>} : memref<10000xi32, #tpu.memory_space<vmem>>, vector<16xi32>,
      %broadcast_in_dim3A = arith.constant 1.000000e+00 : f32
      %broadcast_in_dim3A_22 = vector.broadcast %broadcast_in_dim3A : f32 to vector<16xf32>
      tpu.vector_store_idx %arg5[%get3A_21], %broadcast_in_dim3A_22 {add = true} : memref<10000xf32, #tpu.memory_space<vmem>>[vector<16xi32>], vector<16xf32>,
    }
    %scan3A_11 = arith.constant 625 : i32
    %mul3A_12 = arith.constant 10000 : i32
    %mul3A_13 = arith.muli %add3A, %mul3A_12 : i32
    "tpu.region"() ({
      %run_scoped3A = tpu.sem_alloc : memref<!tpu.dma_semaphore, #tpu.memory_space<semaphore_mem>>
      %dma_start3A = tpu.memref_slice %arg3[%mul3A_13] : memref<320000xf32, #tpu.memory_space<hbm>> -> memref<10000xf32, #tpu.memory_space<hbm>>
      %dma_start3A_14 = tpu.memref_slice %arg3[%mul3A_13] : memref<320000xf32, #tpu.memory_space<hbm>> -> memref<10000xf32, #tpu.memory_space<hbm>>
      tpu.enqueue_dma source(%arg5 : memref<10000xf32, #tpu.memory_space<vmem>>) target(%dma_start3A_14 : memref<10000xf32, #tpu.memory_space<hbm>>) target_semaphore(%run_scoped3A : memref<!tpu.dma_semaphore, #tpu.memory_space<semaphore_mem>>)
      %dma_wait3A = tpu.memref_slice %arg3[%mul3A_13] : memref<320000xf32, #tpu.memory_space<hbm>> -> memref<10000xf32, #tpu.memory_space<hbm>>
      %dma_wait3A_15 = tpu.memref_slice %arg3[%mul3A_13] : memref<320000xf32, #tpu.memory_space<hbm>> -> memref<10000xf32, #tpu.memory_space<hbm>>
      tpu.wait_dma2 semaphore(%run_scoped3A : memref<!tpu.dma_semaphore, #tpu.memory_space<semaphore_mem>>) src(%arg5 : memref<10000xf32, #tpu.memory_space<vmem>>) dst(%dma_wait3A_15 : memref<10000xf32, #tpu.memory_space<hbm>>)
      tpu.yield
    }) : () -> ()
    return
  }
}

#map = affine_map<(d0, d1) -> (0, 0)>
#map1 = affine_map<(d0, d1) -> (0, 0, 0)>
module attributes {stable_mosaic.version = 14 : i64} {
  func.func @k(%arg0: i32, %arg1: i32, %arg2: memref<10000x128xf32, #tpu.memory_space<hbm>>, %arg3: memref<5120x2x64xi32, #tpu.memory_space<hbm>>, %arg4: memref<640x128xf32, #tpu.memory_space<hbm>>, %arg5: memref<20480x128xf32, #tpu.memory_space<hbm>>, %arg6: memref<2x64xi32, #tpu.memory_space<vmem>>, %arg7: memref<2x64xi32, #tpu.memory_space<vmem>>, %arg8: memref<2x64xi32, #tpu.memory_space<vmem>>, %arg9: memref<2x64xi32, #tpu.memory_space<vmem>>, %arg10: memref<2x64xi32, #tpu.memory_space<vmem>>, %arg11: memref<2x64xi32, #tpu.memory_space<vmem>>, %arg12: memref<2x64xi32, #tpu.memory_space<vmem>>, %arg13: memref<2x64xi32, #tpu.memory_space<vmem>>, %arg14: memref<64x128xf32, #tpu.memory_space<vmem>>, %arg15: memref<64x128xf32, #tpu.memory_space<vmem>>, %arg16: memref<64x128xf32, #tpu.memory_space<vmem>>, %arg17: memref<64x128xf32, #tpu.memory_space<vmem>>, %arg18: memref<10240x128xf32, #tpu.memory_space<vmem_shared>>, %arg19: memref<!tpu.dma_semaphore, #tpu.memory_space<semaphore_mem>>, %arg20: memref<!tpu.dma_semaphore, #tpu.memory_space<semaphore_mem>>, %arg21: memref<!tpu.dma_semaphore, #tpu.memory_space<semaphore_mem>>, %arg22: memref<!tpu.dma_semaphore, #tpu.memory_space<semaphore_mem>>, %arg23: memref<!tpu.dma_semaphore, #tpu.memory_space<semaphore_mem>>, %arg24: memref<!tpu.dma_semaphore, #tpu.memory_space<semaphore_mem>>, %arg25: memref<!tpu.dma_semaphore, #tpu.memory_space<semaphore_mem>>, %arg26: memref<!tpu.dma_semaphore, #tpu.memory_space<semaphore_mem>>, %arg27: memref<!tpu.dma_semaphore, #tpu.memory_space<semaphore_mem>>, %arg28: memref<!tpu.dma_semaphore, #tpu.memory_space<semaphore_mem>>, %arg29: memref<!tpu.dma_semaphore, #tpu.memory_space<semaphore_mem>>, %arg30: memref<!tpu.dma_semaphore, #tpu.memory_space<semaphore_mem>>, %arg31: memref<!tpu.dma_semaphore, #tpu.memory_space<semaphore_mem>>, %arg32: memref<!tpu.dma_semaphore, #tpu.memory_space<semaphore_mem>>, %arg33: memref<!tpu.dma_semaphore, #tpu.memory_space<semaphore_mem>>, %arg34: memref<!tpu.dma_semaphore, #tpu.memory_space<semaphore_mem>>) attributes {dimension_semantics = [#tpu.dimension_semantics<core_parallel>, #tpu.dimension_semantics<subcore_parallel>], iteration_bounds = array<i64: 2, 16>, scalar_prefetch = 0 : i64, scratch_operands = 29 : i64, tpu.core_type = #tpu.core_type<sc_vector_subcore>, window_params = [{transform_indices = #map}, {transform_indices = #map1}, {transform_indices = #map}, {transform_indices = #map}]} {
    %mul3A = arith.constant 2 : i32
    %mul3A_0 = arith.muli %arg1, %mul3A : i32
    %add3A = arith.addi %mul3A_0, %arg0 : i32
    %mul3A_1 = arith.constant 640 : i32
    %mul3A_2 = arith.muli %arg1, %mul3A_1 : i32
    %mul3A_3 = arith.constant 160 : i32
    %mul3A_4 = arith.muli %add3A, %mul3A_3 : i32
    %add3A_5 = arith.constant 0 : i32
    %add3A_6 = arith.addi %mul3A_4, %add3A_5 : i32
    %dma_start3A = arith.constant 0 : i32
    %dma_start3A_7 = arith.constant 0 : i32
    %dma_start3A_8 = tpu.memref_slice %arg3[%add3A_6, %dma_start3A, %dma_start3A_7] : memref<5120x2x64xi32, #tpu.memory_space<hbm>> -> memref<1x2x64xi32, #tpu.memory_space<hbm>>
    %dma_start3A_9 = tpu.memref_squeeze %dma_start3A_8 : memref<1x2x64xi32, #tpu.memory_space<hbm>> -> memref<2x64xi32, #tpu.memory_space<hbm>>
    %dma_start3A_10 = arith.constant 0 : i32
    %dma_start3A_11 = arith.constant 0 : i32
    %dma_start3A_12 = tpu.memref_slice %arg3[%add3A_6, %dma_start3A_10, %dma_start3A_11] : memref<5120x2x64xi32, #tpu.memory_space<hbm>> -> memref<1x2x64xi32, #tpu.memory_space<hbm>>
    %dma_start3A_13 = tpu.memref_squeeze %dma_start3A_12 : memref<1x2x64xi32, #tpu.memory_space<hbm>> -> memref<2x64xi32, #tpu.memory_space<hbm>>
    tpu.enqueue_dma source(%dma_start3A_13 : memref<2x64xi32, #tpu.memory_space<hbm>>) target(%arg6 : memref<2x64xi32, #tpu.memory_space<vmem>>) target_semaphore(%arg19 : memref<!tpu.dma_semaphore, #tpu.memory_space<semaphore_mem>>)
    %add3A_14 = arith.constant 1 : i32
    %add3A_15 = arith.addi %mul3A_4, %add3A_14 : i32
    %dma_start3A_16 = arith.constant 0 : i32
    %dma_start3A_17 = arith.constant 0 : i32
    %dma_start3A_18 = tpu.memref_slice %arg3[%add3A_15, %dma_start3A_16, %dma_start3A_17] : memref<5120x2x64xi32, #tpu.memory_space<hbm>> -> memref<1x2x64xi32, #tpu.memory_space<hbm>>
    %dma_start3A_19 = tpu.memref_squeeze %dma_start3A_18 : memref<1x2x64xi32, #tpu.memory_space<hbm>> -> memref<2x64xi32, #tpu.memory_space<hbm>>
    %dma_start3A_20 = arith.constant 0 : i32
    %dma_start3A_21 = arith.constant 0 : i32
    %dma_start3A_22 = tpu.memref_slice %arg3[%add3A_15, %dma_start3A_20, %dma_start3A_21] : memref<5120x2x64xi32, #tpu.memory_space<hbm>> -> memref<1x2x64xi32, #tpu.memory_space<hbm>>
    %dma_start3A_23 = tpu.memref_squeeze %dma_start3A_22 : memref<1x2x64xi32, #tpu.memory_space<hbm>> -> memref<2x64xi32, #tpu.memory_space<hbm>>
    tpu.enqueue_dma source(%dma_start3A_23 : memref<2x64xi32, #tpu.memory_space<hbm>>) target(%arg7 : memref<2x64xi32, #tpu.memory_space<vmem>>) target_semaphore(%arg20 : memref<!tpu.dma_semaphore, #tpu.memory_space<semaphore_mem>>)
    %add3A_24 = arith.constant 2 : i32
    %add3A_25 = arith.addi %mul3A_4, %add3A_24 : i32
    %dma_start3A_26 = arith.constant 0 : i32
    %dma_start3A_27 = arith.constant 0 : i32
    %dma_start3A_28 = tpu.memref_slice %arg3[%add3A_25, %dma_start3A_26, %dma_start3A_27] : memref<5120x2x64xi32, #tpu.memory_space<hbm>> -> memref<1x2x64xi32, #tpu.memory_space<hbm>>
    %dma_start3A_29 = tpu.memref_squeeze %dma_start3A_28 : memref<1x2x64xi32, #tpu.memory_space<hbm>> -> memref<2x64xi32, #tpu.memory_space<hbm>>
    %dma_start3A_30 = arith.constant 0 : i32
    %dma_start3A_31 = arith.constant 0 : i32
    %dma_start3A_32 = tpu.memref_slice %arg3[%add3A_25, %dma_start3A_30, %dma_start3A_31] : memref<5120x2x64xi32, #tpu.memory_space<hbm>> -> memref<1x2x64xi32, #tpu.memory_space<hbm>>
    %dma_start3A_33 = tpu.memref_squeeze %dma_start3A_32 : memref<1x2x64xi32, #tpu.memory_space<hbm>> -> memref<2x64xi32, #tpu.memory_space<hbm>>
    tpu.enqueue_dma source(%dma_start3A_33 : memref<2x64xi32, #tpu.memory_space<hbm>>) target(%arg8 : memref<2x64xi32, #tpu.memory_space<vmem>>) target_semaphore(%arg21 : memref<!tpu.dma_semaphore, #tpu.memory_space<semaphore_mem>>)
    %add3A_34 = arith.constant 3 : i32
    %add3A_35 = arith.addi %mul3A_4, %add3A_34 : i32
    %dma_start3A_36 = arith.constant 0 : i32
    %dma_start3A_37 = arith.constant 0 : i32
    %dma_start3A_38 = tpu.memref_slice %arg3[%add3A_35, %dma_start3A_36, %dma_start3A_37] : memref<5120x2x64xi32, #tpu.memory_space<hbm>> -> memref<1x2x64xi32, #tpu.memory_space<hbm>>
    %dma_start3A_39 = tpu.memref_squeeze %dma_start3A_38 : memref<1x2x64xi32, #tpu.memory_space<hbm>> -> memref<2x64xi32, #tpu.memory_space<hbm>>
    %dma_start3A_40 = arith.constant 0 : i32
    %dma_start3A_41 = arith.constant 0 : i32
    %dma_start3A_42 = tpu.memref_slice %arg3[%add3A_35, %dma_start3A_40, %dma_start3A_41] : memref<5120x2x64xi32, #tpu.memory_space<hbm>> -> memref<1x2x64xi32, #tpu.memory_space<hbm>>
    %dma_start3A_43 = tpu.memref_squeeze %dma_start3A_42 : memref<1x2x64xi32, #tpu.memory_space<hbm>> -> memref<2x64xi32, #tpu.memory_space<hbm>>
    tpu.enqueue_dma source(%dma_start3A_43 : memref<2x64xi32, #tpu.memory_space<hbm>>) target(%arg9 : memref<2x64xi32, #tpu.memory_space<vmem>>) target_semaphore(%arg22 : memref<!tpu.dma_semaphore, #tpu.memory_space<semaphore_mem>>)
    %add3A_44 = arith.constant 4 : i32
    %add3A_45 = arith.addi %mul3A_4, %add3A_44 : i32
    %dma_start3A_46 = arith.constant 0 : i32
    %dma_start3A_47 = arith.constant 0 : i32
    %dma_start3A_48 = tpu.memref_slice %arg3[%add3A_45, %dma_start3A_46, %dma_start3A_47] : memref<5120x2x64xi32, #tpu.memory_space<hbm>> -> memref<1x2x64xi32, #tpu.memory_space<hbm>>
    %dma_start3A_49 = tpu.memref_squeeze %dma_start3A_48 : memref<1x2x64xi32, #tpu.memory_space<hbm>> -> memref<2x64xi32, #tpu.memory_space<hbm>>
    %dma_start3A_50 = arith.constant 0 : i32
    %dma_start3A_51 = arith.constant 0 : i32
    %dma_start3A_52 = tpu.memref_slice %arg3[%add3A_45, %dma_start3A_50, %dma_start3A_51] : memref<5120x2x64xi32, #tpu.memory_space<hbm>> -> memref<1x2x64xi32, #tpu.memory_space<hbm>>
    %dma_start3A_53 = tpu.memref_squeeze %dma_start3A_52 : memref<1x2x64xi32, #tpu.memory_space<hbm>> -> memref<2x64xi32, #tpu.memory_space<hbm>>
    tpu.enqueue_dma source(%dma_start3A_53 : memref<2x64xi32, #tpu.memory_space<hbm>>) target(%arg10 : memref<2x64xi32, #tpu.memory_space<vmem>>) target_semaphore(%arg23 : memref<!tpu.dma_semaphore, #tpu.memory_space<semaphore_mem>>)
    %add3A_54 = arith.constant 5 : i32
    %add3A_55 = arith.addi %mul3A_4, %add3A_54 : i32
    %dma_start3A_56 = arith.constant 0 : i32
    %dma_start3A_57 = arith.constant 0 : i32
    %dma_start3A_58 = tpu.memref_slice %arg3[%add3A_55, %dma_start3A_56, %dma_start3A_57] : memref<5120x2x64xi32, #tpu.memory_space<hbm>> -> memref<1x2x64xi32, #tpu.memory_space<hbm>>
    %dma_start3A_59 = tpu.memref_squeeze %dma_start3A_58 : memref<1x2x64xi32, #tpu.memory_space<hbm>> -> memref<2x64xi32, #tpu.memory_space<hbm>>
    %dma_start3A_60 = arith.constant 0 : i32
    %dma_start3A_61 = arith.constant 0 : i32
    %dma_start3A_62 = tpu.memref_slice %arg3[%add3A_55, %dma_start3A_60, %dma_start3A_61] : memref<5120x2x64xi32, #tpu.memory_space<hbm>> -> memref<1x2x64xi32, #tpu.memory_space<hbm>>
    %dma_start3A_63 = tpu.memref_squeeze %dma_start3A_62 : memref<1x2x64xi32, #tpu.memory_space<hbm>> -> memref<2x64xi32, #tpu.memory_space<hbm>>
    tpu.enqueue_dma source(%dma_start3A_63 : memref<2x64xi32, #tpu.memory_space<hbm>>) target(%arg11 : memref<2x64xi32, #tpu.memory_space<vmem>>) target_semaphore(%arg24 : memref<!tpu.dma_semaphore, #tpu.memory_space<semaphore_mem>>)
    %add3A_64 = arith.constant 6 : i32
    %add3A_65 = arith.addi %mul3A_4, %add3A_64 : i32
    %dma_start3A_66 = arith.constant 0 : i32
    %dma_start3A_67 = arith.constant 0 : i32
    %dma_start3A_68 = tpu.memref_slice %arg3[%add3A_65, %dma_start3A_66, %dma_start3A_67] : memref<5120x2x64xi32, #tpu.memory_space<hbm>> -> memref<1x2x64xi32, #tpu.memory_space<hbm>>
    %dma_start3A_69 = tpu.memref_squeeze %dma_start3A_68 : memref<1x2x64xi32, #tpu.memory_space<hbm>> -> memref<2x64xi32, #tpu.memory_space<hbm>>
    %dma_start3A_70 = arith.constant 0 : i32
    %dma_start3A_71 = arith.constant 0 : i32
    %dma_start3A_72 = tpu.memref_slice %arg3[%add3A_65, %dma_start3A_70, %dma_start3A_71] : memref<5120x2x64xi32, #tpu.memory_space<hbm>> -> memref<1x2x64xi32, #tpu.memory_space<hbm>>
    %dma_start3A_73 = tpu.memref_squeeze %dma_start3A_72 : memref<1x2x64xi32, #tpu.memory_space<hbm>> -> memref<2x64xi32, #tpu.memory_space<hbm>>
    tpu.enqueue_dma source(%dma_start3A_73 : memref<2x64xi32, #tpu.memory_space<hbm>>) target(%arg12 : memref<2x64xi32, #tpu.memory_space<vmem>>) target_semaphore(%arg25 : memref<!tpu.dma_semaphore, #tpu.memory_space<semaphore_mem>>)
    %add3A_74 = arith.constant 7 : i32
    %add3A_75 = arith.addi %mul3A_4, %add3A_74 : i32
    %dma_start3A_76 = arith.constant 0 : i32
    %dma_start3A_77 = arith.constant 0 : i32
    %dma_start3A_78 = tpu.memref_slice %arg3[%add3A_75, %dma_start3A_76, %dma_start3A_77] : memref<5120x2x64xi32, #tpu.memory_space<hbm>> -> memref<1x2x64xi32, #tpu.memory_space<hbm>>
    %dma_start3A_79 = tpu.memref_squeeze %dma_start3A_78 : memref<1x2x64xi32, #tpu.memory_space<hbm>> -> memref<2x64xi32, #tpu.memory_space<hbm>>
    %dma_start3A_80 = arith.constant 0 : i32
    %dma_start3A_81 = arith.constant 0 : i32
    %dma_start3A_82 = tpu.memref_slice %arg3[%add3A_75, %dma_start3A_80, %dma_start3A_81] : memref<5120x2x64xi32, #tpu.memory_space<hbm>> -> memref<1x2x64xi32, #tpu.memory_space<hbm>>
    %dma_start3A_83 = tpu.memref_squeeze %dma_start3A_82 : memref<1x2x64xi32, #tpu.memory_space<hbm>> -> memref<2x64xi32, #tpu.memory_space<hbm>>
    tpu.enqueue_dma source(%dma_start3A_83 : memref<2x64xi32, #tpu.memory_space<hbm>>) target(%arg13 : memref<2x64xi32, #tpu.memory_space<vmem>>) target_semaphore(%arg26 : memref<!tpu.dma_semaphore, #tpu.memory_space<semaphore_mem>>)
    %add3A_84 = arith.constant 0 : i32
    %add3A_85 = arith.addi %mul3A_4, %add3A_84 : i32
    %dma_wait3A = arith.constant 0 : i32
    %dma_wait3A_86 = arith.constant 0 : i32
    %dma_wait3A_87 = tpu.memref_slice %arg3[%add3A_85, %dma_wait3A, %dma_wait3A_86] : memref<5120x2x64xi32, #tpu.memory_space<hbm>> -> memref<1x2x64xi32, #tpu.memory_space<hbm>>
    %dma_wait3A_88 = tpu.memref_squeeze %dma_wait3A_87 : memref<1x2x64xi32, #tpu.memory_space<hbm>> -> memref<2x64xi32, #tpu.memory_space<hbm>>
    %dma_wait3A_89 = arith.constant 0 : i32
    %dma_wait3A_90 = arith.constant 0 : i32
    %dma_wait3A_91 = tpu.memref_slice %arg3[%add3A_85, %dma_wait3A_89, %dma_wait3A_90] : memref<5120x2x64xi32, #tpu.memory_space<hbm>> -> memref<1x2x64xi32, #tpu.memory_space<hbm>>
    %dma_wait3A_92 = tpu.memref_squeeze %dma_wait3A_91 : memref<1x2x64xi32, #tpu.memory_space<hbm>> -> memref<2x64xi32, #tpu.memory_space<hbm>>
    tpu.wait_dma2 semaphore(%arg19 : memref<!tpu.dma_semaphore, #tpu.memory_space<semaphore_mem>>) src(%dma_wait3A_92 : memref<2x64xi32, #tpu.memory_space<hbm>>) dst(%arg6 : memref<2x64xi32, #tpu.memory_space<vmem>>)
    %dma_start3A_93 = arith.constant 0 : i32
    %dma_start3A_94 = arith.constant 0 : i32
    %dma_start3A_95 = tpu.memref_slice %arg6[%dma_start3A_93, %dma_start3A_94] : memref<2x64xi32, #tpu.memory_space<vmem>> -> memref<1x64xi32, #tpu.memory_space<vmem>>
    %dma_start3A_96 = tpu.memref_squeeze %dma_start3A_95 : memref<1x64xi32, #tpu.memory_space<vmem>> -> memref<64xi32, #tpu.memory_space<vmem>>
    %dma_start3A_97 = arith.constant 0 : i32
    %dma_start3A_98 = arith.constant 0 : i32
    %dma_start3A_99 = tpu.memref_slice %arg2[%dma_start3A_97, %dma_start3A_98] : memref<10000x128xf32, #tpu.memory_space<hbm>> -> memref<10000x128xf32, #tpu.memory_space<hbm>>
    tpu.enqueue_indirect_dma source(%dma_start3A_99 : memref<10000x128xf32, #tpu.memory_space<hbm>>) target(%arg14 : memref<64x128xf32, #tpu.memory_space<vmem>>) offsets(%dma_start3A_96 : memref<64xi32, #tpu.memory_space<vmem>>) semaphore(%arg27 : memref<!tpu.dma_semaphore, #tpu.memory_space<semaphore_mem>>)
    %add3A_100 = arith.constant 1 : i32
    %add3A_101 = arith.addi %mul3A_4, %add3A_100 : i32
    %dma_wait3A_102 = arith.constant 0 : i32
    %dma_wait3A_103 = arith.constant 0 : i32
    %dma_wait3A_104 = tpu.memref_slice %arg3[%add3A_101, %dma_wait3A_102, %dma_wait3A_103] : memref<5120x2x64xi32, #tpu.memory_space<hbm>> -> memref<1x2x64xi32, #tpu.memory_space<hbm>>
    %dma_wait3A_105 = tpu.memref_squeeze %dma_wait3A_104 : memref<1x2x64xi32, #tpu.memory_space<hbm>> -> memref<2x64xi32, #tpu.memory_space<hbm>>
    %dma_wait3A_106 = arith.constant 0 : i32
    %dma_wait3A_107 = arith.constant 0 : i32
    %dma_wait3A_108 = tpu.memref_slice %arg3[%add3A_101, %dma_wait3A_106, %dma_wait3A_107] : memref<5120x2x64xi32, #tpu.memory_space<hbm>> -> memref<1x2x64xi32, #tpu.memory_space<hbm>>
    %dma_wait3A_109 = tpu.memref_squeeze %dma_wait3A_108 : memref<1x2x64xi32, #tpu.memory_space<hbm>> -> memref<2x64xi32, #tpu.memory_space<hbm>>
    tpu.wait_dma2 semaphore(%arg20 : memref<!tpu.dma_semaphore, #tpu.memory_space<semaphore_mem>>) src(%dma_wait3A_109 : memref<2x64xi32, #tpu.memory_space<hbm>>) dst(%arg7 : memref<2x64xi32, #tpu.memory_space<vmem>>)
    %dma_start3A_110 = arith.constant 0 : i32
    %dma_start3A_111 = arith.constant 0 : i32
    %dma_start3A_112 = tpu.memref_slice %arg7[%dma_start3A_110, %dma_start3A_111] : memref<2x64xi32, #tpu.memory_space<vmem>> -> memref<1x64xi32, #tpu.memory_space<vmem>>
    %dma_start3A_113 = tpu.memref_squeeze %dma_start3A_112 : memref<1x64xi32, #tpu.memory_space<vmem>> -> memref<64xi32, #tpu.memory_space<vmem>>
    %dma_start3A_114 = arith.constant 0 : i32
    %dma_start3A_115 = arith.constant 0 : i32
    %dma_start3A_116 = tpu.memref_slice %arg2[%dma_start3A_114, %dma_start3A_115] : memref<10000x128xf32, #tpu.memory_space<hbm>> -> memref<10000x128xf32, #tpu.memory_space<hbm>>
    tpu.enqueue_indirect_dma source(%dma_start3A_116 : memref<10000x128xf32, #tpu.memory_space<hbm>>) target(%arg15 : memref<64x128xf32, #tpu.memory_space<vmem>>) offsets(%dma_start3A_113 : memref<64xi32, #tpu.memory_space<vmem>>) semaphore(%arg28 : memref<!tpu.dma_semaphore, #tpu.memory_space<semaphore_mem>>)
    %add3A_117 = arith.constant 2 : i32
    %add3A_118 = arith.addi %mul3A_4, %add3A_117 : i32
    %dma_wait3A_119 = arith.constant 0 : i32
    %dma_wait3A_120 = arith.constant 0 : i32
    %dma_wait3A_121 = tpu.memref_slice %arg3[%add3A_118, %dma_wait3A_119, %dma_wait3A_120] : memref<5120x2x64xi32, #tpu.memory_space<hbm>> -> memref<1x2x64xi32, #tpu.memory_space<hbm>>
    %dma_wait3A_122 = tpu.memref_squeeze %dma_wait3A_121 : memref<1x2x64xi32, #tpu.memory_space<hbm>> -> memref<2x64xi32, #tpu.memory_space<hbm>>
    %dma_wait3A_123 = arith.constant 0 : i32
    %dma_wait3A_124 = arith.constant 0 : i32
    %dma_wait3A_125 = tpu.memref_slice %arg3[%add3A_118, %dma_wait3A_123, %dma_wait3A_124] : memref<5120x2x64xi32, #tpu.memory_space<hbm>> -> memref<1x2x64xi32, #tpu.memory_space<hbm>>
    %dma_wait3A_126 = tpu.memref_squeeze %dma_wait3A_125 : memref<1x2x64xi32, #tpu.memory_space<hbm>> -> memref<2x64xi32, #tpu.memory_space<hbm>>
    tpu.wait_dma2 semaphore(%arg21 : memref<!tpu.dma_semaphore, #tpu.memory_space<semaphore_mem>>) src(%dma_wait3A_126 : memref<2x64xi32, #tpu.memory_space<hbm>>) dst(%arg8 : memref<2x64xi32, #tpu.memory_space<vmem>>)
    %dma_start3A_127 = arith.constant 0 : i32
    %dma_start3A_128 = arith.constant 0 : i32
    %dma_start3A_129 = tpu.memref_slice %arg8[%dma_start3A_127, %dma_start3A_128] : memref<2x64xi32, #tpu.memory_space<vmem>> -> memref<1x64xi32, #tpu.memory_space<vmem>>
    %dma_start3A_130 = tpu.memref_squeeze %dma_start3A_129 : memref<1x64xi32, #tpu.memory_space<vmem>> -> memref<64xi32, #tpu.memory_space<vmem>>
    %dma_start3A_131 = arith.constant 0 : i32
    %dma_start3A_132 = arith.constant 0 : i32
    %dma_start3A_133 = tpu.memref_slice %arg2[%dma_start3A_131, %dma_start3A_132] : memref<10000x128xf32, #tpu.memory_space<hbm>> -> memref<10000x128xf32, #tpu.memory_space<hbm>>
    tpu.enqueue_indirect_dma source(%dma_start3A_133 : memref<10000x128xf32, #tpu.memory_space<hbm>>) target(%arg16 : memref<64x128xf32, #tpu.memory_space<vmem>>) offsets(%dma_start3A_130 : memref<64xi32, #tpu.memory_space<vmem>>) semaphore(%arg29 : memref<!tpu.dma_semaphore, #tpu.memory_space<semaphore_mem>>)
    %add3A_134 = arith.constant 3 : i32
    %add3A_135 = arith.addi %mul3A_4, %add3A_134 : i32
    %dma_wait3A_136 = arith.constant 0 : i32
    %dma_wait3A_137 = arith.constant 0 : i32
    %dma_wait3A_138 = tpu.memref_slice %arg3[%add3A_135, %dma_wait3A_136, %dma_wait3A_137] : memref<5120x2x64xi32, #tpu.memory_space<hbm>> -> memref<1x2x64xi32, #tpu.memory_space<hbm>>
    %dma_wait3A_139 = tpu.memref_squeeze %dma_wait3A_138 : memref<1x2x64xi32, #tpu.memory_space<hbm>> -> memref<2x64xi32, #tpu.memory_space<hbm>>
    %dma_wait3A_140 = arith.constant 0 : i32
    %dma_wait3A_141 = arith.constant 0 : i32
    %dma_wait3A_142 = tpu.memref_slice %arg3[%add3A_135, %dma_wait3A_140, %dma_wait3A_141] : memref<5120x2x64xi32, #tpu.memory_space<hbm>> -> memref<1x2x64xi32, #tpu.memory_space<hbm>>
    %dma_wait3A_143 = tpu.memref_squeeze %dma_wait3A_142 : memref<1x2x64xi32, #tpu.memory_space<hbm>> -> memref<2x64xi32, #tpu.memory_space<hbm>>
    tpu.wait_dma2 semaphore(%arg22 : memref<!tpu.dma_semaphore, #tpu.memory_space<semaphore_mem>>) src(%dma_wait3A_143 : memref<2x64xi32, #tpu.memory_space<hbm>>) dst(%arg9 : memref<2x64xi32, #tpu.memory_space<vmem>>)
    %dma_start3A_144 = arith.constant 0 : i32
    %dma_start3A_145 = arith.constant 0 : i32
    %dma_start3A_146 = tpu.memref_slice %arg9[%dma_start3A_144, %dma_start3A_145] : memref<2x64xi32, #tpu.memory_space<vmem>> -> memref<1x64xi32, #tpu.memory_space<vmem>>
    %dma_start3A_147 = tpu.memref_squeeze %dma_start3A_146 : memref<1x64xi32, #tpu.memory_space<vmem>> -> memref<64xi32, #tpu.memory_space<vmem>>
    %dma_start3A_148 = arith.constant 0 : i32
    %dma_start3A_149 = arith.constant 0 : i32
    %dma_start3A_150 = tpu.memref_slice %arg2[%dma_start3A_148, %dma_start3A_149] : memref<10000x128xf32, #tpu.memory_space<hbm>> -> memref<10000x128xf32, #tpu.memory_space<hbm>>
    tpu.enqueue_indirect_dma source(%dma_start3A_150 : memref<10000x128xf32, #tpu.memory_space<hbm>>) target(%arg17 : memref<64x128xf32, #tpu.memory_space<vmem>>) offsets(%dma_start3A_147 : memref<64xi32, #tpu.memory_space<vmem>>) semaphore(%arg30 : memref<!tpu.dma_semaphore, #tpu.memory_space<semaphore_mem>>)
    "tpu.region"() ({
      %run_scoped3A = tpu.sem_alloc : memref<!tpu.dma_semaphore, #tpu.memory_space<semaphore_mem>>
      %dma_start3A_159 = arith.constant 0 : i32
      %dma_start3A_160 = tpu.memref_slice %arg18[%mul3A_2, %dma_start3A_159] : memref<10240x128xf32, #tpu.memory_space<vmem_shared>> -> memref<640x128xf32, #tpu.memory_space<vmem_shared>>
      tpu.enqueue_dma source(%arg4 : memref<640x128xf32, #tpu.memory_space<hbm>>) target(%dma_start3A_160 : memref<640x128xf32, #tpu.memory_space<vmem_shared>>) target_semaphore(%run_scoped3A : memref<!tpu.dma_semaphore, #tpu.memory_space<semaphore_mem>>)
      %dma_wait3A_161 = arith.constant 0 : i32
      %dma_wait3A_162 = tpu.memref_slice %arg18[%mul3A_2, %dma_wait3A_161] : memref<10240x128xf32, #tpu.memory_space<vmem_shared>> -> memref<640x128xf32, #tpu.memory_space<vmem_shared>>
      tpu.wait_dma2 semaphore(%run_scoped3A : memref<!tpu.dma_semaphore, #tpu.memory_space<semaphore_mem>>) src(%arg4 : memref<640x128xf32, #tpu.memory_space<hbm>>) dst(%dma_wait3A_162 : memref<640x128xf32, #tpu.memory_space<vmem_shared>>)
      tpu.yield
    }) : () -> ()
    %barrier3A = arith.constant 0 : index
    tpu.barrier barrier_id(%barrier3A)
    %scan3A = arith.constant 0 : i32
    %scan3A_151 = arith.constant 20 : i32
    %scan3A_152 = arith.addi %scan3A, %scan3A_151 : i32
    %scan3A_153 = arith.constant 1 : i32
    scf.for %scan3A_159 = %scan3A to %scan3A_152 step %scan3A_153  : i32 {
      %mul3A_160 = arith.constant 1 : i32
      %mul3A_161 = arith.muli %scan3A_159, %mul3A_160 : i32
      %add3A_162 = arith.constant 0 : i32
      %add3A_163 = arith.addi %add3A_162, %mul3A_161 : i32
      %mul3A_164 = arith.constant 8 : i32
      %mul3A_165 = arith.muli %add3A_163, %mul3A_164 : i32
      %add3A_166 = arith.constant 0 : i32
      %add3A_167 = arith.addi %mul3A_165, %add3A_166 : i32
      %dma_wait3A_168 = arith.constant 0 : i32
      %dma_wait3A_169 = arith.constant 0 : i32
      %dma_wait3A_170 = tpu.memref_slice %arg6[%dma_wait3A_168, %dma_wait3A_169] : memref<2x64xi32, #tpu.memory_space<vmem>> -> memref<1x64xi32, #tpu.memory_space<vmem>>
      %dma_wait3A_171 = tpu.memref_squeeze %dma_wait3A_170 : memref<1x64xi32, #tpu.memory_space<vmem>> -> memref<64xi32, #tpu.memory_space<vmem>>
      %dma_wait3A_172 = arith.constant 0 : i32
      %dma_wait3A_173 = arith.constant 0 : i32
      %dma_wait3A_174 = tpu.memref_slice %arg2[%dma_wait3A_172, %dma_wait3A_173] : memref<10000x128xf32, #tpu.memory_space<hbm>> -> memref<10000x128xf32, #tpu.memory_space<hbm>>
      tpu.wait_indirect_dma semaphore(%arg27 : memref<!tpu.dma_semaphore, #tpu.memory_space<semaphore_mem>>) src(%dma_wait3A_174 : memref<10000x128xf32, #tpu.memory_space<hbm>>) dst(%arg14 : memref<64x128xf32, #tpu.memory_space<vmem>>)
      %dma_start3A_175 = arith.constant 1 : i32
      %dma_start3A_176 = arith.constant 0 : i32
      %dma_start3A_177 = tpu.memref_slice %arg6[%dma_start3A_175, %dma_start3A_176] : memref<2x64xi32, #tpu.memory_space<vmem>> -> memref<1x64xi32, #tpu.memory_space<vmem>>
      %dma_start3A_178 = tpu.memref_squeeze %dma_start3A_177 : memref<1x64xi32, #tpu.memory_space<vmem>> -> memref<64xi32, #tpu.memory_space<vmem>>
      %dma_start3A_179 = arith.constant 0 : i32
      %dma_start3A_180 = arith.constant 0 : i32
      %dma_start3A_181 = tpu.memref_slice %arg18[%dma_start3A_179, %dma_start3A_180] : memref<10240x128xf32, #tpu.memory_space<vmem_shared>> -> memref<10240x128xf32, #tpu.memory_space<vmem_shared>>
      tpu.enqueue_indirect_dma source(%arg14 : memref<64x128xf32, #tpu.memory_space<vmem>>) target(%dma_start3A_181 : memref<10240x128xf32, #tpu.memory_space<vmem_shared>>) offsets(%dma_start3A_178 : memref<64xi32, #tpu.memory_space<vmem>>) semaphore(%arg31 : memref<!tpu.dma_semaphore, #tpu.memory_space<semaphore_mem>>) {add = true}
      %add3A_182 = arith.constant 1 : i32
      %add3A_183 = arith.addi %mul3A_165, %add3A_182 : i32
      %dma_wait3A_184 = arith.constant 0 : i32
      %dma_wait3A_185 = arith.constant 0 : i32
      %dma_wait3A_186 = tpu.memref_slice %arg7[%dma_wait3A_184, %dma_wait3A_185] : memref<2x64xi32, #tpu.memory_space<vmem>> -> memref<1x64xi32, #tpu.memory_space<vmem>>
      %dma_wait3A_187 = tpu.memref_squeeze %dma_wait3A_186 : memref<1x64xi32, #tpu.memory_space<vmem>> -> memref<64xi32, #tpu.memory_space<vmem>>
      %dma_wait3A_188 = arith.constant 0 : i32
      %dma_wait3A_189 = arith.constant 0 : i32
      %dma_wait3A_190 = tpu.memref_slice %arg2[%dma_wait3A_188, %dma_wait3A_189] : memref<10000x128xf32, #tpu.memory_space<hbm>> -> memref<10000x128xf32, #tpu.memory_space<hbm>>
      tpu.wait_indirect_dma semaphore(%arg28 : memref<!tpu.dma_semaphore, #tpu.memory_space<semaphore_mem>>) src(%dma_wait3A_190 : memref<10000x128xf32, #tpu.memory_space<hbm>>) dst(%arg15 : memref<64x128xf32, #tpu.memory_space<vmem>>)
      %dma_start3A_191 = arith.constant 1 : i32
      %dma_start3A_192 = arith.constant 0 : i32
      %dma_start3A_193 = tpu.memref_slice %arg7[%dma_start3A_191, %dma_start3A_192] : memref<2x64xi32, #tpu.memory_space<vmem>> -> memref<1x64xi32, #tpu.memory_space<vmem>>
      %dma_start3A_194 = tpu.memref_squeeze %dma_start3A_193 : memref<1x64xi32, #tpu.memory_space<vmem>> -> memref<64xi32, #tpu.memory_space<vmem>>
      %dma_start3A_195 = arith.constant 0 : i32
      %dma_start3A_196 = arith.constant 0 : i32
      %dma_start3A_197 = tpu.memref_slice %arg18[%dma_start3A_195, %dma_start3A_196] : memref<10240x128xf32, #tpu.memory_space<vmem_shared>> -> memref<10240x128xf32, #tpu.memory_space<vmem_shared>>
      tpu.enqueue_indirect_dma source(%arg15 : memref<64x128xf32, #tpu.memory_space<vmem>>) target(%dma_start3A_197 : memref<10240x128xf32, #tpu.memory_space<vmem_shared>>) offsets(%dma_start3A_194 : memref<64xi32, #tpu.memory_space<vmem>>) semaphore(%arg32 : memref<!tpu.dma_semaphore, #tpu.memory_space<semaphore_mem>>) {add = true}
      %add3A_198 = arith.constant 2 : i32
      %add3A_199 = arith.addi %mul3A_165, %add3A_198 : i32
      %dma_wait3A_200 = arith.constant 0 : i32
      %dma_wait3A_201 = arith.constant 0 : i32
      %dma_wait3A_202 = tpu.memref_slice %arg8[%dma_wait3A_200, %dma_wait3A_201] : memref<2x64xi32, #tpu.memory_space<vmem>> -> memref<1x64xi32, #tpu.memory_space<vmem>>
      %dma_wait3A_203 = tpu.memref_squeeze %dma_wait3A_202 : memref<1x64xi32, #tpu.memory_space<vmem>> -> memref<64xi32, #tpu.memory_space<vmem>>
      %dma_wait3A_204 = arith.constant 0 : i32
      %dma_wait3A_205 = arith.constant 0 : i32
      %dma_wait3A_206 = tpu.memref_slice %arg2[%dma_wait3A_204, %dma_wait3A_205] : memref<10000x128xf32, #tpu.memory_space<hbm>> -> memref<10000x128xf32, #tpu.memory_space<hbm>>
      tpu.wait_indirect_dma semaphore(%arg29 : memref<!tpu.dma_semaphore, #tpu.memory_space<semaphore_mem>>) src(%dma_wait3A_206 : memref<10000x128xf32, #tpu.memory_space<hbm>>) dst(%arg16 : memref<64x128xf32, #tpu.memory_space<vmem>>)
      %dma_start3A_207 = arith.constant 1 : i32
      %dma_start3A_208 = arith.constant 0 : i32
      %dma_start3A_209 = tpu.memref_slice %arg8[%dma_start3A_207, %dma_start3A_208] : memref<2x64xi32, #tpu.memory_space<vmem>> -> memref<1x64xi32, #tpu.memory_space<vmem>>
      %dma_start3A_210 = tpu.memref_squeeze %dma_start3A_209 : memref<1x64xi32, #tpu.memory_space<vmem>> -> memref<64xi32, #tpu.memory_space<vmem>>
      %dma_start3A_211 = arith.constant 0 : i32
      %dma_start3A_212 = arith.constant 0 : i32
      %dma_start3A_213 = tpu.memref_slice %arg18[%dma_start3A_211, %dma_start3A_212] : memref<10240x128xf32, #tpu.memory_space<vmem_shared>> -> memref<10240x128xf32, #tpu.memory_space<vmem_shared>>
      tpu.enqueue_indirect_dma source(%arg16 : memref<64x128xf32, #tpu.memory_space<vmem>>) target(%dma_start3A_213 : memref<10240x128xf32, #tpu.memory_space<vmem_shared>>) offsets(%dma_start3A_210 : memref<64xi32, #tpu.memory_space<vmem>>) semaphore(%arg33 : memref<!tpu.dma_semaphore, #tpu.memory_space<semaphore_mem>>) {add = true}
      %add3A_214 = arith.constant 3 : i32
      %add3A_215 = arith.addi %mul3A_165, %add3A_214 : i32
      %dma_wait3A_216 = arith.constant 0 : i32
      %dma_wait3A_217 = arith.constant 0 : i32
      %dma_wait3A_218 = tpu.memref_slice %arg9[%dma_wait3A_216, %dma_wait3A_217] : memref<2x64xi32, #tpu.memory_space<vmem>> -> memref<1x64xi32, #tpu.memory_space<vmem>>
      %dma_wait3A_219 = tpu.memref_squeeze %dma_wait3A_218 : memref<1x64xi32, #tpu.memory_space<vmem>> -> memref<64xi32, #tpu.memory_space<vmem>>
      %dma_wait3A_220 = arith.constant 0 : i32
      %dma_wait3A_221 = arith.constant 0 : i32
      %dma_wait3A_222 = tpu.memref_slice %arg2[%dma_wait3A_220, %dma_wait3A_221] : memref<10000x128xf32, #tpu.memory_space<hbm>> -> memref<10000x128xf32, #tpu.memory_space<hbm>>
      tpu.wait_indirect_dma semaphore(%arg30 : memref<!tpu.dma_semaphore, #tpu.memory_space<semaphore_mem>>) src(%dma_wait3A_222 : memref<10000x128xf32, #tpu.memory_space<hbm>>) dst(%arg17 : memref<64x128xf32, #tpu.memory_space<vmem>>)
      %dma_start3A_223 = arith.constant 1 : i32
      %dma_start3A_224 = arith.constant 0 : i32
      %dma_start3A_225 = tpu.memref_slice %arg9[%dma_start3A_223, %dma_start3A_224] : memref<2x64xi32, #tpu.memory_space<vmem>> -> memref<1x64xi32, #tpu.memory_space<vmem>>
      %dma_start3A_226 = tpu.memref_squeeze %dma_start3A_225 : memref<1x64xi32, #tpu.memory_space<vmem>> -> memref<64xi32, #tpu.memory_space<vmem>>
      %dma_start3A_227 = arith.constant 0 : i32
      %dma_start3A_228 = arith.constant 0 : i32
      %dma_start3A_229 = tpu.memref_slice %arg18[%dma_start3A_227, %dma_start3A_228] : memref<10240x128xf32, #tpu.memory_space<vmem_shared>> -> memref<10240x128xf32, #tpu.memory_space<vmem_shared>>
      tpu.enqueue_indirect_dma source(%arg17 : memref<64x128xf32, #tpu.memory_space<vmem>>) target(%dma_start3A_229 : memref<10240x128xf32, #tpu.memory_space<vmem_shared>>) offsets(%dma_start3A_226 : memref<64xi32, #tpu.memory_space<vmem>>) semaphore(%arg34 : memref<!tpu.dma_semaphore, #tpu.memory_space<semaphore_mem>>) {add = true}
      %add3A_230 = arith.constant 0 : i32
      %add3A_231 = arith.addi %mul3A_165, %add3A_230 : i32
      %dma_wait3A_232 = arith.constant 1 : i32
      %dma_wait3A_233 = arith.constant 0 : i32
      %dma_wait3A_234 = tpu.memref_slice %arg6[%dma_wait3A_232, %dma_wait3A_233] : memref<2x64xi32, #tpu.memory_space<vmem>> -> memref<1x64xi32, #tpu.memory_space<vmem>>
      %dma_wait3A_235 = tpu.memref_squeeze %dma_wait3A_234 : memref<1x64xi32, #tpu.memory_space<vmem>> -> memref<64xi32, #tpu.memory_space<vmem>>
      %dma_wait3A_236 = arith.constant 0 : i32
      %dma_wait3A_237 = arith.constant 0 : i32
      %dma_wait3A_238 = tpu.memref_slice %arg18[%dma_wait3A_236, %dma_wait3A_237] : memref<10240x128xf32, #tpu.memory_space<vmem_shared>> -> memref<10240x128xf32, #tpu.memory_space<vmem_shared>>
      tpu.wait_indirect_dma semaphore(%arg31 : memref<!tpu.dma_semaphore, #tpu.memory_space<semaphore_mem>>) src(%arg14 : memref<64x128xf32, #tpu.memory_space<vmem>>) dst(%dma_wait3A_238 : memref<10240x128xf32, #tpu.memory_space<vmem_shared>>)
      %add3A_239 = arith.constant 8 : i32
      %add3A_240 = arith.addi %add3A_231, %add3A_239 : i32
      %lt3A = arith.constant 160 : i32
      %lt3A_241 = arith.cmpi slt, %add3A_240, %lt3A : i32
      %convert_element_type3A = arith.extui %lt3A_241 : i1 to i32
      %cond3A = arith.constant 0 : i32
      %cond3A_242 = arith.cmpi ne, %convert_element_type3A, %cond3A : i32
      scf.if %cond3A_242 {
        %add3A_527 = arith.addi %mul3A_4, %add3A_231 : i32
        %add3A_528 = arith.constant 8 : i32
        %add3A_529 = arith.addi %add3A_527, %add3A_528 : i32
        %dma_start3A_530 = arith.constant 0 : i32
        %dma_start3A_531 = arith.constant 0 : i32
        %dma_start3A_532 = tpu.memref_slice %arg3[%add3A_529, %dma_start3A_530, %dma_start3A_531] : memref<5120x2x64xi32, #tpu.memory_space<hbm>> -> memref<1x2x64xi32, #tpu.memory_space<hbm>>
        %dma_start3A_533 = tpu.memref_squeeze %dma_start3A_532 : memref<1x2x64xi32, #tpu.memory_space<hbm>> -> memref<2x64xi32, #tpu.memory_space<hbm>>
        %dma_start3A_534 = arith.constant 0 : i32
        %dma_start3A_535 = arith.constant 0 : i32
        %dma_start3A_536 = tpu.memref_slice %arg3[%add3A_529, %dma_start3A_534, %dma_start3A_535] : memref<5120x2x64xi32, #tpu.memory_space<hbm>> -> memref<1x2x64xi32, #tpu.memory_space<hbm>>
        %dma_start3A_537 = tpu.memref_squeeze %dma_start3A_536 : memref<1x2x64xi32, #tpu.memory_space<hbm>> -> memref<2x64xi32, #tpu.memory_space<hbm>>
        tpu.enqueue_dma source(%dma_start3A_537 : memref<2x64xi32, #tpu.memory_space<hbm>>) target(%arg6 : memref<2x64xi32, #tpu.memory_space<vmem>>) target_semaphore(%arg19 : memref<!tpu.dma_semaphore, #tpu.memory_space<semaphore_mem>>)
      } else {
      }
      %add3A_243 = arith.addi %mul3A_4, %add3A_231 : i32
      %dma_wait3A_244 = arith.constant 0 : i32
      %dma_wait3A_245 = arith.constant 0 : i32
      %dma_wait3A_246 = tpu.memref_slice %arg3[%add3A_243, %dma_wait3A_244, %dma_wait3A_245] : memref<5120x2x64xi32, #tpu.memory_space<hbm>> -> memref<1x2x64xi32, #tpu.memory_space<hbm>>
      %dma_wait3A_247 = tpu.memref_squeeze %dma_wait3A_246 : memref<1x2x64xi32, #tpu.memory_space<hbm>> -> memref<2x64xi32, #tpu.memory_space<hbm>>
      %dma_wait3A_248 = arith.constant 0 : i32
      %dma_wait3A_249 = arith.constant 0 : i32
      %dma_wait3A_250 = tpu.memref_slice %arg3[%add3A_243, %dma_wait3A_248, %dma_wait3A_249] : memref<5120x2x64xi32, #tpu.memory_space<hbm>> -> memref<1x2x64xi32, #tpu.memory_space<hbm>>
      %dma_wait3A_251 = tpu.memref_squeeze %dma_wait3A_250 : memref<1x2x64xi32, #tpu.memory_space<hbm>> -> memref<2x64xi32, #tpu.memory_space<hbm>>
      tpu.wait_dma2 semaphore(%arg23 : memref<!tpu.dma_semaphore, #tpu.memory_space<semaphore_mem>>) src(%dma_wait3A_251 : memref<2x64xi32, #tpu.memory_space<hbm>>) dst(%arg10 : memref<2x64xi32, #tpu.memory_space<vmem>>)
      %dma_start3A_252 = arith.constant 0 : i32
      %dma_start3A_253 = arith.constant 0 : i32
      %dma_start3A_254 = tpu.memref_slice %arg10[%dma_start3A_252, %dma_start3A_253] : memref<2x64xi32, #tpu.memory_space<vmem>> -> memref<1x64xi32, #tpu.memory_space<vmem>>
      %dma_start3A_255 = tpu.memref_squeeze %dma_start3A_254 : memref<1x64xi32, #tpu.memory_space<vmem>> -> memref<64xi32, #tpu.memory_space<vmem>>
      %dma_start3A_256 = arith.constant 0 : i32
      %dma_start3A_257 = arith.constant 0 : i32
      %dma_start3A_258 = tpu.memref_slice %arg2[%dma_start3A_256, %dma_start3A_257] : memref<10000x128xf32, #tpu.memory_space<hbm>> -> memref<10000x128xf32, #tpu.memory_space<hbm>>
      tpu.enqueue_indirect_dma source(%dma_start3A_258 : memref<10000x128xf32, #tpu.memory_space<hbm>>) target(%arg14 : memref<64x128xf32, #tpu.memory_space<vmem>>) offsets(%dma_start3A_255 : memref<64xi32, #tpu.memory_space<vmem>>) semaphore(%arg27 : memref<!tpu.dma_semaphore, #tpu.memory_space<semaphore_mem>>)
      %add3A_259 = arith.constant 1 : i32
      %add3A_260 = arith.addi %mul3A_165, %add3A_259 : i32
      %dma_wait3A_261 = arith.constant 1 : i32
      %dma_wait3A_262 = arith.constant 0 : i32
      %dma_wait3A_263 = tpu.memref_slice %arg7[%dma_wait3A_261, %dma_wait3A_262] : memref<2x64xi32, #tpu.memory_space<vmem>> -> memref<1x64xi32, #tpu.memory_space<vmem>>
      %dma_wait3A_264 = tpu.memref_squeeze %dma_wait3A_263 : memref<1x64xi32, #tpu.memory_space<vmem>> -> memref<64xi32, #tpu.memory_space<vmem>>
      %dma_wait3A_265 = arith.constant 0 : i32
      %dma_wait3A_266 = arith.constant 0 : i32
      %dma_wait3A_267 = tpu.memref_slice %arg18[%dma_wait3A_265, %dma_wait3A_266] : memref<10240x128xf32, #tpu.memory_space<vmem_shared>> -> memref<10240x128xf32, #tpu.memory_space<vmem_shared>>
      tpu.wait_indirect_dma semaphore(%arg32 : memref<!tpu.dma_semaphore, #tpu.memory_space<semaphore_mem>>) src(%arg15 : memref<64x128xf32, #tpu.memory_space<vmem>>) dst(%dma_wait3A_267 : memref<10240x128xf32, #tpu.memory_space<vmem_shared>>)
      %add3A_268 = arith.constant 8 : i32
      %add3A_269 = arith.addi %add3A_260, %add3A_268 : i32
      %lt3A_270 = arith.constant 160 : i32
      %lt3A_271 = arith.cmpi slt, %add3A_269, %lt3A_270 : i32
      %convert_element_type3A_272 = arith.extui %lt3A_271 : i1 to i32
      %cond3A_273 = arith.constant 0 : i32
      %cond3A_274 = arith.cmpi ne, %convert_element_type3A_272, %cond3A_273 : i32
      scf.if %cond3A_274 {
        %add3A_527 = arith.addi %mul3A_4, %add3A_260 : i32
        %add3A_528 = arith.constant 8 : i32
        %add3A_529 = arith.addi %add3A_527, %add3A_528 : i32
        %dma_start3A_530 = arith.constant 0 : i32
        %dma_start3A_531 = arith.constant 0 : i32
        %dma_start3A_532 = tpu.memref_slice %arg3[%add3A_529, %dma_start3A_530, %dma_start3A_531] : memref<5120x2x64xi32, #tpu.memory_space<hbm>> -> memref<1x2x64xi32, #tpu.memory_space<hbm>>
        %dma_start3A_533 = tpu.memref_squeeze %dma_start3A_532 : memref<1x2x64xi32, #tpu.memory_space<hbm>> -> memref<2x64xi32, #tpu.memory_space<hbm>>
        %dma_start3A_534 = arith.constant 0 : i32
        %dma_start3A_535 = arith.constant 0 : i32
        %dma_start3A_536 = tpu.memref_slice %arg3[%add3A_529, %dma_start3A_534, %dma_start3A_535] : memref<5120x2x64xi32, #tpu.memory_space<hbm>> -> memref<1x2x64xi32, #tpu.memory_space<hbm>>
        %dma_start3A_537 = tpu.memref_squeeze %dma_start3A_536 : memref<1x2x64xi32, #tpu.memory_space<hbm>> -> memref<2x64xi32, #tpu.memory_space<hbm>>
        tpu.enqueue_dma source(%dma_start3A_537 : memref<2x64xi32, #tpu.memory_space<hbm>>) target(%arg7 : memref<2x64xi32, #tpu.memory_space<vmem>>) target_semaphore(%arg20 : memref<!tpu.dma_semaphore, #tpu.memory_space<semaphore_mem>>)
      } else {
      }
      %add3A_275 = arith.addi %mul3A_4, %add3A_260 : i32
      %dma_wait3A_276 = arith.constant 0 : i32
      %dma_wait3A_277 = arith.constant 0 : i32
      %dma_wait3A_278 = tpu.memref_slice %arg3[%add3A_275, %dma_wait3A_276, %dma_wait3A_277] : memref<5120x2x64xi32, #tpu.memory_space<hbm>> -> memref<1x2x64xi32, #tpu.memory_space<hbm>>
      %dma_wait3A_279 = tpu.memref_squeeze %dma_wait3A_278 : memref<1x2x64xi32, #tpu.memory_space<hbm>> -> memref<2x64xi32, #tpu.memory_space<hbm>>
      %dma_wait3A_280 = arith.constant 0 : i32
      %dma_wait3A_281 = arith.constant 0 : i32
      %dma_wait3A_282 = tpu.memref_slice %arg3[%add3A_275, %dma_wait3A_280, %dma_wait3A_281] : memref<5120x2x64xi32, #tpu.memory_space<hbm>> -> memref<1x2x64xi32, #tpu.memory_space<hbm>>
      %dma_wait3A_283 = tpu.memref_squeeze %dma_wait3A_282 : memref<1x2x64xi32, #tpu.memory_space<hbm>> -> memref<2x64xi32, #tpu.memory_space<hbm>>
      tpu.wait_dma2 semaphore(%arg24 : memref<!tpu.dma_semaphore, #tpu.memory_space<semaphore_mem>>) src(%dma_wait3A_283 : memref<2x64xi32, #tpu.memory_space<hbm>>) dst(%arg11 : memref<2x64xi32, #tpu.memory_space<vmem>>)
      %dma_start3A_284 = arith.constant 0 : i32
      %dma_start3A_285 = arith.constant 0 : i32
      %dma_start3A_286 = tpu.memref_slice %arg11[%dma_start3A_284, %dma_start3A_285] : memref<2x64xi32, #tpu.memory_space<vmem>> -> memref<1x64xi32, #tpu.memory_space<vmem>>
      %dma_start3A_287 = tpu.memref_squeeze %dma_start3A_286 : memref<1x64xi32, #tpu.memory_space<vmem>> -> memref<64xi32, #tpu.memory_space<vmem>>
      %dma_start3A_288 = arith.constant 0 : i32
      %dma_start3A_289 = arith.constant 0 : i32
      %dma_start3A_290 = tpu.memref_slice %arg2[%dma_start3A_288, %dma_start3A_289] : memref<10000x128xf32, #tpu.memory_space<hbm>> -> memref<10000x128xf32, #tpu.memory_space<hbm>>
      tpu.enqueue_indirect_dma source(%dma_start3A_290 : memref<10000x128xf32, #tpu.memory_space<hbm>>) target(%arg15 : memref<64x128xf32, #tpu.memory_space<vmem>>) offsets(%dma_start3A_287 : memref<64xi32, #tpu.memory_space<vmem>>) semaphore(%arg28 : memref<!tpu.dma_semaphore, #tpu.memory_space<semaphore_mem>>)
      %add3A_291 = arith.constant 2 : i32
      %add3A_292 = arith.addi %mul3A_165, %add3A_291 : i32
      %dma_wait3A_293 = arith.constant 1 : i32
      %dma_wait3A_294 = arith.constant 0 : i32
      %dma_wait3A_295 = tpu.memref_slice %arg8[%dma_wait3A_293, %dma_wait3A_294] : memref<2x64xi32, #tpu.memory_space<vmem>> -> memref<1x64xi32, #tpu.memory_space<vmem>>
      %dma_wait3A_296 = tpu.memref_squeeze %dma_wait3A_295 : memref<1x64xi32, #tpu.memory_space<vmem>> -> memref<64xi32, #tpu.memory_space<vmem>>
      %dma_wait3A_297 = arith.constant 0 : i32
      %dma_wait3A_298 = arith.constant 0 : i32
      %dma_wait3A_299 = tpu.memref_slice %arg18[%dma_wait3A_297, %dma_wait3A_298] : memref<10240x128xf32, #tpu.memory_space<vmem_shared>> -> memref<10240x128xf32, #tpu.memory_space<vmem_shared>>
      tpu.wait_indirect_dma semaphore(%arg33 : memref<!tpu.dma_semaphore, #tpu.memory_space<semaphore_mem>>) src(%arg16 : memref<64x128xf32, #tpu.memory_space<vmem>>) dst(%dma_wait3A_299 : memref<10240x128xf32, #tpu.memory_space<vmem_shared>>)
      %add3A_300 = arith.constant 8 : i32
      %add3A_301 = arith.addi %add3A_292, %add3A_300 : i32
      %lt3A_302 = arith.constant 160 : i32
      %lt3A_303 = arith.cmpi slt, %add3A_301, %lt3A_302 : i32
      %convert_element_type3A_304 = arith.extui %lt3A_303 : i1 to i32
      %cond3A_305 = arith.constant 0 : i32
      %cond3A_306 = arith.cmpi ne, %convert_element_type3A_304, %cond3A_305 : i32
      scf.if %cond3A_306 {
        %add3A_527 = arith.addi %mul3A_4, %add3A_292 : i32
        %add3A_528 = arith.constant 8 : i32
        %add3A_529 = arith.addi %add3A_527, %add3A_528 : i32
        %dma_start3A_530 = arith.constant 0 : i32
        %dma_start3A_531 = arith.constant 0 : i32
        %dma_start3A_532 = tpu.memref_slice %arg3[%add3A_529, %dma_start3A_530, %dma_start3A_531] : memref<5120x2x64xi32, #tpu.memory_space<hbm>> -> memref<1x2x64xi32, #tpu.memory_space<hbm>>
        %dma_start3A_533 = tpu.memref_squeeze %dma_start3A_532 : memref<1x2x64xi32, #tpu.memory_space<hbm>> -> memref<2x64xi32, #tpu.memory_space<hbm>>
        %dma_start3A_534 = arith.constant 0 : i32
        %dma_start3A_535 = arith.constant 0 : i32
        %dma_start3A_536 = tpu.memref_slice %arg3[%add3A_529, %dma_start3A_534, %dma_start3A_535] : memref<5120x2x64xi32, #tpu.memory_space<hbm>> -> memref<1x2x64xi32, #tpu.memory_space<hbm>>
        %dma_start3A_537 = tpu.memref_squeeze %dma_start3A_536 : memref<1x2x64xi32, #tpu.memory_space<hbm>> -> memref<2x64xi32, #tpu.memory_space<hbm>>
        tpu.enqueue_dma source(%dma_start3A_537 : memref<2x64xi32, #tpu.memory_space<hbm>>) target(%arg8 : memref<2x64xi32, #tpu.memory_space<vmem>>) target_semaphore(%arg21 : memref<!tpu.dma_semaphore, #tpu.memory_space<semaphore_mem>>)
      } else {
      }
      %add3A_307 = arith.addi %mul3A_4, %add3A_292 : i32
      %dma_wait3A_308 = arith.constant 0 : i32
      %dma_wait3A_309 = arith.constant 0 : i32
      %dma_wait3A_310 = tpu.memref_slice %arg3[%add3A_307, %dma_wait3A_308, %dma_wait3A_309] : memref<5120x2x64xi32, #tpu.memory_space<hbm>> -> memref<1x2x64xi32, #tpu.memory_space<hbm>>
      %dma_wait3A_311 = tpu.memref_squeeze %dma_wait3A_310 : memref<1x2x64xi32, #tpu.memory_space<hbm>> -> memref<2x64xi32, #tpu.memory_space<hbm>>
      %dma_wait3A_312 = arith.constant 0 : i32
      %dma_wait3A_313 = arith.constant 0 : i32
      %dma_wait3A_314 = tpu.memref_slice %arg3[%add3A_307, %dma_wait3A_312, %dma_wait3A_313] : memref<5120x2x64xi32, #tpu.memory_space<hbm>> -> memref<1x2x64xi32, #tpu.memory_space<hbm>>
      %dma_wait3A_315 = tpu.memref_squeeze %dma_wait3A_314 : memref<1x2x64xi32, #tpu.memory_space<hbm>> -> memref<2x64xi32, #tpu.memory_space<hbm>>
      tpu.wait_dma2 semaphore(%arg25 : memref<!tpu.dma_semaphore, #tpu.memory_space<semaphore_mem>>) src(%dma_wait3A_315 : memref<2x64xi32, #tpu.memory_space<hbm>>) dst(%arg12 : memref<2x64xi32, #tpu.memory_space<vmem>>)
      %dma_start3A_316 = arith.constant 0 : i32
      %dma_start3A_317 = arith.constant 0 : i32
      %dma_start3A_318 = tpu.memref_slice %arg12[%dma_start3A_316, %dma_start3A_317] : memref<2x64xi32, #tpu.memory_space<vmem>> -> memref<1x64xi32, #tpu.memory_space<vmem>>
      %dma_start3A_319 = tpu.memref_squeeze %dma_start3A_318 : memref<1x64xi32, #tpu.memory_space<vmem>> -> memref<64xi32, #tpu.memory_space<vmem>>
      %dma_start3A_320 = arith.constant 0 : i32
      %dma_start3A_321 = arith.constant 0 : i32
      %dma_start3A_322 = tpu.memref_slice %arg2[%dma_start3A_320, %dma_start3A_321] : memref<10000x128xf32, #tpu.memory_space<hbm>> -> memref<10000x128xf32, #tpu.memory_space<hbm>>
      tpu.enqueue_indirect_dma source(%dma_start3A_322 : memref<10000x128xf32, #tpu.memory_space<hbm>>) target(%arg16 : memref<64x128xf32, #tpu.memory_space<vmem>>) offsets(%dma_start3A_319 : memref<64xi32, #tpu.memory_space<vmem>>) semaphore(%arg29 : memref<!tpu.dma_semaphore, #tpu.memory_space<semaphore_mem>>)
      %add3A_323 = arith.constant 3 : i32
      %add3A_324 = arith.addi %mul3A_165, %add3A_323 : i32
      %dma_wait3A_325 = arith.constant 1 : i32
      %dma_wait3A_326 = arith.constant 0 : i32
      %dma_wait3A_327 = tpu.memref_slice %arg9[%dma_wait3A_325, %dma_wait3A_326] : memref<2x64xi32, #tpu.memory_space<vmem>> -> memref<1x64xi32, #tpu.memory_space<vmem>>
      %dma_wait3A_328 = tpu.memref_squeeze %dma_wait3A_327 : memref<1x64xi32, #tpu.memory_space<vmem>> -> memref<64xi32, #tpu.memory_space<vmem>>
      %dma_wait3A_329 = arith.constant 0 : i32
      %dma_wait3A_330 = arith.constant 0 : i32
      %dma_wait3A_331 = tpu.memref_slice %arg18[%dma_wait3A_329, %dma_wait3A_330] : memref<10240x128xf32, #tpu.memory_space<vmem_shared>> -> memref<10240x128xf32, #tpu.memory_space<vmem_shared>>
      tpu.wait_indirect_dma semaphore(%arg34 : memref<!tpu.dma_semaphore, #tpu.memory_space<semaphore_mem>>) src(%arg17 : memref<64x128xf32, #tpu.memory_space<vmem>>) dst(%dma_wait3A_331 : memref<10240x128xf32, #tpu.memory_space<vmem_shared>>)
      %add3A_332 = arith.constant 8 : i32
      %add3A_333 = arith.addi %add3A_324, %add3A_332 : i32
      %lt3A_334 = arith.constant 160 : i32
      %lt3A_335 = arith.cmpi slt, %add3A_333, %lt3A_334 : i32
      %convert_element_type3A_336 = arith.extui %lt3A_335 : i1 to i32
      %cond3A_337 = arith.constant 0 : i32
      %cond3A_338 = arith.cmpi ne, %convert_element_type3A_336, %cond3A_337 : i32
      scf.if %cond3A_338 {
        %add3A_527 = arith.addi %mul3A_4, %add3A_324 : i32
        %add3A_528 = arith.constant 8 : i32
        %add3A_529 = arith.addi %add3A_527, %add3A_528 : i32
        %dma_start3A_530 = arith.constant 0 : i32
        %dma_start3A_531 = arith.constant 0 : i32
        %dma_start3A_532 = tpu.memref_slice %arg3[%add3A_529, %dma_start3A_530, %dma_start3A_531] : memref<5120x2x64xi32, #tpu.memory_space<hbm>> -> memref<1x2x64xi32, #tpu.memory_space<hbm>>
        %dma_start3A_533 = tpu.memref_squeeze %dma_start3A_532 : memref<1x2x64xi32, #tpu.memory_space<hbm>> -> memref<2x64xi32, #tpu.memory_space<hbm>>
        %dma_start3A_534 = arith.constant 0 : i32
        %dma_start3A_535 = arith.constant 0 : i32
        %dma_start3A_536 = tpu.memref_slice %arg3[%add3A_529, %dma_start3A_534, %dma_start3A_535] : memref<5120x2x64xi32, #tpu.memory_space<hbm>> -> memref<1x2x64xi32, #tpu.memory_space<hbm>>
        %dma_start3A_537 = tpu.memref_squeeze %dma_start3A_536 : memref<1x2x64xi32, #tpu.memory_space<hbm>> -> memref<2x64xi32, #tpu.memory_space<hbm>>
        tpu.enqueue_dma source(%dma_start3A_537 : memref<2x64xi32, #tpu.memory_space<hbm>>) target(%arg9 : memref<2x64xi32, #tpu.memory_space<vmem>>) target_semaphore(%arg22 : memref<!tpu.dma_semaphore, #tpu.memory_space<semaphore_mem>>)
      } else {
      }
      %add3A_339 = arith.addi %mul3A_4, %add3A_324 : i32
      %dma_wait3A_340 = arith.constant 0 : i32
      %dma_wait3A_341 = arith.constant 0 : i32
      %dma_wait3A_342 = tpu.memref_slice %arg3[%add3A_339, %dma_wait3A_340, %dma_wait3A_341] : memref<5120x2x64xi32, #tpu.memory_space<hbm>> -> memref<1x2x64xi32, #tpu.memory_space<hbm>>
      %dma_wait3A_343 = tpu.memref_squeeze %dma_wait3A_342 : memref<1x2x64xi32, #tpu.memory_space<hbm>> -> memref<2x64xi32, #tpu.memory_space<hbm>>
      %dma_wait3A_344 = arith.constant 0 : i32
      %dma_wait3A_345 = arith.constant 0 : i32
      %dma_wait3A_346 = tpu.memref_slice %arg3[%add3A_339, %dma_wait3A_344, %dma_wait3A_345] : memref<5120x2x64xi32, #tpu.memory_space<hbm>> -> memref<1x2x64xi32, #tpu.memory_space<hbm>>
      %dma_wait3A_347 = tpu.memref_squeeze %dma_wait3A_346 : memref<1x2x64xi32, #tpu.memory_space<hbm>> -> memref<2x64xi32, #tpu.memory_space<hbm>>
      tpu.wait_dma2 semaphore(%arg26 : memref<!tpu.dma_semaphore, #tpu.memory_space<semaphore_mem>>) src(%dma_wait3A_347 : memref<2x64xi32, #tpu.memory_space<hbm>>) dst(%arg13 : memref<2x64xi32, #tpu.memory_space<vmem>>)
      %dma_start3A_348 = arith.constant 0 : i32
      %dma_start3A_349 = arith.constant 0 : i32
      %dma_start3A_350 = tpu.memref_slice %arg13[%dma_start3A_348, %dma_start3A_349] : memref<2x64xi32, #tpu.memory_space<vmem>> -> memref<1x64xi32, #tpu.memory_space<vmem>>
      %dma_start3A_351 = tpu.memref_squeeze %dma_start3A_350 : memref<1x64xi32, #tpu.memory_space<vmem>> -> memref<64xi32, #tpu.memory_space<vmem>>
      %dma_start3A_352 = arith.constant 0 : i32
      %dma_start3A_353 = arith.constant 0 : i32
      %dma_start3A_354 = tpu.memref_slice %arg2[%dma_start3A_352, %dma_start3A_353] : memref<10000x128xf32, #tpu.memory_space<hbm>> -> memref<10000x128xf32, #tpu.memory_space<hbm>>
      tpu.enqueue_indirect_dma source(%dma_start3A_354 : memref<10000x128xf32, #tpu.memory_space<hbm>>) target(%arg17 : memref<64x128xf32, #tpu.memory_space<vmem>>) offsets(%dma_start3A_351 : memref<64xi32, #tpu.memory_space<vmem>>) semaphore(%arg30 : memref<!tpu.dma_semaphore, #tpu.memory_space<semaphore_mem>>)
      %add3A_355 = arith.constant 4 : i32
      %add3A_356 = arith.addi %mul3A_165, %add3A_355 : i32
      %add3A_357 = arith.constant 0 : i32
      %add3A_358 = arith.addi %add3A_356, %add3A_357 : i32
      %dma_wait3A_359 = arith.constant 0 : i32
      %dma_wait3A_360 = arith.constant 0 : i32
      %dma_wait3A_361 = tpu.memref_slice %arg10[%dma_wait3A_359, %dma_wait3A_360] : memref<2x64xi32, #tpu.memory_space<vmem>> -> memref<1x64xi32, #tpu.memory_space<vmem>>
      %dma_wait3A_362 = tpu.memref_squeeze %dma_wait3A_361 : memref<1x64xi32, #tpu.memory_space<vmem>> -> memref<64xi32, #tpu.memory_space<vmem>>
      %dma_wait3A_363 = arith.constant 0 : i32
      %dma_wait3A_364 = arith.constant 0 : i32
      %dma_wait3A_365 = tpu.memref_slice %arg2[%dma_wait3A_363, %dma_wait3A_364] : memref<10000x128xf32, #tpu.memory_space<hbm>> -> memref<10000x128xf32, #tpu.memory_space<hbm>>
      tpu.wait_indirect_dma semaphore(%arg27 : memref<!tpu.dma_semaphore, #tpu.memory_space<semaphore_mem>>) src(%dma_wait3A_365 : memref<10000x128xf32, #tpu.memory_space<hbm>>) dst(%arg14 : memref<64x128xf32, #tpu.memory_space<vmem>>)
      %dma_start3A_366 = arith.constant 1 : i32
      %dma_start3A_367 = arith.constant 0 : i32
      %dma_start3A_368 = tpu.memref_slice %arg10[%dma_start3A_366, %dma_start3A_367] : memref<2x64xi32, #tpu.memory_space<vmem>> -> memref<1x64xi32, #tpu.memory_space<vmem>>
      %dma_start3A_369 = tpu.memref_squeeze %dma_start3A_368 : memref<1x64xi32, #tpu.memory_space<vmem>> -> memref<64xi32, #tpu.memory_space<vmem>>
      %dma_start3A_370 = arith.constant 0 : i32
      %dma_start3A_371 = arith.constant 0 : i32
      %dma_start3A_372 = tpu.memref_slice %arg18[%dma_start3A_370, %dma_start3A_371] : memref<10240x128xf32, #tpu.memory_space<vmem_shared>> -> memref<10240x128xf32, #tpu.memory_space<vmem_shared>>
      tpu.enqueue_indirect_dma source(%arg14 : memref<64x128xf32, #tpu.memory_space<vmem>>) target(%dma_start3A_372 : memref<10240x128xf32, #tpu.memory_space<vmem_shared>>) offsets(%dma_start3A_369 : memref<64xi32, #tpu.memory_space<vmem>>) semaphore(%arg31 : memref<!tpu.dma_semaphore, #tpu.memory_space<semaphore_mem>>) {add = true}
      %add3A_373 = arith.constant 4 : i32
      %add3A_374 = arith.addi %mul3A_165, %add3A_373 : i32
      %add3A_375 = arith.constant 1 : i32
      %add3A_376 = arith.addi %add3A_374, %add3A_375 : i32
      %dma_wait3A_377 = arith.constant 0 : i32
      %dma_wait3A_378 = arith.constant 0 : i32
      %dma_wait3A_379 = tpu.memref_slice %arg11[%dma_wait3A_377, %dma_wait3A_378] : memref<2x64xi32, #tpu.memory_space<vmem>> -> memref<1x64xi32, #tpu.memory_space<vmem>>
      %dma_wait3A_380 = tpu.memref_squeeze %dma_wait3A_379 : memref<1x64xi32, #tpu.memory_space<vmem>> -> memref<64xi32, #tpu.memory_space<vmem>>
      %dma_wait3A_381 = arith.constant 0 : i32
      %dma_wait3A_382 = arith.constant 0 : i32
      %dma_wait3A_383 = tpu.memref_slice %arg2[%dma_wait3A_381, %dma_wait3A_382] : memref<10000x128xf32, #tpu.memory_space<hbm>> -> memref<10000x128xf32, #tpu.memory_space<hbm>>
      tpu.wait_indirect_dma semaphore(%arg28 : memref<!tpu.dma_semaphore, #tpu.memory_space<semaphore_mem>>) src(%dma_wait3A_383 : memref<10000x128xf32, #tpu.memory_space<hbm>>) dst(%arg15 : memref<64x128xf32, #tpu.memory_space<vmem>>)
      %dma_start3A_384 = arith.constant 1 : i32
      %dma_start3A_385 = arith.constant 0 : i32
      %dma_start3A_386 = tpu.memref_slice %arg11[%dma_start3A_384, %dma_start3A_385] : memref<2x64xi32, #tpu.memory_space<vmem>> -> memref<1x64xi32, #tpu.memory_space<vmem>>
      %dma_start3A_387 = tpu.memref_squeeze %dma_start3A_386 : memref<1x64xi32, #tpu.memory_space<vmem>> -> memref<64xi32, #tpu.memory_space<vmem>>
      %dma_start3A_388 = arith.constant 0 : i32
      %dma_start3A_389 = arith.constant 0 : i32
      %dma_start3A_390 = tpu.memref_slice %arg18[%dma_start3A_388, %dma_start3A_389] : memref<10240x128xf32, #tpu.memory_space<vmem_shared>> -> memref<10240x128xf32, #tpu.memory_space<vmem_shared>>
      tpu.enqueue_indirect_dma source(%arg15 : memref<64x128xf32, #tpu.memory_space<vmem>>) target(%dma_start3A_390 : memref<10240x128xf32, #tpu.memory_space<vmem_shared>>) offsets(%dma_start3A_387 : memref<64xi32, #tpu.memory_space<vmem>>) semaphore(%arg32 : memref<!tpu.dma_semaphore, #tpu.memory_space<semaphore_mem>>) {add = true}
      %add3A_391 = arith.constant 4 : i32
      %add3A_392 = arith.addi %mul3A_165, %add3A_391 : i32
      %add3A_393 = arith.constant 2 : i32
      %add3A_394 = arith.addi %add3A_392, %add3A_393 : i32
      %dma_wait3A_395 = arith.constant 0 : i32
      %dma_wait3A_396 = arith.constant 0 : i32
      %dma_wait3A_397 = tpu.memref_slice %arg12[%dma_wait3A_395, %dma_wait3A_396] : memref<2x64xi32, #tpu.memory_space<vmem>> -> memref<1x64xi32, #tpu.memory_space<vmem>>
      %dma_wait3A_398 = tpu.memref_squeeze %dma_wait3A_397 : memref<1x64xi32, #tpu.memory_space<vmem>> -> memref<64xi32, #tpu.memory_space<vmem>>
      %dma_wait3A_399 = arith.constant 0 : i32
      %dma_wait3A_400 = arith.constant 0 : i32
      %dma_wait3A_401 = tpu.memref_slice %arg2[%dma_wait3A_399, %dma_wait3A_400] : memref<10000x128xf32, #tpu.memory_space<hbm>> -> memref<10000x128xf32, #tpu.memory_space<hbm>>
      tpu.wait_indirect_dma semaphore(%arg29 : memref<!tpu.dma_semaphore, #tpu.memory_space<semaphore_mem>>) src(%dma_wait3A_401 : memref<10000x128xf32, #tpu.memory_space<hbm>>) dst(%arg16 : memref<64x128xf32, #tpu.memory_space<vmem>>)
      %dma_start3A_402 = arith.constant 1 : i32
      %dma_start3A_403 = arith.constant 0 : i32
      %dma_start3A_404 = tpu.memref_slice %arg12[%dma_start3A_402, %dma_start3A_403] : memref<2x64xi32, #tpu.memory_space<vmem>> -> memref<1x64xi32, #tpu.memory_space<vmem>>
      %dma_start3A_405 = tpu.memref_squeeze %dma_start3A_404 : memref<1x64xi32, #tpu.memory_space<vmem>> -> memref<64xi32, #tpu.memory_space<vmem>>
      %dma_start3A_406 = arith.constant 0 : i32
      %dma_start3A_407 = arith.constant 0 : i32
      %dma_start3A_408 = tpu.memref_slice %arg18[%dma_start3A_406, %dma_start3A_407] : memref<10240x128xf32, #tpu.memory_space<vmem_shared>> -> memref<10240x128xf32, #tpu.memory_space<vmem_shared>>
      tpu.enqueue_indirect_dma source(%arg16 : memref<64x128xf32, #tpu.memory_space<vmem>>) target(%dma_start3A_408 : memref<10240x128xf32, #tpu.memory_space<vmem_shared>>) offsets(%dma_start3A_405 : memref<64xi32, #tpu.memory_space<vmem>>) semaphore(%arg33 : memref<!tpu.dma_semaphore, #tpu.memory_space<semaphore_mem>>) {add = true}
      %add3A_409 = arith.constant 4 : i32
      %add3A_410 = arith.addi %mul3A_165, %add3A_409 : i32
      %add3A_411 = arith.constant 3 : i32
      %add3A_412 = arith.addi %add3A_410, %add3A_411 : i32
      %dma_wait3A_413 = arith.constant 0 : i32
      %dma_wait3A_414 = arith.constant 0 : i32
      %dma_wait3A_415 = tpu.memref_slice %arg13[%dma_wait3A_413, %dma_wait3A_414] : memref<2x64xi32, #tpu.memory_space<vmem>> -> memref<1x64xi32, #tpu.memory_space<vmem>>
      %dma_wait3A_416 = tpu.memref_squeeze %dma_wait3A_415 : memref<1x64xi32, #tpu.memory_space<vmem>> -> memref<64xi32, #tpu.memory_space<vmem>>
      %dma_wait3A_417 = arith.constant 0 : i32
      %dma_wait3A_418 = arith.constant 0 : i32
      %dma_wait3A_419 = tpu.memref_slice %arg2[%dma_wait3A_417, %dma_wait3A_418] : memref<10000x128xf32, #tpu.memory_space<hbm>> -> memref<10000x128xf32, #tpu.memory_space<hbm>>
      tpu.wait_indirect_dma semaphore(%arg30 : memref<!tpu.dma_semaphore, #tpu.memory_space<semaphore_mem>>) src(%dma_wait3A_419 : memref<10000x128xf32, #tpu.memory_space<hbm>>) dst(%arg17 : memref<64x128xf32, #tpu.memory_space<vmem>>)
      %dma_start3A_420 = arith.constant 1 : i32
      %dma_start3A_421 = arith.constant 0 : i32
      %dma_start3A_422 = tpu.memref_slice %arg13[%dma_start3A_420, %dma_start3A_421] : memref<2x64xi32, #tpu.memory_space<vmem>> -> memref<1x64xi32, #tpu.memory_space<vmem>>
      %dma_start3A_423 = tpu.memref_squeeze %dma_start3A_422 : memref<1x64xi32, #tpu.memory_space<vmem>> -> memref<64xi32, #tpu.memory_space<vmem>>
      %dma_start3A_424 = arith.constant 0 : i32
      %dma_start3A_425 = arith.constant 0 : i32
      %dma_start3A_426 = tpu.memref_slice %arg18[%dma_start3A_424, %dma_start3A_425] : memref<10240x128xf32, #tpu.memory_space<vmem_shared>> -> memref<10240x128xf32, #tpu.memory_space<vmem_shared>>
      tpu.enqueue_indirect_dma source(%arg17 : memref<64x128xf32, #tpu.memory_space<vmem>>) target(%dma_start3A_426 : memref<10240x128xf32, #tpu.memory_space<vmem_shared>>) offsets(%dma_start3A_423 : memref<64xi32, #tpu.memory_space<vmem>>) semaphore(%arg34 : memref<!tpu.dma_semaphore, #tpu.memory_space<semaphore_mem>>) {add = true}
      %add3A_427 = arith.constant 4 : i32
      %add3A_428 = arith.addi %mul3A_165, %add3A_427 : i32
      %add3A_429 = arith.constant 0 : i32
      %add3A_430 = arith.addi %add3A_428, %add3A_429 : i32
      %dma_wait3A_431 = arith.constant 1 : i32
      %dma_wait3A_432 = arith.constant 0 : i32
      %dma_wait3A_433 = tpu.memref_slice %arg10[%dma_wait3A_431, %dma_wait3A_432] : memref<2x64xi32, #tpu.memory_space<vmem>> -> memref<1x64xi32, #tpu.memory_space<vmem>>
      %dma_wait3A_434 = tpu.memref_squeeze %dma_wait3A_433 : memref<1x64xi32, #tpu.memory_space<vmem>> -> memref<64xi32, #tpu.memory_space<vmem>>
      %dma_wait3A_435 = arith.constant 0 : i32
      %dma_wait3A_436 = arith.constant 0 : i32
      %dma_wait3A_437 = tpu.memref_slice %arg18[%dma_wait3A_435, %dma_wait3A_436] : memref<10240x128xf32, #tpu.memory_space<vmem_shared>> -> memref<10240x128xf32, #tpu.memory_space<vmem_shared>>
      tpu.wait_indirect_dma semaphore(%arg31 : memref<!tpu.dma_semaphore, #tpu.memory_space<semaphore_mem>>) src(%arg14 : memref<64x128xf32, #tpu.memory_space<vmem>>) dst(%dma_wait3A_437 : memref<10240x128xf32, #tpu.memory_space<vmem_shared>>)
      %add3A_438 = arith.constant 8 : i32
      %add3A_439 = arith.addi %add3A_430, %add3A_438 : i32
      %lt3A_440 = arith.constant 160 : i32
      %lt3A_441 = arith.cmpi slt, %add3A_439, %lt3A_440 : i32
      %convert_element_type3A_442 = arith.extui %lt3A_441 : i1 to i32
      %cond3A_443 = arith.constant 0 : i32
      %cond3A_444 = arith.cmpi ne, %convert_element_type3A_442, %cond3A_443 : i32
      scf.if %cond3A_444 {
        %add3A_527 = arith.addi %mul3A_4, %add3A_430 : i32
        %add3A_528 = arith.constant 8 : i32
        %add3A_529 = arith.addi %add3A_527, %add3A_528 : i32
        %dma_start3A_530 = arith.constant 0 : i32
        %dma_start3A_531 = arith.constant 0 : i32
        %dma_start3A_532 = tpu.memref_slice %arg3[%add3A_529, %dma_start3A_530, %dma_start3A_531] : memref<5120x2x64xi32, #tpu.memory_space<hbm>> -> memref<1x2x64xi32, #tpu.memory_space<hbm>>
        %dma_start3A_533 = tpu.memref_squeeze %dma_start3A_532 : memref<1x2x64xi32, #tpu.memory_space<hbm>> -> memref<2x64xi32, #tpu.memory_space<hbm>>
        %dma_start3A_534 = arith.constant 0 : i32
        %dma_start3A_535 = arith.constant 0 : i32
        %dma_start3A_536 = tpu.memref_slice %arg3[%add3A_529, %dma_start3A_534, %dma_start3A_535] : memref<5120x2x64xi32, #tpu.memory_space<hbm>> -> memref<1x2x64xi32, #tpu.memory_space<hbm>>
        %dma_start3A_537 = tpu.memref_squeeze %dma_start3A_536 : memref<1x2x64xi32, #tpu.memory_space<hbm>> -> memref<2x64xi32, #tpu.memory_space<hbm>>
        tpu.enqueue_dma source(%dma_start3A_537 : memref<2x64xi32, #tpu.memory_space<hbm>>) target(%arg10 : memref<2x64xi32, #tpu.memory_space<vmem>>) target_semaphore(%arg23 : memref<!tpu.dma_semaphore, #tpu.memory_space<semaphore_mem>>)
      } else {
      }
      %add3A_445 = arith.constant 4 : i32
      %add3A_446 = arith.addi %add3A_430, %add3A_445 : i32
      %lt3A_447 = arith.constant 160 : i32
      %lt3A_448 = arith.cmpi slt, %add3A_446, %lt3A_447 : i32
      %convert_element_type3A_449 = arith.extui %lt3A_448 : i1 to i32
      %cond3A_450 = arith.constant 0 : i32
      %cond3A_451 = arith.cmpi ne, %convert_element_type3A_449, %cond3A_450 : i32
      scf.if %cond3A_451 {
        %add3A_527 = arith.addi %mul3A_4, %add3A_430 : i32
        %dma_wait3A_528 = arith.constant 0 : i32
        %dma_wait3A_529 = arith.constant 0 : i32
        %dma_wait3A_530 = tpu.memref_slice %arg3[%add3A_527, %dma_wait3A_528, %dma_wait3A_529] : memref<5120x2x64xi32, #tpu.memory_space<hbm>> -> memref<1x2x64xi32, #tpu.memory_space<hbm>>
        %dma_wait3A_531 = tpu.memref_squeeze %dma_wait3A_530 : memref<1x2x64xi32, #tpu.memory_space<hbm>> -> memref<2x64xi32, #tpu.memory_space<hbm>>
        %dma_wait3A_532 = arith.constant 0 : i32
        %dma_wait3A_533 = arith.constant 0 : i32
        %dma_wait3A_534 = tpu.memref_slice %arg3[%add3A_527, %dma_wait3A_532, %dma_wait3A_533] : memref<5120x2x64xi32, #tpu.memory_space<hbm>> -> memref<1x2x64xi32, #tpu.memory_space<hbm>>
        %dma_wait3A_535 = tpu.memref_squeeze %dma_wait3A_534 : memref<1x2x64xi32, #tpu.memory_space<hbm>> -> memref<2x64xi32, #tpu.memory_space<hbm>>
        tpu.wait_dma2 semaphore(%arg19 : memref<!tpu.dma_semaphore, #tpu.memory_space<semaphore_mem>>) src(%dma_wait3A_535 : memref<2x64xi32, #tpu.memory_space<hbm>>) dst(%arg6 : memref<2x64xi32, #tpu.memory_space<vmem>>)
        %dma_start3A_536 = arith.constant 0 : i32
        %dma_start3A_537 = arith.constant 0 : i32
        %dma_start3A_538 = tpu.memref_slice %arg6[%dma_start3A_536, %dma_start3A_537] : memref<2x64xi32, #tpu.memory_space<vmem>> -> memref<1x64xi32, #tpu.memory_space<vmem>>
        %dma_start3A_539 = tpu.memref_squeeze %dma_start3A_538 : memref<1x64xi32, #tpu.memory_space<vmem>> -> memref<64xi32, #tpu.memory_space<vmem>>
        %dma_start3A_540 = arith.constant 0 : i32
        %dma_start3A_541 = arith.constant 0 : i32
        %dma_start3A_542 = tpu.memref_slice %arg2[%dma_start3A_540, %dma_start3A_541] : memref<10000x128xf32, #tpu.memory_space<hbm>> -> memref<10000x128xf32, #tpu.memory_space<hbm>>
        tpu.enqueue_indirect_dma source(%dma_start3A_542 : memref<10000x128xf32, #tpu.memory_space<hbm>>) target(%arg14 : memref<64x128xf32, #tpu.memory_space<vmem>>) offsets(%dma_start3A_539 : memref<64xi32, #tpu.memory_space<vmem>>) semaphore(%arg27 : memref<!tpu.dma_semaphore, #tpu.memory_space<semaphore_mem>>)
      } else {
      }
      %add3A_452 = arith.constant 4 : i32
      %add3A_453 = arith.addi %mul3A_165, %add3A_452 : i32
      %add3A_454 = arith.constant 1 : i32
      %add3A_455 = arith.addi %add3A_453, %add3A_454 : i32
      %dma_wait3A_456 = arith.constant 1 : i32
      %dma_wait3A_457 = arith.constant 0 : i32
      %dma_wait3A_458 = tpu.memref_slice %arg11[%dma_wait3A_456, %dma_wait3A_457] : memref<2x64xi32, #tpu.memory_space<vmem>> -> memref<1x64xi32, #tpu.memory_space<vmem>>
      %dma_wait3A_459 = tpu.memref_squeeze %dma_wait3A_458 : memref<1x64xi32, #tpu.memory_space<vmem>> -> memref<64xi32, #tpu.memory_space<vmem>>
      %dma_wait3A_460 = arith.constant 0 : i32
      %dma_wait3A_461 = arith.constant 0 : i32
      %dma_wait3A_462 = tpu.memref_slice %arg18[%dma_wait3A_460, %dma_wait3A_461] : memref<10240x128xf32, #tpu.memory_space<vmem_shared>> -> memref<10240x128xf32, #tpu.memory_space<vmem_shared>>
      tpu.wait_indirect_dma semaphore(%arg32 : memref<!tpu.dma_semaphore, #tpu.memory_space<semaphore_mem>>) src(%arg15 : memref<64x128xf32, #tpu.memory_space<vmem>>) dst(%dma_wait3A_462 : memref<10240x128xf32, #tpu.memory_space<vmem_shared>>)
      %add3A_463 = arith.constant 8 : i32
      %add3A_464 = arith.addi %add3A_455, %add3A_463 : i32
      %lt3A_465 = arith.constant 160 : i32
      %lt3A_466 = arith.cmpi slt, %add3A_464, %lt3A_465 : i32
      %convert_element_type3A_467 = arith.extui %lt3A_466 : i1 to i32
      %cond3A_468 = arith.constant 0 : i32
      %cond3A_469 = arith.cmpi ne, %convert_element_type3A_467, %cond3A_468 : i32
      scf.if %cond3A_469 {
        %add3A_527 = arith.addi %mul3A_4, %add3A_455 : i32
        %add3A_528 = arith.constant 8 : i32
        %add3A_529 = arith.addi %add3A_527, %add3A_528 : i32
        %dma_start3A_530 = arith.constant 0 : i32
        %dma_start3A_531 = arith.constant 0 : i32
        %dma_start3A_532 = tpu.memref_slice %arg3[%add3A_529, %dma_start3A_530, %dma_start3A_531] : memref<5120x2x64xi32, #tpu.memory_space<hbm>> -> memref<1x2x64xi32, #tpu.memory_space<hbm>>
        %dma_start3A_533 = tpu.memref_squeeze %dma_start3A_532 : memref<1x2x64xi32, #tpu.memory_space<hbm>> -> memref<2x64xi32, #tpu.memory_space<hbm>>
        %dma_start3A_534 = arith.constant 0 : i32
        %dma_start3A_535 = arith.constant 0 : i32
        %dma_start3A_536 = tpu.memref_slice %arg3[%add3A_529, %dma_start3A_534, %dma_start3A_535] : memref<5120x2x64xi32, #tpu.memory_space<hbm>> -> memref<1x2x64xi32, #tpu.memory_space<hbm>>
        %dma_start3A_537 = tpu.memref_squeeze %dma_start3A_536 : memref<1x2x64xi32, #tpu.memory_space<hbm>> -> memref<2x64xi32, #tpu.memory_space<hbm>>
        tpu.enqueue_dma source(%dma_start3A_537 : memref<2x64xi32, #tpu.memory_space<hbm>>) target(%arg11 : memref<2x64xi32, #tpu.memory_space<vmem>>) target_semaphore(%arg24 : memref<!tpu.dma_semaphore, #tpu.memory_space<semaphore_mem>>)
      } else {
      }
      %add3A_470 = arith.constant 4 : i32
      %add3A_471 = arith.addi %add3A_455, %add3A_470 : i32
      %lt3A_472 = arith.constant 160 : i32
      %lt3A_473 = arith.cmpi slt, %add3A_471, %lt3A_472 : i32
      %convert_element_type3A_474 = arith.extui %lt3A_473 : i1 to i32
      %cond3A_475 = arith.constant 0 : i32
      %cond3A_476 = arith.cmpi ne, %convert_element_type3A_474, %cond3A_475 : i32
      scf.if %cond3A_476 {
        %add3A_527 = arith.addi %mul3A_4, %add3A_455 : i32
        %dma_wait3A_528 = arith.constant 0 : i32
        %dma_wait3A_529 = arith.constant 0 : i32
        %dma_wait3A_530 = tpu.memref_slice %arg3[%add3A_527, %dma_wait3A_528, %dma_wait3A_529] : memref<5120x2x64xi32, #tpu.memory_space<hbm>> -> memref<1x2x64xi32, #tpu.memory_space<hbm>>
        %dma_wait3A_531 = tpu.memref_squeeze %dma_wait3A_530 : memref<1x2x64xi32, #tpu.memory_space<hbm>> -> memref<2x64xi32, #tpu.memory_space<hbm>>
        %dma_wait3A_532 = arith.constant 0 : i32
        %dma_wait3A_533 = arith.constant 0 : i32
        %dma_wait3A_534 = tpu.memref_slice %arg3[%add3A_527, %dma_wait3A_532, %dma_wait3A_533] : memref<5120x2x64xi32, #tpu.memory_space<hbm>> -> memref<1x2x64xi32, #tpu.memory_space<hbm>>
        %dma_wait3A_535 = tpu.memref_squeeze %dma_wait3A_534 : memref<1x2x64xi32, #tpu.memory_space<hbm>> -> memref<2x64xi32, #tpu.memory_space<hbm>>
        tpu.wait_dma2 semaphore(%arg20 : memref<!tpu.dma_semaphore, #tpu.memory_space<semaphore_mem>>) src(%dma_wait3A_535 : memref<2x64xi32, #tpu.memory_space<hbm>>) dst(%arg7 : memref<2x64xi32, #tpu.memory_space<vmem>>)
        %dma_start3A_536 = arith.constant 0 : i32
        %dma_start3A_537 = arith.constant 0 : i32
        %dma_start3A_538 = tpu.memref_slice %arg7[%dma_start3A_536, %dma_start3A_537] : memref<2x64xi32, #tpu.memory_space<vmem>> -> memref<1x64xi32, #tpu.memory_space<vmem>>
        %dma_start3A_539 = tpu.memref_squeeze %dma_start3A_538 : memref<1x64xi32, #tpu.memory_space<vmem>> -> memref<64xi32, #tpu.memory_space<vmem>>
        %dma_start3A_540 = arith.constant 0 : i32
        %dma_start3A_541 = arith.constant 0 : i32
        %dma_start3A_542 = tpu.memref_slice %arg2[%dma_start3A_540, %dma_start3A_541] : memref<10000x128xf32, #tpu.memory_space<hbm>> -> memref<10000x128xf32, #tpu.memory_space<hbm>>
        tpu.enqueue_indirect_dma source(%dma_start3A_542 : memref<10000x128xf32, #tpu.memory_space<hbm>>) target(%arg15 : memref<64x128xf32, #tpu.memory_space<vmem>>) offsets(%dma_start3A_539 : memref<64xi32, #tpu.memory_space<vmem>>) semaphore(%arg28 : memref<!tpu.dma_semaphore, #tpu.memory_space<semaphore_mem>>)
      } else {
      }
      %add3A_477 = arith.constant 4 : i32
      %add3A_478 = arith.addi %mul3A_165, %add3A_477 : i32
      %add3A_479 = arith.constant 2 : i32
      %add3A_480 = arith.addi %add3A_478, %add3A_479 : i32
      %dma_wait3A_481 = arith.constant 1 : i32
      %dma_wait3A_482 = arith.constant 0 : i32
      %dma_wait3A_483 = tpu.memref_slice %arg12[%dma_wait3A_481, %dma_wait3A_482] : memref<2x64xi32, #tpu.memory_space<vmem>> -> memref<1x64xi32, #tpu.memory_space<vmem>>
      %dma_wait3A_484 = tpu.memref_squeeze %dma_wait3A_483 : memref<1x64xi32, #tpu.memory_space<vmem>> -> memref<64xi32, #tpu.memory_space<vmem>>
      %dma_wait3A_485 = arith.constant 0 : i32
      %dma_wait3A_486 = arith.constant 0 : i32
      %dma_wait3A_487 = tpu.memref_slice %arg18[%dma_wait3A_485, %dma_wait3A_486] : memref<10240x128xf32, #tpu.memory_space<vmem_shared>> -> memref<10240x128xf32, #tpu.memory_space<vmem_shared>>
      tpu.wait_indirect_dma semaphore(%arg33 : memref<!tpu.dma_semaphore, #tpu.memory_space<semaphore_mem>>) src(%arg16 : memref<64x128xf32, #tpu.memory_space<vmem>>) dst(%dma_wait3A_487 : memref<10240x128xf32, #tpu.memory_space<vmem_shared>>)
      %add3A_488 = arith.constant 8 : i32
      %add3A_489 = arith.addi %add3A_480, %add3A_488 : i32
      %lt3A_490 = arith.constant 160 : i32
      %lt3A_491 = arith.cmpi slt, %add3A_489, %lt3A_490 : i32
      %convert_element_type3A_492 = arith.extui %lt3A_491 : i1 to i32
      %cond3A_493 = arith.constant 0 : i32
      %cond3A_494 = arith.cmpi ne, %convert_element_type3A_492, %cond3A_493 : i32
      scf.if %cond3A_494 {
        %add3A_527 = arith.addi %mul3A_4, %add3A_480 : i32
        %add3A_528 = arith.constant 8 : i32
        %add3A_529 = arith.addi %add3A_527, %add3A_528 : i32
        %dma_start3A_530 = arith.constant 0 : i32
        %dma_start3A_531 = arith.constant 0 : i32
        %dma_start3A_532 = tpu.memref_slice %arg3[%add3A_529, %dma_start3A_530, %dma_start3A_531] : memref<5120x2x64xi32, #tpu.memory_space<hbm>> -> memref<1x2x64xi32, #tpu.memory_space<hbm>>
        %dma_start3A_533 = tpu.memref_squeeze %dma_start3A_532 : memref<1x2x64xi32, #tpu.memory_space<hbm>> -> memref<2x64xi32, #tpu.memory_space<hbm>>
        %dma_start3A_534 = arith.constant 0 : i32
        %dma_start3A_535 = arith.constant 0 : i32
        %dma_start3A_536 = tpu.memref_slice %arg3[%add3A_529, %dma_start3A_534, %dma_start3A_535] : memref<5120x2x64xi32, #tpu.memory_space<hbm>> -> memref<1x2x64xi32, #tpu.memory_space<hbm>>
        %dma_start3A_537 = tpu.memref_squeeze %dma_start3A_536 : memref<1x2x64xi32, #tpu.memory_space<hbm>> -> memref<2x64xi32, #tpu.memory_space<hbm>>
        tpu.enqueue_dma source(%dma_start3A_537 : memref<2x64xi32, #tpu.memory_space<hbm>>) target(%arg12 : memref<2x64xi32, #tpu.memory_space<vmem>>) target_semaphore(%arg25 : memref<!tpu.dma_semaphore, #tpu.memory_space<semaphore_mem>>)
      } else {
      }
      %add3A_495 = arith.constant 4 : i32
      %add3A_496 = arith.addi %add3A_480, %add3A_495 : i32
      %lt3A_497 = arith.constant 160 : i32
      %lt3A_498 = arith.cmpi slt, %add3A_496, %lt3A_497 : i32
      %convert_element_type3A_499 = arith.extui %lt3A_498 : i1 to i32
      %cond3A_500 = arith.constant 0 : i32
      %cond3A_501 = arith.cmpi ne, %convert_element_type3A_499, %cond3A_500 : i32
      scf.if %cond3A_501 {
        %add3A_527 = arith.addi %mul3A_4, %add3A_480 : i32
        %dma_wait3A_528 = arith.constant 0 : i32
        %dma_wait3A_529 = arith.constant 0 : i32
        %dma_wait3A_530 = tpu.memref_slice %arg3[%add3A_527, %dma_wait3A_528, %dma_wait3A_529] : memref<5120x2x64xi32, #tpu.memory_space<hbm>> -> memref<1x2x64xi32, #tpu.memory_space<hbm>>
        %dma_wait3A_531 = tpu.memref_squeeze %dma_wait3A_530 : memref<1x2x64xi32, #tpu.memory_space<hbm>> -> memref<2x64xi32, #tpu.memory_space<hbm>>
        %dma_wait3A_532 = arith.constant 0 : i32
        %dma_wait3A_533 = arith.constant 0 : i32
        %dma_wait3A_534 = tpu.memref_slice %arg3[%add3A_527, %dma_wait3A_532, %dma_wait3A_533] : memref<5120x2x64xi32, #tpu.memory_space<hbm>> -> memref<1x2x64xi32, #tpu.memory_space<hbm>>
        %dma_wait3A_535 = tpu.memref_squeeze %dma_wait3A_534 : memref<1x2x64xi32, #tpu.memory_space<hbm>> -> memref<2x64xi32, #tpu.memory_space<hbm>>
        tpu.wait_dma2 semaphore(%arg21 : memref<!tpu.dma_semaphore, #tpu.memory_space<semaphore_mem>>) src(%dma_wait3A_535 : memref<2x64xi32, #tpu.memory_space<hbm>>) dst(%arg8 : memref<2x64xi32, #tpu.memory_space<vmem>>)
        %dma_start3A_536 = arith.constant 0 : i32
        %dma_start3A_537 = arith.constant 0 : i32
        %dma_start3A_538 = tpu.memref_slice %arg8[%dma_start3A_536, %dma_start3A_537] : memref<2x64xi32, #tpu.memory_space<vmem>> -> memref<1x64xi32, #tpu.memory_space<vmem>>
        %dma_start3A_539 = tpu.memref_squeeze %dma_start3A_538 : memref<1x64xi32, #tpu.memory_space<vmem>> -> memref<64xi32, #tpu.memory_space<vmem>>
        %dma_start3A_540 = arith.constant 0 : i32
        %dma_start3A_541 = arith.constant 0 : i32
        %dma_start3A_542 = tpu.memref_slice %arg2[%dma_start3A_540, %dma_start3A_541] : memref<10000x128xf32, #tpu.memory_space<hbm>> -> memref<10000x128xf32, #tpu.memory_space<hbm>>
        tpu.enqueue_indirect_dma source(%dma_start3A_542 : memref<10000x128xf32, #tpu.memory_space<hbm>>) target(%arg16 : memref<64x128xf32, #tpu.memory_space<vmem>>) offsets(%dma_start3A_539 : memref<64xi32, #tpu.memory_space<vmem>>) semaphore(%arg29 : memref<!tpu.dma_semaphore, #tpu.memory_space<semaphore_mem>>)
      } else {
      }
      %add3A_502 = arith.constant 4 : i32
      %add3A_503 = arith.addi %mul3A_165, %add3A_502 : i32
      %add3A_504 = arith.constant 3 : i32
      %add3A_505 = arith.addi %add3A_503, %add3A_504 : i32
      %dma_wait3A_506 = arith.constant 1 : i32
      %dma_wait3A_507 = arith.constant 0 : i32
      %dma_wait3A_508 = tpu.memref_slice %arg13[%dma_wait3A_506, %dma_wait3A_507] : memref<2x64xi32, #tpu.memory_space<vmem>> -> memref<1x64xi32, #tpu.memory_space<vmem>>
      %dma_wait3A_509 = tpu.memref_squeeze %dma_wait3A_508 : memref<1x64xi32, #tpu.memory_space<vmem>> -> memref<64xi32, #tpu.memory_space<vmem>>
      %dma_wait3A_510 = arith.constant 0 : i32
      %dma_wait3A_511 = arith.constant 0 : i32
      %dma_wait3A_512 = tpu.memref_slice %arg18[%dma_wait3A_510, %dma_wait3A_511] : memref<10240x128xf32, #tpu.memory_space<vmem_shared>> -> memref<10240x128xf32, #tpu.memory_space<vmem_shared>>
      tpu.wait_indirect_dma semaphore(%arg34 : memref<!tpu.dma_semaphore, #tpu.memory_space<semaphore_mem>>) src(%arg17 : memref<64x128xf32, #tpu.memory_space<vmem>>) dst(%dma_wait3A_512 : memref<10240x128xf32, #tpu.memory_space<vmem_shared>>)
      %add3A_513 = arith.constant 8 : i32
      %add3A_514 = arith.addi %add3A_505, %add3A_513 : i32
      %lt3A_515 = arith.constant 160 : i32
      %lt3A_516 = arith.cmpi slt, %add3A_514, %lt3A_515 : i32
      %convert_element_type3A_517 = arith.extui %lt3A_516 : i1 to i32
      %cond3A_518 = arith.constant 0 : i32
      %cond3A_519 = arith.cmpi ne, %convert_element_type3A_517, %cond3A_518 : i32
      scf.if %cond3A_519 {
        %add3A_527 = arith.addi %mul3A_4, %add3A_505 : i32
        %add3A_528 = arith.constant 8 : i32
        %add3A_529 = arith.addi %add3A_527, %add3A_528 : i32
        %dma_start3A_530 = arith.constant 0 : i32
        %dma_start3A_531 = arith.constant 0 : i32
        %dma_start3A_532 = tpu.memref_slice %arg3[%add3A_529, %dma_start3A_530, %dma_start3A_531] : memref<5120x2x64xi32, #tpu.memory_space<hbm>> -> memref<1x2x64xi32, #tpu.memory_space<hbm>>
        %dma_start3A_533 = tpu.memref_squeeze %dma_start3A_532 : memref<1x2x64xi32, #tpu.memory_space<hbm>> -> memref<2x64xi32, #tpu.memory_space<hbm>>
        %dma_start3A_534 = arith.constant 0 : i32
        %dma_start3A_535 = arith.constant 0 : i32
        %dma_start3A_536 = tpu.memref_slice %arg3[%add3A_529, %dma_start3A_534, %dma_start3A_535] : memref<5120x2x64xi32, #tpu.memory_space<hbm>> -> memref<1x2x64xi32, #tpu.memory_space<hbm>>
        %dma_start3A_537 = tpu.memref_squeeze %dma_start3A_536 : memref<1x2x64xi32, #tpu.memory_space<hbm>> -> memref<2x64xi32, #tpu.memory_space<hbm>>
        tpu.enqueue_dma source(%dma_start3A_537 : memref<2x64xi32, #tpu.memory_space<hbm>>) target(%arg13 : memref<2x64xi32, #tpu.memory_space<vmem>>) target_semaphore(%arg26 : memref<!tpu.dma_semaphore, #tpu.memory_space<semaphore_mem>>)
      } else {
      }
      %add3A_520 = arith.constant 4 : i32
      %add3A_521 = arith.addi %add3A_505, %add3A_520 : i32
      %lt3A_522 = arith.constant 160 : i32
      %lt3A_523 = arith.cmpi slt, %add3A_521, %lt3A_522 : i32
      %convert_element_type3A_524 = arith.extui %lt3A_523 : i1 to i32
      %cond3A_525 = arith.constant 0 : i32
      %cond3A_526 = arith.cmpi ne, %convert_element_type3A_524, %cond3A_525 : i32
      scf.if %cond3A_526 {
        %add3A_527 = arith.addi %mul3A_4, %add3A_505 : i32
        %dma_wait3A_528 = arith.constant 0 : i32
        %dma_wait3A_529 = arith.constant 0 : i32
        %dma_wait3A_530 = tpu.memref_slice %arg3[%add3A_527, %dma_wait3A_528, %dma_wait3A_529] : memref<5120x2x64xi32, #tpu.memory_space<hbm>> -> memref<1x2x64xi32, #tpu.memory_space<hbm>>
        %dma_wait3A_531 = tpu.memref_squeeze %dma_wait3A_530 : memref<1x2x64xi32, #tpu.memory_space<hbm>> -> memref<2x64xi32, #tpu.memory_space<hbm>>
        %dma_wait3A_532 = arith.constant 0 : i32
        %dma_wait3A_533 = arith.constant 0 : i32
        %dma_wait3A_534 = tpu.memref_slice %arg3[%add3A_527, %dma_wait3A_532, %dma_wait3A_533] : memref<5120x2x64xi32, #tpu.memory_space<hbm>> -> memref<1x2x64xi32, #tpu.memory_space<hbm>>
        %dma_wait3A_535 = tpu.memref_squeeze %dma_wait3A_534 : memref<1x2x64xi32, #tpu.memory_space<hbm>> -> memref<2x64xi32, #tpu.memory_space<hbm>>
        tpu.wait_dma2 semaphore(%arg22 : memref<!tpu.dma_semaphore, #tpu.memory_space<semaphore_mem>>) src(%dma_wait3A_535 : memref<2x64xi32, #tpu.memory_space<hbm>>) dst(%arg9 : memref<2x64xi32, #tpu.memory_space<vmem>>)
        %dma_start3A_536 = arith.constant 0 : i32
        %dma_start3A_537 = arith.constant 0 : i32
        %dma_start3A_538 = tpu.memref_slice %arg9[%dma_start3A_536, %dma_start3A_537] : memref<2x64xi32, #tpu.memory_space<vmem>> -> memref<1x64xi32, #tpu.memory_space<vmem>>
        %dma_start3A_539 = tpu.memref_squeeze %dma_start3A_538 : memref<1x64xi32, #tpu.memory_space<vmem>> -> memref<64xi32, #tpu.memory_space<vmem>>
        %dma_start3A_540 = arith.constant 0 : i32
        %dma_start3A_541 = arith.constant 0 : i32
        %dma_start3A_542 = tpu.memref_slice %arg2[%dma_start3A_540, %dma_start3A_541] : memref<10000x128xf32, #tpu.memory_space<hbm>> -> memref<10000x128xf32, #tpu.memory_space<hbm>>
        tpu.enqueue_indirect_dma source(%dma_start3A_542 : memref<10000x128xf32, #tpu.memory_space<hbm>>) target(%arg17 : memref<64x128xf32, #tpu.memory_space<vmem>>) offsets(%dma_start3A_539 : memref<64xi32, #tpu.memory_space<vmem>>) semaphore(%arg30 : memref<!tpu.dma_semaphore, #tpu.memory_space<semaphore_mem>>)
      } else {
      }
    }
    %scan3A_154 = arith.constant 20 : i32
    %barrier3A_155 = arith.constant 0 : index
    tpu.barrier barrier_id(%barrier3A_155)
    %mul3A_156 = arith.constant 10240 : i32
    %mul3A_157 = arith.muli %arg0, %mul3A_156 : i32
    %add3A_158 = arith.addi %mul3A_157, %mul3A_2 : i32
    "tpu.region"() ({
      %run_scoped3A = tpu.sem_alloc : memref<!tpu.dma_semaphore, #tpu.memory_space<semaphore_mem>>
      %dma_start3A_159 = arith.constant 0 : i32
      %dma_start3A_160 = tpu.memref_slice %arg5[%add3A_158, %dma_start3A_159] : memref<20480x128xf32, #tpu.memory_space<hbm>> -> memref<640x128xf32, #tpu.memory_space<hbm>>
      %dma_start3A_161 = arith.constant 0 : i32
      %dma_start3A_162 = tpu.memref_slice %arg18[%mul3A_2, %dma_start3A_161] : memref<10240x128xf32, #tpu.memory_space<vmem_shared>> -> memref<640x128xf32, #tpu.memory_space<vmem_shared>>
      tpu.enqueue_dma source(%dma_start3A_162 : memref<640x128xf32, #tpu.memory_space<vmem_shared>>) target(%dma_start3A_160 : memref<640x128xf32, #tpu.memory_space<hbm>>) target_semaphore(%run_scoped3A : memref<!tpu.dma_semaphore, #tpu.memory_space<semaphore_mem>>)
      %dma_wait3A_163 = arith.constant 0 : i32
      %dma_wait3A_164 = tpu.memref_slice %arg5[%add3A_158, %dma_wait3A_163] : memref<20480x128xf32, #tpu.memory_space<hbm>> -> memref<640x128xf32, #tpu.memory_space<hbm>>
      %dma_wait3A_165 = arith.constant 0 : i32
      %dma_wait3A_166 = tpu.memref_slice %arg18[%mul3A_2, %dma_wait3A_165] : memref<10240x128xf32, #tpu.memory_space<vmem_shared>> -> memref<640x128xf32, #tpu.memory_space<vmem_shared>>
      tpu.wait_dma2 semaphore(%run_scoped3A : memref<!tpu.dma_semaphore, #tpu.memory_space<semaphore_mem>>) src(%dma_wait3A_166 : memref<640x128xf32, #tpu.memory_space<vmem_shared>>) dst(%dma_wait3A_164 : memref<640x128xf32, #tpu.memory_space<hbm>>)
      tpu.yield
    }) : () -> ()
    return
  }
}

#map = affine_map<(d0, d1) -> (0, 0)>
#map1 = affine_map<(d0, d1) -> (0, 0, 0)>
module attributes {stable_mosaic.version = 14 : i64} {
  func.func @k(%arg0: i32, %arg1: i32, %arg2: memref<10000x128xf32, #tpu.memory_space<hbm>>, %arg3: memref<5120x2x64xi32, #tpu.memory_space<hbm>>, %arg4: memref<640x128xf32, #tpu.memory_space<hbm>>, %arg5: memref<20480x128xf32, #tpu.memory_space<hbm>>, %arg6: memref<2x64xi32, #tpu.memory_space<vmem>>, %arg7: memref<2x64xi32, #tpu.memory_space<vmem>>, %arg8: memref<2x64xi32, #tpu.memory_space<vmem>>, %arg9: memref<2x64xi32, #tpu.memory_space<vmem>>, %arg10: memref<2x64xi32, #tpu.memory_space<vmem>>, %arg11: memref<2x64xi32, #tpu.memory_space<vmem>>, %arg12: memref<2x64xi32, #tpu.memory_space<vmem>>, %arg13: memref<2x64xi32, #tpu.memory_space<vmem>>, %arg14: memref<64x128xf32, #tpu.memory_space<vmem>>, %arg15: memref<64x128xf32, #tpu.memory_space<vmem>>, %arg16: memref<64x128xf32, #tpu.memory_space<vmem>>, %arg17: memref<64x128xf32, #tpu.memory_space<vmem>>, %arg18: memref<10240x128xf32, #tpu.memory_space<vmem_shared>>, %arg19: memref<!tpu.dma_semaphore, #tpu.memory_space<semaphore_mem>>, %arg20: memref<!tpu.dma_semaphore, #tpu.memory_space<semaphore_mem>>, %arg21: memref<!tpu.dma_semaphore, #tpu.memory_space<semaphore_mem>>, %arg22: memref<!tpu.dma_semaphore, #tpu.memory_space<semaphore_mem>>, %arg23: memref<!tpu.dma_semaphore, #tpu.memory_space<semaphore_mem>>, %arg24: memref<!tpu.dma_semaphore, #tpu.memory_space<semaphore_mem>>, %arg25: memref<!tpu.dma_semaphore, #tpu.memory_space<semaphore_mem>>, %arg26: memref<!tpu.dma_semaphore, #tpu.memory_space<semaphore_mem>>, %arg27: memref<!tpu.dma_semaphore, #tpu.memory_space<semaphore_mem>>, %arg28: memref<!tpu.dma_semaphore, #tpu.memory_space<semaphore_mem>>, %arg29: memref<!tpu.dma_semaphore, #tpu.memory_space<semaphore_mem>>, %arg30: memref<!tpu.dma_semaphore, #tpu.memory_space<semaphore_mem>>, %arg31: memref<!tpu.dma_semaphore, #tpu.memory_space<semaphore_mem>>, %arg32: memref<!tpu.dma_semaphore, #tpu.memory_space<semaphore_mem>>, %arg33: memref<!tpu.dma_semaphore, #tpu.memory_space<semaphore_mem>>, %arg34: memref<!tpu.dma_semaphore, #tpu.memory_space<semaphore_mem>>) attributes {dimension_semantics = [#tpu.dimension_semantics<core_parallel>, #tpu.dimension_semantics<subcore_parallel>], iteration_bounds = array<i64: 2, 16>, scalar_prefetch = 0 : i64, scratch_operands = 29 : i64, tpu.core_type = #tpu.core_type<sc_vector_subcore>, window_params = [{transform_indices = #map}, {transform_indices = #map1}, {transform_indices = #map}, {transform_indices = #map}]} {
    %mul3A = arith.constant 2 : i32
    %mul3A_0 = arith.muli %arg1, %mul3A : i32
    %add3A = arith.addi %mul3A_0, %arg0 : i32
    %mul3A_1 = arith.constant 640 : i32
    %mul3A_2 = arith.muli %arg1, %mul3A_1 : i32
    %mul3A_3 = arith.constant 160 : i32
    %mul3A_4 = arith.muli %add3A, %mul3A_3 : i32
    %add3A_5 = arith.constant 0 : i32
    %add3A_6 = arith.addi %mul3A_4, %add3A_5 : i32
    %dma_start3A = arith.constant 0 : i32
    %dma_start3A_7 = arith.constant 0 : i32
    %dma_start3A_8 = tpu.memref_slice %arg3[%add3A_6, %dma_start3A, %dma_start3A_7] : memref<5120x2x64xi32, #tpu.memory_space<hbm>> -> memref<1x2x64xi32, #tpu.memory_space<hbm>>
    %dma_start3A_9 = tpu.memref_squeeze %dma_start3A_8 : memref<1x2x64xi32, #tpu.memory_space<hbm>> -> memref<2x64xi32, #tpu.memory_space<hbm>>
    %dma_start3A_10 = arith.constant 0 : i32
    %dma_start3A_11 = arith.constant 0 : i32
    %dma_start3A_12 = tpu.memref_slice %arg3[%add3A_6, %dma_start3A_10, %dma_start3A_11] : memref<5120x2x64xi32, #tpu.memory_space<hbm>> -> memref<1x2x64xi32, #tpu.memory_space<hbm>>
    %dma_start3A_13 = tpu.memref_squeeze %dma_start3A_12 : memref<1x2x64xi32, #tpu.memory_space<hbm>> -> memref<2x64xi32, #tpu.memory_space<hbm>>
    tpu.enqueue_dma source(%dma_start3A_13 : memref<2x64xi32, #tpu.memory_space<hbm>>) target(%arg6 : memref<2x64xi32, #tpu.memory_space<vmem>>) target_semaphore(%arg19 : memref<!tpu.dma_semaphore, #tpu.memory_space<semaphore_mem>>)
    %add3A_14 = arith.constant 1 : i32
    %add3A_15 = arith.addi %mul3A_4, %add3A_14 : i32
    %dma_start3A_16 = arith.constant 0 : i32
    %dma_start3A_17 = arith.constant 0 : i32
    %dma_start3A_18 = tpu.memref_slice %arg3[%add3A_15, %dma_start3A_16, %dma_start3A_17] : memref<5120x2x64xi32, #tpu.memory_space<hbm>> -> memref<1x2x64xi32, #tpu.memory_space<hbm>>
    %dma_start3A_19 = tpu.memref_squeeze %dma_start3A_18 : memref<1x2x64xi32, #tpu.memory_space<hbm>> -> memref<2x64xi32, #tpu.memory_space<hbm>>
    %dma_start3A_20 = arith.constant 0 : i32
    %dma_start3A_21 = arith.constant 0 : i32
    %dma_start3A_22 = tpu.memref_slice %arg3[%add3A_15, %dma_start3A_20, %dma_start3A_21] : memref<5120x2x64xi32, #tpu.memory_space<hbm>> -> memref<1x2x64xi32, #tpu.memory_space<hbm>>
    %dma_start3A_23 = tpu.memref_squeeze %dma_start3A_22 : memref<1x2x64xi32, #tpu.memory_space<hbm>> -> memref<2x64xi32, #tpu.memory_space<hbm>>
    tpu.enqueue_dma source(%dma_start3A_23 : memref<2x64xi32, #tpu.memory_space<hbm>>) target(%arg7 : memref<2x64xi32, #tpu.memory_space<vmem>>) target_semaphore(%arg20 : memref<!tpu.dma_semaphore, #tpu.memory_space<semaphore_mem>>)
    %add3A_24 = arith.constant 2 : i32
    %add3A_25 = arith.addi %mul3A_4, %add3A_24 : i32
    %dma_start3A_26 = arith.constant 0 : i32
    %dma_start3A_27 = arith.constant 0 : i32
    %dma_start3A_28 = tpu.memref_slice %arg3[%add3A_25, %dma_start3A_26, %dma_start3A_27] : memref<5120x2x64xi32, #tpu.memory_space<hbm>> -> memref<1x2x64xi32, #tpu.memory_space<hbm>>
    %dma_start3A_29 = tpu.memref_squeeze %dma_start3A_28 : memref<1x2x64xi32, #tpu.memory_space<hbm>> -> memref<2x64xi32, #tpu.memory_space<hbm>>
    %dma_start3A_30 = arith.constant 0 : i32
    %dma_start3A_31 = arith.constant 0 : i32
    %dma_start3A_32 = tpu.memref_slice %arg3[%add3A_25, %dma_start3A_30, %dma_start3A_31] : memref<5120x2x64xi32, #tpu.memory_space<hbm>> -> memref<1x2x64xi32, #tpu.memory_space<hbm>>
    %dma_start3A_33 = tpu.memref_squeeze %dma_start3A_32 : memref<1x2x64xi32, #tpu.memory_space<hbm>> -> memref<2x64xi32, #tpu.memory_space<hbm>>
    tpu.enqueue_dma source(%dma_start3A_33 : memref<2x64xi32, #tpu.memory_space<hbm>>) target(%arg8 : memref<2x64xi32, #tpu.memory_space<vmem>>) target_semaphore(%arg21 : memref<!tpu.dma_semaphore, #tpu.memory_space<semaphore_mem>>)
    %add3A_34 = arith.constant 3 : i32
    %add3A_35 = arith.addi %mul3A_4, %add3A_34 : i32
    %dma_start3A_36 = arith.constant 0 : i32
    %dma_start3A_37 = arith.constant 0 : i32
    %dma_start3A_38 = tpu.memref_slice %arg3[%add3A_35, %dma_start3A_36, %dma_start3A_37] : memref<5120x2x64xi32, #tpu.memory_space<hbm>> -> memref<1x2x64xi32, #tpu.memory_space<hbm>>
    %dma_start3A_39 = tpu.memref_squeeze %dma_start3A_38 : memref<1x2x64xi32, #tpu.memory_space<hbm>> -> memref<2x64xi32, #tpu.memory_space<hbm>>
    %dma_start3A_40 = arith.constant 0 : i32
    %dma_start3A_41 = arith.constant 0 : i32
    %dma_start3A_42 = tpu.memref_slice %arg3[%add3A_35, %dma_start3A_40, %dma_start3A_41] : memref<5120x2x64xi32, #tpu.memory_space<hbm>> -> memref<1x2x64xi32, #tpu.memory_space<hbm>>
    %dma_start3A_43 = tpu.memref_squeeze %dma_start3A_42 : memref<1x2x64xi32, #tpu.memory_space<hbm>> -> memref<2x64xi32, #tpu.memory_space<hbm>>
    tpu.enqueue_dma source(%dma_start3A_43 : memref<2x64xi32, #tpu.memory_space<hbm>>) target(%arg9 : memref<2x64xi32, #tpu.memory_space<vmem>>) target_semaphore(%arg22 : memref<!tpu.dma_semaphore, #tpu.memory_space<semaphore_mem>>)
    %add3A_44 = arith.constant 4 : i32
    %add3A_45 = arith.addi %mul3A_4, %add3A_44 : i32
    %dma_start3A_46 = arith.constant 0 : i32
    %dma_start3A_47 = arith.constant 0 : i32
    %dma_start3A_48 = tpu.memref_slice %arg3[%add3A_45, %dma_start3A_46, %dma_start3A_47] : memref<5120x2x64xi32, #tpu.memory_space<hbm>> -> memref<1x2x64xi32, #tpu.memory_space<hbm>>
    %dma_start3A_49 = tpu.memref_squeeze %dma_start3A_48 : memref<1x2x64xi32, #tpu.memory_space<hbm>> -> memref<2x64xi32, #tpu.memory_space<hbm>>
    %dma_start3A_50 = arith.constant 0 : i32
    %dma_start3A_51 = arith.constant 0 : i32
    %dma_start3A_52 = tpu.memref_slice %arg3[%add3A_45, %dma_start3A_50, %dma_start3A_51] : memref<5120x2x64xi32, #tpu.memory_space<hbm>> -> memref<1x2x64xi32, #tpu.memory_space<hbm>>
    %dma_start3A_53 = tpu.memref_squeeze %dma_start3A_52 : memref<1x2x64xi32, #tpu.memory_space<hbm>> -> memref<2x64xi32, #tpu.memory_space<hbm>>
    tpu.enqueue_dma source(%dma_start3A_53 : memref<2x64xi32, #tpu.memory_space<hbm>>) target(%arg10 : memref<2x64xi32, #tpu.memory_space<vmem>>) target_semaphore(%arg23 : memref<!tpu.dma_semaphore, #tpu.memory_space<semaphore_mem>>)
    %add3A_54 = arith.constant 5 : i32
    %add3A_55 = arith.addi %mul3A_4, %add3A_54 : i32
    %dma_start3A_56 = arith.constant 0 : i32
    %dma_start3A_57 = arith.constant 0 : i32
    %dma_start3A_58 = tpu.memref_slice %arg3[%add3A_55, %dma_start3A_56, %dma_start3A_57] : memref<5120x2x64xi32, #tpu.memory_space<hbm>> -> memref<1x2x64xi32, #tpu.memory_space<hbm>>
    %dma_start3A_59 = tpu.memref_squeeze %dma_start3A_58 : memref<1x2x64xi32, #tpu.memory_space<hbm>> -> memref<2x64xi32, #tpu.memory_space<hbm>>
    %dma_start3A_60 = arith.constant 0 : i32
    %dma_start3A_61 = arith.constant 0 : i32
    %dma_start3A_62 = tpu.memref_slice %arg3[%add3A_55, %dma_start3A_60, %dma_start3A_61] : memref<5120x2x64xi32, #tpu.memory_space<hbm>> -> memref<1x2x64xi32, #tpu.memory_space<hbm>>
    %dma_start3A_63 = tpu.memref_squeeze %dma_start3A_62 : memref<1x2x64xi32, #tpu.memory_space<hbm>> -> memref<2x64xi32, #tpu.memory_space<hbm>>
    tpu.enqueue_dma source(%dma_start3A_63 : memref<2x64xi32, #tpu.memory_space<hbm>>) target(%arg11 : memref<2x64xi32, #tpu.memory_space<vmem>>) target_semaphore(%arg24 : memref<!tpu.dma_semaphore, #tpu.memory_space<semaphore_mem>>)
    %add3A_64 = arith.constant 6 : i32
    %add3A_65 = arith.addi %mul3A_4, %add3A_64 : i32
    %dma_start3A_66 = arith.constant 0 : i32
    %dma_start3A_67 = arith.constant 0 : i32
    %dma_start3A_68 = tpu.memref_slice %arg3[%add3A_65, %dma_start3A_66, %dma_start3A_67] : memref<5120x2x64xi32, #tpu.memory_space<hbm>> -> memref<1x2x64xi32, #tpu.memory_space<hbm>>
    %dma_start3A_69 = tpu.memref_squeeze %dma_start3A_68 : memref<1x2x64xi32, #tpu.memory_space<hbm>> -> memref<2x64xi32, #tpu.memory_space<hbm>>
    %dma_start3A_70 = arith.constant 0 : i32
    %dma_start3A_71 = arith.constant 0 : i32
    %dma_start3A_72 = tpu.memref_slice %arg3[%add3A_65, %dma_start3A_70, %dma_start3A_71] : memref<5120x2x64xi32, #tpu.memory_space<hbm>> -> memref<1x2x64xi32, #tpu.memory_space<hbm>>
    %dma_start3A_73 = tpu.memref_squeeze %dma_start3A_72 : memref<1x2x64xi32, #tpu.memory_space<hbm>> -> memref<2x64xi32, #tpu.memory_space<hbm>>
    tpu.enqueue_dma source(%dma_start3A_73 : memref<2x64xi32, #tpu.memory_space<hbm>>) target(%arg12 : memref<2x64xi32, #tpu.memory_space<vmem>>) target_semaphore(%arg25 : memref<!tpu.dma_semaphore, #tpu.memory_space<semaphore_mem>>)
    %add3A_74 = arith.constant 7 : i32
    %add3A_75 = arith.addi %mul3A_4, %add3A_74 : i32
    %dma_start3A_76 = arith.constant 0 : i32
    %dma_start3A_77 = arith.constant 0 : i32
    %dma_start3A_78 = tpu.memref_slice %arg3[%add3A_75, %dma_start3A_76, %dma_start3A_77] : memref<5120x2x64xi32, #tpu.memory_space<hbm>> -> memref<1x2x64xi32, #tpu.memory_space<hbm>>
    %dma_start3A_79 = tpu.memref_squeeze %dma_start3A_78 : memref<1x2x64xi32, #tpu.memory_space<hbm>> -> memref<2x64xi32, #tpu.memory_space<hbm>>
    %dma_start3A_80 = arith.constant 0 : i32
    %dma_start3A_81 = arith.constant 0 : i32
    %dma_start3A_82 = tpu.memref_slice %arg3[%add3A_75, %dma_start3A_80, %dma_start3A_81] : memref<5120x2x64xi32, #tpu.memory_space<hbm>> -> memref<1x2x64xi32, #tpu.memory_space<hbm>>
    %dma_start3A_83 = tpu.memref_squeeze %dma_start3A_82 : memref<1x2x64xi32, #tpu.memory_space<hbm>> -> memref<2x64xi32, #tpu.memory_space<hbm>>
    tpu.enqueue_dma source(%dma_start3A_83 : memref<2x64xi32, #tpu.memory_space<hbm>>) target(%arg13 : memref<2x64xi32, #tpu.memory_space<vmem>>) target_semaphore(%arg26 : memref<!tpu.dma_semaphore, #tpu.memory_space<semaphore_mem>>)
    %add3A_84 = arith.constant 0 : i32
    %add3A_85 = arith.addi %mul3A_4, %add3A_84 : i32
    %dma_wait3A = arith.constant 0 : i32
    %dma_wait3A_86 = arith.constant 0 : i32
    %dma_wait3A_87 = tpu.memref_slice %arg3[%add3A_85, %dma_wait3A, %dma_wait3A_86] : memref<5120x2x64xi32, #tpu.memory_space<hbm>> -> memref<1x2x64xi32, #tpu.memory_space<hbm>>
    %dma_wait3A_88 = tpu.memref_squeeze %dma_wait3A_87 : memref<1x2x64xi32, #tpu.memory_space<hbm>> -> memref<2x64xi32, #tpu.memory_space<hbm>>
    %dma_wait3A_89 = arith.constant 0 : i32
    %dma_wait3A_90 = arith.constant 0 : i32
    %dma_wait3A_91 = tpu.memref_slice %arg3[%add3A_85, %dma_wait3A_89, %dma_wait3A_90] : memref<5120x2x64xi32, #tpu.memory_space<hbm>> -> memref<1x2x64xi32, #tpu.memory_space<hbm>>
    %dma_wait3A_92 = tpu.memref_squeeze %dma_wait3A_91 : memref<1x2x64xi32, #tpu.memory_space<hbm>> -> memref<2x64xi32, #tpu.memory_space<hbm>>
    tpu.wait_dma2 semaphore(%arg19 : memref<!tpu.dma_semaphore, #tpu.memory_space<semaphore_mem>>) src(%dma_wait3A_92 : memref<2x64xi32, #tpu.memory_space<hbm>>) dst(%arg6 : memref<2x64xi32, #tpu.memory_space<vmem>>)
    %dma_start3A_93 = arith.constant 0 : i32
    %dma_start3A_94 = arith.constant 0 : i32
    %dma_start3A_95 = tpu.memref_slice %arg6[%dma_start3A_93, %dma_start3A_94] : memref<2x64xi32, #tpu.memory_space<vmem>> -> memref<1x64xi32, #tpu.memory_space<vmem>>
    %dma_start3A_96 = tpu.memref_squeeze %dma_start3A_95 : memref<1x64xi32, #tpu.memory_space<vmem>> -> memref<64xi32, #tpu.memory_space<vmem>>
    %dma_start3A_97 = arith.constant 0 : i32
    %dma_start3A_98 = arith.constant 0 : i32
    %dma_start3A_99 = tpu.memref_slice %arg2[%dma_start3A_97, %dma_start3A_98] : memref<10000x128xf32, #tpu.memory_space<hbm>> -> memref<10000x128xf32, #tpu.memory_space<hbm>>
    tpu.enqueue_indirect_dma source(%dma_start3A_99 : memref<10000x128xf32, #tpu.memory_space<hbm>>) target(%arg14 : memref<64x128xf32, #tpu.memory_space<vmem>>) offsets(%dma_start3A_96 : memref<64xi32, #tpu.memory_space<vmem>>) semaphore(%arg27 : memref<!tpu.dma_semaphore, #tpu.memory_space<semaphore_mem>>)
    %add3A_100 = arith.constant 1 : i32
    %add3A_101 = arith.addi %mul3A_4, %add3A_100 : i32
    %dma_wait3A_102 = arith.constant 0 : i32
    %dma_wait3A_103 = arith.constant 0 : i32
    %dma_wait3A_104 = tpu.memref_slice %arg3[%add3A_101, %dma_wait3A_102, %dma_wait3A_103] : memref<5120x2x64xi32, #tpu.memory_space<hbm>> -> memref<1x2x64xi32, #tpu.memory_space<hbm>>
    %dma_wait3A_105 = tpu.memref_squeeze %dma_wait3A_104 : memref<1x2x64xi32, #tpu.memory_space<hbm>> -> memref<2x64xi32, #tpu.memory_space<hbm>>
    %dma_wait3A_106 = arith.constant 0 : i32
    %dma_wait3A_107 = arith.constant 0 : i32
    %dma_wait3A_108 = tpu.memref_slice %arg3[%add3A_101, %dma_wait3A_106, %dma_wait3A_107] : memref<5120x2x64xi32, #tpu.memory_space<hbm>> -> memref<1x2x64xi32, #tpu.memory_space<hbm>>
    %dma_wait3A_109 = tpu.memref_squeeze %dma_wait3A_108 : memref<1x2x64xi32, #tpu.memory_space<hbm>> -> memref<2x64xi32, #tpu.memory_space<hbm>>
    tpu.wait_dma2 semaphore(%arg20 : memref<!tpu.dma_semaphore, #tpu.memory_space<semaphore_mem>>) src(%dma_wait3A_109 : memref<2x64xi32, #tpu.memory_space<hbm>>) dst(%arg7 : memref<2x64xi32, #tpu.memory_space<vmem>>)
    %dma_start3A_110 = arith.constant 0 : i32
    %dma_start3A_111 = arith.constant 0 : i32
    %dma_start3A_112 = tpu.memref_slice %arg7[%dma_start3A_110, %dma_start3A_111] : memref<2x64xi32, #tpu.memory_space<vmem>> -> memref<1x64xi32, #tpu.memory_space<vmem>>
    %dma_start3A_113 = tpu.memref_squeeze %dma_start3A_112 : memref<1x64xi32, #tpu.memory_space<vmem>> -> memref<64xi32, #tpu.memory_space<vmem>>
    %dma_start3A_114 = arith.constant 0 : i32
    %dma_start3A_115 = arith.constant 0 : i32
    %dma_start3A_116 = tpu.memref_slice %arg2[%dma_start3A_114, %dma_start3A_115] : memref<10000x128xf32, #tpu.memory_space<hbm>> -> memref<10000x128xf32, #tpu.memory_space<hbm>>
    tpu.enqueue_indirect_dma source(%dma_start3A_116 : memref<10000x128xf32, #tpu.memory_space<hbm>>) target(%arg15 : memref<64x128xf32, #tpu.memory_space<vmem>>) offsets(%dma_start3A_113 : memref<64xi32, #tpu.memory_space<vmem>>) semaphore(%arg28 : memref<!tpu.dma_semaphore, #tpu.memory_space<semaphore_mem>>)
    %add3A_117 = arith.constant 2 : i32
    %add3A_118 = arith.addi %mul3A_4, %add3A_117 : i32
    %dma_wait3A_119 = arith.constant 0 : i32
    %dma_wait3A_120 = arith.constant 0 : i32
    %dma_wait3A_121 = tpu.memref_slice %arg3[%add3A_118, %dma_wait3A_119, %dma_wait3A_120] : memref<5120x2x64xi32, #tpu.memory_space<hbm>> -> memref<1x2x64xi32, #tpu.memory_space<hbm>>
    %dma_wait3A_122 = tpu.memref_squeeze %dma_wait3A_121 : memref<1x2x64xi32, #tpu.memory_space<hbm>> -> memref<2x64xi32, #tpu.memory_space<hbm>>
    %dma_wait3A_123 = arith.constant 0 : i32
    %dma_wait3A_124 = arith.constant 0 : i32
    %dma_wait3A_125 = tpu.memref_slice %arg3[%add3A_118, %dma_wait3A_123, %dma_wait3A_124] : memref<5120x2x64xi32, #tpu.memory_space<hbm>> -> memref<1x2x64xi32, #tpu.memory_space<hbm>>
    %dma_wait3A_126 = tpu.memref_squeeze %dma_wait3A_125 : memref<1x2x64xi32, #tpu.memory_space<hbm>> -> memref<2x64xi32, #tpu.memory_space<hbm>>
    tpu.wait_dma2 semaphore(%arg21 : memref<!tpu.dma_semaphore, #tpu.memory_space<semaphore_mem>>) src(%dma_wait3A_126 : memref<2x64xi32, #tpu.memory_space<hbm>>) dst(%arg8 : memref<2x64xi32, #tpu.memory_space<vmem>>)
    %dma_start3A_127 = arith.constant 0 : i32
    %dma_start3A_128 = arith.constant 0 : i32
    %dma_start3A_129 = tpu.memref_slice %arg8[%dma_start3A_127, %dma_start3A_128] : memref<2x64xi32, #tpu.memory_space<vmem>> -> memref<1x64xi32, #tpu.memory_space<vmem>>
    %dma_start3A_130 = tpu.memref_squeeze %dma_start3A_129 : memref<1x64xi32, #tpu.memory_space<vmem>> -> memref<64xi32, #tpu.memory_space<vmem>>
    %dma_start3A_131 = arith.constant 0 : i32
    %dma_start3A_132 = arith.constant 0 : i32
    %dma_start3A_133 = tpu.memref_slice %arg2[%dma_start3A_131, %dma_start3A_132] : memref<10000x128xf32, #tpu.memory_space<hbm>> -> memref<10000x128xf32, #tpu.memory_space<hbm>>
    tpu.enqueue_indirect_dma source(%dma_start3A_133 : memref<10000x128xf32, #tpu.memory_space<hbm>>) target(%arg16 : memref<64x128xf32, #tpu.memory_space<vmem>>) offsets(%dma_start3A_130 : memref<64xi32, #tpu.memory_space<vmem>>) semaphore(%arg29 : memref<!tpu.dma_semaphore, #tpu.memory_space<semaphore_mem>>)
    %add3A_134 = arith.constant 3 : i32
    %add3A_135 = arith.addi %mul3A_4, %add3A_134 : i32
    %dma_wait3A_136 = arith.constant 0 : i32
    %dma_wait3A_137 = arith.constant 0 : i32
    %dma_wait3A_138 = tpu.memref_slice %arg3[%add3A_135, %dma_wait3A_136, %dma_wait3A_137] : memref<5120x2x64xi32, #tpu.memory_space<hbm>> -> memref<1x2x64xi32, #tpu.memory_space<hbm>>
    %dma_wait3A_139 = tpu.memref_squeeze %dma_wait3A_138 : memref<1x2x64xi32, #tpu.memory_space<hbm>> -> memref<2x64xi32, #tpu.memory_space<hbm>>
    %dma_wait3A_140 = arith.constant 0 : i32
    %dma_wait3A_141 = arith.constant 0 : i32
    %dma_wait3A_142 = tpu.memref_slice %arg3[%add3A_135, %dma_wait3A_140, %dma_wait3A_141] : memref<5120x2x64xi32, #tpu.memory_space<hbm>> -> memref<1x2x64xi32, #tpu.memory_space<hbm>>
    %dma_wait3A_143 = tpu.memref_squeeze %dma_wait3A_142 : memref<1x2x64xi32, #tpu.memory_space<hbm>> -> memref<2x64xi32, #tpu.memory_space<hbm>>
    tpu.wait_dma2 semaphore(%arg22 : memref<!tpu.dma_semaphore, #tpu.memory_space<semaphore_mem>>) src(%dma_wait3A_143 : memref<2x64xi32, #tpu.memory_space<hbm>>) dst(%arg9 : memref<2x64xi32, #tpu.memory_space<vmem>>)
    %dma_start3A_144 = arith.constant 0 : i32
    %dma_start3A_145 = arith.constant 0 : i32
    %dma_start3A_146 = tpu.memref_slice %arg9[%dma_start3A_144, %dma_start3A_145] : memref<2x64xi32, #tpu.memory_space<vmem>> -> memref<1x64xi32, #tpu.memory_space<vmem>>
    %dma_start3A_147 = tpu.memref_squeeze %dma_start3A_146 : memref<1x64xi32, #tpu.memory_space<vmem>> -> memref<64xi32, #tpu.memory_space<vmem>>
    %dma_start3A_148 = arith.constant 0 : i32
    %dma_start3A_149 = arith.constant 0 : i32
    %dma_start3A_150 = tpu.memref_slice %arg2[%dma_start3A_148, %dma_start3A_149] : memref<10000x128xf32, #tpu.memory_space<hbm>> -> memref<10000x128xf32, #tpu.memory_space<hbm>>
    tpu.enqueue_indirect_dma source(%dma_start3A_150 : memref<10000x128xf32, #tpu.memory_space<hbm>>) target(%arg17 : memref<64x128xf32, #tpu.memory_space<vmem>>) offsets(%dma_start3A_147 : memref<64xi32, #tpu.memory_space<vmem>>) semaphore(%arg30 : memref<!tpu.dma_semaphore, #tpu.memory_space<semaphore_mem>>)
    "tpu.region"() ({
      %run_scoped3A = tpu.sem_alloc : memref<!tpu.dma_semaphore, #tpu.memory_space<semaphore_mem>>
      %dma_start3A_159 = arith.constant 0 : i32
      %dma_start3A_160 = tpu.memref_slice %arg18[%mul3A_2, %dma_start3A_159] : memref<10240x128xf32, #tpu.memory_space<vmem_shared>> -> memref<640x128xf32, #tpu.memory_space<vmem_shared>>
      tpu.enqueue_dma source(%arg4 : memref<640x128xf32, #tpu.memory_space<hbm>>) target(%dma_start3A_160 : memref<640x128xf32, #tpu.memory_space<vmem_shared>>) target_semaphore(%run_scoped3A : memref<!tpu.dma_semaphore, #tpu.memory_space<semaphore_mem>>)
      %dma_wait3A_161 = arith.constant 0 : i32
      %dma_wait3A_162 = tpu.memref_slice %arg18[%mul3A_2, %dma_wait3A_161] : memref<10240x128xf32, #tpu.memory_space<vmem_shared>> -> memref<640x128xf32, #tpu.memory_space<vmem_shared>>
      tpu.wait_dma2 semaphore(%run_scoped3A : memref<!tpu.dma_semaphore, #tpu.memory_space<semaphore_mem>>) src(%arg4 : memref<640x128xf32, #tpu.memory_space<hbm>>) dst(%dma_wait3A_162 : memref<640x128xf32, #tpu.memory_space<vmem_shared>>)
      tpu.yield
    }) : () -> ()
    %barrier3A = arith.constant 0 : index
    tpu.barrier barrier_id(%barrier3A)
    %scan3A = arith.constant 0 : i32
    %scan3A_151 = arith.constant 20 : i32
    %scan3A_152 = arith.addi %scan3A, %scan3A_151 : i32
    %scan3A_153 = arith.constant 1 : i32
    scf.for %scan3A_159 = %scan3A to %scan3A_152 step %scan3A_153  : i32 {
      %mul3A_160 = arith.constant 1 : i32
      %mul3A_161 = arith.muli %scan3A_159, %mul3A_160 : i32
      %add3A_162 = arith.constant 0 : i32
      %add3A_163 = arith.addi %add3A_162, %mul3A_161 : i32
      %mul3A_164 = arith.constant 8 : i32
      %mul3A_165 = arith.muli %add3A_163, %mul3A_164 : i32
      %add3A_166 = arith.constant 0 : i32
      %add3A_167 = arith.addi %mul3A_165, %add3A_166 : i32
      %dma_wait3A_168 = arith.constant 0 : i32
      %dma_wait3A_169 = arith.constant 0 : i32
      %dma_wait3A_170 = tpu.memref_slice %arg6[%dma_wait3A_168, %dma_wait3A_169] : memref<2x64xi32, #tpu.memory_space<vmem>> -> memref<1x64xi32, #tpu.memory_space<vmem>>
      %dma_wait3A_171 = tpu.memref_squeeze %dma_wait3A_170 : memref<1x64xi32, #tpu.memory_space<vmem>> -> memref<64xi32, #tpu.memory_space<vmem>>
      %dma_wait3A_172 = arith.constant 0 : i32
      %dma_wait3A_173 = arith.constant 0 : i32
      %dma_wait3A_174 = tpu.memref_slice %arg2[%dma_wait3A_172, %dma_wait3A_173] : memref<10000x128xf32, #tpu.memory_space<hbm>> -> memref<10000x128xf32, #tpu.memory_space<hbm>>
      tpu.wait_indirect_dma semaphore(%arg27 : memref<!tpu.dma_semaphore, #tpu.memory_space<semaphore_mem>>) src(%dma_wait3A_174 : memref<10000x128xf32, #tpu.memory_space<hbm>>) dst(%arg14 : memref<64x128xf32, #tpu.memory_space<vmem>>)
      %dma_start3A_175 = arith.constant 1 : i32
      %dma_start3A_176 = arith.constant 0 : i32
      %dma_start3A_177 = tpu.memref_slice %arg6[%dma_start3A_175, %dma_start3A_176] : memref<2x64xi32, #tpu.memory_space<vmem>> -> memref<1x64xi32, #tpu.memory_space<vmem>>
      %dma_start3A_178 = tpu.memref_squeeze %dma_start3A_177 : memref<1x64xi32, #tpu.memory_space<vmem>> -> memref<64xi32, #tpu.memory_space<vmem>>
      %dma_start3A_179 = arith.constant 0 : i32
      %dma_start3A_180 = arith.constant 0 : i32
      %dma_start3A_181 = tpu.memref_slice %arg18[%dma_start3A_179, %dma_start3A_180] : memref<10240x128xf32, #tpu.memory_space<vmem_shared>> -> memref<10240x128xf32, #tpu.memory_space<vmem_shared>>
      tpu.enqueue_indirect_dma source(%arg14 : memref<64x128xf32, #tpu.memory_space<vmem>>) target(%dma_start3A_181 : memref<10240x128xf32, #tpu.memory_space<vmem_shared>>) offsets(%dma_start3A_178 : memref<64xi32, #tpu.memory_space<vmem>>) semaphore(%arg31 : memref<!tpu.dma_semaphore, #tpu.memory_space<semaphore_mem>>) {add = true}
      %add3A_182 = arith.constant 1 : i32
      %add3A_183 = arith.addi %mul3A_165, %add3A_182 : i32
      %dma_wait3A_184 = arith.constant 0 : i32
      %dma_wait3A_185 = arith.constant 0 : i32
      %dma_wait3A_186 = tpu.memref_slice %arg7[%dma_wait3A_184, %dma_wait3A_185] : memref<2x64xi32, #tpu.memory_space<vmem>> -> memref<1x64xi32, #tpu.memory_space<vmem>>
      %dma_wait3A_187 = tpu.memref_squeeze %dma_wait3A_186 : memref<1x64xi32, #tpu.memory_space<vmem>> -> memref<64xi32, #tpu.memory_space<vmem>>
      %dma_wait3A_188 = arith.constant 0 : i32
      %dma_wait3A_189 = arith.constant 0 : i32
      %dma_wait3A_190 = tpu.memref_slice %arg2[%dma_wait3A_188, %dma_wait3A_189] : memref<10000x128xf32, #tpu.memory_space<hbm>> -> memref<10000x128xf32, #tpu.memory_space<hbm>>
      tpu.wait_indirect_dma semaphore(%arg28 : memref<!tpu.dma_semaphore, #tpu.memory_space<semaphore_mem>>) src(%dma_wait3A_190 : memref<10000x128xf32, #tpu.memory_space<hbm>>) dst(%arg15 : memref<64x128xf32, #tpu.memory_space<vmem>>)
      %dma_start3A_191 = arith.constant 1 : i32
      %dma_start3A_192 = arith.constant 0 : i32
      %dma_start3A_193 = tpu.memref_slice %arg7[%dma_start3A_191, %dma_start3A_192] : memref<2x64xi32, #tpu.memory_space<vmem>> -> memref<1x64xi32, #tpu.memory_space<vmem>>
      %dma_start3A_194 = tpu.memref_squeeze %dma_start3A_193 : memref<1x64xi32, #tpu.memory_space<vmem>> -> memref<64xi32, #tpu.memory_space<vmem>>
      %dma_start3A_195 = arith.constant 0 : i32
      %dma_start3A_196 = arith.constant 0 : i32
      %dma_start3A_197 = tpu.memref_slice %arg18[%dma_start3A_195, %dma_start3A_196] : memref<10240x128xf32, #tpu.memory_space<vmem_shared>> -> memref<10240x128xf32, #tpu.memory_space<vmem_shared>>
      tpu.enqueue_indirect_dma source(%arg15 : memref<64x128xf32, #tpu.memory_space<vmem>>) target(%dma_start3A_197 : memref<10240x128xf32, #tpu.memory_space<vmem_shared>>) offsets(%dma_start3A_194 : memref<64xi32, #tpu.memory_space<vmem>>) semaphore(%arg32 : memref<!tpu.dma_semaphore, #tpu.memory_space<semaphore_mem>>) {add = true}
      %add3A_198 = arith.constant 2 : i32
      %add3A_199 = arith.addi %mul3A_165, %add3A_198 : i32
      %dma_wait3A_200 = arith.constant 0 : i32
      %dma_wait3A_201 = arith.constant 0 : i32
      %dma_wait3A_202 = tpu.memref_slice %arg8[%dma_wait3A_200, %dma_wait3A_201] : memref<2x64xi32, #tpu.memory_space<vmem>> -> memref<1x64xi32, #tpu.memory_space<vmem>>
      %dma_wait3A_203 = tpu.memref_squeeze %dma_wait3A_202 : memref<1x64xi32, #tpu.memory_space<vmem>> -> memref<64xi32, #tpu.memory_space<vmem>>
      %dma_wait3A_204 = arith.constant 0 : i32
      %dma_wait3A_205 = arith.constant 0 : i32
      %dma_wait3A_206 = tpu.memref_slice %arg2[%dma_wait3A_204, %dma_wait3A_205] : memref<10000x128xf32, #tpu.memory_space<hbm>> -> memref<10000x128xf32, #tpu.memory_space<hbm>>
      tpu.wait_indirect_dma semaphore(%arg29 : memref<!tpu.dma_semaphore, #tpu.memory_space<semaphore_mem>>) src(%dma_wait3A_206 : memref<10000x128xf32, #tpu.memory_space<hbm>>) dst(%arg16 : memref<64x128xf32, #tpu.memory_space<vmem>>)
      %dma_start3A_207 = arith.constant 1 : i32
      %dma_start3A_208 = arith.constant 0 : i32
      %dma_start3A_209 = tpu.memref_slice %arg8[%dma_start3A_207, %dma_start3A_208] : memref<2x64xi32, #tpu.memory_space<vmem>> -> memref<1x64xi32, #tpu.memory_space<vmem>>
      %dma_start3A_210 = tpu.memref_squeeze %dma_start3A_209 : memref<1x64xi32, #tpu.memory_space<vmem>> -> memref<64xi32, #tpu.memory_space<vmem>>
      %dma_start3A_211 = arith.constant 0 : i32
      %dma_start3A_212 = arith.constant 0 : i32
      %dma_start3A_213 = tpu.memref_slice %arg18[%dma_start3A_211, %dma_start3A_212] : memref<10240x128xf32, #tpu.memory_space<vmem_shared>> -> memref<10240x128xf32, #tpu.memory_space<vmem_shared>>
      tpu.enqueue_indirect_dma source(%arg16 : memref<64x128xf32, #tpu.memory_space<vmem>>) target(%dma_start3A_213 : memref<10240x128xf32, #tpu.memory_space<vmem_shared>>) offsets(%dma_start3A_210 : memref<64xi32, #tpu.memory_space<vmem>>) semaphore(%arg33 : memref<!tpu.dma_semaphore, #tpu.memory_space<semaphore_mem>>) {add = true}
      %add3A_214 = arith.constant 3 : i32
      %add3A_215 = arith.addi %mul3A_165, %add3A_214 : i32
      %dma_wait3A_216 = arith.constant 0 : i32
      %dma_wait3A_217 = arith.constant 0 : i32
      %dma_wait3A_218 = tpu.memref_slice %arg9[%dma_wait3A_216, %dma_wait3A_217] : memref<2x64xi32, #tpu.memory_space<vmem>> -> memref<1x64xi32, #tpu.memory_space<vmem>>
      %dma_wait3A_219 = tpu.memref_squeeze %dma_wait3A_218 : memref<1x64xi32, #tpu.memory_space<vmem>> -> memref<64xi32, #tpu.memory_space<vmem>>
      %dma_wait3A_220 = arith.constant 0 : i32
      %dma_wait3A_221 = arith.constant 0 : i32
      %dma_wait3A_222 = tpu.memref_slice %arg2[%dma_wait3A_220, %dma_wait3A_221] : memref<10000x128xf32, #tpu.memory_space<hbm>> -> memref<10000x128xf32, #tpu.memory_space<hbm>>
      tpu.wait_indirect_dma semaphore(%arg30 : memref<!tpu.dma_semaphore, #tpu.memory_space<semaphore_mem>>) src(%dma_wait3A_222 : memref<10000x128xf32, #tpu.memory_space<hbm>>) dst(%arg17 : memref<64x128xf32, #tpu.memory_space<vmem>>)
      %dma_start3A_223 = arith.constant 1 : i32
      %dma_start3A_224 = arith.constant 0 : i32
      %dma_start3A_225 = tpu.memref_slice %arg9[%dma_start3A_223, %dma_start3A_224] : memref<2x64xi32, #tpu.memory_space<vmem>> -> memref<1x64xi32, #tpu.memory_space<vmem>>
      %dma_start3A_226 = tpu.memref_squeeze %dma_start3A_225 : memref<1x64xi32, #tpu.memory_space<vmem>> -> memref<64xi32, #tpu.memory_space<vmem>>
      %dma_start3A_227 = arith.constant 0 : i32
      %dma_start3A_228 = arith.constant 0 : i32
      %dma_start3A_229 = tpu.memref_slice %arg18[%dma_start3A_227, %dma_start3A_228] : memref<10240x128xf32, #tpu.memory_space<vmem_shared>> -> memref<10240x128xf32, #tpu.memory_space<vmem_shared>>
      tpu.enqueue_indirect_dma source(%arg17 : memref<64x128xf32, #tpu.memory_space<vmem>>) target(%dma_start3A_229 : memref<10240x128xf32, #tpu.memory_space<vmem_shared>>) offsets(%dma_start3A_226 : memref<64xi32, #tpu.memory_space<vmem>>) semaphore(%arg34 : memref<!tpu.dma_semaphore, #tpu.memory_space<semaphore_mem>>) {add = true}
      %add3A_230 = arith.constant 0 : i32
      %add3A_231 = arith.addi %mul3A_165, %add3A_230 : i32
      %dma_wait3A_232 = arith.constant 1 : i32
      %dma_wait3A_233 = arith.constant 0 : i32
      %dma_wait3A_234 = tpu.memref_slice %arg6[%dma_wait3A_232, %dma_wait3A_233] : memref<2x64xi32, #tpu.memory_space<vmem>> -> memref<1x64xi32, #tpu.memory_space<vmem>>
      %dma_wait3A_235 = tpu.memref_squeeze %dma_wait3A_234 : memref<1x64xi32, #tpu.memory_space<vmem>> -> memref<64xi32, #tpu.memory_space<vmem>>
      %dma_wait3A_236 = arith.constant 0 : i32
      %dma_wait3A_237 = arith.constant 0 : i32
      %dma_wait3A_238 = tpu.memref_slice %arg18[%dma_wait3A_236, %dma_wait3A_237] : memref<10240x128xf32, #tpu.memory_space<vmem_shared>> -> memref<10240x128xf32, #tpu.memory_space<vmem_shared>>
      tpu.wait_indirect_dma semaphore(%arg31 : memref<!tpu.dma_semaphore, #tpu.memory_space<semaphore_mem>>) src(%arg14 : memref<64x128xf32, #tpu.memory_space<vmem>>) dst(%dma_wait3A_238 : memref<10240x128xf32, #tpu.memory_space<vmem_shared>>)
      %add3A_239 = arith.constant 8 : i32
      %add3A_240 = arith.addi %add3A_231, %add3A_239 : i32
      %lt3A = arith.constant 160 : i32
      %lt3A_241 = arith.cmpi slt, %add3A_240, %lt3A : i32
      %convert_element_type3A = arith.extui %lt3A_241 : i1 to i32
      %cond3A = arith.constant 0 : i32
      %cond3A_242 = arith.cmpi ne, %convert_element_type3A, %cond3A : i32
      scf.if %cond3A_242 {
        %add3A_527 = arith.addi %mul3A_4, %add3A_231 : i32
        %add3A_528 = arith.constant 8 : i32
        %add3A_529 = arith.addi %add3A_527, %add3A_528 : i32
        %dma_start3A_530 = arith.constant 0 : i32
        %dma_start3A_531 = arith.constant 0 : i32
        %dma_start3A_532 = tpu.memref_slice %arg3[%add3A_529, %dma_start3A_530, %dma_start3A_531] : memref<5120x2x64xi32, #tpu.memory_space<hbm>> -> memref<1x2x64xi32, #tpu.memory_space<hbm>>
        %dma_start3A_533 = tpu.memref_squeeze %dma_start3A_532 : memref<1x2x64xi32, #tpu.memory_space<hbm>> -> memref<2x64xi32, #tpu.memory_space<hbm>>
        %dma_start3A_534 = arith.constant 0 : i32
        %dma_start3A_535 = arith.constant 0 : i32
        %dma_start3A_536 = tpu.memref_slice %arg3[%add3A_529, %dma_start3A_534, %dma_start3A_535] : memref<5120x2x64xi32, #tpu.memory_space<hbm>> -> memref<1x2x64xi32, #tpu.memory_space<hbm>>
        %dma_start3A_537 = tpu.memref_squeeze %dma_start3A_536 : memref<1x2x64xi32, #tpu.memory_space<hbm>> -> memref<2x64xi32, #tpu.memory_space<hbm>>
        tpu.enqueue_dma source(%dma_start3A_537 : memref<2x64xi32, #tpu.memory_space<hbm>>) target(%arg6 : memref<2x64xi32, #tpu.memory_space<vmem>>) target_semaphore(%arg19 : memref<!tpu.dma_semaphore, #tpu.memory_space<semaphore_mem>>)
      } else {
      }
      %add3A_243 = arith.addi %mul3A_4, %add3A_231 : i32
      %dma_wait3A_244 = arith.constant 0 : i32
      %dma_wait3A_245 = arith.constant 0 : i32
      %dma_wait3A_246 = tpu.memref_slice %arg3[%add3A_243, %dma_wait3A_244, %dma_wait3A_245] : memref<5120x2x64xi32, #tpu.memory_space<hbm>> -> memref<1x2x64xi32, #tpu.memory_space<hbm>>
      %dma_wait3A_247 = tpu.memref_squeeze %dma_wait3A_246 : memref<1x2x64xi32, #tpu.memory_space<hbm>> -> memref<2x64xi32, #tpu.memory_space<hbm>>
      %dma_wait3A_248 = arith.constant 0 : i32
      %dma_wait3A_249 = arith.constant 0 : i32
      %dma_wait3A_250 = tpu.memref_slice %arg3[%add3A_243, %dma_wait3A_248, %dma_wait3A_249] : memref<5120x2x64xi32, #tpu.memory_space<hbm>> -> memref<1x2x64xi32, #tpu.memory_space<hbm>>
      %dma_wait3A_251 = tpu.memref_squeeze %dma_wait3A_250 : memref<1x2x64xi32, #tpu.memory_space<hbm>> -> memref<2x64xi32, #tpu.memory_space<hbm>>
      tpu.wait_dma2 semaphore(%arg23 : memref<!tpu.dma_semaphore, #tpu.memory_space<semaphore_mem>>) src(%dma_wait3A_251 : memref<2x64xi32, #tpu.memory_space<hbm>>) dst(%arg10 : memref<2x64xi32, #tpu.memory_space<vmem>>)
      %dma_start3A_252 = arith.constant 0 : i32
      %dma_start3A_253 = arith.constant 0 : i32
      %dma_start3A_254 = tpu.memref_slice %arg10[%dma_start3A_252, %dma_start3A_253] : memref<2x64xi32, #tpu.memory_space<vmem>> -> memref<1x64xi32, #tpu.memory_space<vmem>>
      %dma_start3A_255 = tpu.memref_squeeze %dma_start3A_254 : memref<1x64xi32, #tpu.memory_space<vmem>> -> memref<64xi32, #tpu.memory_space<vmem>>
      %dma_start3A_256 = arith.constant 0 : i32
      %dma_start3A_257 = arith.constant 0 : i32
      %dma_start3A_258 = tpu.memref_slice %arg2[%dma_start3A_256, %dma_start3A_257] : memref<10000x128xf32, #tpu.memory_space<hbm>> -> memref<10000x128xf32, #tpu.memory_space<hbm>>
      tpu.enqueue_indirect_dma source(%dma_start3A_258 : memref<10000x128xf32, #tpu.memory_space<hbm>>) target(%arg14 : memref<64x128xf32, #tpu.memory_space<vmem>>) offsets(%dma_start3A_255 : memref<64xi32, #tpu.memory_space<vmem>>) semaphore(%arg27 : memref<!tpu.dma_semaphore, #tpu.memory_space<semaphore_mem>>)
      %add3A_259 = arith.constant 1 : i32
      %add3A_260 = arith.addi %mul3A_165, %add3A_259 : i32
      %dma_wait3A_261 = arith.constant 1 : i32
      %dma_wait3A_262 = arith.constant 0 : i32
      %dma_wait3A_263 = tpu.memref_slice %arg7[%dma_wait3A_261, %dma_wait3A_262] : memref<2x64xi32, #tpu.memory_space<vmem>> -> memref<1x64xi32, #tpu.memory_space<vmem>>
      %dma_wait3A_264 = tpu.memref_squeeze %dma_wait3A_263 : memref<1x64xi32, #tpu.memory_space<vmem>> -> memref<64xi32, #tpu.memory_space<vmem>>
      %dma_wait3A_265 = arith.constant 0 : i32
      %dma_wait3A_266 = arith.constant 0 : i32
      %dma_wait3A_267 = tpu.memref_slice %arg18[%dma_wait3A_265, %dma_wait3A_266] : memref<10240x128xf32, #tpu.memory_space<vmem_shared>> -> memref<10240x128xf32, #tpu.memory_space<vmem_shared>>
      tpu.wait_indirect_dma semaphore(%arg32 : memref<!tpu.dma_semaphore, #tpu.memory_space<semaphore_mem>>) src(%arg15 : memref<64x128xf32, #tpu.memory_space<vmem>>) dst(%dma_wait3A_267 : memref<10240x128xf32, #tpu.memory_space<vmem_shared>>)
      %add3A_268 = arith.constant 8 : i32
      %add3A_269 = arith.addi %add3A_260, %add3A_268 : i32
      %lt3A_270 = arith.constant 160 : i32
      %lt3A_271 = arith.cmpi slt, %add3A_269, %lt3A_270 : i32
      %convert_element_type3A_272 = arith.extui %lt3A_271 : i1 to i32
      %cond3A_273 = arith.constant 0 : i32
      %cond3A_274 = arith.cmpi ne, %convert_element_type3A_272, %cond3A_273 : i32
      scf.if %cond3A_274 {
        %add3A_527 = arith.addi %mul3A_4, %add3A_260 : i32
        %add3A_528 = arith.constant 8 : i32
        %add3A_529 = arith.addi %add3A_527, %add3A_528 : i32
        %dma_start3A_530 = arith.constant 0 : i32
        %dma_start3A_531 = arith.constant 0 : i32
        %dma_start3A_532 = tpu.memref_slice %arg3[%add3A_529, %dma_start3A_530, %dma_start3A_531] : memref<5120x2x64xi32, #tpu.memory_space<hbm>> -> memref<1x2x64xi32, #tpu.memory_space<hbm>>
        %dma_start3A_533 = tpu.memref_squeeze %dma_start3A_532 : memref<1x2x64xi32, #tpu.memory_space<hbm>> -> memref<2x64xi32, #tpu.memory_space<hbm>>
        %dma_start3A_534 = arith.constant 0 : i32
        %dma_start3A_535 = arith.constant 0 : i32
        %dma_start3A_536 = tpu.memref_slice %arg3[%add3A_529, %dma_start3A_534, %dma_start3A_535] : memref<5120x2x64xi32, #tpu.memory_space<hbm>> -> memref<1x2x64xi32, #tpu.memory_space<hbm>>
        %dma_start3A_537 = tpu.memref_squeeze %dma_start3A_536 : memref<1x2x64xi32, #tpu.memory_space<hbm>> -> memref<2x64xi32, #tpu.memory_space<hbm>>
        tpu.enqueue_dma source(%dma_start3A_537 : memref<2x64xi32, #tpu.memory_space<hbm>>) target(%arg7 : memref<2x64xi32, #tpu.memory_space<vmem>>) target_semaphore(%arg20 : memref<!tpu.dma_semaphore, #tpu.memory_space<semaphore_mem>>)
      } else {
      }
      %add3A_275 = arith.addi %mul3A_4, %add3A_260 : i32
      %dma_wait3A_276 = arith.constant 0 : i32
      %dma_wait3A_277 = arith.constant 0 : i32
      %dma_wait3A_278 = tpu.memref_slice %arg3[%add3A_275, %dma_wait3A_276, %dma_wait3A_277] : memref<5120x2x64xi32, #tpu.memory_space<hbm>> -> memref<1x2x64xi32, #tpu.memory_space<hbm>>
      %dma_wait3A_279 = tpu.memref_squeeze %dma_wait3A_278 : memref<1x2x64xi32, #tpu.memory_space<hbm>> -> memref<2x64xi32, #tpu.memory_space<hbm>>
      %dma_wait3A_280 = arith.constant 0 : i32
      %dma_wait3A_281 = arith.constant 0 : i32
      %dma_wait3A_282 = tpu.memref_slice %arg3[%add3A_275, %dma_wait3A_280, %dma_wait3A_281] : memref<5120x2x64xi32, #tpu.memory_space<hbm>> -> memref<1x2x64xi32, #tpu.memory_space<hbm>>
      %dma_wait3A_283 = tpu.memref_squeeze %dma_wait3A_282 : memref<1x2x64xi32, #tpu.memory_space<hbm>> -> memref<2x64xi32, #tpu.memory_space<hbm>>
      tpu.wait_dma2 semaphore(%arg24 : memref<!tpu.dma_semaphore, #tpu.memory_space<semaphore_mem>>) src(%dma_wait3A_283 : memref<2x64xi32, #tpu.memory_space<hbm>>) dst(%arg11 : memref<2x64xi32, #tpu.memory_space<vmem>>)
      %dma_start3A_284 = arith.constant 0 : i32
      %dma_start3A_285 = arith.constant 0 : i32
      %dma_start3A_286 = tpu.memref_slice %arg11[%dma_start3A_284, %dma_start3A_285] : memref<2x64xi32, #tpu.memory_space<vmem>> -> memref<1x64xi32, #tpu.memory_space<vmem>>
      %dma_start3A_287 = tpu.memref_squeeze %dma_start3A_286 : memref<1x64xi32, #tpu.memory_space<vmem>> -> memref<64xi32, #tpu.memory_space<vmem>>
      %dma_start3A_288 = arith.constant 0 : i32
      %dma_start3A_289 = arith.constant 0 : i32
      %dma_start3A_290 = tpu.memref_slice %arg2[%dma_start3A_288, %dma_start3A_289] : memref<10000x128xf32, #tpu.memory_space<hbm>> -> memref<10000x128xf32, #tpu.memory_space<hbm>>
      tpu.enqueue_indirect_dma source(%dma_start3A_290 : memref<10000x128xf32, #tpu.memory_space<hbm>>) target(%arg15 : memref<64x128xf32, #tpu.memory_space<vmem>>) offsets(%dma_start3A_287 : memref<64xi32, #tpu.memory_space<vmem>>) semaphore(%arg28 : memref<!tpu.dma_semaphore, #tpu.memory_space<semaphore_mem>>)
      %add3A_291 = arith.constant 2 : i32
      %add3A_292 = arith.addi %mul3A_165, %add3A_291 : i32
      %dma_wait3A_293 = arith.constant 1 : i32
      %dma_wait3A_294 = arith.constant 0 : i32
      %dma_wait3A_295 = tpu.memref_slice %arg8[%dma_wait3A_293, %dma_wait3A_294] : memref<2x64xi32, #tpu.memory_space<vmem>> -> memref<1x64xi32, #tpu.memory_space<vmem>>
      %dma_wait3A_296 = tpu.memref_squeeze %dma_wait3A_295 : memref<1x64xi32, #tpu.memory_space<vmem>> -> memref<64xi32, #tpu.memory_space<vmem>>
      %dma_wait3A_297 = arith.constant 0 : i32
      %dma_wait3A_298 = arith.constant 0 : i32
      %dma_wait3A_299 = tpu.memref_slice %arg18[%dma_wait3A_297, %dma_wait3A_298] : memref<10240x128xf32, #tpu.memory_space<vmem_shared>> -> memref<10240x128xf32, #tpu.memory_space<vmem_shared>>
      tpu.wait_indirect_dma semaphore(%arg33 : memref<!tpu.dma_semaphore, #tpu.memory_space<semaphore_mem>>) src(%arg16 : memref<64x128xf32, #tpu.memory_space<vmem>>) dst(%dma_wait3A_299 : memref<10240x128xf32, #tpu.memory_space<vmem_shared>>)
      %add3A_300 = arith.constant 8 : i32
      %add3A_301 = arith.addi %add3A_292, %add3A_300 : i32
      %lt3A_302 = arith.constant 160 : i32
      %lt3A_303 = arith.cmpi slt, %add3A_301, %lt3A_302 : i32
      %convert_element_type3A_304 = arith.extui %lt3A_303 : i1 to i32
      %cond3A_305 = arith.constant 0 : i32
      %cond3A_306 = arith.cmpi ne, %convert_element_type3A_304, %cond3A_305 : i32
      scf.if %cond3A_306 {
        %add3A_527 = arith.addi %mul3A_4, %add3A_292 : i32
        %add3A_528 = arith.constant 8 : i32
        %add3A_529 = arith.addi %add3A_527, %add3A_528 : i32
        %dma_start3A_530 = arith.constant 0 : i32
        %dma_start3A_531 = arith.constant 0 : i32
        %dma_start3A_532 = tpu.memref_slice %arg3[%add3A_529, %dma_start3A_530, %dma_start3A_531] : memref<5120x2x64xi32, #tpu.memory_space<hbm>> -> memref<1x2x64xi32, #tpu.memory_space<hbm>>
        %dma_start3A_533 = tpu.memref_squeeze %dma_start3A_532 : memref<1x2x64xi32, #tpu.memory_space<hbm>> -> memref<2x64xi32, #tpu.memory_space<hbm>>
        %dma_start3A_534 = arith.constant 0 : i32
        %dma_start3A_535 = arith.constant 0 : i32
        %dma_start3A_536 = tpu.memref_slice %arg3[%add3A_529, %dma_start3A_534, %dma_start3A_535] : memref<5120x2x64xi32, #tpu.memory_space<hbm>> -> memref<1x2x64xi32, #tpu.memory_space<hbm>>
        %dma_start3A_537 = tpu.memref_squeeze %dma_start3A_536 : memref<1x2x64xi32, #tpu.memory_space<hbm>> -> memref<2x64xi32, #tpu.memory_space<hbm>>
        tpu.enqueue_dma source(%dma_start3A_537 : memref<2x64xi32, #tpu.memory_space<hbm>>) target(%arg8 : memref<2x64xi32, #tpu.memory_space<vmem>>) target_semaphore(%arg21 : memref<!tpu.dma_semaphore, #tpu.memory_space<semaphore_mem>>)
      } else {
      }
      %add3A_307 = arith.addi %mul3A_4, %add3A_292 : i32
      %dma_wait3A_308 = arith.constant 0 : i32
      %dma_wait3A_309 = arith.constant 0 : i32
      %dma_wait3A_310 = tpu.memref_slice %arg3[%add3A_307, %dma_wait3A_308, %dma_wait3A_309] : memref<5120x2x64xi32, #tpu.memory_space<hbm>> -> memref<1x2x64xi32, #tpu.memory_space<hbm>>
      %dma_wait3A_311 = tpu.memref_squeeze %dma_wait3A_310 : memref<1x2x64xi32, #tpu.memory_space<hbm>> -> memref<2x64xi32, #tpu.memory_space<hbm>>
      %dma_wait3A_312 = arith.constant 0 : i32
      %dma_wait3A_313 = arith.constant 0 : i32
      %dma_wait3A_314 = tpu.memref_slice %arg3[%add3A_307, %dma_wait3A_312, %dma_wait3A_313] : memref<5120x2x64xi32, #tpu.memory_space<hbm>> -> memref<1x2x64xi32, #tpu.memory_space<hbm>>
      %dma_wait3A_315 = tpu.memref_squeeze %dma_wait3A_314 : memref<1x2x64xi32, #tpu.memory_space<hbm>> -> memref<2x64xi32, #tpu.memory_space<hbm>>
      tpu.wait_dma2 semaphore(%arg25 : memref<!tpu.dma_semaphore, #tpu.memory_space<semaphore_mem>>) src(%dma_wait3A_315 : memref<2x64xi32, #tpu.memory_space<hbm>>) dst(%arg12 : memref<2x64xi32, #tpu.memory_space<vmem>>)
      %dma_start3A_316 = arith.constant 0 : i32
      %dma_start3A_317 = arith.constant 0 : i32
      %dma_start3A_318 = tpu.memref_slice %arg12[%dma_start3A_316, %dma_start3A_317] : memref<2x64xi32, #tpu.memory_space<vmem>> -> memref<1x64xi32, #tpu.memory_space<vmem>>
      %dma_start3A_319 = tpu.memref_squeeze %dma_start3A_318 : memref<1x64xi32, #tpu.memory_space<vmem>> -> memref<64xi32, #tpu.memory_space<vmem>>
      %dma_start3A_320 = arith.constant 0 : i32
      %dma_start3A_321 = arith.constant 0 : i32
      %dma_start3A_322 = tpu.memref_slice %arg2[%dma_start3A_320, %dma_start3A_321] : memref<10000x128xf32, #tpu.memory_space<hbm>> -> memref<10000x128xf32, #tpu.memory_space<hbm>>
      tpu.enqueue_indirect_dma source(%dma_start3A_322 : memref<10000x128xf32, #tpu.memory_space<hbm>>) target(%arg16 : memref<64x128xf32, #tpu.memory_space<vmem>>) offsets(%dma_start3A_319 : memref<64xi32, #tpu.memory_space<vmem>>) semaphore(%arg29 : memref<!tpu.dma_semaphore, #tpu.memory_space<semaphore_mem>>)
      %add3A_323 = arith.constant 3 : i32
      %add3A_324 = arith.addi %mul3A_165, %add3A_323 : i32
      %dma_wait3A_325 = arith.constant 1 : i32
      %dma_wait3A_326 = arith.constant 0 : i32
      %dma_wait3A_327 = tpu.memref_slice %arg9[%dma_wait3A_325, %dma_wait3A_326] : memref<2x64xi32, #tpu.memory_space<vmem>> -> memref<1x64xi32, #tpu.memory_space<vmem>>
      %dma_wait3A_328 = tpu.memref_squeeze %dma_wait3A_327 : memref<1x64xi32, #tpu.memory_space<vmem>> -> memref<64xi32, #tpu.memory_space<vmem>>
      %dma_wait3A_329 = arith.constant 0 : i32
      %dma_wait3A_330 = arith.constant 0 : i32
      %dma_wait3A_331 = tpu.memref_slice %arg18[%dma_wait3A_329, %dma_wait3A_330] : memref<10240x128xf32, #tpu.memory_space<vmem_shared>> -> memref<10240x128xf32, #tpu.memory_space<vmem_shared>>
      tpu.wait_indirect_dma semaphore(%arg34 : memref<!tpu.dma_semaphore, #tpu.memory_space<semaphore_mem>>) src(%arg17 : memref<64x128xf32, #tpu.memory_space<vmem>>) dst(%dma_wait3A_331 : memref<10240x128xf32, #tpu.memory_space<vmem_shared>>)
      %add3A_332 = arith.constant 8 : i32
      %add3A_333 = arith.addi %add3A_324, %add3A_332 : i32
      %lt3A_334 = arith.constant 160 : i32
      %lt3A_335 = arith.cmpi slt, %add3A_333, %lt3A_334 : i32
      %convert_element_type3A_336 = arith.extui %lt3A_335 : i1 to i32
      %cond3A_337 = arith.constant 0 : i32
      %cond3A_338 = arith.cmpi ne, %convert_element_type3A_336, %cond3A_337 : i32
      scf.if %cond3A_338 {
        %add3A_527 = arith.addi %mul3A_4, %add3A_324 : i32
        %add3A_528 = arith.constant 8 : i32
        %add3A_529 = arith.addi %add3A_527, %add3A_528 : i32
        %dma_start3A_530 = arith.constant 0 : i32
        %dma_start3A_531 = arith.constant 0 : i32
        %dma_start3A_532 = tpu.memref_slice %arg3[%add3A_529, %dma_start3A_530, %dma_start3A_531] : memref<5120x2x64xi32, #tpu.memory_space<hbm>> -> memref<1x2x64xi32, #tpu.memory_space<hbm>>
        %dma_start3A_533 = tpu.memref_squeeze %dma_start3A_532 : memref<1x2x64xi32, #tpu.memory_space<hbm>> -> memref<2x64xi32, #tpu.memory_space<hbm>>
        %dma_start3A_534 = arith.constant 0 : i32
        %dma_start3A_535 = arith.constant 0 : i32
        %dma_start3A_536 = tpu.memref_slice %arg3[%add3A_529, %dma_start3A_534, %dma_start3A_535] : memref<5120x2x64xi32, #tpu.memory_space<hbm>> -> memref<1x2x64xi32, #tpu.memory_space<hbm>>
        %dma_start3A_537 = tpu.memref_squeeze %dma_start3A_536 : memref<1x2x64xi32, #tpu.memory_space<hbm>> -> memref<2x64xi32, #tpu.memory_space<hbm>>
        tpu.enqueue_dma source(%dma_start3A_537 : memref<2x64xi32, #tpu.memory_space<hbm>>) target(%arg9 : memref<2x64xi32, #tpu.memory_space<vmem>>) target_semaphore(%arg22 : memref<!tpu.dma_semaphore, #tpu.memory_space<semaphore_mem>>)
      } else {
      }
      %add3A_339 = arith.addi %mul3A_4, %add3A_324 : i32
      %dma_wait3A_340 = arith.constant 0 : i32
      %dma_wait3A_341 = arith.constant 0 : i32
      %dma_wait3A_342 = tpu.memref_slice %arg3[%add3A_339, %dma_wait3A_340, %dma_wait3A_341] : memref<5120x2x64xi32, #tpu.memory_space<hbm>> -> memref<1x2x64xi32, #tpu.memory_space<hbm>>
      %dma_wait3A_343 = tpu.memref_squeeze %dma_wait3A_342 : memref<1x2x64xi32, #tpu.memory_space<hbm>> -> memref<2x64xi32, #tpu.memory_space<hbm>>
      %dma_wait3A_344 = arith.constant 0 : i32
      %dma_wait3A_345 = arith.constant 0 : i32
      %dma_wait3A_346 = tpu.memref_slice %arg3[%add3A_339, %dma_wait3A_344, %dma_wait3A_345] : memref<5120x2x64xi32, #tpu.memory_space<hbm>> -> memref<1x2x64xi32, #tpu.memory_space<hbm>>
      %dma_wait3A_347 = tpu.memref_squeeze %dma_wait3A_346 : memref<1x2x64xi32, #tpu.memory_space<hbm>> -> memref<2x64xi32, #tpu.memory_space<hbm>>
      tpu.wait_dma2 semaphore(%arg26 : memref<!tpu.dma_semaphore, #tpu.memory_space<semaphore_mem>>) src(%dma_wait3A_347 : memref<2x64xi32, #tpu.memory_space<hbm>>) dst(%arg13 : memref<2x64xi32, #tpu.memory_space<vmem>>)
      %dma_start3A_348 = arith.constant 0 : i32
      %dma_start3A_349 = arith.constant 0 : i32
      %dma_start3A_350 = tpu.memref_slice %arg13[%dma_start3A_348, %dma_start3A_349] : memref<2x64xi32, #tpu.memory_space<vmem>> -> memref<1x64xi32, #tpu.memory_space<vmem>>
      %dma_start3A_351 = tpu.memref_squeeze %dma_start3A_350 : memref<1x64xi32, #tpu.memory_space<vmem>> -> memref<64xi32, #tpu.memory_space<vmem>>
      %dma_start3A_352 = arith.constant 0 : i32
      %dma_start3A_353 = arith.constant 0 : i32
      %dma_start3A_354 = tpu.memref_slice %arg2[%dma_start3A_352, %dma_start3A_353] : memref<10000x128xf32, #tpu.memory_space<hbm>> -> memref<10000x128xf32, #tpu.memory_space<hbm>>
      tpu.enqueue_indirect_dma source(%dma_start3A_354 : memref<10000x128xf32, #tpu.memory_space<hbm>>) target(%arg17 : memref<64x128xf32, #tpu.memory_space<vmem>>) offsets(%dma_start3A_351 : memref<64xi32, #tpu.memory_space<vmem>>) semaphore(%arg30 : memref<!tpu.dma_semaphore, #tpu.memory_space<semaphore_mem>>)
      %add3A_355 = arith.constant 4 : i32
      %add3A_356 = arith.addi %mul3A_165, %add3A_355 : i32
      %add3A_357 = arith.constant 0 : i32
      %add3A_358 = arith.addi %add3A_356, %add3A_357 : i32
      %dma_wait3A_359 = arith.constant 0 : i32
      %dma_wait3A_360 = arith.constant 0 : i32
      %dma_wait3A_361 = tpu.memref_slice %arg10[%dma_wait3A_359, %dma_wait3A_360] : memref<2x64xi32, #tpu.memory_space<vmem>> -> memref<1x64xi32, #tpu.memory_space<vmem>>
      %dma_wait3A_362 = tpu.memref_squeeze %dma_wait3A_361 : memref<1x64xi32, #tpu.memory_space<vmem>> -> memref<64xi32, #tpu.memory_space<vmem>>
      %dma_wait3A_363 = arith.constant 0 : i32
      %dma_wait3A_364 = arith.constant 0 : i32
      %dma_wait3A_365 = tpu.memref_slice %arg2[%dma_wait3A_363, %dma_wait3A_364] : memref<10000x128xf32, #tpu.memory_space<hbm>> -> memref<10000x128xf32, #tpu.memory_space<hbm>>
      tpu.wait_indirect_dma semaphore(%arg27 : memref<!tpu.dma_semaphore, #tpu.memory_space<semaphore_mem>>) src(%dma_wait3A_365 : memref<10000x128xf32, #tpu.memory_space<hbm>>) dst(%arg14 : memref<64x128xf32, #tpu.memory_space<vmem>>)
      %dma_start3A_366 = arith.constant 1 : i32
      %dma_start3A_367 = arith.constant 0 : i32
      %dma_start3A_368 = tpu.memref_slice %arg10[%dma_start3A_366, %dma_start3A_367] : memref<2x64xi32, #tpu.memory_space<vmem>> -> memref<1x64xi32, #tpu.memory_space<vmem>>
      %dma_start3A_369 = tpu.memref_squeeze %dma_start3A_368 : memref<1x64xi32, #tpu.memory_space<vmem>> -> memref<64xi32, #tpu.memory_space<vmem>>
      %dma_start3A_370 = arith.constant 0 : i32
      %dma_start3A_371 = arith.constant 0 : i32
      %dma_start3A_372 = tpu.memref_slice %arg18[%dma_start3A_370, %dma_start3A_371] : memref<10240x128xf32, #tpu.memory_space<vmem_shared>> -> memref<10240x128xf32, #tpu.memory_space<vmem_shared>>
      tpu.enqueue_indirect_dma source(%arg14 : memref<64x128xf32, #tpu.memory_space<vmem>>) target(%dma_start3A_372 : memref<10240x128xf32, #tpu.memory_space<vmem_shared>>) offsets(%dma_start3A_369 : memref<64xi32, #tpu.memory_space<vmem>>) semaphore(%arg31 : memref<!tpu.dma_semaphore, #tpu.memory_space<semaphore_mem>>) {add = true}
      %add3A_373 = arith.constant 4 : i32
      %add3A_374 = arith.addi %mul3A_165, %add3A_373 : i32
      %add3A_375 = arith.constant 1 : i32
      %add3A_376 = arith.addi %add3A_374, %add3A_375 : i32
      %dma_wait3A_377 = arith.constant 0 : i32
      %dma_wait3A_378 = arith.constant 0 : i32
      %dma_wait3A_379 = tpu.memref_slice %arg11[%dma_wait3A_377, %dma_wait3A_378] : memref<2x64xi32, #tpu.memory_space<vmem>> -> memref<1x64xi32, #tpu.memory_space<vmem>>
      %dma_wait3A_380 = tpu.memref_squeeze %dma_wait3A_379 : memref<1x64xi32, #tpu.memory_space<vmem>> -> memref<64xi32, #tpu.memory_space<vmem>>
      %dma_wait3A_381 = arith.constant 0 : i32
      %dma_wait3A_382 = arith.constant 0 : i32
      %dma_wait3A_383 = tpu.memref_slice %arg2[%dma_wait3A_381, %dma_wait3A_382] : memref<10000x128xf32, #tpu.memory_space<hbm>> -> memref<10000x128xf32, #tpu.memory_space<hbm>>
      tpu.wait_indirect_dma semaphore(%arg28 : memref<!tpu.dma_semaphore, #tpu.memory_space<semaphore_mem>>) src(%dma_wait3A_383 : memref<10000x128xf32, #tpu.memory_space<hbm>>) dst(%arg15 : memref<64x128xf32, #tpu.memory_space<vmem>>)
      %dma_start3A_384 = arith.constant 1 : i32
      %dma_start3A_385 = arith.constant 0 : i32
      %dma_start3A_386 = tpu.memref_slice %arg11[%dma_start3A_384, %dma_start3A_385] : memref<2x64xi32, #tpu.memory_space<vmem>> -> memref<1x64xi32, #tpu.memory_space<vmem>>
      %dma_start3A_387 = tpu.memref_squeeze %dma_start3A_386 : memref<1x64xi32, #tpu.memory_space<vmem>> -> memref<64xi32, #tpu.memory_space<vmem>>
      %dma_start3A_388 = arith.constant 0 : i32
      %dma_start3A_389 = arith.constant 0 : i32
      %dma_start3A_390 = tpu.memref_slice %arg18[%dma_start3A_388, %dma_start3A_389] : memref<10240x128xf32, #tpu.memory_space<vmem_shared>> -> memref<10240x128xf32, #tpu.memory_space<vmem_shared>>
      tpu.enqueue_indirect_dma source(%arg15 : memref<64x128xf32, #tpu.memory_space<vmem>>) target(%dma_start3A_390 : memref<10240x128xf32, #tpu.memory_space<vmem_shared>>) offsets(%dma_start3A_387 : memref<64xi32, #tpu.memory_space<vmem>>) semaphore(%arg32 : memref<!tpu.dma_semaphore, #tpu.memory_space<semaphore_mem>>) {add = true}
      %add3A_391 = arith.constant 4 : i32
      %add3A_392 = arith.addi %mul3A_165, %add3A_391 : i32
      %add3A_393 = arith.constant 2 : i32
      %add3A_394 = arith.addi %add3A_392, %add3A_393 : i32
      %dma_wait3A_395 = arith.constant 0 : i32
      %dma_wait3A_396 = arith.constant 0 : i32
      %dma_wait3A_397 = tpu.memref_slice %arg12[%dma_wait3A_395, %dma_wait3A_396] : memref<2x64xi32, #tpu.memory_space<vmem>> -> memref<1x64xi32, #tpu.memory_space<vmem>>
      %dma_wait3A_398 = tpu.memref_squeeze %dma_wait3A_397 : memref<1x64xi32, #tpu.memory_space<vmem>> -> memref<64xi32, #tpu.memory_space<vmem>>
      %dma_wait3A_399 = arith.constant 0 : i32
      %dma_wait3A_400 = arith.constant 0 : i32
      %dma_wait3A_401 = tpu.memref_slice %arg2[%dma_wait3A_399, %dma_wait3A_400] : memref<10000x128xf32, #tpu.memory_space<hbm>> -> memref<10000x128xf32, #tpu.memory_space<hbm>>
      tpu.wait_indirect_dma semaphore(%arg29 : memref<!tpu.dma_semaphore, #tpu.memory_space<semaphore_mem>>) src(%dma_wait3A_401 : memref<10000x128xf32, #tpu.memory_space<hbm>>) dst(%arg16 : memref<64x128xf32, #tpu.memory_space<vmem>>)
      %dma_start3A_402 = arith.constant 1 : i32
      %dma_start3A_403 = arith.constant 0 : i32
      %dma_start3A_404 = tpu.memref_slice %arg12[%dma_start3A_402, %dma_start3A_403] : memref<2x64xi32, #tpu.memory_space<vmem>> -> memref<1x64xi32, #tpu.memory_space<vmem>>
      %dma_start3A_405 = tpu.memref_squeeze %dma_start3A_404 : memref<1x64xi32, #tpu.memory_space<vmem>> -> memref<64xi32, #tpu.memory_space<vmem>>
      %dma_start3A_406 = arith.constant 0 : i32
      %dma_start3A_407 = arith.constant 0 : i32
      %dma_start3A_408 = tpu.memref_slice %arg18[%dma_start3A_406, %dma_start3A_407] : memref<10240x128xf32, #tpu.memory_space<vmem_shared>> -> memref<10240x128xf32, #tpu.memory_space<vmem_shared>>
      tpu.enqueue_indirect_dma source(%arg16 : memref<64x128xf32, #tpu.memory_space<vmem>>) target(%dma_start3A_408 : memref<10240x128xf32, #tpu.memory_space<vmem_shared>>) offsets(%dma_start3A_405 : memref<64xi32, #tpu.memory_space<vmem>>) semaphore(%arg33 : memref<!tpu.dma_semaphore, #tpu.memory_space<semaphore_mem>>) {add = true}
      %add3A_409 = arith.constant 4 : i32
      %add3A_410 = arith.addi %mul3A_165, %add3A_409 : i32
      %add3A_411 = arith.constant 3 : i32
      %add3A_412 = arith.addi %add3A_410, %add3A_411 : i32
      %dma_wait3A_413 = arith.constant 0 : i32
      %dma_wait3A_414 = arith.constant 0 : i32
      %dma_wait3A_415 = tpu.memref_slice %arg13[%dma_wait3A_413, %dma_wait3A_414] : memref<2x64xi32, #tpu.memory_space<vmem>> -> memref<1x64xi32, #tpu.memory_space<vmem>>
      %dma_wait3A_416 = tpu.memref_squeeze %dma_wait3A_415 : memref<1x64xi32, #tpu.memory_space<vmem>> -> memref<64xi32, #tpu.memory_space<vmem>>
      %dma_wait3A_417 = arith.constant 0 : i32
      %dma_wait3A_418 = arith.constant 0 : i32
      %dma_wait3A_419 = tpu.memref_slice %arg2[%dma_wait3A_417, %dma_wait3A_418] : memref<10000x128xf32, #tpu.memory_space<hbm>> -> memref<10000x128xf32, #tpu.memory_space<hbm>>
      tpu.wait_indirect_dma semaphore(%arg30 : memref<!tpu.dma_semaphore, #tpu.memory_space<semaphore_mem>>) src(%dma_wait3A_419 : memref<10000x128xf32, #tpu.memory_space<hbm>>) dst(%arg17 : memref<64x128xf32, #tpu.memory_space<vmem>>)
      %dma_start3A_420 = arith.constant 1 : i32
      %dma_start3A_421 = arith.constant 0 : i32
      %dma_start3A_422 = tpu.memref_slice %arg13[%dma_start3A_420, %dma_start3A_421] : memref<2x64xi32, #tpu.memory_space<vmem>> -> memref<1x64xi32, #tpu.memory_space<vmem>>
      %dma_start3A_423 = tpu.memref_squeeze %dma_start3A_422 : memref<1x64xi32, #tpu.memory_space<vmem>> -> memref<64xi32, #tpu.memory_space<vmem>>
      %dma_start3A_424 = arith.constant 0 : i32
      %dma_start3A_425 = arith.constant 0 : i32
      %dma_start3A_426 = tpu.memref_slice %arg18[%dma_start3A_424, %dma_start3A_425] : memref<10240x128xf32, #tpu.memory_space<vmem_shared>> -> memref<10240x128xf32, #tpu.memory_space<vmem_shared>>
      tpu.enqueue_indirect_dma source(%arg17 : memref<64x128xf32, #tpu.memory_space<vmem>>) target(%dma_start3A_426 : memref<10240x128xf32, #tpu.memory_space<vmem_shared>>) offsets(%dma_start3A_423 : memref<64xi32, #tpu.memory_space<vmem>>) semaphore(%arg34 : memref<!tpu.dma_semaphore, #tpu.memory_space<semaphore_mem>>) {add = true}
      %add3A_427 = arith.constant 4 : i32
      %add3A_428 = arith.addi %mul3A_165, %add3A_427 : i32
      %add3A_429 = arith.constant 0 : i32
      %add3A_430 = arith.addi %add3A_428, %add3A_429 : i32
      %dma_wait3A_431 = arith.constant 1 : i32
      %dma_wait3A_432 = arith.constant 0 : i32
      %dma_wait3A_433 = tpu.memref_slice %arg10[%dma_wait3A_431, %dma_wait3A_432] : memref<2x64xi32, #tpu.memory_space<vmem>> -> memref<1x64xi32, #tpu.memory_space<vmem>>
      %dma_wait3A_434 = tpu.memref_squeeze %dma_wait3A_433 : memref<1x64xi32, #tpu.memory_space<vmem>> -> memref<64xi32, #tpu.memory_space<vmem>>
      %dma_wait3A_435 = arith.constant 0 : i32
      %dma_wait3A_436 = arith.constant 0 : i32
      %dma_wait3A_437 = tpu.memref_slice %arg18[%dma_wait3A_435, %dma_wait3A_436] : memref<10240x128xf32, #tpu.memory_space<vmem_shared>> -> memref<10240x128xf32, #tpu.memory_space<vmem_shared>>
      tpu.wait_indirect_dma semaphore(%arg31 : memref<!tpu.dma_semaphore, #tpu.memory_space<semaphore_mem>>) src(%arg14 : memref<64x128xf32, #tpu.memory_space<vmem>>) dst(%dma_wait3A_437 : memref<10240x128xf32, #tpu.memory_space<vmem_shared>>)
      %add3A_438 = arith.constant 8 : i32
      %add3A_439 = arith.addi %add3A_430, %add3A_438 : i32
      %lt3A_440 = arith.constant 160 : i32
      %lt3A_441 = arith.cmpi slt, %add3A_439, %lt3A_440 : i32
      %convert_element_type3A_442 = arith.extui %lt3A_441 : i1 to i32
      %cond3A_443 = arith.constant 0 : i32
      %cond3A_444 = arith.cmpi ne, %convert_element_type3A_442, %cond3A_443 : i32
      scf.if %cond3A_444 {
        %add3A_527 = arith.addi %mul3A_4, %add3A_430 : i32
        %add3A_528 = arith.constant 8 : i32
        %add3A_529 = arith.addi %add3A_527, %add3A_528 : i32
        %dma_start3A_530 = arith.constant 0 : i32
        %dma_start3A_531 = arith.constant 0 : i32
        %dma_start3A_532 = tpu.memref_slice %arg3[%add3A_529, %dma_start3A_530, %dma_start3A_531] : memref<5120x2x64xi32, #tpu.memory_space<hbm>> -> memref<1x2x64xi32, #tpu.memory_space<hbm>>
        %dma_start3A_533 = tpu.memref_squeeze %dma_start3A_532 : memref<1x2x64xi32, #tpu.memory_space<hbm>> -> memref<2x64xi32, #tpu.memory_space<hbm>>
        %dma_start3A_534 = arith.constant 0 : i32
        %dma_start3A_535 = arith.constant 0 : i32
        %dma_start3A_536 = tpu.memref_slice %arg3[%add3A_529, %dma_start3A_534, %dma_start3A_535] : memref<5120x2x64xi32, #tpu.memory_space<hbm>> -> memref<1x2x64xi32, #tpu.memory_space<hbm>>
        %dma_start3A_537 = tpu.memref_squeeze %dma_start3A_536 : memref<1x2x64xi32, #tpu.memory_space<hbm>> -> memref<2x64xi32, #tpu.memory_space<hbm>>
        tpu.enqueue_dma source(%dma_start3A_537 : memref<2x64xi32, #tpu.memory_space<hbm>>) target(%arg10 : memref<2x64xi32, #tpu.memory_space<vmem>>) target_semaphore(%arg23 : memref<!tpu.dma_semaphore, #tpu.memory_space<semaphore_mem>>)
      } else {
      }
      %add3A_445 = arith.constant 4 : i32
      %add3A_446 = arith.addi %add3A_430, %add3A_445 : i32
      %lt3A_447 = arith.constant 160 : i32
      %lt3A_448 = arith.cmpi slt, %add3A_446, %lt3A_447 : i32
      %convert_element_type3A_449 = arith.extui %lt3A_448 : i1 to i32
      %cond3A_450 = arith.constant 0 : i32
      %cond3A_451 = arith.cmpi ne, %convert_element_type3A_449, %cond3A_450 : i32
      scf.if %cond3A_451 {
        %add3A_527 = arith.addi %mul3A_4, %add3A_430 : i32
        %dma_wait3A_528 = arith.constant 0 : i32
        %dma_wait3A_529 = arith.constant 0 : i32
        %dma_wait3A_530 = tpu.memref_slice %arg3[%add3A_527, %dma_wait3A_528, %dma_wait3A_529] : memref<5120x2x64xi32, #tpu.memory_space<hbm>> -> memref<1x2x64xi32, #tpu.memory_space<hbm>>
        %dma_wait3A_531 = tpu.memref_squeeze %dma_wait3A_530 : memref<1x2x64xi32, #tpu.memory_space<hbm>> -> memref<2x64xi32, #tpu.memory_space<hbm>>
        %dma_wait3A_532 = arith.constant 0 : i32
        %dma_wait3A_533 = arith.constant 0 : i32
        %dma_wait3A_534 = tpu.memref_slice %arg3[%add3A_527, %dma_wait3A_532, %dma_wait3A_533] : memref<5120x2x64xi32, #tpu.memory_space<hbm>> -> memref<1x2x64xi32, #tpu.memory_space<hbm>>
        %dma_wait3A_535 = tpu.memref_squeeze %dma_wait3A_534 : memref<1x2x64xi32, #tpu.memory_space<hbm>> -> memref<2x64xi32, #tpu.memory_space<hbm>>
        tpu.wait_dma2 semaphore(%arg19 : memref<!tpu.dma_semaphore, #tpu.memory_space<semaphore_mem>>) src(%dma_wait3A_535 : memref<2x64xi32, #tpu.memory_space<hbm>>) dst(%arg6 : memref<2x64xi32, #tpu.memory_space<vmem>>)
        %dma_start3A_536 = arith.constant 0 : i32
        %dma_start3A_537 = arith.constant 0 : i32
        %dma_start3A_538 = tpu.memref_slice %arg6[%dma_start3A_536, %dma_start3A_537] : memref<2x64xi32, #tpu.memory_space<vmem>> -> memref<1x64xi32, #tpu.memory_space<vmem>>
        %dma_start3A_539 = tpu.memref_squeeze %dma_start3A_538 : memref<1x64xi32, #tpu.memory_space<vmem>> -> memref<64xi32, #tpu.memory_space<vmem>>
        %dma_start3A_540 = arith.constant 0 : i32
        %dma_start3A_541 = arith.constant 0 : i32
        %dma_start3A_542 = tpu.memref_slice %arg2[%dma_start3A_540, %dma_start3A_541] : memref<10000x128xf32, #tpu.memory_space<hbm>> -> memref<10000x128xf32, #tpu.memory_space<hbm>>
        tpu.enqueue_indirect_dma source(%dma_start3A_542 : memref<10000x128xf32, #tpu.memory_space<hbm>>) target(%arg14 : memref<64x128xf32, #tpu.memory_space<vmem>>) offsets(%dma_start3A_539 : memref<64xi32, #tpu.memory_space<vmem>>) semaphore(%arg27 : memref<!tpu.dma_semaphore, #tpu.memory_space<semaphore_mem>>)
      } else {
      }
      %add3A_452 = arith.constant 4 : i32
      %add3A_453 = arith.addi %mul3A_165, %add3A_452 : i32
      %add3A_454 = arith.constant 1 : i32
      %add3A_455 = arith.addi %add3A_453, %add3A_454 : i32
      %dma_wait3A_456 = arith.constant 1 : i32
      %dma_wait3A_457 = arith.constant 0 : i32
      %dma_wait3A_458 = tpu.memref_slice %arg11[%dma_wait3A_456, %dma_wait3A_457] : memref<2x64xi32, #tpu.memory_space<vmem>> -> memref<1x64xi32, #tpu.memory_space<vmem>>
      %dma_wait3A_459 = tpu.memref_squeeze %dma_wait3A_458 : memref<1x64xi32, #tpu.memory_space<vmem>> -> memref<64xi32, #tpu.memory_space<vmem>>
      %dma_wait3A_460 = arith.constant 0 : i32
      %dma_wait3A_461 = arith.constant 0 : i32
      %dma_wait3A_462 = tpu.memref_slice %arg18[%dma_wait3A_460, %dma_wait3A_461] : memref<10240x128xf32, #tpu.memory_space<vmem_shared>> -> memref<10240x128xf32, #tpu.memory_space<vmem_shared>>
      tpu.wait_indirect_dma semaphore(%arg32 : memref<!tpu.dma_semaphore, #tpu.memory_space<semaphore_mem>>) src(%arg15 : memref<64x128xf32, #tpu.memory_space<vmem>>) dst(%dma_wait3A_462 : memref<10240x128xf32, #tpu.memory_space<vmem_shared>>)
      %add3A_463 = arith.constant 8 : i32
      %add3A_464 = arith.addi %add3A_455, %add3A_463 : i32
      %lt3A_465 = arith.constant 160 : i32
      %lt3A_466 = arith.cmpi slt, %add3A_464, %lt3A_465 : i32
      %convert_element_type3A_467 = arith.extui %lt3A_466 : i1 to i32
      %cond3A_468 = arith.constant 0 : i32
      %cond3A_469 = arith.cmpi ne, %convert_element_type3A_467, %cond3A_468 : i32
      scf.if %cond3A_469 {
        %add3A_527 = arith.addi %mul3A_4, %add3A_455 : i32
        %add3A_528 = arith.constant 8 : i32
        %add3A_529 = arith.addi %add3A_527, %add3A_528 : i32
        %dma_start3A_530 = arith.constant 0 : i32
        %dma_start3A_531 = arith.constant 0 : i32
        %dma_start3A_532 = tpu.memref_slice %arg3[%add3A_529, %dma_start3A_530, %dma_start3A_531] : memref<5120x2x64xi32, #tpu.memory_space<hbm>> -> memref<1x2x64xi32, #tpu.memory_space<hbm>>
        %dma_start3A_533 = tpu.memref_squeeze %dma_start3A_532 : memref<1x2x64xi32, #tpu.memory_space<hbm>> -> memref<2x64xi32, #tpu.memory_space<hbm>>
        %dma_start3A_534 = arith.constant 0 : i32
        %dma_start3A_535 = arith.constant 0 : i32
        %dma_start3A_536 = tpu.memref_slice %arg3[%add3A_529, %dma_start3A_534, %dma_start3A_535] : memref<5120x2x64xi32, #tpu.memory_space<hbm>> -> memref<1x2x64xi32, #tpu.memory_space<hbm>>
        %dma_start3A_537 = tpu.memref_squeeze %dma_start3A_536 : memref<1x2x64xi32, #tpu.memory_space<hbm>> -> memref<2x64xi32, #tpu.memory_space<hbm>>
        tpu.enqueue_dma source(%dma_start3A_537 : memref<2x64xi32, #tpu.memory_space<hbm>>) target(%arg11 : memref<2x64xi32, #tpu.memory_space<vmem>>) target_semaphore(%arg24 : memref<!tpu.dma_semaphore, #tpu.memory_space<semaphore_mem>>)
      } else {
      }
      %add3A_470 = arith.constant 4 : i32
      %add3A_471 = arith.addi %add3A_455, %add3A_470 : i32
      %lt3A_472 = arith.constant 160 : i32
      %lt3A_473 = arith.cmpi slt, %add3A_471, %lt3A_472 : i32
      %convert_element_type3A_474 = arith.extui %lt3A_473 : i1 to i32
      %cond3A_475 = arith.constant 0 : i32
      %cond3A_476 = arith.cmpi ne, %convert_element_type3A_474, %cond3A_475 : i32
      scf.if %cond3A_476 {
        %add3A_527 = arith.addi %mul3A_4, %add3A_455 : i32
        %dma_wait3A_528 = arith.constant 0 : i32
        %dma_wait3A_529 = arith.constant 0 : i32
        %dma_wait3A_530 = tpu.memref_slice %arg3[%add3A_527, %dma_wait3A_528, %dma_wait3A_529] : memref<5120x2x64xi32, #tpu.memory_space<hbm>> -> memref<1x2x64xi32, #tpu.memory_space<hbm>>
        %dma_wait3A_531 = tpu.memref_squeeze %dma_wait3A_530 : memref<1x2x64xi32, #tpu.memory_space<hbm>> -> memref<2x64xi32, #tpu.memory_space<hbm>>
        %dma_wait3A_532 = arith.constant 0 : i32
        %dma_wait3A_533 = arith.constant 0 : i32
        %dma_wait3A_534 = tpu.memref_slice %arg3[%add3A_527, %dma_wait3A_532, %dma_wait3A_533] : memref<5120x2x64xi32, #tpu.memory_space<hbm>> -> memref<1x2x64xi32, #tpu.memory_space<hbm>>
        %dma_wait3A_535 = tpu.memref_squeeze %dma_wait3A_534 : memref<1x2x64xi32, #tpu.memory_space<hbm>> -> memref<2x64xi32, #tpu.memory_space<hbm>>
        tpu.wait_dma2 semaphore(%arg20 : memref<!tpu.dma_semaphore, #tpu.memory_space<semaphore_mem>>) src(%dma_wait3A_535 : memref<2x64xi32, #tpu.memory_space<hbm>>) dst(%arg7 : memref<2x64xi32, #tpu.memory_space<vmem>>)
        %dma_start3A_536 = arith.constant 0 : i32
        %dma_start3A_537 = arith.constant 0 : i32
        %dma_start3A_538 = tpu.memref_slice %arg7[%dma_start3A_536, %dma_start3A_537] : memref<2x64xi32, #tpu.memory_space<vmem>> -> memref<1x64xi32, #tpu.memory_space<vmem>>
        %dma_start3A_539 = tpu.memref_squeeze %dma_start3A_538 : memref<1x64xi32, #tpu.memory_space<vmem>> -> memref<64xi32, #tpu.memory_space<vmem>>
        %dma_start3A_540 = arith.constant 0 : i32
        %dma_start3A_541 = arith.constant 0 : i32
        %dma_start3A_542 = tpu.memref_slice %arg2[%dma_start3A_540, %dma_start3A_541] : memref<10000x128xf32, #tpu.memory_space<hbm>> -> memref<10000x128xf32, #tpu.memory_space<hbm>>
        tpu.enqueue_indirect_dma source(%dma_start3A_542 : memref<10000x128xf32, #tpu.memory_space<hbm>>) target(%arg15 : memref<64x128xf32, #tpu.memory_space<vmem>>) offsets(%dma_start3A_539 : memref<64xi32, #tpu.memory_space<vmem>>) semaphore(%arg28 : memref<!tpu.dma_semaphore, #tpu.memory_space<semaphore_mem>>)
      } else {
      }
      %add3A_477 = arith.constant 4 : i32
      %add3A_478 = arith.addi %mul3A_165, %add3A_477 : i32
      %add3A_479 = arith.constant 2 : i32
      %add3A_480 = arith.addi %add3A_478, %add3A_479 : i32
      %dma_wait3A_481 = arith.constant 1 : i32
      %dma_wait3A_482 = arith.constant 0 : i32
      %dma_wait3A_483 = tpu.memref_slice %arg12[%dma_wait3A_481, %dma_wait3A_482] : memref<2x64xi32, #tpu.memory_space<vmem>> -> memref<1x64xi32, #tpu.memory_space<vmem>>
      %dma_wait3A_484 = tpu.memref_squeeze %dma_wait3A_483 : memref<1x64xi32, #tpu.memory_space<vmem>> -> memref<64xi32, #tpu.memory_space<vmem>>
      %dma_wait3A_485 = arith.constant 0 : i32
      %dma_wait3A_486 = arith.constant 0 : i32
      %dma_wait3A_487 = tpu.memref_slice %arg18[%dma_wait3A_485, %dma_wait3A_486] : memref<10240x128xf32, #tpu.memory_space<vmem_shared>> -> memref<10240x128xf32, #tpu.memory_space<vmem_shared>>
      tpu.wait_indirect_dma semaphore(%arg33 : memref<!tpu.dma_semaphore, #tpu.memory_space<semaphore_mem>>) src(%arg16 : memref<64x128xf32, #tpu.memory_space<vmem>>) dst(%dma_wait3A_487 : memref<10240x128xf32, #tpu.memory_space<vmem_shared>>)
      %add3A_488 = arith.constant 8 : i32
      %add3A_489 = arith.addi %add3A_480, %add3A_488 : i32
      %lt3A_490 = arith.constant 160 : i32
      %lt3A_491 = arith.cmpi slt, %add3A_489, %lt3A_490 : i32
      %convert_element_type3A_492 = arith.extui %lt3A_491 : i1 to i32
      %cond3A_493 = arith.constant 0 : i32
      %cond3A_494 = arith.cmpi ne, %convert_element_type3A_492, %cond3A_493 : i32
      scf.if %cond3A_494 {
        %add3A_527 = arith.addi %mul3A_4, %add3A_480 : i32
        %add3A_528 = arith.constant 8 : i32
        %add3A_529 = arith.addi %add3A_527, %add3A_528 : i32
        %dma_start3A_530 = arith.constant 0 : i32
        %dma_start3A_531 = arith.constant 0 : i32
        %dma_start3A_532 = tpu.memref_slice %arg3[%add3A_529, %dma_start3A_530, %dma_start3A_531] : memref<5120x2x64xi32, #tpu.memory_space<hbm>> -> memref<1x2x64xi32, #tpu.memory_space<hbm>>
        %dma_start3A_533 = tpu.memref_squeeze %dma_start3A_532 : memref<1x2x64xi32, #tpu.memory_space<hbm>> -> memref<2x64xi32, #tpu.memory_space<hbm>>
        %dma_start3A_534 = arith.constant 0 : i32
        %dma_start3A_535 = arith.constant 0 : i32
        %dma_start3A_536 = tpu.memref_slice %arg3[%add3A_529, %dma_start3A_534, %dma_start3A_535] : memref<5120x2x64xi32, #tpu.memory_space<hbm>> -> memref<1x2x64xi32, #tpu.memory_space<hbm>>
        %dma_start3A_537 = tpu.memref_squeeze %dma_start3A_536 : memref<1x2x64xi32, #tpu.memory_space<hbm>> -> memref<2x64xi32, #tpu.memory_space<hbm>>
        tpu.enqueue_dma source(%dma_start3A_537 : memref<2x64xi32, #tpu.memory_space<hbm>>) target(%arg12 : memref<2x64xi32, #tpu.memory_space<vmem>>) target_semaphore(%arg25 : memref<!tpu.dma_semaphore, #tpu.memory_space<semaphore_mem>>)
      } else {
      }
      %add3A_495 = arith.constant 4 : i32
      %add3A_496 = arith.addi %add3A_480, %add3A_495 : i32
      %lt3A_497 = arith.constant 160 : i32
      %lt3A_498 = arith.cmpi slt, %add3A_496, %lt3A_497 : i32
      %convert_element_type3A_499 = arith.extui %lt3A_498 : i1 to i32
      %cond3A_500 = arith.constant 0 : i32
      %cond3A_501 = arith.cmpi ne, %convert_element_type3A_499, %cond3A_500 : i32
      scf.if %cond3A_501 {
        %add3A_527 = arith.addi %mul3A_4, %add3A_480 : i32
        %dma_wait3A_528 = arith.constant 0 : i32
        %dma_wait3A_529 = arith.constant 0 : i32
        %dma_wait3A_530 = tpu.memref_slice %arg3[%add3A_527, %dma_wait3A_528, %dma_wait3A_529] : memref<5120x2x64xi32, #tpu.memory_space<hbm>> -> memref<1x2x64xi32, #tpu.memory_space<hbm>>
        %dma_wait3A_531 = tpu.memref_squeeze %dma_wait3A_530 : memref<1x2x64xi32, #tpu.memory_space<hbm>> -> memref<2x64xi32, #tpu.memory_space<hbm>>
        %dma_wait3A_532 = arith.constant 0 : i32
        %dma_wait3A_533 = arith.constant 0 : i32
        %dma_wait3A_534 = tpu.memref_slice %arg3[%add3A_527, %dma_wait3A_532, %dma_wait3A_533] : memref<5120x2x64xi32, #tpu.memory_space<hbm>> -> memref<1x2x64xi32, #tpu.memory_space<hbm>>
        %dma_wait3A_535 = tpu.memref_squeeze %dma_wait3A_534 : memref<1x2x64xi32, #tpu.memory_space<hbm>> -> memref<2x64xi32, #tpu.memory_space<hbm>>
        tpu.wait_dma2 semaphore(%arg21 : memref<!tpu.dma_semaphore, #tpu.memory_space<semaphore_mem>>) src(%dma_wait3A_535 : memref<2x64xi32, #tpu.memory_space<hbm>>) dst(%arg8 : memref<2x64xi32, #tpu.memory_space<vmem>>)
        %dma_start3A_536 = arith.constant 0 : i32
        %dma_start3A_537 = arith.constant 0 : i32
        %dma_start3A_538 = tpu.memref_slice %arg8[%dma_start3A_536, %dma_start3A_537] : memref<2x64xi32, #tpu.memory_space<vmem>> -> memref<1x64xi32, #tpu.memory_space<vmem>>
        %dma_start3A_539 = tpu.memref_squeeze %dma_start3A_538 : memref<1x64xi32, #tpu.memory_space<vmem>> -> memref<64xi32, #tpu.memory_space<vmem>>
        %dma_start3A_540 = arith.constant 0 : i32
        %dma_start3A_541 = arith.constant 0 : i32
        %dma_start3A_542 = tpu.memref_slice %arg2[%dma_start3A_540, %dma_start3A_541] : memref<10000x128xf32, #tpu.memory_space<hbm>> -> memref<10000x128xf32, #tpu.memory_space<hbm>>
        tpu.enqueue_indirect_dma source(%dma_start3A_542 : memref<10000x128xf32, #tpu.memory_space<hbm>>) target(%arg16 : memref<64x128xf32, #tpu.memory_space<vmem>>) offsets(%dma_start3A_539 : memref<64xi32, #tpu.memory_space<vmem>>) semaphore(%arg29 : memref<!tpu.dma_semaphore, #tpu.memory_space<semaphore_mem>>)
      } else {
      }
      %add3A_502 = arith.constant 4 : i32
      %add3A_503 = arith.addi %mul3A_165, %add3A_502 : i32
      %add3A_504 = arith.constant 3 : i32
      %add3A_505 = arith.addi %add3A_503, %add3A_504 : i32
      %dma_wait3A_506 = arith.constant 1 : i32
      %dma_wait3A_507 = arith.constant 0 : i32
      %dma_wait3A_508 = tpu.memref_slice %arg13[%dma_wait3A_506, %dma_wait3A_507] : memref<2x64xi32, #tpu.memory_space<vmem>> -> memref<1x64xi32, #tpu.memory_space<vmem>>
      %dma_wait3A_509 = tpu.memref_squeeze %dma_wait3A_508 : memref<1x64xi32, #tpu.memory_space<vmem>> -> memref<64xi32, #tpu.memory_space<vmem>>
      %dma_wait3A_510 = arith.constant 0 : i32
      %dma_wait3A_511 = arith.constant 0 : i32
      %dma_wait3A_512 = tpu.memref_slice %arg18[%dma_wait3A_510, %dma_wait3A_511] : memref<10240x128xf32, #tpu.memory_space<vmem_shared>> -> memref<10240x128xf32, #tpu.memory_space<vmem_shared>>
      tpu.wait_indirect_dma semaphore(%arg34 : memref<!tpu.dma_semaphore, #tpu.memory_space<semaphore_mem>>) src(%arg17 : memref<64x128xf32, #tpu.memory_space<vmem>>) dst(%dma_wait3A_512 : memref<10240x128xf32, #tpu.memory_space<vmem_shared>>)
      %add3A_513 = arith.constant 8 : i32
      %add3A_514 = arith.addi %add3A_505, %add3A_513 : i32
      %lt3A_515 = arith.constant 160 : i32
      %lt3A_516 = arith.cmpi slt, %add3A_514, %lt3A_515 : i32
      %convert_element_type3A_517 = arith.extui %lt3A_516 : i1 to i32
      %cond3A_518 = arith.constant 0 : i32
      %cond3A_519 = arith.cmpi ne, %convert_element_type3A_517, %cond3A_518 : i32
      scf.if %cond3A_519 {
        %add3A_527 = arith.addi %mul3A_4, %add3A_505 : i32
        %add3A_528 = arith.constant 8 : i32
        %add3A_529 = arith.addi %add3A_527, %add3A_528 : i32
        %dma_start3A_530 = arith.constant 0 : i32
        %dma_start3A_531 = arith.constant 0 : i32
        %dma_start3A_532 = tpu.memref_slice %arg3[%add3A_529, %dma_start3A_530, %dma_start3A_531] : memref<5120x2x64xi32, #tpu.memory_space<hbm>> -> memref<1x2x64xi32, #tpu.memory_space<hbm>>
        %dma_start3A_533 = tpu.memref_squeeze %dma_start3A_532 : memref<1x2x64xi32, #tpu.memory_space<hbm>> -> memref<2x64xi32, #tpu.memory_space<hbm>>
        %dma_start3A_534 = arith.constant 0 : i32
        %dma_start3A_535 = arith.constant 0 : i32
        %dma_start3A_536 = tpu.memref_slice %arg3[%add3A_529, %dma_start3A_534, %dma_start3A_535] : memref<5120x2x64xi32, #tpu.memory_space<hbm>> -> memref<1x2x64xi32, #tpu.memory_space<hbm>>
        %dma_start3A_537 = tpu.memref_squeeze %dma_start3A_536 : memref<1x2x64xi32, #tpu.memory_space<hbm>> -> memref<2x64xi32, #tpu.memory_space<hbm>>
        tpu.enqueue_dma source(%dma_start3A_537 : memref<2x64xi32, #tpu.memory_space<hbm>>) target(%arg13 : memref<2x64xi32, #tpu.memory_space<vmem>>) target_semaphore(%arg26 : memref<!tpu.dma_semaphore, #tpu.memory_space<semaphore_mem>>)
      } else {
      }
      %add3A_520 = arith.constant 4 : i32
      %add3A_521 = arith.addi %add3A_505, %add3A_520 : i32
      %lt3A_522 = arith.constant 160 : i32
      %lt3A_523 = arith.cmpi slt, %add3A_521, %lt3A_522 : i32
      %convert_element_type3A_524 = arith.extui %lt3A_523 : i1 to i32
      %cond3A_525 = arith.constant 0 : i32
      %cond3A_526 = arith.cmpi ne, %convert_element_type3A_524, %cond3A_525 : i32
      scf.if %cond3A_526 {
        %add3A_527 = arith.addi %mul3A_4, %add3A_505 : i32
        %dma_wait3A_528 = arith.constant 0 : i32
        %dma_wait3A_529 = arith.constant 0 : i32
        %dma_wait3A_530 = tpu.memref_slice %arg3[%add3A_527, %dma_wait3A_528, %dma_wait3A_529] : memref<5120x2x64xi32, #tpu.memory_space<hbm>> -> memref<1x2x64xi32, #tpu.memory_space<hbm>>
        %dma_wait3A_531 = tpu.memref_squeeze %dma_wait3A_530 : memref<1x2x64xi32, #tpu.memory_space<hbm>> -> memref<2x64xi32, #tpu.memory_space<hbm>>
        %dma_wait3A_532 = arith.constant 0 : i32
        %dma_wait3A_533 = arith.constant 0 : i32
        %dma_wait3A_534 = tpu.memref_slice %arg3[%add3A_527, %dma_wait3A_532, %dma_wait3A_533] : memref<5120x2x64xi32, #tpu.memory_space<hbm>> -> memref<1x2x64xi32, #tpu.memory_space<hbm>>
        %dma_wait3A_535 = tpu.memref_squeeze %dma_wait3A_534 : memref<1x2x64xi32, #tpu.memory_space<hbm>> -> memref<2x64xi32, #tpu.memory_space<hbm>>
        tpu.wait_dma2 semaphore(%arg22 : memref<!tpu.dma_semaphore, #tpu.memory_space<semaphore_mem>>) src(%dma_wait3A_535 : memref<2x64xi32, #tpu.memory_space<hbm>>) dst(%arg9 : memref<2x64xi32, #tpu.memory_space<vmem>>)
        %dma_start3A_536 = arith.constant 0 : i32
        %dma_start3A_537 = arith.constant 0 : i32
        %dma_start3A_538 = tpu.memref_slice %arg9[%dma_start3A_536, %dma_start3A_537] : memref<2x64xi32, #tpu.memory_space<vmem>> -> memref<1x64xi32, #tpu.memory_space<vmem>>
        %dma_start3A_539 = tpu.memref_squeeze %dma_start3A_538 : memref<1x64xi32, #tpu.memory_space<vmem>> -> memref<64xi32, #tpu.memory_space<vmem>>
        %dma_start3A_540 = arith.constant 0 : i32
        %dma_start3A_541 = arith.constant 0 : i32
        %dma_start3A_542 = tpu.memref_slice %arg2[%dma_start3A_540, %dma_start3A_541] : memref<10000x128xf32, #tpu.memory_space<hbm>> -> memref<10000x128xf32, #tpu.memory_space<hbm>>
        tpu.enqueue_indirect_dma source(%dma_start3A_542 : memref<10000x128xf32, #tpu.memory_space<hbm>>) target(%arg17 : memref<64x128xf32, #tpu.memory_space<vmem>>) offsets(%dma_start3A_539 : memref<64xi32, #tpu.memory_space<vmem>>) semaphore(%arg30 : memref<!tpu.dma_semaphore, #tpu.memory_space<semaphore_mem>>)
      } else {
      }
    }
    %scan3A_154 = arith.constant 20 : i32
    %barrier3A_155 = arith.constant 0 : index
    tpu.barrier barrier_id(%barrier3A_155)
    %mul3A_156 = arith.constant 10240 : i32
    %mul3A_157 = arith.muli %arg0, %mul3A_156 : i32
    %add3A_158 = arith.addi %mul3A_157, %mul3A_2 : i32
    "tpu.region"() ({
      %run_scoped3A = tpu.sem_alloc : memref<!tpu.dma_semaphore, #tpu.memory_space<semaphore_mem>>
      %dma_start3A_159 = arith.constant 0 : i32
      %dma_start3A_160 = tpu.memref_slice %arg5[%add3A_158, %dma_start3A_159] : memref<20480x128xf32, #tpu.memory_space<hbm>> -> memref<640x128xf32, #tpu.memory_space<hbm>>
      %dma_start3A_161 = arith.constant 0 : i32
      %dma_start3A_162 = tpu.memref_slice %arg18[%mul3A_2, %dma_start3A_161] : memref<10240x128xf32, #tpu.memory_space<vmem_shared>> -> memref<640x128xf32, #tpu.memory_space<vmem_shared>>
      tpu.enqueue_dma source(%dma_start3A_162 : memref<640x128xf32, #tpu.memory_space<vmem_shared>>) target(%dma_start3A_160 : memref<640x128xf32, #tpu.memory_space<hbm>>) target_semaphore(%run_scoped3A : memref<!tpu.dma_semaphore, #tpu.memory_space<semaphore_mem>>)
      %dma_wait3A_163 = arith.constant 0 : i32
      %dma_wait3A_164 = tpu.memref_slice %arg5[%add3A_158, %dma_wait3A_163] : memref<20480x128xf32, #tpu.memory_space<hbm>> -> memref<640x128xf32, #tpu.memory_space<hbm>>
      %dma_wait3A_165 = arith.constant 0 : i32
      %dma_wait3A_166 = tpu.memref_slice %arg18[%mul3A_2, %dma_wait3A_165] : memref<10240x128xf32, #tpu.memory_space<vmem_shared>> -> memref<640x128xf32, #tpu.memory_space<vmem_shared>>
      tpu.wait_dma2 semaphore(%run_scoped3A : memref<!tpu.dma_semaphore, #tpu.memory_space<semaphore_mem>>) src(%dma_wait3A_166 : memref<640x128xf32, #tpu.memory_space<vmem_shared>>) dst(%dma_wait3A_164 : memref<640x128xf32, #tpu.memory_space<hbm>>)
      tpu.yield
    }) : () -> ()
    return
  }
}

#map = affine_map<(d0, d1) -> (0, 0)>
#map1 = affine_map<(d0, d1) -> (0, 0, 0)>
module attributes {stable_mosaic.version = 14 : i64} {
  func.func @k(%arg0: i32, %arg1: i32, %arg2: memref<10000x128xf32, #tpu.memory_space<hbm>>, %arg3: memref<5120x2x64xi32, #tpu.memory_space<hbm>>, %arg4: memref<640x128xf32, #tpu.memory_space<hbm>>, %arg5: memref<20480x128xf32, #tpu.memory_space<hbm>>, %arg6: memref<2x64xi32, #tpu.memory_space<vmem>>, %arg7: memref<2x64xi32, #tpu.memory_space<vmem>>, %arg8: memref<2x64xi32, #tpu.memory_space<vmem>>, %arg9: memref<2x64xi32, #tpu.memory_space<vmem>>, %arg10: memref<2x64xi32, #tpu.memory_space<vmem>>, %arg11: memref<2x64xi32, #tpu.memory_space<vmem>>, %arg12: memref<2x64xi32, #tpu.memory_space<vmem>>, %arg13: memref<2x64xi32, #tpu.memory_space<vmem>>, %arg14: memref<64x128xf32, #tpu.memory_space<vmem>>, %arg15: memref<64x128xf32, #tpu.memory_space<vmem>>, %arg16: memref<64x128xf32, #tpu.memory_space<vmem>>, %arg17: memref<64x128xf32, #tpu.memory_space<vmem>>, %arg18: memref<10240x128xf32, #tpu.memory_space<vmem_shared>>, %arg19: memref<!tpu.dma_semaphore, #tpu.memory_space<semaphore_mem>>, %arg20: memref<!tpu.dma_semaphore, #tpu.memory_space<semaphore_mem>>, %arg21: memref<!tpu.dma_semaphore, #tpu.memory_space<semaphore_mem>>, %arg22: memref<!tpu.dma_semaphore, #tpu.memory_space<semaphore_mem>>, %arg23: memref<!tpu.dma_semaphore, #tpu.memory_space<semaphore_mem>>, %arg24: memref<!tpu.dma_semaphore, #tpu.memory_space<semaphore_mem>>, %arg25: memref<!tpu.dma_semaphore, #tpu.memory_space<semaphore_mem>>, %arg26: memref<!tpu.dma_semaphore, #tpu.memory_space<semaphore_mem>>, %arg27: memref<!tpu.dma_semaphore, #tpu.memory_space<semaphore_mem>>, %arg28: memref<!tpu.dma_semaphore, #tpu.memory_space<semaphore_mem>>, %arg29: memref<!tpu.dma_semaphore, #tpu.memory_space<semaphore_mem>>, %arg30: memref<!tpu.dma_semaphore, #tpu.memory_space<semaphore_mem>>, %arg31: memref<!tpu.dma_semaphore, #tpu.memory_space<semaphore_mem>>, %arg32: memref<!tpu.dma_semaphore, #tpu.memory_space<semaphore_mem>>, %arg33: memref<!tpu.dma_semaphore, #tpu.memory_space<semaphore_mem>>, %arg34: memref<!tpu.dma_semaphore, #tpu.memory_space<semaphore_mem>>) attributes {dimension_semantics = [#tpu.dimension_semantics<core_parallel>, #tpu.dimension_semantics<subcore_parallel>], iteration_bounds = array<i64: 2, 16>, scalar_prefetch = 0 : i64, scratch_operands = 29 : i64, tpu.core_type = #tpu.core_type<sc_vector_subcore>, window_params = [{transform_indices = #map}, {transform_indices = #map1}, {transform_indices = #map}, {transform_indices = #map}]} {
    %mul3A = arith.constant 2 : i32
    %mul3A_0 = arith.muli %arg1, %mul3A : i32
    %add3A = arith.addi %mul3A_0, %arg0 : i32
    %mul3A_1 = arith.constant 640 : i32
    %mul3A_2 = arith.muli %arg1, %mul3A_1 : i32
    %mul3A_3 = arith.constant 160 : i32
    %mul3A_4 = arith.muli %add3A, %mul3A_3 : i32
    %add3A_5 = arith.constant 0 : i32
    %add3A_6 = arith.addi %mul3A_4, %add3A_5 : i32
    %dma_start3A = arith.constant 0 : i32
    %dma_start3A_7 = arith.constant 0 : i32
    %dma_start3A_8 = tpu.memref_slice %arg3[%add3A_6, %dma_start3A, %dma_start3A_7] : memref<5120x2x64xi32, #tpu.memory_space<hbm>> -> memref<1x2x64xi32, #tpu.memory_space<hbm>>
    %dma_start3A_9 = tpu.memref_squeeze %dma_start3A_8 : memref<1x2x64xi32, #tpu.memory_space<hbm>> -> memref<2x64xi32, #tpu.memory_space<hbm>>
    %dma_start3A_10 = arith.constant 0 : i32
    %dma_start3A_11 = arith.constant 0 : i32
    %dma_start3A_12 = tpu.memref_slice %arg3[%add3A_6, %dma_start3A_10, %dma_start3A_11] : memref<5120x2x64xi32, #tpu.memory_space<hbm>> -> memref<1x2x64xi32, #tpu.memory_space<hbm>>
    %dma_start3A_13 = tpu.memref_squeeze %dma_start3A_12 : memref<1x2x64xi32, #tpu.memory_space<hbm>> -> memref<2x64xi32, #tpu.memory_space<hbm>>
    tpu.enqueue_dma source(%dma_start3A_13 : memref<2x64xi32, #tpu.memory_space<hbm>>) target(%arg6 : memref<2x64xi32, #tpu.memory_space<vmem>>) target_semaphore(%arg19 : memref<!tpu.dma_semaphore, #tpu.memory_space<semaphore_mem>>)
    %add3A_14 = arith.constant 1 : i32
    %add3A_15 = arith.addi %mul3A_4, %add3A_14 : i32
    %dma_start3A_16 = arith.constant 0 : i32
    %dma_start3A_17 = arith.constant 0 : i32
    %dma_start3A_18 = tpu.memref_slice %arg3[%add3A_15, %dma_start3A_16, %dma_start3A_17] : memref<5120x2x64xi32, #tpu.memory_space<hbm>> -> memref<1x2x64xi32, #tpu.memory_space<hbm>>
    %dma_start3A_19 = tpu.memref_squeeze %dma_start3A_18 : memref<1x2x64xi32, #tpu.memory_space<hbm>> -> memref<2x64xi32, #tpu.memory_space<hbm>>
    %dma_start3A_20 = arith.constant 0 : i32
    %dma_start3A_21 = arith.constant 0 : i32
    %dma_start3A_22 = tpu.memref_slice %arg3[%add3A_15, %dma_start3A_20, %dma_start3A_21] : memref<5120x2x64xi32, #tpu.memory_space<hbm>> -> memref<1x2x64xi32, #tpu.memory_space<hbm>>
    %dma_start3A_23 = tpu.memref_squeeze %dma_start3A_22 : memref<1x2x64xi32, #tpu.memory_space<hbm>> -> memref<2x64xi32, #tpu.memory_space<hbm>>
    tpu.enqueue_dma source(%dma_start3A_23 : memref<2x64xi32, #tpu.memory_space<hbm>>) target(%arg7 : memref<2x64xi32, #tpu.memory_space<vmem>>) target_semaphore(%arg20 : memref<!tpu.dma_semaphore, #tpu.memory_space<semaphore_mem>>)
    %add3A_24 = arith.constant 2 : i32
    %add3A_25 = arith.addi %mul3A_4, %add3A_24 : i32
    %dma_start3A_26 = arith.constant 0 : i32
    %dma_start3A_27 = arith.constant 0 : i32
    %dma_start3A_28 = tpu.memref_slice %arg3[%add3A_25, %dma_start3A_26, %dma_start3A_27] : memref<5120x2x64xi32, #tpu.memory_space<hbm>> -> memref<1x2x64xi32, #tpu.memory_space<hbm>>
    %dma_start3A_29 = tpu.memref_squeeze %dma_start3A_28 : memref<1x2x64xi32, #tpu.memory_space<hbm>> -> memref<2x64xi32, #tpu.memory_space<hbm>>
    %dma_start3A_30 = arith.constant 0 : i32
    %dma_start3A_31 = arith.constant 0 : i32
    %dma_start3A_32 = tpu.memref_slice %arg3[%add3A_25, %dma_start3A_30, %dma_start3A_31] : memref<5120x2x64xi32, #tpu.memory_space<hbm>> -> memref<1x2x64xi32, #tpu.memory_space<hbm>>
    %dma_start3A_33 = tpu.memref_squeeze %dma_start3A_32 : memref<1x2x64xi32, #tpu.memory_space<hbm>> -> memref<2x64xi32, #tpu.memory_space<hbm>>
    tpu.enqueue_dma source(%dma_start3A_33 : memref<2x64xi32, #tpu.memory_space<hbm>>) target(%arg8 : memref<2x64xi32, #tpu.memory_space<vmem>>) target_semaphore(%arg21 : memref<!tpu.dma_semaphore, #tpu.memory_space<semaphore_mem>>)
    %add3A_34 = arith.constant 3 : i32
    %add3A_35 = arith.addi %mul3A_4, %add3A_34 : i32
    %dma_start3A_36 = arith.constant 0 : i32
    %dma_start3A_37 = arith.constant 0 : i32
    %dma_start3A_38 = tpu.memref_slice %arg3[%add3A_35, %dma_start3A_36, %dma_start3A_37] : memref<5120x2x64xi32, #tpu.memory_space<hbm>> -> memref<1x2x64xi32, #tpu.memory_space<hbm>>
    %dma_start3A_39 = tpu.memref_squeeze %dma_start3A_38 : memref<1x2x64xi32, #tpu.memory_space<hbm>> -> memref<2x64xi32, #tpu.memory_space<hbm>>
    %dma_start3A_40 = arith.constant 0 : i32
    %dma_start3A_41 = arith.constant 0 : i32
    %dma_start3A_42 = tpu.memref_slice %arg3[%add3A_35, %dma_start3A_40, %dma_start3A_41] : memref<5120x2x64xi32, #tpu.memory_space<hbm>> -> memref<1x2x64xi32, #tpu.memory_space<hbm>>
    %dma_start3A_43 = tpu.memref_squeeze %dma_start3A_42 : memref<1x2x64xi32, #tpu.memory_space<hbm>> -> memref<2x64xi32, #tpu.memory_space<hbm>>
    tpu.enqueue_dma source(%dma_start3A_43 : memref<2x64xi32, #tpu.memory_space<hbm>>) target(%arg9 : memref<2x64xi32, #tpu.memory_space<vmem>>) target_semaphore(%arg22 : memref<!tpu.dma_semaphore, #tpu.memory_space<semaphore_mem>>)
    %add3A_44 = arith.constant 4 : i32
    %add3A_45 = arith.addi %mul3A_4, %add3A_44 : i32
    %dma_start3A_46 = arith.constant 0 : i32
    %dma_start3A_47 = arith.constant 0 : i32
    %dma_start3A_48 = tpu.memref_slice %arg3[%add3A_45, %dma_start3A_46, %dma_start3A_47] : memref<5120x2x64xi32, #tpu.memory_space<hbm>> -> memref<1x2x64xi32, #tpu.memory_space<hbm>>
    %dma_start3A_49 = tpu.memref_squeeze %dma_start3A_48 : memref<1x2x64xi32, #tpu.memory_space<hbm>> -> memref<2x64xi32, #tpu.memory_space<hbm>>
    %dma_start3A_50 = arith.constant 0 : i32
    %dma_start3A_51 = arith.constant 0 : i32
    %dma_start3A_52 = tpu.memref_slice %arg3[%add3A_45, %dma_start3A_50, %dma_start3A_51] : memref<5120x2x64xi32, #tpu.memory_space<hbm>> -> memref<1x2x64xi32, #tpu.memory_space<hbm>>
    %dma_start3A_53 = tpu.memref_squeeze %dma_start3A_52 : memref<1x2x64xi32, #tpu.memory_space<hbm>> -> memref<2x64xi32, #tpu.memory_space<hbm>>
    tpu.enqueue_dma source(%dma_start3A_53 : memref<2x64xi32, #tpu.memory_space<hbm>>) target(%arg10 : memref<2x64xi32, #tpu.memory_space<vmem>>) target_semaphore(%arg23 : memref<!tpu.dma_semaphore, #tpu.memory_space<semaphore_mem>>)
    %add3A_54 = arith.constant 5 : i32
    %add3A_55 = arith.addi %mul3A_4, %add3A_54 : i32
    %dma_start3A_56 = arith.constant 0 : i32
    %dma_start3A_57 = arith.constant 0 : i32
    %dma_start3A_58 = tpu.memref_slice %arg3[%add3A_55, %dma_start3A_56, %dma_start3A_57] : memref<5120x2x64xi32, #tpu.memory_space<hbm>> -> memref<1x2x64xi32, #tpu.memory_space<hbm>>
    %dma_start3A_59 = tpu.memref_squeeze %dma_start3A_58 : memref<1x2x64xi32, #tpu.memory_space<hbm>> -> memref<2x64xi32, #tpu.memory_space<hbm>>
    %dma_start3A_60 = arith.constant 0 : i32
    %dma_start3A_61 = arith.constant 0 : i32
    %dma_start3A_62 = tpu.memref_slice %arg3[%add3A_55, %dma_start3A_60, %dma_start3A_61] : memref<5120x2x64xi32, #tpu.memory_space<hbm>> -> memref<1x2x64xi32, #tpu.memory_space<hbm>>
    %dma_start3A_63 = tpu.memref_squeeze %dma_start3A_62 : memref<1x2x64xi32, #tpu.memory_space<hbm>> -> memref<2x64xi32, #tpu.memory_space<hbm>>
    tpu.enqueue_dma source(%dma_start3A_63 : memref<2x64xi32, #tpu.memory_space<hbm>>) target(%arg11 : memref<2x64xi32, #tpu.memory_space<vmem>>) target_semaphore(%arg24 : memref<!tpu.dma_semaphore, #tpu.memory_space<semaphore_mem>>)
    %add3A_64 = arith.constant 6 : i32
    %add3A_65 = arith.addi %mul3A_4, %add3A_64 : i32
    %dma_start3A_66 = arith.constant 0 : i32
    %dma_start3A_67 = arith.constant 0 : i32
    %dma_start3A_68 = tpu.memref_slice %arg3[%add3A_65, %dma_start3A_66, %dma_start3A_67] : memref<5120x2x64xi32, #tpu.memory_space<hbm>> -> memref<1x2x64xi32, #tpu.memory_space<hbm>>
    %dma_start3A_69 = tpu.memref_squeeze %dma_start3A_68 : memref<1x2x64xi32, #tpu.memory_space<hbm>> -> memref<2x64xi32, #tpu.memory_space<hbm>>
    %dma_start3A_70 = arith.constant 0 : i32
    %dma_start3A_71 = arith.constant 0 : i32
    %dma_start3A_72 = tpu.memref_slice %arg3[%add3A_65, %dma_start3A_70, %dma_start3A_71] : memref<5120x2x64xi32, #tpu.memory_space<hbm>> -> memref<1x2x64xi32, #tpu.memory_space<hbm>>
    %dma_start3A_73 = tpu.memref_squeeze %dma_start3A_72 : memref<1x2x64xi32, #tpu.memory_space<hbm>> -> memref<2x64xi32, #tpu.memory_space<hbm>>
    tpu.enqueue_dma source(%dma_start3A_73 : memref<2x64xi32, #tpu.memory_space<hbm>>) target(%arg12 : memref<2x64xi32, #tpu.memory_space<vmem>>) target_semaphore(%arg25 : memref<!tpu.dma_semaphore, #tpu.memory_space<semaphore_mem>>)
    %add3A_74 = arith.constant 7 : i32
    %add3A_75 = arith.addi %mul3A_4, %add3A_74 : i32
    %dma_start3A_76 = arith.constant 0 : i32
    %dma_start3A_77 = arith.constant 0 : i32
    %dma_start3A_78 = tpu.memref_slice %arg3[%add3A_75, %dma_start3A_76, %dma_start3A_77] : memref<5120x2x64xi32, #tpu.memory_space<hbm>> -> memref<1x2x64xi32, #tpu.memory_space<hbm>>
    %dma_start3A_79 = tpu.memref_squeeze %dma_start3A_78 : memref<1x2x64xi32, #tpu.memory_space<hbm>> -> memref<2x64xi32, #tpu.memory_space<hbm>>
    %dma_start3A_80 = arith.constant 0 : i32
    %dma_start3A_81 = arith.constant 0 : i32
    %dma_start3A_82 = tpu.memref_slice %arg3[%add3A_75, %dma_start3A_80, %dma_start3A_81] : memref<5120x2x64xi32, #tpu.memory_space<hbm>> -> memref<1x2x64xi32, #tpu.memory_space<hbm>>
    %dma_start3A_83 = tpu.memref_squeeze %dma_start3A_82 : memref<1x2x64xi32, #tpu.memory_space<hbm>> -> memref<2x64xi32, #tpu.memory_space<hbm>>
    tpu.enqueue_dma source(%dma_start3A_83 : memref<2x64xi32, #tpu.memory_space<hbm>>) target(%arg13 : memref<2x64xi32, #tpu.memory_space<vmem>>) target_semaphore(%arg26 : memref<!tpu.dma_semaphore, #tpu.memory_space<semaphore_mem>>)
    %add3A_84 = arith.constant 0 : i32
    %add3A_85 = arith.addi %mul3A_4, %add3A_84 : i32
    %dma_wait3A = arith.constant 0 : i32
    %dma_wait3A_86 = arith.constant 0 : i32
    %dma_wait3A_87 = tpu.memref_slice %arg3[%add3A_85, %dma_wait3A, %dma_wait3A_86] : memref<5120x2x64xi32, #tpu.memory_space<hbm>> -> memref<1x2x64xi32, #tpu.memory_space<hbm>>
    %dma_wait3A_88 = tpu.memref_squeeze %dma_wait3A_87 : memref<1x2x64xi32, #tpu.memory_space<hbm>> -> memref<2x64xi32, #tpu.memory_space<hbm>>
    %dma_wait3A_89 = arith.constant 0 : i32
    %dma_wait3A_90 = arith.constant 0 : i32
    %dma_wait3A_91 = tpu.memref_slice %arg3[%add3A_85, %dma_wait3A_89, %dma_wait3A_90] : memref<5120x2x64xi32, #tpu.memory_space<hbm>> -> memref<1x2x64xi32, #tpu.memory_space<hbm>>
    %dma_wait3A_92 = tpu.memref_squeeze %dma_wait3A_91 : memref<1x2x64xi32, #tpu.memory_space<hbm>> -> memref<2x64xi32, #tpu.memory_space<hbm>>
    tpu.wait_dma2 semaphore(%arg19 : memref<!tpu.dma_semaphore, #tpu.memory_space<semaphore_mem>>) src(%dma_wait3A_92 : memref<2x64xi32, #tpu.memory_space<hbm>>) dst(%arg6 : memref<2x64xi32, #tpu.memory_space<vmem>>)
    %dma_start3A_93 = arith.constant 0 : i32
    %dma_start3A_94 = arith.constant 0 : i32
    %dma_start3A_95 = tpu.memref_slice %arg6[%dma_start3A_93, %dma_start3A_94] : memref<2x64xi32, #tpu.memory_space<vmem>> -> memref<1x64xi32, #tpu.memory_space<vmem>>
    %dma_start3A_96 = tpu.memref_squeeze %dma_start3A_95 : memref<1x64xi32, #tpu.memory_space<vmem>> -> memref<64xi32, #tpu.memory_space<vmem>>
    %dma_start3A_97 = arith.constant 0 : i32
    %dma_start3A_98 = arith.constant 0 : i32
    %dma_start3A_99 = tpu.memref_slice %arg2[%dma_start3A_97, %dma_start3A_98] : memref<10000x128xf32, #tpu.memory_space<hbm>> -> memref<10000x128xf32, #tpu.memory_space<hbm>>
    tpu.enqueue_indirect_dma source(%dma_start3A_99 : memref<10000x128xf32, #tpu.memory_space<hbm>>) target(%arg14 : memref<64x128xf32, #tpu.memory_space<vmem>>) offsets(%dma_start3A_96 : memref<64xi32, #tpu.memory_space<vmem>>) semaphore(%arg27 : memref<!tpu.dma_semaphore, #tpu.memory_space<semaphore_mem>>)
    %add3A_100 = arith.constant 1 : i32
    %add3A_101 = arith.addi %mul3A_4, %add3A_100 : i32
    %dma_wait3A_102 = arith.constant 0 : i32
    %dma_wait3A_103 = arith.constant 0 : i32
    %dma_wait3A_104 = tpu.memref_slice %arg3[%add3A_101, %dma_wait3A_102, %dma_wait3A_103] : memref<5120x2x64xi32, #tpu.memory_space<hbm>> -> memref<1x2x64xi32, #tpu.memory_space<hbm>>
    %dma_wait3A_105 = tpu.memref_squeeze %dma_wait3A_104 : memref<1x2x64xi32, #tpu.memory_space<hbm>> -> memref<2x64xi32, #tpu.memory_space<hbm>>
    %dma_wait3A_106 = arith.constant 0 : i32
    %dma_wait3A_107 = arith.constant 0 : i32
    %dma_wait3A_108 = tpu.memref_slice %arg3[%add3A_101, %dma_wait3A_106, %dma_wait3A_107] : memref<5120x2x64xi32, #tpu.memory_space<hbm>> -> memref<1x2x64xi32, #tpu.memory_space<hbm>>
    %dma_wait3A_109 = tpu.memref_squeeze %dma_wait3A_108 : memref<1x2x64xi32, #tpu.memory_space<hbm>> -> memref<2x64xi32, #tpu.memory_space<hbm>>
    tpu.wait_dma2 semaphore(%arg20 : memref<!tpu.dma_semaphore, #tpu.memory_space<semaphore_mem>>) src(%dma_wait3A_109 : memref<2x64xi32, #tpu.memory_space<hbm>>) dst(%arg7 : memref<2x64xi32, #tpu.memory_space<vmem>>)
    %dma_start3A_110 = arith.constant 0 : i32
    %dma_start3A_111 = arith.constant 0 : i32
    %dma_start3A_112 = tpu.memref_slice %arg7[%dma_start3A_110, %dma_start3A_111] : memref<2x64xi32, #tpu.memory_space<vmem>> -> memref<1x64xi32, #tpu.memory_space<vmem>>
    %dma_start3A_113 = tpu.memref_squeeze %dma_start3A_112 : memref<1x64xi32, #tpu.memory_space<vmem>> -> memref<64xi32, #tpu.memory_space<vmem>>
    %dma_start3A_114 = arith.constant 0 : i32
    %dma_start3A_115 = arith.constant 0 : i32
    %dma_start3A_116 = tpu.memref_slice %arg2[%dma_start3A_114, %dma_start3A_115] : memref<10000x128xf32, #tpu.memory_space<hbm>> -> memref<10000x128xf32, #tpu.memory_space<hbm>>
    tpu.enqueue_indirect_dma source(%dma_start3A_116 : memref<10000x128xf32, #tpu.memory_space<hbm>>) target(%arg15 : memref<64x128xf32, #tpu.memory_space<vmem>>) offsets(%dma_start3A_113 : memref<64xi32, #tpu.memory_space<vmem>>) semaphore(%arg28 : memref<!tpu.dma_semaphore, #tpu.memory_space<semaphore_mem>>)
    %add3A_117 = arith.constant 2 : i32
    %add3A_118 = arith.addi %mul3A_4, %add3A_117 : i32
    %dma_wait3A_119 = arith.constant 0 : i32
    %dma_wait3A_120 = arith.constant 0 : i32
    %dma_wait3A_121 = tpu.memref_slice %arg3[%add3A_118, %dma_wait3A_119, %dma_wait3A_120] : memref<5120x2x64xi32, #tpu.memory_space<hbm>> -> memref<1x2x64xi32, #tpu.memory_space<hbm>>
    %dma_wait3A_122 = tpu.memref_squeeze %dma_wait3A_121 : memref<1x2x64xi32, #tpu.memory_space<hbm>> -> memref<2x64xi32, #tpu.memory_space<hbm>>
    %dma_wait3A_123 = arith.constant 0 : i32
    %dma_wait3A_124 = arith.constant 0 : i32
    %dma_wait3A_125 = tpu.memref_slice %arg3[%add3A_118, %dma_wait3A_123, %dma_wait3A_124] : memref<5120x2x64xi32, #tpu.memory_space<hbm>> -> memref<1x2x64xi32, #tpu.memory_space<hbm>>
    %dma_wait3A_126 = tpu.memref_squeeze %dma_wait3A_125 : memref<1x2x64xi32, #tpu.memory_space<hbm>> -> memref<2x64xi32, #tpu.memory_space<hbm>>
    tpu.wait_dma2 semaphore(%arg21 : memref<!tpu.dma_semaphore, #tpu.memory_space<semaphore_mem>>) src(%dma_wait3A_126 : memref<2x64xi32, #tpu.memory_space<hbm>>) dst(%arg8 : memref<2x64xi32, #tpu.memory_space<vmem>>)
    %dma_start3A_127 = arith.constant 0 : i32
    %dma_start3A_128 = arith.constant 0 : i32
    %dma_start3A_129 = tpu.memref_slice %arg8[%dma_start3A_127, %dma_start3A_128] : memref<2x64xi32, #tpu.memory_space<vmem>> -> memref<1x64xi32, #tpu.memory_space<vmem>>
    %dma_start3A_130 = tpu.memref_squeeze %dma_start3A_129 : memref<1x64xi32, #tpu.memory_space<vmem>> -> memref<64xi32, #tpu.memory_space<vmem>>
    %dma_start3A_131 = arith.constant 0 : i32
    %dma_start3A_132 = arith.constant 0 : i32
    %dma_start3A_133 = tpu.memref_slice %arg2[%dma_start3A_131, %dma_start3A_132] : memref<10000x128xf32, #tpu.memory_space<hbm>> -> memref<10000x128xf32, #tpu.memory_space<hbm>>
    tpu.enqueue_indirect_dma source(%dma_start3A_133 : memref<10000x128xf32, #tpu.memory_space<hbm>>) target(%arg16 : memref<64x128xf32, #tpu.memory_space<vmem>>) offsets(%dma_start3A_130 : memref<64xi32, #tpu.memory_space<vmem>>) semaphore(%arg29 : memref<!tpu.dma_semaphore, #tpu.memory_space<semaphore_mem>>)
    %add3A_134 = arith.constant 3 : i32
    %add3A_135 = arith.addi %mul3A_4, %add3A_134 : i32
    %dma_wait3A_136 = arith.constant 0 : i32
    %dma_wait3A_137 = arith.constant 0 : i32
    %dma_wait3A_138 = tpu.memref_slice %arg3[%add3A_135, %dma_wait3A_136, %dma_wait3A_137] : memref<5120x2x64xi32, #tpu.memory_space<hbm>> -> memref<1x2x64xi32, #tpu.memory_space<hbm>>
    %dma_wait3A_139 = tpu.memref_squeeze %dma_wait3A_138 : memref<1x2x64xi32, #tpu.memory_space<hbm>> -> memref<2x64xi32, #tpu.memory_space<hbm>>
    %dma_wait3A_140 = arith.constant 0 : i32
    %dma_wait3A_141 = arith.constant 0 : i32
    %dma_wait3A_142 = tpu.memref_slice %arg3[%add3A_135, %dma_wait3A_140, %dma_wait3A_141] : memref<5120x2x64xi32, #tpu.memory_space<hbm>> -> memref<1x2x64xi32, #tpu.memory_space<hbm>>
    %dma_wait3A_143 = tpu.memref_squeeze %dma_wait3A_142 : memref<1x2x64xi32, #tpu.memory_space<hbm>> -> memref<2x64xi32, #tpu.memory_space<hbm>>
    tpu.wait_dma2 semaphore(%arg22 : memref<!tpu.dma_semaphore, #tpu.memory_space<semaphore_mem>>) src(%dma_wait3A_143 : memref<2x64xi32, #tpu.memory_space<hbm>>) dst(%arg9 : memref<2x64xi32, #tpu.memory_space<vmem>>)
    %dma_start3A_144 = arith.constant 0 : i32
    %dma_start3A_145 = arith.constant 0 : i32
    %dma_start3A_146 = tpu.memref_slice %arg9[%dma_start3A_144, %dma_start3A_145] : memref<2x64xi32, #tpu.memory_space<vmem>> -> memref<1x64xi32, #tpu.memory_space<vmem>>
    %dma_start3A_147 = tpu.memref_squeeze %dma_start3A_146 : memref<1x64xi32, #tpu.memory_space<vmem>> -> memref<64xi32, #tpu.memory_space<vmem>>
    %dma_start3A_148 = arith.constant 0 : i32
    %dma_start3A_149 = arith.constant 0 : i32
    %dma_start3A_150 = tpu.memref_slice %arg2[%dma_start3A_148, %dma_start3A_149] : memref<10000x128xf32, #tpu.memory_space<hbm>> -> memref<10000x128xf32, #tpu.memory_space<hbm>>
    tpu.enqueue_indirect_dma source(%dma_start3A_150 : memref<10000x128xf32, #tpu.memory_space<hbm>>) target(%arg17 : memref<64x128xf32, #tpu.memory_space<vmem>>) offsets(%dma_start3A_147 : memref<64xi32, #tpu.memory_space<vmem>>) semaphore(%arg30 : memref<!tpu.dma_semaphore, #tpu.memory_space<semaphore_mem>>)
    "tpu.region"() ({
      %run_scoped3A = tpu.sem_alloc : memref<!tpu.dma_semaphore, #tpu.memory_space<semaphore_mem>>
      %dma_start3A_159 = arith.constant 0 : i32
      %dma_start3A_160 = tpu.memref_slice %arg18[%mul3A_2, %dma_start3A_159] : memref<10240x128xf32, #tpu.memory_space<vmem_shared>> -> memref<640x128xf32, #tpu.memory_space<vmem_shared>>
      tpu.enqueue_dma source(%arg4 : memref<640x128xf32, #tpu.memory_space<hbm>>) target(%dma_start3A_160 : memref<640x128xf32, #tpu.memory_space<vmem_shared>>) target_semaphore(%run_scoped3A : memref<!tpu.dma_semaphore, #tpu.memory_space<semaphore_mem>>)
      %dma_wait3A_161 = arith.constant 0 : i32
      %dma_wait3A_162 = tpu.memref_slice %arg18[%mul3A_2, %dma_wait3A_161] : memref<10240x128xf32, #tpu.memory_space<vmem_shared>> -> memref<640x128xf32, #tpu.memory_space<vmem_shared>>
      tpu.wait_dma2 semaphore(%run_scoped3A : memref<!tpu.dma_semaphore, #tpu.memory_space<semaphore_mem>>) src(%arg4 : memref<640x128xf32, #tpu.memory_space<hbm>>) dst(%dma_wait3A_162 : memref<640x128xf32, #tpu.memory_space<vmem_shared>>)
      tpu.yield
    }) : () -> ()
    %barrier3A = arith.constant 0 : index
    tpu.barrier barrier_id(%barrier3A)
    %scan3A = arith.constant 0 : i32
    %scan3A_151 = arith.constant 20 : i32
    %scan3A_152 = arith.addi %scan3A, %scan3A_151 : i32
    %scan3A_153 = arith.constant 1 : i32
    scf.for %scan3A_159 = %scan3A to %scan3A_152 step %scan3A_153  : i32 {
      %mul3A_160 = arith.constant 1 : i32
      %mul3A_161 = arith.muli %scan3A_159, %mul3A_160 : i32
      %add3A_162 = arith.constant 0 : i32
      %add3A_163 = arith.addi %add3A_162, %mul3A_161 : i32
      %mul3A_164 = arith.constant 8 : i32
      %mul3A_165 = arith.muli %add3A_163, %mul3A_164 : i32
      %add3A_166 = arith.constant 0 : i32
      %add3A_167 = arith.addi %mul3A_165, %add3A_166 : i32
      %dma_wait3A_168 = arith.constant 0 : i32
      %dma_wait3A_169 = arith.constant 0 : i32
      %dma_wait3A_170 = tpu.memref_slice %arg6[%dma_wait3A_168, %dma_wait3A_169] : memref<2x64xi32, #tpu.memory_space<vmem>> -> memref<1x64xi32, #tpu.memory_space<vmem>>
      %dma_wait3A_171 = tpu.memref_squeeze %dma_wait3A_170 : memref<1x64xi32, #tpu.memory_space<vmem>> -> memref<64xi32, #tpu.memory_space<vmem>>
      %dma_wait3A_172 = arith.constant 0 : i32
      %dma_wait3A_173 = arith.constant 0 : i32
      %dma_wait3A_174 = tpu.memref_slice %arg2[%dma_wait3A_172, %dma_wait3A_173] : memref<10000x128xf32, #tpu.memory_space<hbm>> -> memref<10000x128xf32, #tpu.memory_space<hbm>>
      tpu.wait_indirect_dma semaphore(%arg27 : memref<!tpu.dma_semaphore, #tpu.memory_space<semaphore_mem>>) src(%dma_wait3A_174 : memref<10000x128xf32, #tpu.memory_space<hbm>>) dst(%arg14 : memref<64x128xf32, #tpu.memory_space<vmem>>)
      %dma_start3A_175 = arith.constant 1 : i32
      %dma_start3A_176 = arith.constant 0 : i32
      %dma_start3A_177 = tpu.memref_slice %arg6[%dma_start3A_175, %dma_start3A_176] : memref<2x64xi32, #tpu.memory_space<vmem>> -> memref<1x64xi32, #tpu.memory_space<vmem>>
      %dma_start3A_178 = tpu.memref_squeeze %dma_start3A_177 : memref<1x64xi32, #tpu.memory_space<vmem>> -> memref<64xi32, #tpu.memory_space<vmem>>
      %dma_start3A_179 = arith.constant 0 : i32
      %dma_start3A_180 = arith.constant 0 : i32
      %dma_start3A_181 = tpu.memref_slice %arg18[%dma_start3A_179, %dma_start3A_180] : memref<10240x128xf32, #tpu.memory_space<vmem_shared>> -> memref<10240x128xf32, #tpu.memory_space<vmem_shared>>
      tpu.enqueue_indirect_dma source(%arg14 : memref<64x128xf32, #tpu.memory_space<vmem>>) target(%dma_start3A_181 : memref<10240x128xf32, #tpu.memory_space<vmem_shared>>) offsets(%dma_start3A_178 : memref<64xi32, #tpu.memory_space<vmem>>) semaphore(%arg31 : memref<!tpu.dma_semaphore, #tpu.memory_space<semaphore_mem>>) {add = true}
      %add3A_182 = arith.constant 1 : i32
      %add3A_183 = arith.addi %mul3A_165, %add3A_182 : i32
      %dma_wait3A_184 = arith.constant 0 : i32
      %dma_wait3A_185 = arith.constant 0 : i32
      %dma_wait3A_186 = tpu.memref_slice %arg7[%dma_wait3A_184, %dma_wait3A_185] : memref<2x64xi32, #tpu.memory_space<vmem>> -> memref<1x64xi32, #tpu.memory_space<vmem>>
      %dma_wait3A_187 = tpu.memref_squeeze %dma_wait3A_186 : memref<1x64xi32, #tpu.memory_space<vmem>> -> memref<64xi32, #tpu.memory_space<vmem>>
      %dma_wait3A_188 = arith.constant 0 : i32
      %dma_wait3A_189 = arith.constant 0 : i32
      %dma_wait3A_190 = tpu.memref_slice %arg2[%dma_wait3A_188, %dma_wait3A_189] : memref<10000x128xf32, #tpu.memory_space<hbm>> -> memref<10000x128xf32, #tpu.memory_space<hbm>>
      tpu.wait_indirect_dma semaphore(%arg28 : memref<!tpu.dma_semaphore, #tpu.memory_space<semaphore_mem>>) src(%dma_wait3A_190 : memref<10000x128xf32, #tpu.memory_space<hbm>>) dst(%arg15 : memref<64x128xf32, #tpu.memory_space<vmem>>)
      %dma_start3A_191 = arith.constant 1 : i32
      %dma_start3A_192 = arith.constant 0 : i32
      %dma_start3A_193 = tpu.memref_slice %arg7[%dma_start3A_191, %dma_start3A_192] : memref<2x64xi32, #tpu.memory_space<vmem>> -> memref<1x64xi32, #tpu.memory_space<vmem>>
      %dma_start3A_194 = tpu.memref_squeeze %dma_start3A_193 : memref<1x64xi32, #tpu.memory_space<vmem>> -> memref<64xi32, #tpu.memory_space<vmem>>
      %dma_start3A_195 = arith.constant 0 : i32
      %dma_start3A_196 = arith.constant 0 : i32
      %dma_start3A_197 = tpu.memref_slice %arg18[%dma_start3A_195, %dma_start3A_196] : memref<10240x128xf32, #tpu.memory_space<vmem_shared>> -> memref<10240x128xf32, #tpu.memory_space<vmem_shared>>
      tpu.enqueue_indirect_dma source(%arg15 : memref<64x128xf32, #tpu.memory_space<vmem>>) target(%dma_start3A_197 : memref<10240x128xf32, #tpu.memory_space<vmem_shared>>) offsets(%dma_start3A_194 : memref<64xi32, #tpu.memory_space<vmem>>) semaphore(%arg32 : memref<!tpu.dma_semaphore, #tpu.memory_space<semaphore_mem>>) {add = true}
      %add3A_198 = arith.constant 2 : i32
      %add3A_199 = arith.addi %mul3A_165, %add3A_198 : i32
      %dma_wait3A_200 = arith.constant 0 : i32
      %dma_wait3A_201 = arith.constant 0 : i32
      %dma_wait3A_202 = tpu.memref_slice %arg8[%dma_wait3A_200, %dma_wait3A_201] : memref<2x64xi32, #tpu.memory_space<vmem>> -> memref<1x64xi32, #tpu.memory_space<vmem>>
      %dma_wait3A_203 = tpu.memref_squeeze %dma_wait3A_202 : memref<1x64xi32, #tpu.memory_space<vmem>> -> memref<64xi32, #tpu.memory_space<vmem>>
      %dma_wait3A_204 = arith.constant 0 : i32
      %dma_wait3A_205 = arith.constant 0 : i32
      %dma_wait3A_206 = tpu.memref_slice %arg2[%dma_wait3A_204, %dma_wait3A_205] : memref<10000x128xf32, #tpu.memory_space<hbm>> -> memref<10000x128xf32, #tpu.memory_space<hbm>>
      tpu.wait_indirect_dma semaphore(%arg29 : memref<!tpu.dma_semaphore, #tpu.memory_space<semaphore_mem>>) src(%dma_wait3A_206 : memref<10000x128xf32, #tpu.memory_space<hbm>>) dst(%arg16 : memref<64x128xf32, #tpu.memory_space<vmem>>)
      %dma_start3A_207 = arith.constant 1 : i32
      %dma_start3A_208 = arith.constant 0 : i32
      %dma_start3A_209 = tpu.memref_slice %arg8[%dma_start3A_207, %dma_start3A_208] : memref<2x64xi32, #tpu.memory_space<vmem>> -> memref<1x64xi32, #tpu.memory_space<vmem>>
      %dma_start3A_210 = tpu.memref_squeeze %dma_start3A_209 : memref<1x64xi32, #tpu.memory_space<vmem>> -> memref<64xi32, #tpu.memory_space<vmem>>
      %dma_start3A_211 = arith.constant 0 : i32
      %dma_start3A_212 = arith.constant 0 : i32
      %dma_start3A_213 = tpu.memref_slice %arg18[%dma_start3A_211, %dma_start3A_212] : memref<10240x128xf32, #tpu.memory_space<vmem_shared>> -> memref<10240x128xf32, #tpu.memory_space<vmem_shared>>
      tpu.enqueue_indirect_dma source(%arg16 : memref<64x128xf32, #tpu.memory_space<vmem>>) target(%dma_start3A_213 : memref<10240x128xf32, #tpu.memory_space<vmem_shared>>) offsets(%dma_start3A_210 : memref<64xi32, #tpu.memory_space<vmem>>) semaphore(%arg33 : memref<!tpu.dma_semaphore, #tpu.memory_space<semaphore_mem>>) {add = true}
      %add3A_214 = arith.constant 3 : i32
      %add3A_215 = arith.addi %mul3A_165, %add3A_214 : i32
      %dma_wait3A_216 = arith.constant 0 : i32
      %dma_wait3A_217 = arith.constant 0 : i32
      %dma_wait3A_218 = tpu.memref_slice %arg9[%dma_wait3A_216, %dma_wait3A_217] : memref<2x64xi32, #tpu.memory_space<vmem>> -> memref<1x64xi32, #tpu.memory_space<vmem>>
      %dma_wait3A_219 = tpu.memref_squeeze %dma_wait3A_218 : memref<1x64xi32, #tpu.memory_space<vmem>> -> memref<64xi32, #tpu.memory_space<vmem>>
      %dma_wait3A_220 = arith.constant 0 : i32
      %dma_wait3A_221 = arith.constant 0 : i32
      %dma_wait3A_222 = tpu.memref_slice %arg2[%dma_wait3A_220, %dma_wait3A_221] : memref<10000x128xf32, #tpu.memory_space<hbm>> -> memref<10000x128xf32, #tpu.memory_space<hbm>>
      tpu.wait_indirect_dma semaphore(%arg30 : memref<!tpu.dma_semaphore, #tpu.memory_space<semaphore_mem>>) src(%dma_wait3A_222 : memref<10000x128xf32, #tpu.memory_space<hbm>>) dst(%arg17 : memref<64x128xf32, #tpu.memory_space<vmem>>)
      %dma_start3A_223 = arith.constant 1 : i32
      %dma_start3A_224 = arith.constant 0 : i32
      %dma_start3A_225 = tpu.memref_slice %arg9[%dma_start3A_223, %dma_start3A_224] : memref<2x64xi32, #tpu.memory_space<vmem>> -> memref<1x64xi32, #tpu.memory_space<vmem>>
      %dma_start3A_226 = tpu.memref_squeeze %dma_start3A_225 : memref<1x64xi32, #tpu.memory_space<vmem>> -> memref<64xi32, #tpu.memory_space<vmem>>
      %dma_start3A_227 = arith.constant 0 : i32
      %dma_start3A_228 = arith.constant 0 : i32
      %dma_start3A_229 = tpu.memref_slice %arg18[%dma_start3A_227, %dma_start3A_228] : memref<10240x128xf32, #tpu.memory_space<vmem_shared>> -> memref<10240x128xf32, #tpu.memory_space<vmem_shared>>
      tpu.enqueue_indirect_dma source(%arg17 : memref<64x128xf32, #tpu.memory_space<vmem>>) target(%dma_start3A_229 : memref<10240x128xf32, #tpu.memory_space<vmem_shared>>) offsets(%dma_start3A_226 : memref<64xi32, #tpu.memory_space<vmem>>) semaphore(%arg34 : memref<!tpu.dma_semaphore, #tpu.memory_space<semaphore_mem>>) {add = true}
      %add3A_230 = arith.constant 0 : i32
      %add3A_231 = arith.addi %mul3A_165, %add3A_230 : i32
      %dma_wait3A_232 = arith.constant 1 : i32
      %dma_wait3A_233 = arith.constant 0 : i32
      %dma_wait3A_234 = tpu.memref_slice %arg6[%dma_wait3A_232, %dma_wait3A_233] : memref<2x64xi32, #tpu.memory_space<vmem>> -> memref<1x64xi32, #tpu.memory_space<vmem>>
      %dma_wait3A_235 = tpu.memref_squeeze %dma_wait3A_234 : memref<1x64xi32, #tpu.memory_space<vmem>> -> memref<64xi32, #tpu.memory_space<vmem>>
      %dma_wait3A_236 = arith.constant 0 : i32
      %dma_wait3A_237 = arith.constant 0 : i32
      %dma_wait3A_238 = tpu.memref_slice %arg18[%dma_wait3A_236, %dma_wait3A_237] : memref<10240x128xf32, #tpu.memory_space<vmem_shared>> -> memref<10240x128xf32, #tpu.memory_space<vmem_shared>>
      tpu.wait_indirect_dma semaphore(%arg31 : memref<!tpu.dma_semaphore, #tpu.memory_space<semaphore_mem>>) src(%arg14 : memref<64x128xf32, #tpu.memory_space<vmem>>) dst(%dma_wait3A_238 : memref<10240x128xf32, #tpu.memory_space<vmem_shared>>)
      %add3A_239 = arith.constant 8 : i32
      %add3A_240 = arith.addi %add3A_231, %add3A_239 : i32
      %lt3A = arith.constant 160 : i32
      %lt3A_241 = arith.cmpi slt, %add3A_240, %lt3A : i32
      %convert_element_type3A = arith.extui %lt3A_241 : i1 to i32
      %cond3A = arith.constant 0 : i32
      %cond3A_242 = arith.cmpi ne, %convert_element_type3A, %cond3A : i32
      scf.if %cond3A_242 {
        %add3A_527 = arith.addi %mul3A_4, %add3A_231 : i32
        %add3A_528 = arith.constant 8 : i32
        %add3A_529 = arith.addi %add3A_527, %add3A_528 : i32
        %dma_start3A_530 = arith.constant 0 : i32
        %dma_start3A_531 = arith.constant 0 : i32
        %dma_start3A_532 = tpu.memref_slice %arg3[%add3A_529, %dma_start3A_530, %dma_start3A_531] : memref<5120x2x64xi32, #tpu.memory_space<hbm>> -> memref<1x2x64xi32, #tpu.memory_space<hbm>>
        %dma_start3A_533 = tpu.memref_squeeze %dma_start3A_532 : memref<1x2x64xi32, #tpu.memory_space<hbm>> -> memref<2x64xi32, #tpu.memory_space<hbm>>
        %dma_start3A_534 = arith.constant 0 : i32
        %dma_start3A_535 = arith.constant 0 : i32
        %dma_start3A_536 = tpu.memref_slice %arg3[%add3A_529, %dma_start3A_534, %dma_start3A_535] : memref<5120x2x64xi32, #tpu.memory_space<hbm>> -> memref<1x2x64xi32, #tpu.memory_space<hbm>>
        %dma_start3A_537 = tpu.memref_squeeze %dma_start3A_536 : memref<1x2x64xi32, #tpu.memory_space<hbm>> -> memref<2x64xi32, #tpu.memory_space<hbm>>
        tpu.enqueue_dma source(%dma_start3A_537 : memref<2x64xi32, #tpu.memory_space<hbm>>) target(%arg6 : memref<2x64xi32, #tpu.memory_space<vmem>>) target_semaphore(%arg19 : memref<!tpu.dma_semaphore, #tpu.memory_space<semaphore_mem>>)
      } else {
      }
      %add3A_243 = arith.addi %mul3A_4, %add3A_231 : i32
      %dma_wait3A_244 = arith.constant 0 : i32
      %dma_wait3A_245 = arith.constant 0 : i32
      %dma_wait3A_246 = tpu.memref_slice %arg3[%add3A_243, %dma_wait3A_244, %dma_wait3A_245] : memref<5120x2x64xi32, #tpu.memory_space<hbm>> -> memref<1x2x64xi32, #tpu.memory_space<hbm>>
      %dma_wait3A_247 = tpu.memref_squeeze %dma_wait3A_246 : memref<1x2x64xi32, #tpu.memory_space<hbm>> -> memref<2x64xi32, #tpu.memory_space<hbm>>
      %dma_wait3A_248 = arith.constant 0 : i32
      %dma_wait3A_249 = arith.constant 0 : i32
      %dma_wait3A_250 = tpu.memref_slice %arg3[%add3A_243, %dma_wait3A_248, %dma_wait3A_249] : memref<5120x2x64xi32, #tpu.memory_space<hbm>> -> memref<1x2x64xi32, #tpu.memory_space<hbm>>
      %dma_wait3A_251 = tpu.memref_squeeze %dma_wait3A_250 : memref<1x2x64xi32, #tpu.memory_space<hbm>> -> memref<2x64xi32, #tpu.memory_space<hbm>>
      tpu.wait_dma2 semaphore(%arg23 : memref<!tpu.dma_semaphore, #tpu.memory_space<semaphore_mem>>) src(%dma_wait3A_251 : memref<2x64xi32, #tpu.memory_space<hbm>>) dst(%arg10 : memref<2x64xi32, #tpu.memory_space<vmem>>)
      %dma_start3A_252 = arith.constant 0 : i32
      %dma_start3A_253 = arith.constant 0 : i32
      %dma_start3A_254 = tpu.memref_slice %arg10[%dma_start3A_252, %dma_start3A_253] : memref<2x64xi32, #tpu.memory_space<vmem>> -> memref<1x64xi32, #tpu.memory_space<vmem>>
      %dma_start3A_255 = tpu.memref_squeeze %dma_start3A_254 : memref<1x64xi32, #tpu.memory_space<vmem>> -> memref<64xi32, #tpu.memory_space<vmem>>
      %dma_start3A_256 = arith.constant 0 : i32
      %dma_start3A_257 = arith.constant 0 : i32
      %dma_start3A_258 = tpu.memref_slice %arg2[%dma_start3A_256, %dma_start3A_257] : memref<10000x128xf32, #tpu.memory_space<hbm>> -> memref<10000x128xf32, #tpu.memory_space<hbm>>
      tpu.enqueue_indirect_dma source(%dma_start3A_258 : memref<10000x128xf32, #tpu.memory_space<hbm>>) target(%arg14 : memref<64x128xf32, #tpu.memory_space<vmem>>) offsets(%dma_start3A_255 : memref<64xi32, #tpu.memory_space<vmem>>) semaphore(%arg27 : memref<!tpu.dma_semaphore, #tpu.memory_space<semaphore_mem>>)
      %add3A_259 = arith.constant 1 : i32
      %add3A_260 = arith.addi %mul3A_165, %add3A_259 : i32
      %dma_wait3A_261 = arith.constant 1 : i32
      %dma_wait3A_262 = arith.constant 0 : i32
      %dma_wait3A_263 = tpu.memref_slice %arg7[%dma_wait3A_261, %dma_wait3A_262] : memref<2x64xi32, #tpu.memory_space<vmem>> -> memref<1x64xi32, #tpu.memory_space<vmem>>
      %dma_wait3A_264 = tpu.memref_squeeze %dma_wait3A_263 : memref<1x64xi32, #tpu.memory_space<vmem>> -> memref<64xi32, #tpu.memory_space<vmem>>
      %dma_wait3A_265 = arith.constant 0 : i32
      %dma_wait3A_266 = arith.constant 0 : i32
      %dma_wait3A_267 = tpu.memref_slice %arg18[%dma_wait3A_265, %dma_wait3A_266] : memref<10240x128xf32, #tpu.memory_space<vmem_shared>> -> memref<10240x128xf32, #tpu.memory_space<vmem_shared>>
      tpu.wait_indirect_dma semaphore(%arg32 : memref<!tpu.dma_semaphore, #tpu.memory_space<semaphore_mem>>) src(%arg15 : memref<64x128xf32, #tpu.memory_space<vmem>>) dst(%dma_wait3A_267 : memref<10240x128xf32, #tpu.memory_space<vmem_shared>>)
      %add3A_268 = arith.constant 8 : i32
      %add3A_269 = arith.addi %add3A_260, %add3A_268 : i32
      %lt3A_270 = arith.constant 160 : i32
      %lt3A_271 = arith.cmpi slt, %add3A_269, %lt3A_270 : i32
      %convert_element_type3A_272 = arith.extui %lt3A_271 : i1 to i32
      %cond3A_273 = arith.constant 0 : i32
      %cond3A_274 = arith.cmpi ne, %convert_element_type3A_272, %cond3A_273 : i32
      scf.if %cond3A_274 {
        %add3A_527 = arith.addi %mul3A_4, %add3A_260 : i32
        %add3A_528 = arith.constant 8 : i32
        %add3A_529 = arith.addi %add3A_527, %add3A_528 : i32
        %dma_start3A_530 = arith.constant 0 : i32
        %dma_start3A_531 = arith.constant 0 : i32
        %dma_start3A_532 = tpu.memref_slice %arg3[%add3A_529, %dma_start3A_530, %dma_start3A_531] : memref<5120x2x64xi32, #tpu.memory_space<hbm>> -> memref<1x2x64xi32, #tpu.memory_space<hbm>>
        %dma_start3A_533 = tpu.memref_squeeze %dma_start3A_532 : memref<1x2x64xi32, #tpu.memory_space<hbm>> -> memref<2x64xi32, #tpu.memory_space<hbm>>
        %dma_start3A_534 = arith.constant 0 : i32
        %dma_start3A_535 = arith.constant 0 : i32
        %dma_start3A_536 = tpu.memref_slice %arg3[%add3A_529, %dma_start3A_534, %dma_start3A_535] : memref<5120x2x64xi32, #tpu.memory_space<hbm>> -> memref<1x2x64xi32, #tpu.memory_space<hbm>>
        %dma_start3A_537 = tpu.memref_squeeze %dma_start3A_536 : memref<1x2x64xi32, #tpu.memory_space<hbm>> -> memref<2x64xi32, #tpu.memory_space<hbm>>
        tpu.enqueue_dma source(%dma_start3A_537 : memref<2x64xi32, #tpu.memory_space<hbm>>) target(%arg7 : memref<2x64xi32, #tpu.memory_space<vmem>>) target_semaphore(%arg20 : memref<!tpu.dma_semaphore, #tpu.memory_space<semaphore_mem>>)
      } else {
      }
      %add3A_275 = arith.addi %mul3A_4, %add3A_260 : i32
      %dma_wait3A_276 = arith.constant 0 : i32
      %dma_wait3A_277 = arith.constant 0 : i32
      %dma_wait3A_278 = tpu.memref_slice %arg3[%add3A_275, %dma_wait3A_276, %dma_wait3A_277] : memref<5120x2x64xi32, #tpu.memory_space<hbm>> -> memref<1x2x64xi32, #tpu.memory_space<hbm>>
      %dma_wait3A_279 = tpu.memref_squeeze %dma_wait3A_278 : memref<1x2x64xi32, #tpu.memory_space<hbm>> -> memref<2x64xi32, #tpu.memory_space<hbm>>
      %dma_wait3A_280 = arith.constant 0 : i32
      %dma_wait3A_281 = arith.constant 0 : i32
      %dma_wait3A_282 = tpu.memref_slice %arg3[%add3A_275, %dma_wait3A_280, %dma_wait3A_281] : memref<5120x2x64xi32, #tpu.memory_space<hbm>> -> memref<1x2x64xi32, #tpu.memory_space<hbm>>
      %dma_wait3A_283 = tpu.memref_squeeze %dma_wait3A_282 : memref<1x2x64xi32, #tpu.memory_space<hbm>> -> memref<2x64xi32, #tpu.memory_space<hbm>>
      tpu.wait_dma2 semaphore(%arg24 : memref<!tpu.dma_semaphore, #tpu.memory_space<semaphore_mem>>) src(%dma_wait3A_283 : memref<2x64xi32, #tpu.memory_space<hbm>>) dst(%arg11 : memref<2x64xi32, #tpu.memory_space<vmem>>)
      %dma_start3A_284 = arith.constant 0 : i32
      %dma_start3A_285 = arith.constant 0 : i32
      %dma_start3A_286 = tpu.memref_slice %arg11[%dma_start3A_284, %dma_start3A_285] : memref<2x64xi32, #tpu.memory_space<vmem>> -> memref<1x64xi32, #tpu.memory_space<vmem>>
      %dma_start3A_287 = tpu.memref_squeeze %dma_start3A_286 : memref<1x64xi32, #tpu.memory_space<vmem>> -> memref<64xi32, #tpu.memory_space<vmem>>
      %dma_start3A_288 = arith.constant 0 : i32
      %dma_start3A_289 = arith.constant 0 : i32
      %dma_start3A_290 = tpu.memref_slice %arg2[%dma_start3A_288, %dma_start3A_289] : memref<10000x128xf32, #tpu.memory_space<hbm>> -> memref<10000x128xf32, #tpu.memory_space<hbm>>
      tpu.enqueue_indirect_dma source(%dma_start3A_290 : memref<10000x128xf32, #tpu.memory_space<hbm>>) target(%arg15 : memref<64x128xf32, #tpu.memory_space<vmem>>) offsets(%dma_start3A_287 : memref<64xi32, #tpu.memory_space<vmem>>) semaphore(%arg28 : memref<!tpu.dma_semaphore, #tpu.memory_space<semaphore_mem>>)
      %add3A_291 = arith.constant 2 : i32
      %add3A_292 = arith.addi %mul3A_165, %add3A_291 : i32
      %dma_wait3A_293 = arith.constant 1 : i32
      %dma_wait3A_294 = arith.constant 0 : i32
      %dma_wait3A_295 = tpu.memref_slice %arg8[%dma_wait3A_293, %dma_wait3A_294] : memref<2x64xi32, #tpu.memory_space<vmem>> -> memref<1x64xi32, #tpu.memory_space<vmem>>
      %dma_wait3A_296 = tpu.memref_squeeze %dma_wait3A_295 : memref<1x64xi32, #tpu.memory_space<vmem>> -> memref<64xi32, #tpu.memory_space<vmem>>
      %dma_wait3A_297 = arith.constant 0 : i32
      %dma_wait3A_298 = arith.constant 0 : i32
      %dma_wait3A_299 = tpu.memref_slice %arg18[%dma_wait3A_297, %dma_wait3A_298] : memref<10240x128xf32, #tpu.memory_space<vmem_shared>> -> memref<10240x128xf32, #tpu.memory_space<vmem_shared>>
      tpu.wait_indirect_dma semaphore(%arg33 : memref<!tpu.dma_semaphore, #tpu.memory_space<semaphore_mem>>) src(%arg16 : memref<64x128xf32, #tpu.memory_space<vmem>>) dst(%dma_wait3A_299 : memref<10240x128xf32, #tpu.memory_space<vmem_shared>>)
      %add3A_300 = arith.constant 8 : i32
      %add3A_301 = arith.addi %add3A_292, %add3A_300 : i32
      %lt3A_302 = arith.constant 160 : i32
      %lt3A_303 = arith.cmpi slt, %add3A_301, %lt3A_302 : i32
      %convert_element_type3A_304 = arith.extui %lt3A_303 : i1 to i32
      %cond3A_305 = arith.constant 0 : i32
      %cond3A_306 = arith.cmpi ne, %convert_element_type3A_304, %cond3A_305 : i32
      scf.if %cond3A_306 {
        %add3A_527 = arith.addi %mul3A_4, %add3A_292 : i32
        %add3A_528 = arith.constant 8 : i32
        %add3A_529 = arith.addi %add3A_527, %add3A_528 : i32
        %dma_start3A_530 = arith.constant 0 : i32
        %dma_start3A_531 = arith.constant 0 : i32
        %dma_start3A_532 = tpu.memref_slice %arg3[%add3A_529, %dma_start3A_530, %dma_start3A_531] : memref<5120x2x64xi32, #tpu.memory_space<hbm>> -> memref<1x2x64xi32, #tpu.memory_space<hbm>>
        %dma_start3A_533 = tpu.memref_squeeze %dma_start3A_532 : memref<1x2x64xi32, #tpu.memory_space<hbm>> -> memref<2x64xi32, #tpu.memory_space<hbm>>
        %dma_start3A_534 = arith.constant 0 : i32
        %dma_start3A_535 = arith.constant 0 : i32
        %dma_start3A_536 = tpu.memref_slice %arg3[%add3A_529, %dma_start3A_534, %dma_start3A_535] : memref<5120x2x64xi32, #tpu.memory_space<hbm>> -> memref<1x2x64xi32, #tpu.memory_space<hbm>>
        %dma_start3A_537 = tpu.memref_squeeze %dma_start3A_536 : memref<1x2x64xi32, #tpu.memory_space<hbm>> -> memref<2x64xi32, #tpu.memory_space<hbm>>
        tpu.enqueue_dma source(%dma_start3A_537 : memref<2x64xi32, #tpu.memory_space<hbm>>) target(%arg8 : memref<2x64xi32, #tpu.memory_space<vmem>>) target_semaphore(%arg21 : memref<!tpu.dma_semaphore, #tpu.memory_space<semaphore_mem>>)
      } else {
      }
      %add3A_307 = arith.addi %mul3A_4, %add3A_292 : i32
      %dma_wait3A_308 = arith.constant 0 : i32
      %dma_wait3A_309 = arith.constant 0 : i32
      %dma_wait3A_310 = tpu.memref_slice %arg3[%add3A_307, %dma_wait3A_308, %dma_wait3A_309] : memref<5120x2x64xi32, #tpu.memory_space<hbm>> -> memref<1x2x64xi32, #tpu.memory_space<hbm>>
      %dma_wait3A_311 = tpu.memref_squeeze %dma_wait3A_310 : memref<1x2x64xi32, #tpu.memory_space<hbm>> -> memref<2x64xi32, #tpu.memory_space<hbm>>
      %dma_wait3A_312 = arith.constant 0 : i32
      %dma_wait3A_313 = arith.constant 0 : i32
      %dma_wait3A_314 = tpu.memref_slice %arg3[%add3A_307, %dma_wait3A_312, %dma_wait3A_313] : memref<5120x2x64xi32, #tpu.memory_space<hbm>> -> memref<1x2x64xi32, #tpu.memory_space<hbm>>
      %dma_wait3A_315 = tpu.memref_squeeze %dma_wait3A_314 : memref<1x2x64xi32, #tpu.memory_space<hbm>> -> memref<2x64xi32, #tpu.memory_space<hbm>>
      tpu.wait_dma2 semaphore(%arg25 : memref<!tpu.dma_semaphore, #tpu.memory_space<semaphore_mem>>) src(%dma_wait3A_315 : memref<2x64xi32, #tpu.memory_space<hbm>>) dst(%arg12 : memref<2x64xi32, #tpu.memory_space<vmem>>)
      %dma_start3A_316 = arith.constant 0 : i32
      %dma_start3A_317 = arith.constant 0 : i32
      %dma_start3A_318 = tpu.memref_slice %arg12[%dma_start3A_316, %dma_start3A_317] : memref<2x64xi32, #tpu.memory_space<vmem>> -> memref<1x64xi32, #tpu.memory_space<vmem>>
      %dma_start3A_319 = tpu.memref_squeeze %dma_start3A_318 : memref<1x64xi32, #tpu.memory_space<vmem>> -> memref<64xi32, #tpu.memory_space<vmem>>
      %dma_start3A_320 = arith.constant 0 : i32
      %dma_start3A_321 = arith.constant 0 : i32
      %dma_start3A_322 = tpu.memref_slice %arg2[%dma_start3A_320, %dma_start3A_321] : memref<10000x128xf32, #tpu.memory_space<hbm>> -> memref<10000x128xf32, #tpu.memory_space<hbm>>
      tpu.enqueue_indirect_dma source(%dma_start3A_322 : memref<10000x128xf32, #tpu.memory_space<hbm>>) target(%arg16 : memref<64x128xf32, #tpu.memory_space<vmem>>) offsets(%dma_start3A_319 : memref<64xi32, #tpu.memory_space<vmem>>) semaphore(%arg29 : memref<!tpu.dma_semaphore, #tpu.memory_space<semaphore_mem>>)
      %add3A_323 = arith.constant 3 : i32
      %add3A_324 = arith.addi %mul3A_165, %add3A_323 : i32
      %dma_wait3A_325 = arith.constant 1 : i32
      %dma_wait3A_326 = arith.constant 0 : i32
      %dma_wait3A_327 = tpu.memref_slice %arg9[%dma_wait3A_325, %dma_wait3A_326] : memref<2x64xi32, #tpu.memory_space<vmem>> -> memref<1x64xi32, #tpu.memory_space<vmem>>
      %dma_wait3A_328 = tpu.memref_squeeze %dma_wait3A_327 : memref<1x64xi32, #tpu.memory_space<vmem>> -> memref<64xi32, #tpu.memory_space<vmem>>
      %dma_wait3A_329 = arith.constant 0 : i32
      %dma_wait3A_330 = arith.constant 0 : i32
      %dma_wait3A_331 = tpu.memref_slice %arg18[%dma_wait3A_329, %dma_wait3A_330] : memref<10240x128xf32, #tpu.memory_space<vmem_shared>> -> memref<10240x128xf32, #tpu.memory_space<vmem_shared>>
      tpu.wait_indirect_dma semaphore(%arg34 : memref<!tpu.dma_semaphore, #tpu.memory_space<semaphore_mem>>) src(%arg17 : memref<64x128xf32, #tpu.memory_space<vmem>>) dst(%dma_wait3A_331 : memref<10240x128xf32, #tpu.memory_space<vmem_shared>>)
      %add3A_332 = arith.constant 8 : i32
      %add3A_333 = arith.addi %add3A_324, %add3A_332 : i32
      %lt3A_334 = arith.constant 160 : i32
      %lt3A_335 = arith.cmpi slt, %add3A_333, %lt3A_334 : i32
      %convert_element_type3A_336 = arith.extui %lt3A_335 : i1 to i32
      %cond3A_337 = arith.constant 0 : i32
      %cond3A_338 = arith.cmpi ne, %convert_element_type3A_336, %cond3A_337 : i32
      scf.if %cond3A_338 {
        %add3A_527 = arith.addi %mul3A_4, %add3A_324 : i32
        %add3A_528 = arith.constant 8 : i32
        %add3A_529 = arith.addi %add3A_527, %add3A_528 : i32
        %dma_start3A_530 = arith.constant 0 : i32
        %dma_start3A_531 = arith.constant 0 : i32
        %dma_start3A_532 = tpu.memref_slice %arg3[%add3A_529, %dma_start3A_530, %dma_start3A_531] : memref<5120x2x64xi32, #tpu.memory_space<hbm>> -> memref<1x2x64xi32, #tpu.memory_space<hbm>>
        %dma_start3A_533 = tpu.memref_squeeze %dma_start3A_532 : memref<1x2x64xi32, #tpu.memory_space<hbm>> -> memref<2x64xi32, #tpu.memory_space<hbm>>
        %dma_start3A_534 = arith.constant 0 : i32
        %dma_start3A_535 = arith.constant 0 : i32
        %dma_start3A_536 = tpu.memref_slice %arg3[%add3A_529, %dma_start3A_534, %dma_start3A_535] : memref<5120x2x64xi32, #tpu.memory_space<hbm>> -> memref<1x2x64xi32, #tpu.memory_space<hbm>>
        %dma_start3A_537 = tpu.memref_squeeze %dma_start3A_536 : memref<1x2x64xi32, #tpu.memory_space<hbm>> -> memref<2x64xi32, #tpu.memory_space<hbm>>
        tpu.enqueue_dma source(%dma_start3A_537 : memref<2x64xi32, #tpu.memory_space<hbm>>) target(%arg9 : memref<2x64xi32, #tpu.memory_space<vmem>>) target_semaphore(%arg22 : memref<!tpu.dma_semaphore, #tpu.memory_space<semaphore_mem>>)
      } else {
      }
      %add3A_339 = arith.addi %mul3A_4, %add3A_324 : i32
      %dma_wait3A_340 = arith.constant 0 : i32
      %dma_wait3A_341 = arith.constant 0 : i32
      %dma_wait3A_342 = tpu.memref_slice %arg3[%add3A_339, %dma_wait3A_340, %dma_wait3A_341] : memref<5120x2x64xi32, #tpu.memory_space<hbm>> -> memref<1x2x64xi32, #tpu.memory_space<hbm>>
      %dma_wait3A_343 = tpu.memref_squeeze %dma_wait3A_342 : memref<1x2x64xi32, #tpu.memory_space<hbm>> -> memref<2x64xi32, #tpu.memory_space<hbm>>
      %dma_wait3A_344 = arith.constant 0 : i32
      %dma_wait3A_345 = arith.constant 0 : i32
      %dma_wait3A_346 = tpu.memref_slice %arg3[%add3A_339, %dma_wait3A_344, %dma_wait3A_345] : memref<5120x2x64xi32, #tpu.memory_space<hbm>> -> memref<1x2x64xi32, #tpu.memory_space<hbm>>
      %dma_wait3A_347 = tpu.memref_squeeze %dma_wait3A_346 : memref<1x2x64xi32, #tpu.memory_space<hbm>> -> memref<2x64xi32, #tpu.memory_space<hbm>>
      tpu.wait_dma2 semaphore(%arg26 : memref<!tpu.dma_semaphore, #tpu.memory_space<semaphore_mem>>) src(%dma_wait3A_347 : memref<2x64xi32, #tpu.memory_space<hbm>>) dst(%arg13 : memref<2x64xi32, #tpu.memory_space<vmem>>)
      %dma_start3A_348 = arith.constant 0 : i32
      %dma_start3A_349 = arith.constant 0 : i32
      %dma_start3A_350 = tpu.memref_slice %arg13[%dma_start3A_348, %dma_start3A_349] : memref<2x64xi32, #tpu.memory_space<vmem>> -> memref<1x64xi32, #tpu.memory_space<vmem>>
      %dma_start3A_351 = tpu.memref_squeeze %dma_start3A_350 : memref<1x64xi32, #tpu.memory_space<vmem>> -> memref<64xi32, #tpu.memory_space<vmem>>
      %dma_start3A_352 = arith.constant 0 : i32
      %dma_start3A_353 = arith.constant 0 : i32
      %dma_start3A_354 = tpu.memref_slice %arg2[%dma_start3A_352, %dma_start3A_353] : memref<10000x128xf32, #tpu.memory_space<hbm>> -> memref<10000x128xf32, #tpu.memory_space<hbm>>
      tpu.enqueue_indirect_dma source(%dma_start3A_354 : memref<10000x128xf32, #tpu.memory_space<hbm>>) target(%arg17 : memref<64x128xf32, #tpu.memory_space<vmem>>) offsets(%dma_start3A_351 : memref<64xi32, #tpu.memory_space<vmem>>) semaphore(%arg30 : memref<!tpu.dma_semaphore, #tpu.memory_space<semaphore_mem>>)
      %add3A_355 = arith.constant 4 : i32
      %add3A_356 = arith.addi %mul3A_165, %add3A_355 : i32
      %add3A_357 = arith.constant 0 : i32
      %add3A_358 = arith.addi %add3A_356, %add3A_357 : i32
      %dma_wait3A_359 = arith.constant 0 : i32
      %dma_wait3A_360 = arith.constant 0 : i32
      %dma_wait3A_361 = tpu.memref_slice %arg10[%dma_wait3A_359, %dma_wait3A_360] : memref<2x64xi32, #tpu.memory_space<vmem>> -> memref<1x64xi32, #tpu.memory_space<vmem>>
      %dma_wait3A_362 = tpu.memref_squeeze %dma_wait3A_361 : memref<1x64xi32, #tpu.memory_space<vmem>> -> memref<64xi32, #tpu.memory_space<vmem>>
      %dma_wait3A_363 = arith.constant 0 : i32
      %dma_wait3A_364 = arith.constant 0 : i32
      %dma_wait3A_365 = tpu.memref_slice %arg2[%dma_wait3A_363, %dma_wait3A_364] : memref<10000x128xf32, #tpu.memory_space<hbm>> -> memref<10000x128xf32, #tpu.memory_space<hbm>>
      tpu.wait_indirect_dma semaphore(%arg27 : memref<!tpu.dma_semaphore, #tpu.memory_space<semaphore_mem>>) src(%dma_wait3A_365 : memref<10000x128xf32, #tpu.memory_space<hbm>>) dst(%arg14 : memref<64x128xf32, #tpu.memory_space<vmem>>)
      %dma_start3A_366 = arith.constant 1 : i32
      %dma_start3A_367 = arith.constant 0 : i32
      %dma_start3A_368 = tpu.memref_slice %arg10[%dma_start3A_366, %dma_start3A_367] : memref<2x64xi32, #tpu.memory_space<vmem>> -> memref<1x64xi32, #tpu.memory_space<vmem>>
      %dma_start3A_369 = tpu.memref_squeeze %dma_start3A_368 : memref<1x64xi32, #tpu.memory_space<vmem>> -> memref<64xi32, #tpu.memory_space<vmem>>
      %dma_start3A_370 = arith.constant 0 : i32
      %dma_start3A_371 = arith.constant 0 : i32
      %dma_start3A_372 = tpu.memref_slice %arg18[%dma_start3A_370, %dma_start3A_371] : memref<10240x128xf32, #tpu.memory_space<vmem_shared>> -> memref<10240x128xf32, #tpu.memory_space<vmem_shared>>
      tpu.enqueue_indirect_dma source(%arg14 : memref<64x128xf32, #tpu.memory_space<vmem>>) target(%dma_start3A_372 : memref<10240x128xf32, #tpu.memory_space<vmem_shared>>) offsets(%dma_start3A_369 : memref<64xi32, #tpu.memory_space<vmem>>) semaphore(%arg31 : memref<!tpu.dma_semaphore, #tpu.memory_space<semaphore_mem>>) {add = true}
      %add3A_373 = arith.constant 4 : i32
      %add3A_374 = arith.addi %mul3A_165, %add3A_373 : i32
      %add3A_375 = arith.constant 1 : i32
      %add3A_376 = arith.addi %add3A_374, %add3A_375 : i32
      %dma_wait3A_377 = arith.constant 0 : i32
      %dma_wait3A_378 = arith.constant 0 : i32
      %dma_wait3A_379 = tpu.memref_slice %arg11[%dma_wait3A_377, %dma_wait3A_378] : memref<2x64xi32, #tpu.memory_space<vmem>> -> memref<1x64xi32, #tpu.memory_space<vmem>>
      %dma_wait3A_380 = tpu.memref_squeeze %dma_wait3A_379 : memref<1x64xi32, #tpu.memory_space<vmem>> -> memref<64xi32, #tpu.memory_space<vmem>>
      %dma_wait3A_381 = arith.constant 0 : i32
      %dma_wait3A_382 = arith.constant 0 : i32
      %dma_wait3A_383 = tpu.memref_slice %arg2[%dma_wait3A_381, %dma_wait3A_382] : memref<10000x128xf32, #tpu.memory_space<hbm>> -> memref<10000x128xf32, #tpu.memory_space<hbm>>
      tpu.wait_indirect_dma semaphore(%arg28 : memref<!tpu.dma_semaphore, #tpu.memory_space<semaphore_mem>>) src(%dma_wait3A_383 : memref<10000x128xf32, #tpu.memory_space<hbm>>) dst(%arg15 : memref<64x128xf32, #tpu.memory_space<vmem>>)
      %dma_start3A_384 = arith.constant 1 : i32
      %dma_start3A_385 = arith.constant 0 : i32
      %dma_start3A_386 = tpu.memref_slice %arg11[%dma_start3A_384, %dma_start3A_385] : memref<2x64xi32, #tpu.memory_space<vmem>> -> memref<1x64xi32, #tpu.memory_space<vmem>>
      %dma_start3A_387 = tpu.memref_squeeze %dma_start3A_386 : memref<1x64xi32, #tpu.memory_space<vmem>> -> memref<64xi32, #tpu.memory_space<vmem>>
      %dma_start3A_388 = arith.constant 0 : i32
      %dma_start3A_389 = arith.constant 0 : i32
      %dma_start3A_390 = tpu.memref_slice %arg18[%dma_start3A_388, %dma_start3A_389] : memref<10240x128xf32, #tpu.memory_space<vmem_shared>> -> memref<10240x128xf32, #tpu.memory_space<vmem_shared>>
      tpu.enqueue_indirect_dma source(%arg15 : memref<64x128xf32, #tpu.memory_space<vmem>>) target(%dma_start3A_390 : memref<10240x128xf32, #tpu.memory_space<vmem_shared>>) offsets(%dma_start3A_387 : memref<64xi32, #tpu.memory_space<vmem>>) semaphore(%arg32 : memref<!tpu.dma_semaphore, #tpu.memory_space<semaphore_mem>>) {add = true}
      %add3A_391 = arith.constant 4 : i32
      %add3A_392 = arith.addi %mul3A_165, %add3A_391 : i32
      %add3A_393 = arith.constant 2 : i32
      %add3A_394 = arith.addi %add3A_392, %add3A_393 : i32
      %dma_wait3A_395 = arith.constant 0 : i32
      %dma_wait3A_396 = arith.constant 0 : i32
      %dma_wait3A_397 = tpu.memref_slice %arg12[%dma_wait3A_395, %dma_wait3A_396] : memref<2x64xi32, #tpu.memory_space<vmem>> -> memref<1x64xi32, #tpu.memory_space<vmem>>
      %dma_wait3A_398 = tpu.memref_squeeze %dma_wait3A_397 : memref<1x64xi32, #tpu.memory_space<vmem>> -> memref<64xi32, #tpu.memory_space<vmem>>
      %dma_wait3A_399 = arith.constant 0 : i32
      %dma_wait3A_400 = arith.constant 0 : i32
      %dma_wait3A_401 = tpu.memref_slice %arg2[%dma_wait3A_399, %dma_wait3A_400] : memref<10000x128xf32, #tpu.memory_space<hbm>> -> memref<10000x128xf32, #tpu.memory_space<hbm>>
      tpu.wait_indirect_dma semaphore(%arg29 : memref<!tpu.dma_semaphore, #tpu.memory_space<semaphore_mem>>) src(%dma_wait3A_401 : memref<10000x128xf32, #tpu.memory_space<hbm>>) dst(%arg16 : memref<64x128xf32, #tpu.memory_space<vmem>>)
      %dma_start3A_402 = arith.constant 1 : i32
      %dma_start3A_403 = arith.constant 0 : i32
      %dma_start3A_404 = tpu.memref_slice %arg12[%dma_start3A_402, %dma_start3A_403] : memref<2x64xi32, #tpu.memory_space<vmem>> -> memref<1x64xi32, #tpu.memory_space<vmem>>
      %dma_start3A_405 = tpu.memref_squeeze %dma_start3A_404 : memref<1x64xi32, #tpu.memory_space<vmem>> -> memref<64xi32, #tpu.memory_space<vmem>>
      %dma_start3A_406 = arith.constant 0 : i32
      %dma_start3A_407 = arith.constant 0 : i32
      %dma_start3A_408 = tpu.memref_slice %arg18[%dma_start3A_406, %dma_start3A_407] : memref<10240x128xf32, #tpu.memory_space<vmem_shared>> -> memref<10240x128xf32, #tpu.memory_space<vmem_shared>>
      tpu.enqueue_indirect_dma source(%arg16 : memref<64x128xf32, #tpu.memory_space<vmem>>) target(%dma_start3A_408 : memref<10240x128xf32, #tpu.memory_space<vmem_shared>>) offsets(%dma_start3A_405 : memref<64xi32, #tpu.memory_space<vmem>>) semaphore(%arg33 : memref<!tpu.dma_semaphore, #tpu.memory_space<semaphore_mem>>) {add = true}
      %add3A_409 = arith.constant 4 : i32
      %add3A_410 = arith.addi %mul3A_165, %add3A_409 : i32
      %add3A_411 = arith.constant 3 : i32
      %add3A_412 = arith.addi %add3A_410, %add3A_411 : i32
      %dma_wait3A_413 = arith.constant 0 : i32
      %dma_wait3A_414 = arith.constant 0 : i32
      %dma_wait3A_415 = tpu.memref_slice %arg13[%dma_wait3A_413, %dma_wait3A_414] : memref<2x64xi32, #tpu.memory_space<vmem>> -> memref<1x64xi32, #tpu.memory_space<vmem>>
      %dma_wait3A_416 = tpu.memref_squeeze %dma_wait3A_415 : memref<1x64xi32, #tpu.memory_space<vmem>> -> memref<64xi32, #tpu.memory_space<vmem>>
      %dma_wait3A_417 = arith.constant 0 : i32
      %dma_wait3A_418 = arith.constant 0 : i32
      %dma_wait3A_419 = tpu.memref_slice %arg2[%dma_wait3A_417, %dma_wait3A_418] : memref<10000x128xf32, #tpu.memory_space<hbm>> -> memref<10000x128xf32, #tpu.memory_space<hbm>>
      tpu.wait_indirect_dma semaphore(%arg30 : memref<!tpu.dma_semaphore, #tpu.memory_space<semaphore_mem>>) src(%dma_wait3A_419 : memref<10000x128xf32, #tpu.memory_space<hbm>>) dst(%arg17 : memref<64x128xf32, #tpu.memory_space<vmem>>)
      %dma_start3A_420 = arith.constant 1 : i32
      %dma_start3A_421 = arith.constant 0 : i32
      %dma_start3A_422 = tpu.memref_slice %arg13[%dma_start3A_420, %dma_start3A_421] : memref<2x64xi32, #tpu.memory_space<vmem>> -> memref<1x64xi32, #tpu.memory_space<vmem>>
      %dma_start3A_423 = tpu.memref_squeeze %dma_start3A_422 : memref<1x64xi32, #tpu.memory_space<vmem>> -> memref<64xi32, #tpu.memory_space<vmem>>
      %dma_start3A_424 = arith.constant 0 : i32
      %dma_start3A_425 = arith.constant 0 : i32
      %dma_start3A_426 = tpu.memref_slice %arg18[%dma_start3A_424, %dma_start3A_425] : memref<10240x128xf32, #tpu.memory_space<vmem_shared>> -> memref<10240x128xf32, #tpu.memory_space<vmem_shared>>
      tpu.enqueue_indirect_dma source(%arg17 : memref<64x128xf32, #tpu.memory_space<vmem>>) target(%dma_start3A_426 : memref<10240x128xf32, #tpu.memory_space<vmem_shared>>) offsets(%dma_start3A_423 : memref<64xi32, #tpu.memory_space<vmem>>) semaphore(%arg34 : memref<!tpu.dma_semaphore, #tpu.memory_space<semaphore_mem>>) {add = true}
      %add3A_427 = arith.constant 4 : i32
      %add3A_428 = arith.addi %mul3A_165, %add3A_427 : i32
      %add3A_429 = arith.constant 0 : i32
      %add3A_430 = arith.addi %add3A_428, %add3A_429 : i32
      %dma_wait3A_431 = arith.constant 1 : i32
      %dma_wait3A_432 = arith.constant 0 : i32
      %dma_wait3A_433 = tpu.memref_slice %arg10[%dma_wait3A_431, %dma_wait3A_432] : memref<2x64xi32, #tpu.memory_space<vmem>> -> memref<1x64xi32, #tpu.memory_space<vmem>>
      %dma_wait3A_434 = tpu.memref_squeeze %dma_wait3A_433 : memref<1x64xi32, #tpu.memory_space<vmem>> -> memref<64xi32, #tpu.memory_space<vmem>>
      %dma_wait3A_435 = arith.constant 0 : i32
      %dma_wait3A_436 = arith.constant 0 : i32
      %dma_wait3A_437 = tpu.memref_slice %arg18[%dma_wait3A_435, %dma_wait3A_436] : memref<10240x128xf32, #tpu.memory_space<vmem_shared>> -> memref<10240x128xf32, #tpu.memory_space<vmem_shared>>
      tpu.wait_indirect_dma semaphore(%arg31 : memref<!tpu.dma_semaphore, #tpu.memory_space<semaphore_mem>>) src(%arg14 : memref<64x128xf32, #tpu.memory_space<vmem>>) dst(%dma_wait3A_437 : memref<10240x128xf32, #tpu.memory_space<vmem_shared>>)
      %add3A_438 = arith.constant 8 : i32
      %add3A_439 = arith.addi %add3A_430, %add3A_438 : i32
      %lt3A_440 = arith.constant 160 : i32
      %lt3A_441 = arith.cmpi slt, %add3A_439, %lt3A_440 : i32
      %convert_element_type3A_442 = arith.extui %lt3A_441 : i1 to i32
      %cond3A_443 = arith.constant 0 : i32
      %cond3A_444 = arith.cmpi ne, %convert_element_type3A_442, %cond3A_443 : i32
      scf.if %cond3A_444 {
        %add3A_527 = arith.addi %mul3A_4, %add3A_430 : i32
        %add3A_528 = arith.constant 8 : i32
        %add3A_529 = arith.addi %add3A_527, %add3A_528 : i32
        %dma_start3A_530 = arith.constant 0 : i32
        %dma_start3A_531 = arith.constant 0 : i32
        %dma_start3A_532 = tpu.memref_slice %arg3[%add3A_529, %dma_start3A_530, %dma_start3A_531] : memref<5120x2x64xi32, #tpu.memory_space<hbm>> -> memref<1x2x64xi32, #tpu.memory_space<hbm>>
        %dma_start3A_533 = tpu.memref_squeeze %dma_start3A_532 : memref<1x2x64xi32, #tpu.memory_space<hbm>> -> memref<2x64xi32, #tpu.memory_space<hbm>>
        %dma_start3A_534 = arith.constant 0 : i32
        %dma_start3A_535 = arith.constant 0 : i32
        %dma_start3A_536 = tpu.memref_slice %arg3[%add3A_529, %dma_start3A_534, %dma_start3A_535] : memref<5120x2x64xi32, #tpu.memory_space<hbm>> -> memref<1x2x64xi32, #tpu.memory_space<hbm>>
        %dma_start3A_537 = tpu.memref_squeeze %dma_start3A_536 : memref<1x2x64xi32, #tpu.memory_space<hbm>> -> memref<2x64xi32, #tpu.memory_space<hbm>>
        tpu.enqueue_dma source(%dma_start3A_537 : memref<2x64xi32, #tpu.memory_space<hbm>>) target(%arg10 : memref<2x64xi32, #tpu.memory_space<vmem>>) target_semaphore(%arg23 : memref<!tpu.dma_semaphore, #tpu.memory_space<semaphore_mem>>)
      } else {
      }
      %add3A_445 = arith.constant 4 : i32
      %add3A_446 = arith.addi %add3A_430, %add3A_445 : i32
      %lt3A_447 = arith.constant 160 : i32
      %lt3A_448 = arith.cmpi slt, %add3A_446, %lt3A_447 : i32
      %convert_element_type3A_449 = arith.extui %lt3A_448 : i1 to i32
      %cond3A_450 = arith.constant 0 : i32
      %cond3A_451 = arith.cmpi ne, %convert_element_type3A_449, %cond3A_450 : i32
      scf.if %cond3A_451 {
        %add3A_527 = arith.addi %mul3A_4, %add3A_430 : i32
        %dma_wait3A_528 = arith.constant 0 : i32
        %dma_wait3A_529 = arith.constant 0 : i32
        %dma_wait3A_530 = tpu.memref_slice %arg3[%add3A_527, %dma_wait3A_528, %dma_wait3A_529] : memref<5120x2x64xi32, #tpu.memory_space<hbm>> -> memref<1x2x64xi32, #tpu.memory_space<hbm>>
        %dma_wait3A_531 = tpu.memref_squeeze %dma_wait3A_530 : memref<1x2x64xi32, #tpu.memory_space<hbm>> -> memref<2x64xi32, #tpu.memory_space<hbm>>
        %dma_wait3A_532 = arith.constant 0 : i32
        %dma_wait3A_533 = arith.constant 0 : i32
        %dma_wait3A_534 = tpu.memref_slice %arg3[%add3A_527, %dma_wait3A_532, %dma_wait3A_533] : memref<5120x2x64xi32, #tpu.memory_space<hbm>> -> memref<1x2x64xi32, #tpu.memory_space<hbm>>
        %dma_wait3A_535 = tpu.memref_squeeze %dma_wait3A_534 : memref<1x2x64xi32, #tpu.memory_space<hbm>> -> memref<2x64xi32, #tpu.memory_space<hbm>>
        tpu.wait_dma2 semaphore(%arg19 : memref<!tpu.dma_semaphore, #tpu.memory_space<semaphore_mem>>) src(%dma_wait3A_535 : memref<2x64xi32, #tpu.memory_space<hbm>>) dst(%arg6 : memref<2x64xi32, #tpu.memory_space<vmem>>)
        %dma_start3A_536 = arith.constant 0 : i32
        %dma_start3A_537 = arith.constant 0 : i32
        %dma_start3A_538 = tpu.memref_slice %arg6[%dma_start3A_536, %dma_start3A_537] : memref<2x64xi32, #tpu.memory_space<vmem>> -> memref<1x64xi32, #tpu.memory_space<vmem>>
        %dma_start3A_539 = tpu.memref_squeeze %dma_start3A_538 : memref<1x64xi32, #tpu.memory_space<vmem>> -> memref<64xi32, #tpu.memory_space<vmem>>
        %dma_start3A_540 = arith.constant 0 : i32
        %dma_start3A_541 = arith.constant 0 : i32
        %dma_start3A_542 = tpu.memref_slice %arg2[%dma_start3A_540, %dma_start3A_541] : memref<10000x128xf32, #tpu.memory_space<hbm>> -> memref<10000x128xf32, #tpu.memory_space<hbm>>
        tpu.enqueue_indirect_dma source(%dma_start3A_542 : memref<10000x128xf32, #tpu.memory_space<hbm>>) target(%arg14 : memref<64x128xf32, #tpu.memory_space<vmem>>) offsets(%dma_start3A_539 : memref<64xi32, #tpu.memory_space<vmem>>) semaphore(%arg27 : memref<!tpu.dma_semaphore, #tpu.memory_space<semaphore_mem>>)
      } else {
      }
      %add3A_452 = arith.constant 4 : i32
      %add3A_453 = arith.addi %mul3A_165, %add3A_452 : i32
      %add3A_454 = arith.constant 1 : i32
      %add3A_455 = arith.addi %add3A_453, %add3A_454 : i32
      %dma_wait3A_456 = arith.constant 1 : i32
      %dma_wait3A_457 = arith.constant 0 : i32
      %dma_wait3A_458 = tpu.memref_slice %arg11[%dma_wait3A_456, %dma_wait3A_457] : memref<2x64xi32, #tpu.memory_space<vmem>> -> memref<1x64xi32, #tpu.memory_space<vmem>>
      %dma_wait3A_459 = tpu.memref_squeeze %dma_wait3A_458 : memref<1x64xi32, #tpu.memory_space<vmem>> -> memref<64xi32, #tpu.memory_space<vmem>>
      %dma_wait3A_460 = arith.constant 0 : i32
      %dma_wait3A_461 = arith.constant 0 : i32
      %dma_wait3A_462 = tpu.memref_slice %arg18[%dma_wait3A_460, %dma_wait3A_461] : memref<10240x128xf32, #tpu.memory_space<vmem_shared>> -> memref<10240x128xf32, #tpu.memory_space<vmem_shared>>
      tpu.wait_indirect_dma semaphore(%arg32 : memref<!tpu.dma_semaphore, #tpu.memory_space<semaphore_mem>>) src(%arg15 : memref<64x128xf32, #tpu.memory_space<vmem>>) dst(%dma_wait3A_462 : memref<10240x128xf32, #tpu.memory_space<vmem_shared>>)
      %add3A_463 = arith.constant 8 : i32
      %add3A_464 = arith.addi %add3A_455, %add3A_463 : i32
      %lt3A_465 = arith.constant 160 : i32
      %lt3A_466 = arith.cmpi slt, %add3A_464, %lt3A_465 : i32
      %convert_element_type3A_467 = arith.extui %lt3A_466 : i1 to i32
      %cond3A_468 = arith.constant 0 : i32
      %cond3A_469 = arith.cmpi ne, %convert_element_type3A_467, %cond3A_468 : i32
      scf.if %cond3A_469 {
        %add3A_527 = arith.addi %mul3A_4, %add3A_455 : i32
        %add3A_528 = arith.constant 8 : i32
        %add3A_529 = arith.addi %add3A_527, %add3A_528 : i32
        %dma_start3A_530 = arith.constant 0 : i32
        %dma_start3A_531 = arith.constant 0 : i32
        %dma_start3A_532 = tpu.memref_slice %arg3[%add3A_529, %dma_start3A_530, %dma_start3A_531] : memref<5120x2x64xi32, #tpu.memory_space<hbm>> -> memref<1x2x64xi32, #tpu.memory_space<hbm>>
        %dma_start3A_533 = tpu.memref_squeeze %dma_start3A_532 : memref<1x2x64xi32, #tpu.memory_space<hbm>> -> memref<2x64xi32, #tpu.memory_space<hbm>>
        %dma_start3A_534 = arith.constant 0 : i32
        %dma_start3A_535 = arith.constant 0 : i32
        %dma_start3A_536 = tpu.memref_slice %arg3[%add3A_529, %dma_start3A_534, %dma_start3A_535] : memref<5120x2x64xi32, #tpu.memory_space<hbm>> -> memref<1x2x64xi32, #tpu.memory_space<hbm>>
        %dma_start3A_537 = tpu.memref_squeeze %dma_start3A_536 : memref<1x2x64xi32, #tpu.memory_space<hbm>> -> memref<2x64xi32, #tpu.memory_space<hbm>>
        tpu.enqueue_dma source(%dma_start3A_537 : memref<2x64xi32, #tpu.memory_space<hbm>>) target(%arg11 : memref<2x64xi32, #tpu.memory_space<vmem>>) target_semaphore(%arg24 : memref<!tpu.dma_semaphore, #tpu.memory_space<semaphore_mem>>)
      } else {
      }
      %add3A_470 = arith.constant 4 : i32
      %add3A_471 = arith.addi %add3A_455, %add3A_470 : i32
      %lt3A_472 = arith.constant 160 : i32
      %lt3A_473 = arith.cmpi slt, %add3A_471, %lt3A_472 : i32
      %convert_element_type3A_474 = arith.extui %lt3A_473 : i1 to i32
      %cond3A_475 = arith.constant 0 : i32
      %cond3A_476 = arith.cmpi ne, %convert_element_type3A_474, %cond3A_475 : i32
      scf.if %cond3A_476 {
        %add3A_527 = arith.addi %mul3A_4, %add3A_455 : i32
        %dma_wait3A_528 = arith.constant 0 : i32
        %dma_wait3A_529 = arith.constant 0 : i32
        %dma_wait3A_530 = tpu.memref_slice %arg3[%add3A_527, %dma_wait3A_528, %dma_wait3A_529] : memref<5120x2x64xi32, #tpu.memory_space<hbm>> -> memref<1x2x64xi32, #tpu.memory_space<hbm>>
        %dma_wait3A_531 = tpu.memref_squeeze %dma_wait3A_530 : memref<1x2x64xi32, #tpu.memory_space<hbm>> -> memref<2x64xi32, #tpu.memory_space<hbm>>
        %dma_wait3A_532 = arith.constant 0 : i32
        %dma_wait3A_533 = arith.constant 0 : i32
        %dma_wait3A_534 = tpu.memref_slice %arg3[%add3A_527, %dma_wait3A_532, %dma_wait3A_533] : memref<5120x2x64xi32, #tpu.memory_space<hbm>> -> memref<1x2x64xi32, #tpu.memory_space<hbm>>
        %dma_wait3A_535 = tpu.memref_squeeze %dma_wait3A_534 : memref<1x2x64xi32, #tpu.memory_space<hbm>> -> memref<2x64xi32, #tpu.memory_space<hbm>>
        tpu.wait_dma2 semaphore(%arg20 : memref<!tpu.dma_semaphore, #tpu.memory_space<semaphore_mem>>) src(%dma_wait3A_535 : memref<2x64xi32, #tpu.memory_space<hbm>>) dst(%arg7 : memref<2x64xi32, #tpu.memory_space<vmem>>)
        %dma_start3A_536 = arith.constant 0 : i32
        %dma_start3A_537 = arith.constant 0 : i32
        %dma_start3A_538 = tpu.memref_slice %arg7[%dma_start3A_536, %dma_start3A_537] : memref<2x64xi32, #tpu.memory_space<vmem>> -> memref<1x64xi32, #tpu.memory_space<vmem>>
        %dma_start3A_539 = tpu.memref_squeeze %dma_start3A_538 : memref<1x64xi32, #tpu.memory_space<vmem>> -> memref<64xi32, #tpu.memory_space<vmem>>
        %dma_start3A_540 = arith.constant 0 : i32
        %dma_start3A_541 = arith.constant 0 : i32
        %dma_start3A_542 = tpu.memref_slice %arg2[%dma_start3A_540, %dma_start3A_541] : memref<10000x128xf32, #tpu.memory_space<hbm>> -> memref<10000x128xf32, #tpu.memory_space<hbm>>
        tpu.enqueue_indirect_dma source(%dma_start3A_542 : memref<10000x128xf32, #tpu.memory_space<hbm>>) target(%arg15 : memref<64x128xf32, #tpu.memory_space<vmem>>) offsets(%dma_start3A_539 : memref<64xi32, #tpu.memory_space<vmem>>) semaphore(%arg28 : memref<!tpu.dma_semaphore, #tpu.memory_space<semaphore_mem>>)
      } else {
      }
      %add3A_477 = arith.constant 4 : i32
      %add3A_478 = arith.addi %mul3A_165, %add3A_477 : i32
      %add3A_479 = arith.constant 2 : i32
      %add3A_480 = arith.addi %add3A_478, %add3A_479 : i32
      %dma_wait3A_481 = arith.constant 1 : i32
      %dma_wait3A_482 = arith.constant 0 : i32
      %dma_wait3A_483 = tpu.memref_slice %arg12[%dma_wait3A_481, %dma_wait3A_482] : memref<2x64xi32, #tpu.memory_space<vmem>> -> memref<1x64xi32, #tpu.memory_space<vmem>>
      %dma_wait3A_484 = tpu.memref_squeeze %dma_wait3A_483 : memref<1x64xi32, #tpu.memory_space<vmem>> -> memref<64xi32, #tpu.memory_space<vmem>>
      %dma_wait3A_485 = arith.constant 0 : i32
      %dma_wait3A_486 = arith.constant 0 : i32
      %dma_wait3A_487 = tpu.memref_slice %arg18[%dma_wait3A_485, %dma_wait3A_486] : memref<10240x128xf32, #tpu.memory_space<vmem_shared>> -> memref<10240x128xf32, #tpu.memory_space<vmem_shared>>
      tpu.wait_indirect_dma semaphore(%arg33 : memref<!tpu.dma_semaphore, #tpu.memory_space<semaphore_mem>>) src(%arg16 : memref<64x128xf32, #tpu.memory_space<vmem>>) dst(%dma_wait3A_487 : memref<10240x128xf32, #tpu.memory_space<vmem_shared>>)
      %add3A_488 = arith.constant 8 : i32
      %add3A_489 = arith.addi %add3A_480, %add3A_488 : i32
      %lt3A_490 = arith.constant 160 : i32
      %lt3A_491 = arith.cmpi slt, %add3A_489, %lt3A_490 : i32
      %convert_element_type3A_492 = arith.extui %lt3A_491 : i1 to i32
      %cond3A_493 = arith.constant 0 : i32
      %cond3A_494 = arith.cmpi ne, %convert_element_type3A_492, %cond3A_493 : i32
      scf.if %cond3A_494 {
        %add3A_527 = arith.addi %mul3A_4, %add3A_480 : i32
        %add3A_528 = arith.constant 8 : i32
        %add3A_529 = arith.addi %add3A_527, %add3A_528 : i32
        %dma_start3A_530 = arith.constant 0 : i32
        %dma_start3A_531 = arith.constant 0 : i32
        %dma_start3A_532 = tpu.memref_slice %arg3[%add3A_529, %dma_start3A_530, %dma_start3A_531] : memref<5120x2x64xi32, #tpu.memory_space<hbm>> -> memref<1x2x64xi32, #tpu.memory_space<hbm>>
        %dma_start3A_533 = tpu.memref_squeeze %dma_start3A_532 : memref<1x2x64xi32, #tpu.memory_space<hbm>> -> memref<2x64xi32, #tpu.memory_space<hbm>>
        %dma_start3A_534 = arith.constant 0 : i32
        %dma_start3A_535 = arith.constant 0 : i32
        %dma_start3A_536 = tpu.memref_slice %arg3[%add3A_529, %dma_start3A_534, %dma_start3A_535] : memref<5120x2x64xi32, #tpu.memory_space<hbm>> -> memref<1x2x64xi32, #tpu.memory_space<hbm>>
        %dma_start3A_537 = tpu.memref_squeeze %dma_start3A_536 : memref<1x2x64xi32, #tpu.memory_space<hbm>> -> memref<2x64xi32, #tpu.memory_space<hbm>>
        tpu.enqueue_dma source(%dma_start3A_537 : memref<2x64xi32, #tpu.memory_space<hbm>>) target(%arg12 : memref<2x64xi32, #tpu.memory_space<vmem>>) target_semaphore(%arg25 : memref<!tpu.dma_semaphore, #tpu.memory_space<semaphore_mem>>)
      } else {
      }
      %add3A_495 = arith.constant 4 : i32
      %add3A_496 = arith.addi %add3A_480, %add3A_495 : i32
      %lt3A_497 = arith.constant 160 : i32
      %lt3A_498 = arith.cmpi slt, %add3A_496, %lt3A_497 : i32
      %convert_element_type3A_499 = arith.extui %lt3A_498 : i1 to i32
      %cond3A_500 = arith.constant 0 : i32
      %cond3A_501 = arith.cmpi ne, %convert_element_type3A_499, %cond3A_500 : i32
      scf.if %cond3A_501 {
        %add3A_527 = arith.addi %mul3A_4, %add3A_480 : i32
        %dma_wait3A_528 = arith.constant 0 : i32
        %dma_wait3A_529 = arith.constant 0 : i32
        %dma_wait3A_530 = tpu.memref_slice %arg3[%add3A_527, %dma_wait3A_528, %dma_wait3A_529] : memref<5120x2x64xi32, #tpu.memory_space<hbm>> -> memref<1x2x64xi32, #tpu.memory_space<hbm>>
        %dma_wait3A_531 = tpu.memref_squeeze %dma_wait3A_530 : memref<1x2x64xi32, #tpu.memory_space<hbm>> -> memref<2x64xi32, #tpu.memory_space<hbm>>
        %dma_wait3A_532 = arith.constant 0 : i32
        %dma_wait3A_533 = arith.constant 0 : i32
        %dma_wait3A_534 = tpu.memref_slice %arg3[%add3A_527, %dma_wait3A_532, %dma_wait3A_533] : memref<5120x2x64xi32, #tpu.memory_space<hbm>> -> memref<1x2x64xi32, #tpu.memory_space<hbm>>
        %dma_wait3A_535 = tpu.memref_squeeze %dma_wait3A_534 : memref<1x2x64xi32, #tpu.memory_space<hbm>> -> memref<2x64xi32, #tpu.memory_space<hbm>>
        tpu.wait_dma2 semaphore(%arg21 : memref<!tpu.dma_semaphore, #tpu.memory_space<semaphore_mem>>) src(%dma_wait3A_535 : memref<2x64xi32, #tpu.memory_space<hbm>>) dst(%arg8 : memref<2x64xi32, #tpu.memory_space<vmem>>)
        %dma_start3A_536 = arith.constant 0 : i32
        %dma_start3A_537 = arith.constant 0 : i32
        %dma_start3A_538 = tpu.memref_slice %arg8[%dma_start3A_536, %dma_start3A_537] : memref<2x64xi32, #tpu.memory_space<vmem>> -> memref<1x64xi32, #tpu.memory_space<vmem>>
        %dma_start3A_539 = tpu.memref_squeeze %dma_start3A_538 : memref<1x64xi32, #tpu.memory_space<vmem>> -> memref<64xi32, #tpu.memory_space<vmem>>
        %dma_start3A_540 = arith.constant 0 : i32
        %dma_start3A_541 = arith.constant 0 : i32
        %dma_start3A_542 = tpu.memref_slice %arg2[%dma_start3A_540, %dma_start3A_541] : memref<10000x128xf32, #tpu.memory_space<hbm>> -> memref<10000x128xf32, #tpu.memory_space<hbm>>
        tpu.enqueue_indirect_dma source(%dma_start3A_542 : memref<10000x128xf32, #tpu.memory_space<hbm>>) target(%arg16 : memref<64x128xf32, #tpu.memory_space<vmem>>) offsets(%dma_start3A_539 : memref<64xi32, #tpu.memory_space<vmem>>) semaphore(%arg29 : memref<!tpu.dma_semaphore, #tpu.memory_space<semaphore_mem>>)
      } else {
      }
      %add3A_502 = arith.constant 4 : i32
      %add3A_503 = arith.addi %mul3A_165, %add3A_502 : i32
      %add3A_504 = arith.constant 3 : i32
      %add3A_505 = arith.addi %add3A_503, %add3A_504 : i32
      %dma_wait3A_506 = arith.constant 1 : i32
      %dma_wait3A_507 = arith.constant 0 : i32
      %dma_wait3A_508 = tpu.memref_slice %arg13[%dma_wait3A_506, %dma_wait3A_507] : memref<2x64xi32, #tpu.memory_space<vmem>> -> memref<1x64xi32, #tpu.memory_space<vmem>>
      %dma_wait3A_509 = tpu.memref_squeeze %dma_wait3A_508 : memref<1x64xi32, #tpu.memory_space<vmem>> -> memref<64xi32, #tpu.memory_space<vmem>>
      %dma_wait3A_510 = arith.constant 0 : i32
      %dma_wait3A_511 = arith.constant 0 : i32
      %dma_wait3A_512 = tpu.memref_slice %arg18[%dma_wait3A_510, %dma_wait3A_511] : memref<10240x128xf32, #tpu.memory_space<vmem_shared>> -> memref<10240x128xf32, #tpu.memory_space<vmem_shared>>
      tpu.wait_indirect_dma semaphore(%arg34 : memref<!tpu.dma_semaphore, #tpu.memory_space<semaphore_mem>>) src(%arg17 : memref<64x128xf32, #tpu.memory_space<vmem>>) dst(%dma_wait3A_512 : memref<10240x128xf32, #tpu.memory_space<vmem_shared>>)
      %add3A_513 = arith.constant 8 : i32
      %add3A_514 = arith.addi %add3A_505, %add3A_513 : i32
      %lt3A_515 = arith.constant 160 : i32
      %lt3A_516 = arith.cmpi slt, %add3A_514, %lt3A_515 : i32
      %convert_element_type3A_517 = arith.extui %lt3A_516 : i1 to i32
      %cond3A_518 = arith.constant 0 : i32
      %cond3A_519 = arith.cmpi ne, %convert_element_type3A_517, %cond3A_518 : i32
      scf.if %cond3A_519 {
        %add3A_527 = arith.addi %mul3A_4, %add3A_505 : i32
        %add3A_528 = arith.constant 8 : i32
        %add3A_529 = arith.addi %add3A_527, %add3A_528 : i32
        %dma_start3A_530 = arith.constant 0 : i32
        %dma_start3A_531 = arith.constant 0 : i32
        %dma_start3A_532 = tpu.memref_slice %arg3[%add3A_529, %dma_start3A_530, %dma_start3A_531] : memref<5120x2x64xi32, #tpu.memory_space<hbm>> -> memref<1x2x64xi32, #tpu.memory_space<hbm>>
        %dma_start3A_533 = tpu.memref_squeeze %dma_start3A_532 : memref<1x2x64xi32, #tpu.memory_space<hbm>> -> memref<2x64xi32, #tpu.memory_space<hbm>>
        %dma_start3A_534 = arith.constant 0 : i32
        %dma_start3A_535 = arith.constant 0 : i32
        %dma_start3A_536 = tpu.memref_slice %arg3[%add3A_529, %dma_start3A_534, %dma_start3A_535] : memref<5120x2x64xi32, #tpu.memory_space<hbm>> -> memref<1x2x64xi32, #tpu.memory_space<hbm>>
        %dma_start3A_537 = tpu.memref_squeeze %dma_start3A_536 : memref<1x2x64xi32, #tpu.memory_space<hbm>> -> memref<2x64xi32, #tpu.memory_space<hbm>>
        tpu.enqueue_dma source(%dma_start3A_537 : memref<2x64xi32, #tpu.memory_space<hbm>>) target(%arg13 : memref<2x64xi32, #tpu.memory_space<vmem>>) target_semaphore(%arg26 : memref<!tpu.dma_semaphore, #tpu.memory_space<semaphore_mem>>)
      } else {
      }
      %add3A_520 = arith.constant 4 : i32
      %add3A_521 = arith.addi %add3A_505, %add3A_520 : i32
      %lt3A_522 = arith.constant 160 : i32
      %lt3A_523 = arith.cmpi slt, %add3A_521, %lt3A_522 : i32
      %convert_element_type3A_524 = arith.extui %lt3A_523 : i1 to i32
      %cond3A_525 = arith.constant 0 : i32
      %cond3A_526 = arith.cmpi ne, %convert_element_type3A_524, %cond3A_525 : i32
      scf.if %cond3A_526 {
        %add3A_527 = arith.addi %mul3A_4, %add3A_505 : i32
        %dma_wait3A_528 = arith.constant 0 : i32
        %dma_wait3A_529 = arith.constant 0 : i32
        %dma_wait3A_530 = tpu.memref_slice %arg3[%add3A_527, %dma_wait3A_528, %dma_wait3A_529] : memref<5120x2x64xi32, #tpu.memory_space<hbm>> -> memref<1x2x64xi32, #tpu.memory_space<hbm>>
        %dma_wait3A_531 = tpu.memref_squeeze %dma_wait3A_530 : memref<1x2x64xi32, #tpu.memory_space<hbm>> -> memref<2x64xi32, #tpu.memory_space<hbm>>
        %dma_wait3A_532 = arith.constant 0 : i32
        %dma_wait3A_533 = arith.constant 0 : i32
        %dma_wait3A_534 = tpu.memref_slice %arg3[%add3A_527, %dma_wait3A_532, %dma_wait3A_533] : memref<5120x2x64xi32, #tpu.memory_space<hbm>> -> memref<1x2x64xi32, #tpu.memory_space<hbm>>
        %dma_wait3A_535 = tpu.memref_squeeze %dma_wait3A_534 : memref<1x2x64xi32, #tpu.memory_space<hbm>> -> memref<2x64xi32, #tpu.memory_space<hbm>>
        tpu.wait_dma2 semaphore(%arg22 : memref<!tpu.dma_semaphore, #tpu.memory_space<semaphore_mem>>) src(%dma_wait3A_535 : memref<2x64xi32, #tpu.memory_space<hbm>>) dst(%arg9 : memref<2x64xi32, #tpu.memory_space<vmem>>)
        %dma_start3A_536 = arith.constant 0 : i32
        %dma_start3A_537 = arith.constant 0 : i32
        %dma_start3A_538 = tpu.memref_slice %arg9[%dma_start3A_536, %dma_start3A_537] : memref<2x64xi32, #tpu.memory_space<vmem>> -> memref<1x64xi32, #tpu.memory_space<vmem>>
        %dma_start3A_539 = tpu.memref_squeeze %dma_start3A_538 : memref<1x64xi32, #tpu.memory_space<vmem>> -> memref<64xi32, #tpu.memory_space<vmem>>
        %dma_start3A_540 = arith.constant 0 : i32
        %dma_start3A_541 = arith.constant 0 : i32
        %dma_start3A_542 = tpu.memref_slice %arg2[%dma_start3A_540, %dma_start3A_541] : memref<10000x128xf32, #tpu.memory_space<hbm>> -> memref<10000x128xf32, #tpu.memory_space<hbm>>
        tpu.enqueue_indirect_dma source(%dma_start3A_542 : memref<10000x128xf32, #tpu.memory_space<hbm>>) target(%arg17 : memref<64x128xf32, #tpu.memory_space<vmem>>) offsets(%dma_start3A_539 : memref<64xi32, #tpu.memory_space<vmem>>) semaphore(%arg30 : memref<!tpu.dma_semaphore, #tpu.memory_space<semaphore_mem>>)
      } else {
      }
    }
    %scan3A_154 = arith.constant 20 : i32
    %barrier3A_155 = arith.constant 0 : index
    tpu.barrier barrier_id(%barrier3A_155)
    %mul3A_156 = arith.constant 10240 : i32
    %mul3A_157 = arith.muli %arg0, %mul3A_156 : i32
    %add3A_158 = arith.addi %mul3A_157, %mul3A_2 : i32
    "tpu.region"() ({
      %run_scoped3A = tpu.sem_alloc : memref<!tpu.dma_semaphore, #tpu.memory_space<semaphore_mem>>
      %dma_start3A_159 = arith.constant 0 : i32
      %dma_start3A_160 = tpu.memref_slice %arg5[%add3A_158, %dma_start3A_159] : memref<20480x128xf32, #tpu.memory_space<hbm>> -> memref<640x128xf32, #tpu.memory_space<hbm>>
      %dma_start3A_161 = arith.constant 0 : i32
      %dma_start3A_162 = tpu.memref_slice %arg18[%mul3A_2, %dma_start3A_161] : memref<10240x128xf32, #tpu.memory_space<vmem_shared>> -> memref<640x128xf32, #tpu.memory_space<vmem_shared>>
      tpu.enqueue_dma source(%dma_start3A_162 : memref<640x128xf32, #tpu.memory_space<vmem_shared>>) target(%dma_start3A_160 : memref<640x128xf32, #tpu.memory_space<hbm>>) target_semaphore(%run_scoped3A : memref<!tpu.dma_semaphore, #tpu.memory_space<semaphore_mem>>)
      %dma_wait3A_163 = arith.constant 0 : i32
      %dma_wait3A_164 = tpu.memref_slice %arg5[%add3A_158, %dma_wait3A_163] : memref<20480x128xf32, #tpu.memory_space<hbm>> -> memref<640x128xf32, #tpu.memory_space<hbm>>
      %dma_wait3A_165 = arith.constant 0 : i32
      %dma_wait3A_166 = tpu.memref_slice %arg18[%mul3A_2, %dma_wait3A_165] : memref<10240x128xf32, #tpu.memory_space<vmem_shared>> -> memref<640x128xf32, #tpu.memory_space<vmem_shared>>
      tpu.wait_dma2 semaphore(%run_scoped3A : memref<!tpu.dma_semaphore, #tpu.memory_space<semaphore_mem>>) src(%dma_wait3A_166 : memref<640x128xf32, #tpu.memory_space<vmem_shared>>) dst(%dma_wait3A_164 : memref<640x128xf32, #tpu.memory_space<hbm>>)
      tpu.yield
    }) : () -> ()
    return
  }
}

module attributes {stable_mosaic.version = 14 : i64} {
  func.func @body(%arg0: memref<32x10000xf32, #tpu.memory_space<vmem>>, %arg1: memref<10000x128xf32, #tpu.memory_space<vmem>>, %arg2: memref<128x128xf32, #tpu.memory_space<vmem>>, %arg3: memref<10000xf32, #tpu.memory_space<vmem>>, %arg4: memref<10000x128xf32, #tpu.memory_space<vmem>>) attributes {dimension_semantics = [], scalar_prefetch = 0 : i64, scratch_operands = 0 : i64, tpu.core_type = #tpu.core_type<tc>} {
    %get3A = arith.constant 0 : index
    %get3A_0 = arith.constant 0 : index
    %get3A_1 = vector.load %arg0[%get3A, %get3A_0] : memref<32x10000xf32, #tpu.memory_space<vmem>>, vector<32x10000xf32>
    %reduce_sum3A = arith.constant dense<0.000000e+00> : vector<10000xf32>
    %reduce_sum3A_2 = vector.multi_reduction <add>, %get3A_1, %reduce_sum3A [0] : vector<32x10000xf32> to vector<10000xf32>
    %add3A = arith.constant 1.000000e+00 : f32
    %add3A_3 = vector.broadcast %add3A : f32 to vector<10000xf32>
    %add3A_4 = arith.addf %reduce_sum3A_2, %add3A_3 : vector<10000xf32>
    %rsqrt3A = math.rsqrt %add3A_4 : vector<10000xf32>
    %swap3A = arith.constant 0 : index
    %swap3A_5 = vector.load %arg3[%swap3A] : memref<10000xf32, #tpu.memory_space<vmem>>, vector<10000xf32>
    tpu.vector_store %arg3[%swap3A], %rsqrt3A {strides = array<i32>} : memref<10000xf32, #tpu.memory_space<vmem>>, vector<10000xf32>,
    %get3A_6 = arith.constant 0 : index
    %get3A_7 = arith.constant 0 : index
    %get3A_8 = vector.load %arg1[%get3A_6, %get3A_7] : memref<10000x128xf32, #tpu.memory_space<vmem>>, vector<10000x128xf32>
    %get3A_9 = arith.constant 0 : index
    %get3A_10 = arith.constant 0 : index
    %get3A_11 = vector.load %arg2[%get3A_9, %get3A_10] : memref<128x128xf32, #tpu.memory_space<vmem>>, vector<128x128xf32>
    %dot_general3A = arith.constant dense<0.000000e+00> : vector<10000x128xf32>
    %dot_general3A_12 = tpu.matmul %get3A_8, %get3A_11, %dot_general3A {dimension_numbers = #tpu.dot_dimension_numbers<[1], [0], [0], [1], [0, 0, 1, 1], [], []>, precision = #tpu.contract_precision<fp32>, transpose_lhs_hint = false} : vector<10000x128xf32>, vector<128x128xf32>, vector<10000x128xf32> -> vector<10000x128xf32>
    %broadcast_in_dim3A = vector.shape_cast %rsqrt3A : vector<10000xf32> to vector<10000x1xf32>
    %mul3A = vector.broadcast %broadcast_in_dim3A : vector<10000x1xf32> to vector<10000x128xf32>
    %mul3A_13 = arith.mulf %dot_general3A_12, %mul3A : vector<10000x128xf32>
    %swap3A_14 = arith.constant 0 : index
    %swap3A_15 = arith.constant 0 : index
    %swap3A_16 = vector.load %arg4[%swap3A_14, %swap3A_15] : memref<10000x128xf32, #tpu.memory_space<vmem>>, vector<10000x128xf32>
    tpu.vector_store %arg4[%swap3A_14, %swap3A_15], %mul3A_13 {strides = array<i32>} : memref<10000x128xf32, #tpu.memory_space<vmem>>, vector<10000x128xf32>,
    return
  }
}

module attributes {stable_mosaic.version = 14 : i64} {
  func.func @body(%arg0: memref<20480x128xf32, #tpu.memory_space<vmem>>, %arg1: memref<10000x128xf32, #tpu.memory_space<vmem>>, %arg2: memref<10000xf32, #tpu.memory_space<vmem>>, %arg3: memref<128xf32, #tpu.memory_space<vmem>>, %arg4: memref<128x128xf32, #tpu.memory_space<vmem>>, %arg5: memref<10000x128xf32, #tpu.memory_space<vmem>>) attributes {dimension_semantics = [], scalar_prefetch = 0 : i64, scratch_operands = 0 : i64, tpu.core_type = #tpu.core_type<tc>} {
    %get3A = arith.constant 0 : index
    %get3A_0 = arith.constant 0 : index
    %get3A_1 = vector.load %arg0[%get3A, %get3A_0] : memref<20480x128xf32, #tpu.memory_space<vmem>>, vector<20480x128xf32>
    %slice3A = vector.extract_strided_slice %get3A_1 {offsets = [0, 0], sizes = [10000, 128], strides = [1, 1]} : vector<20480x128xf32> to vector<10000x128xf32>
    %slice3A_2 = vector.extract_strided_slice %get3A_1 {offsets = [10240, 0], sizes = [10000, 128], strides = [1, 1]} : vector<20480x128xf32> to vector<10000x128xf32>
    %add3A = arith.addf %slice3A, %slice3A_2 : vector<10000x128xf32>
    %get3A_3 = arith.constant 0 : index
    %get3A_4 = arith.constant 0 : index
    %get3A_5 = vector.load %arg1[%get3A_3, %get3A_4] : memref<10000x128xf32, #tpu.memory_space<vmem>>, vector<10000x128xf32>
    %add3A_6 = arith.addf %add3A, %get3A_5 : vector<10000x128xf32>
    %get3A_7 = arith.constant 0 : index
    %get3A_8 = vector.load %arg2[%get3A_7] : memref<10000xf32, #tpu.memory_space<vmem>>, vector<10000xf32>
    %broadcast_in_dim3A = vector.shape_cast %get3A_8 : vector<10000xf32> to vector<10000x1xf32>
    %mul3A = vector.broadcast %broadcast_in_dim3A : vector<10000x1xf32> to vector<10000x128xf32>
    %mul3A_9 = arith.mulf %mul3A, %add3A_6 : vector<10000x128xf32>
    %get3A_10 = arith.constant 0 : index
    %get3A_11 = vector.load %arg3[%get3A_10] : memref<128xf32, #tpu.memory_space<vmem>>, vector<128xf32>
    %broadcast_in_dim3A_12 = vector.shape_cast %get3A_11 : vector<128xf32> to vector<1x128xf32>
    %add3A_13 = vector.broadcast %broadcast_in_dim3A_12 : vector<1x128xf32> to vector<10000x128xf32>
    %add3A_14 = arith.addf %mul3A_9, %add3A_13 : vector<10000x128xf32>
    %max3A = arith.constant 0.000000e+00 : f32
    %max3A_15 = vector.broadcast %max3A : f32 to vector<10000x128xf32>
    %max3A_16 = arith.maximumf %add3A_14, %max3A_15 : vector<10000x128xf32>
    %get3A_17 = arith.constant 0 : index
    %get3A_18 = arith.constant 0 : index
    %get3A_19 = vector.load %arg4[%get3A_17, %get3A_18] : memref<128x128xf32, #tpu.memory_space<vmem>>, vector<128x128xf32>
    %dot_general3A = arith.constant dense<0.000000e+00> : vector<10000x128xf32>
    %dot_general3A_20 = tpu.matmul %max3A_16, %get3A_19, %dot_general3A {dimension_numbers = #tpu.dot_dimension_numbers<[1], [0], [0], [1], [0, 0, 1, 1], [], []>, precision = #tpu.contract_precision<fp32>, transpose_lhs_hint = false} : vector<10000x128xf32>, vector<128x128xf32>, vector<10000x128xf32> -> vector<10000x128xf32>
    %broadcast_in_dim3A_21 = vector.shape_cast %get3A_8 : vector<10000xf32> to vector<10000x1xf32>
    %mul3A_22 = vector.broadcast %broadcast_in_dim3A_21 : vector<10000x1xf32> to vector<10000x128xf32>
    %mul3A_23 = arith.mulf %dot_general3A_20, %mul3A_22 : vector<10000x128xf32>
    %swap3A = arith.constant 0 : index
    %swap3A_24 = arith.constant 0 : index
    %swap3A_25 = vector.load %arg5[%swap3A, %swap3A_24] : memref<10000x128xf32, #tpu.memory_space<vmem>>, vector<10000x128xf32>
    tpu.vector_store %arg5[%swap3A, %swap3A_24], %mul3A_23 {strides = array<i32>} : memref<10000x128xf32, #tpu.memory_space<vmem>>, vector<10000x128xf32>,
    return
  }
}

module attributes {stable_mosaic.version = 14 : i64} {
  func.func @body(%arg0: memref<20480x128xf32, #tpu.memory_space<vmem>>, %arg1: memref<10000x128xf32, #tpu.memory_space<vmem>>, %arg2: memref<10000xf32, #tpu.memory_space<vmem>>, %arg3: memref<64xf32, #tpu.memory_space<vmem>>, %arg4: memref<10000x64xf32, #tpu.memory_space<vmem>>) attributes {dimension_semantics = [], scalar_prefetch = 0 : i64, scratch_operands = 0 : i64, tpu.core_type = #tpu.core_type<tc>} {
    %get3A = arith.constant 0 : index
    %get3A_0 = arith.constant 0 : index
    %get3A_1 = vector.load %arg0[%get3A, %get3A_0] : memref<20480x128xf32, #tpu.memory_space<vmem>>, vector<20480x128xf32>
    %slice3A = vector.extract_strided_slice %get3A_1 {offsets = [0, 0], sizes = [10000, 128], strides = [1, 1]} : vector<20480x128xf32> to vector<10000x128xf32>
    %slice3A_2 = vector.extract_strided_slice %get3A_1 {offsets = [10240, 0], sizes = [10000, 128], strides = [1, 1]} : vector<20480x128xf32> to vector<10000x128xf32>
    %add3A = arith.addf %slice3A, %slice3A_2 : vector<10000x128xf32>
    %get3A_3 = arith.constant 0 : index
    %get3A_4 = arith.constant 0 : index
    %get3A_5 = vector.load %arg1[%get3A_3, %get3A_4] : memref<10000x128xf32, #tpu.memory_space<vmem>>, vector<10000x128xf32>
    %add3A_6 = arith.addf %add3A, %get3A_5 : vector<10000x128xf32>
    %slice3A_7 = vector.extract_strided_slice %add3A_6 {offsets = [0, 0], sizes = [10000, 64], strides = [1, 1]} : vector<10000x128xf32> to vector<10000x64xf32>
    %get3A_8 = arith.constant 0 : index
    %get3A_9 = vector.load %arg2[%get3A_8] : memref<10000xf32, #tpu.memory_space<vmem>>, vector<10000xf32>
    %broadcast_in_dim3A = vector.shape_cast %get3A_9 : vector<10000xf32> to vector<10000x1xf32>
    %mul3A = vector.broadcast %broadcast_in_dim3A : vector<10000x1xf32> to vector<10000x64xf32>
    %mul3A_10 = arith.mulf %mul3A, %slice3A_7 : vector<10000x64xf32>
    %get3A_11 = arith.constant 0 : index
    %get3A_12 = vector.load %arg3[%get3A_11] : memref<64xf32, #tpu.memory_space<vmem>>, vector<64xf32>
    %broadcast_in_dim3A_13 = vector.shape_cast %get3A_12 : vector<64xf32> to vector<1x64xf32>
    %add3A_14 = vector.broadcast %broadcast_in_dim3A_13 : vector<1x64xf32> to vector<10000x64xf32>
    %add3A_15 = arith.addf %mul3A_10, %add3A_14 : vector<10000x64xf32>
    %logistic3A = arith.negf %add3A_15 : vector<10000x64xf32>
    %logistic3A_16 = math.exp %logistic3A : vector<10000x64xf32>
    %logistic3A_17 = arith.constant 1.000000e+00 : f32
    %logistic3A_18 = vector.broadcast %logistic3A_17 : f32 to vector<10000x64xf32>
    %logistic3A_19 = arith.addf %logistic3A_18, %logistic3A_16 : vector<10000x64xf32>
    %logistic3A_20 = arith.divf %logistic3A_18, %logistic3A_19 : vector<10000x64xf32>
    %swap3A = arith.constant 0 : index
    %swap3A_21 = arith.constant 0 : index
    %swap3A_22 = vector.load %arg4[%swap3A, %swap3A_21] : memref<10000x64xf32, #tpu.memory_space<vmem>>, vector<10000x64xf32>
    tpu.vector_store %arg4[%swap3A, %swap3A_21], %logistic3A_20 {strides = array<i32>} : memref<10000x64xf32, #tpu.memory_space<vmem>>, vector<10000x64xf32>,
    return
  }
}

</mosaic_0001>

<sc_bundles>
// kernel: kernel.10.cloned.1.call-start
scs
__scs_entry_jumppad:
0x0: {  	(pc) =	sbr.rel $0x88, $3  }
0x1: {  	(tag) =	ssettag $0x0;
	lr =	simm.s32 $0x1  }
0x2: {  	[smem:$0x3F99] =	sst lr;
	_ =	strace $0xD0000000  }
0x3: {  	_ = 	snop  }
0x4: {  	_ = 	snop  }
0x5: {  	_ = 	snop  }
0x6: {  	_ = 	snop  }
0x7: {  	_ = 	snop  }
__scs_overlays_trampoline_lowered:
0x8: {  	[smem:$0x3FA8] =	sst s0  }
0x9: {  	[smem:$0x3FA9] =	sst s1  }
0xa: {  	[smem:$0x3FAA] =	sst s2  }
0xb: {  	[smem:$0x3FAB] =	sst s3  }
0xc: {  	[smem:$0x3FAC] =	sst s4  }
0xd: {  	[smem:$0x3FAD] =	sst s5  }
0xe: {  	[smem:$0x3FAE] =	sst s6  }
0xf: {  	[smem:$0x3FAF] =	sst s7  }
0x10: {  	[smem:$0x3FB0] =	sst s8  }
0x11: {  	[smem:$0x3FB1] =	sst s9;
	s0 =	simm.s32 @!p0 $0x0  }
0x12: {  	s1 =	sld [smem:$0x3F97];
	s0 =	simm.s32 @p0 $0x1  }
0x13: {  	[smem:$0x3FB2] =	sst s0;
	s0 =	simm.s32 @!p1 $0x0  }
0x14: {  	s2 =	sld [smem:$0x3F96];
	s0 =	simm.s32 @p1 $0x1  }
0x15: {  	[smem:$0x3FB3] =	sst s0;
	s0 =	simm.s32 @!p2 $0x0  }
0x16: {  	s3 =	sld [smem:$0x3FDB];
	s0 =	simm.s32 @p2 $0x1  }
0x17: {  	s4 =	simm.s32 $0x1BF5;
	[smem:$0x3FB5] =	sst s0  }
0x18: {  	s0 =	sld [smem:$0x3F98];
	_ =	swait.ge [sflag:s4], $0x0  }
0x19: {  	s7 =	sld [smem:$0x3F99]  }
0x1a: {  	s8 =	sadd.s32 $0xFFFFE003, lr  }
0x1b: {  	s9 =	sadd.s32 $0xFFFFFEF7, lr;
	s5 =	simm.s32 $0xFFFFFFFF;
	p2 =	slt.u32 s8, $0xFFFFF086  }
0x1c: {  	p1 =	slt.u32 s9, $0xF7A;
	s5 =	simm.s32 @!p2 $0x0  }
0x1d: {  	s5 =	simm.s32 @p1 $0x1;
	p0 =	seq.s32 s7, s2  }
0x1e: {  	s7 =	smul.u32 @!p0 $0xF7A, s2;
	p2 =	seq.s32 @!p0 s5, $0x0  }
0x1f: {  	s9 =	smul.u32 $0xF7A, s1;
	s8 =	simm.s32 @!p0 $0x1BF5;
	p2 =	por !p2, p0  }
0x20: {  	[sflag:s8] =	ssyncset.s32 @!p0 $0xFFFFF086;
	s6 =	sadd.s32 @!p0 s3, s7;
	s7 =	simm.s32 @!p0 $0x108  }
0x21: {  	s3 =	sadd.s32 s3, s9;
	s6 =	sadd.s32 @!p0 $0x88, s6;
	s7 =	simm.s32 @p2 $0x1082  }
0x22: {  	[simem:s7], [sflag:s8] =	dma.local @!p0 [hbm:s6], $0xF7A  }
0x23: {  	s9 =	sor.u32 $0xD0000000, s2;
	s6 =	simm.s32 $0x108;
	_ =	swait.ge @!p0 [sflag:s8], $0x0  }
0x24: {  	s3 =	sadd.s32 $0x88, s3;
	s6 =	simm.s32 @!p1 $0x1082;
	[sflag:s4] =	ssyncset.s32 $0xFFFFF086  }
0x25: {  	[simem:s6], [sflag:s4] =	dma.local [hbm:s3], $0xF7A  }
0x26: {  	[smem:$0x3F99] =	sst s1;
	(tag) =	ssettag s2;
	_ =	strace s9  }
0x27: {  	s1 =	sld [smem:$0x3FA9]  }
0x28: {  	s2 =	sld [smem:$0x3FAA]  }
0x29: {  	s4 =	sld [smem:$0x3FAC]  }
0x2a: {  	p0 =	seq.s32 s5, $0x0;
	s5 =	sld [smem:$0x3FAD]  }
0x2b: {  	s6 =	sld [smem:$0x3FAE]  }
0x2c: {  	s7 =	sld [smem:$0x3FAF]  }
0x2d: {  	s3 =	simm.s32 $0x108;
	s8 =	sld [smem:$0x3FB0]  }
0x2e: {  	s3 =	simm.s32 @!p0 $0x1082;
	s9 =	sld [smem:$0x3FB1]  }
0x2f: {  	lr =	sadd.s32 s0, s3;
	s0 =	sld [smem:$0x3FA8]  }
0x30: {  	s3 =	sld [smem:$0x3FAB]  }
0x31: {  	[smem:$0x3FB4] =	sst s10  }
0x32: {  	s10 =	sld [smem:$0x3FB2];
	_ =	sdelay $0x3  }
0x33: {  	p0 =	seq.s32 s10, $0x1;
	s10 =	sld [smem:$0x3FB4];
	_ =	sdelay $0x3  }
0x34: {  	[smem:$0x3FB4] =	sst s10  }
0x35: {  	s10 =	sld [smem:$0x3FB3];
	_ =	sdelay $0x3  }
0x36: {  	p1 =	seq.s32 s10, $0x1;
	s10 =	sld [smem:$0x3FB4];
	_ =	sdelay $0x3  }
0x37: {  	[smem:$0x3FB4] =	sst s10  }
0x38: {  	s10 =	sld [smem:$0x3FB5]  }
0x39: {  	_ = 	snop;
	(pc) =	sbr.ind lr, $3  }
0x3a: {  	_ = 	snop  }
0x3b: {  	_ = 	snop  }
0x3c: {  	p2 =	seq.s32 s10, $0x1;
	s10 =	sld [smem:$0x3FB4]  }
0x3d: {  	_ =	shalt  }
0x3e: {  	_ =	shalt  }
0x3f: {  	_ =	shalt  }
0x40: {  	_ =	shalt  }
0x41: {  	_ =	shalt  }
0x42: {  	_ =	shalt  }
0x43: {  	_ =	shalt  }
0x44: {  	_ =	shalt  }
0x45: {  	_ =	shalt  }
0x46: {  	_ =	shalt  }
0x47: {  	_ =	shalt  }
0x48: {  	_ =	shalt  }
0x49: {  	_ =	shalt  }
0x4a: {  	_ =	shalt  }
0x4b: {  	_ =	shalt  }
0x4c: {  	_ =	shalt  }
0x4d: {  	_ =	shalt  }
0x4e: {  	_ =	shalt  }
0x4f: {  	_ =	shalt  }
0x50: {  	_ =	shalt  }
0x51: {  	_ =	shalt  }
0x52: {  	_ =	shalt  }
0x53: {  	_ =	shalt  }
0x54: {  	_ =	shalt  }
0x55: {  	_ =	shalt  }
0x56: {  	_ =	shalt  }
0x57: {  	_ =	shalt  }
0x58: {  	_ =	shalt  }
0x59: {  	_ =	shalt  }
0x5a: {  	_ =	shalt  }
0x5b: {  	_ =	shalt  }
0x5c: {  	_ =	shalt  }
0x5d: {  	_ =	shalt  }
0x5e: {  	_ =	shalt  }
0x5f: {  	_ =	shalt  }
0x60: {  	_ =	shalt  }
0x61: {  	_ =	shalt  }
0x62: {  	_ =	shalt  }
0x63: {  	_ =	shalt  }
0x64: {  	_ =	shalt  }
0x65: {  	_ =	shalt  }
0x66: {  	_ =	shalt  }
0x67: {  	_ =	shalt  }
0x68: {  	_ =	shalt  }
0x69: {  	_ =	shalt  }
0x6a: {  	_ =	shalt  }
0x6b: {  	_ =	shalt  }
0x6c: {  	_ =	shalt  }
0x6d: {  	_ =	shalt  }
0x6e: {  	_ =	shalt  }
0x6f: {  	_ =	shalt  }
0x70: {  	_ =	shalt  }
0x71: {  	_ =	shalt  }
0x72: {  	_ =	shalt  }
0x73: {  	_ =	shalt  }
0x74: {  	_ =	shalt  }
0x75: {  	_ =	shalt  }
0x76: {  	_ =	shalt  }
0x77: {  	_ =	shalt  }
0x78: {  	_ =	shalt  }
0x79: {  	_ =	shalt  }
0x7a: {  	_ =	shalt  }
0x7b: {  	_ =	shalt  }
0x7c: {  	_ =	shalt  }
0x7d: {  	_ =	shalt  }
0x7e: {  	_ =	shalt  }
0x7f: {  	_ =	shalt  }
0x80: {  	_ =	shalt  }
0x81: {  	_ =	shalt  }
0x82: {  	_ =	shalt  }
0x83: {  	_ =	shalt  }
0x84: {  	_ =	shalt  }
0x85: {  	_ =	shalt  }
0x86: {  	_ =	shalt  }
0x87: {  	_ =	shalt  }
.Lfunc_end0:
.L_simem_size_0:
called_computation_lowered:
.L_overlay_start_0:
0x88: {  	s2 =	sld [smem:$0x3FD9]  }
0x89: {  	s3 =	sld [smem:$0x3FFE];
	_ =	sdelay $0x1  }
0x8a: {  	s1 =	srdreg.scid  }
0x8b: {  	s0 =	sand.u32 $0x1, s1  }
0x8c: {  	s17 =	sshll.u32 s0, $0xA;
	s2 =	sadd.s32 s3, s2  }
0x8d: {  	s2 =	sadd.s32 s2, s17  }
0x8e: {  	[smem:$0x3FC0] =	sst s2  }
0x8f: {  	_ = 	snop  }
0x90: {  	s2 =	sld [smem:$0x3FD0];
	(tm) =	ssettm $0x1  }
0x91: {  	s18 =	sld [smem:$0x3FFB];
	_ =	sdelay $0x3  }
0x92: {  	_ =	strace s18  }
0x93: {  	s3 =	sld [smem:$0x3FFC];
	_ =	sdelay $0x3  }
0x94: {  	_ =	strace s3  }
0x95: {  	s3 =	sld [smem:$0x3FFD];
	_ =	sdelay $0x3  }
0x96: {  	_ =	strace s3  }
0x97: {  	_ =	strace $0x8FFFFFFF  }
0x98: {  	s19 =	sld [smem:$0x3FDB];
	_ =	sdelay $0x1  }
0x99: {  	s4 =	simm.s32 $_scs_section_size  }
0x9a: {  	s5 =	simm.s32 $_size__tile_overlayer_lowered;
	s6 =	simm.s32 $_tile_overlayer_lowered  }
0x9b: {  	s22 =	simm.s32 $0x1BFF;
	s21 =	sshll.u32 s6, $0x1;
	s3 =	sadd.s32 s4, s19  }
0x9c: {  	s7 =	simm.s32 $0x0;
	s20 =	sshll.u32 s5, $0x1;
	s5 =	sadd.s32 s21, s3  }
0x9d: {  	[timem:s7], [sflag:s22] =	dma.local [hbm:s5], s20  }
0x9e: {  	_ =	swait.ge [sflag:s22], s20  }
0x9f: {  	s4 =	ssub.s32 $0x0, s20;
	[sflag:s22] =	ssyncset.done $0x0  }
0xa0: {  	[sflag:s22] =	ssyncadd.s32 s4;
	_ =	sdelay $0x1  }
0xa1: {  	s23 =	simm.s32 $0x1B8B  }
0xa2: {  	_ =	swait.ge [sflag:s23], $0x1  }
0xa3: {  	[sflag:s23] =	ssyncset.done $0x0  }
0xa4: {  	s25 =	simm.s32 $0x1B8E;
	s24 =	sld [smem:$0x3FFE];
	[sflag:s23] =	ssyncadd.s32 $0xFFFFFFFF  }
0xa5: {  	s26 =	simm.s32 $execute0_lowered;
	[smem:$0x3FD2] =	sst s25  }
0xa6: {  	s5 =	sshll.u32 s26, $0x1;
	_ =	strace $0x80000046;
	[dreg:$0x1] =	wrdreg $0xFFFFFFFF  }
0xa7: {  	s28 =	simm.s32 $_size_execute0_lowered;
	s3 =	sadd.s32 s3, s5;
	[dreg:$0x0] =	wrdreg $0x0  }
0xa8: {  	s5 =	sshll.u32 s28, $0x1;
	[dreg:$0x2] =	wrdreg s3  }
0xa9: {  	[dreg:$0x3] =	wrdreg s5  }
0xaa: {  	[dreg:$0x4] =	wrdreg $0xC0  }
0xab: {  	_ =	task [dreg:s7], $0x5FFFF  }
0xac: {  	[dreg:$0x1] =	wrdreg $0xFFFFFFFF  }
0xad: {  	[dreg:$0x0] =	wrdreg $0x60  }
0xae: {  	[dreg:$0x2] =	wrdreg s2  }
0xaf: {  	[dreg:$0x3] =	wrdreg s24  }
0xb0: {  	[dreg:$0x4] =	wrdreg $0x9  }
0xb1: {  	_ =	task.clear_ibuf [dreg:s7], $0x5FFFF;
	_ =	strace $0x90000046  }
0xb2: {  	s29 =	simm.s32 $0x9;
	_ =	strace $0x80000048  }
0xb3: {  	_ =	swait.ge [sflag:s29], $0x1  }
0xb4: {  	[sflag:s29] =	ssyncadd.s32 $0xFFFFFFFF  }
0xb5: {  	_ =	strace $0x90000048  }
0xb6: {  	_ =	sfence  }
0xb7: {  	s30 =	sld [smem:$0x0];
	_ =	sdelay $0x2  }
0xb8: {  	s31 =	sshll.u32 s1, $0xD;
	s1 =	sshrl.u32 s1, $0x2  }
0xb9: {  	s3 =	sand.u32 $0x4000, s31;
	s1 =	sadd.s32 s1, s30  }
0xba: {  	s0 =	sor.u32 s3, s0;
	s1 =	sshll.u32 s1, $0x11  }
0xbb: {  	s0 =	sor.u32 s1, s0  }
0xbc: {  	s0 =	sadd.s32 $0x8F2B, s0  }
0xbd: {  	[sflag:s0] =	ssyncadd.remote.s32 $0x1  }
0xbe: {  	_ =	sfence.sel $0xFFFF  }
0xbf: {  	[dreg:$0x0] =	wrdreg $0xFFFFFFFF;
	(pc) =	sbr.abs _section_cstart, $3  }
0xc0: {  	[dreg:$0x1] =	wrdreg $0xFFFFFFFF  }
0xc1: {  	_ =	task.clear_ibuf [dreg:s7], $0x2FFFF;
	_ =	strace $0x9FFFFFFF  }
0xc2: {  	(tm) =	ssettm $0x7FFFFFFF  }
0xc3: {  	_ =	shalt  }
tec
execute0_lowered:
.L_overlay_start_1:
0x0: {  	(tag) =	ssettag $0x1  }
0x1: {  	s3 =	rddreg [dreg:$0x0];
	s1 =	srdreg.scid  }
0x2: {  	s0 =	stileid.u32;
	s4 =	rddreg [dreg:$0x1]  }
0x3: {  	s8 =	simm.s32 $0x0;
	s5 =	sand.u32 $0x1, s1;
	s2 =	sshll.u32 s0, $0x1  }
0x4: {  	s6 =	sor.u32 s5, s2;
	s2 =	simm.s32 $0x0;
	s5 =	ssub.s32 $0x2, s5  }
0x5: {  	s6 =	smul.u32 $0x4E2, s6;
	[smem:$0x7FF] =	sst s2;
	s7 =	sshrl.u32 s5, $0x1  }
0x6: {  	s1 =	rddreg [dreg:$0x2];
	_ =	strace $0x80000047;
	s5 =	ssub.s32 s5, s7  }
0x7: {  	s7 =	simm.s32 $0x2780;
	s4 =	sadd.s32 s6, s4;
	s3 =	sadd.s32 s3, s6  }
0x8: {  	v0 =	vimm.f32 $0.0e+00;
	v1 =	vimm.f32 $1.000000000e+00;
	s5 =	smax.u32 s5, $0x1;
	s6 =	simm.s32 $0x1;
	s4 =	sadd.s32 $0x3A00, s4  }
.LBB2_1:
0x9: {  	s9 =	simm.s32 $0x40;
	s10 =	simm.s32 $0x0  }
.LBB2_2:
0xa: {  	p0 =	sne.s32 s9, $0x9C00;
	[tilespmem:s10+$0x2780] =	vst v0;
	s10 =	smov.u32 s9;
	s9 =	sadd.s32 $0x40, s9  }
.Ltmp0:
0xb: {  	(pc) =	sbr.rel @p0 .LBB2_2-.Ltmp0, $2  }
0xc: {  	_ =	sdelay $0x2  }
0xd: {  	s10 =	sshra.s32 s10, $0x2  }
0xe: {  	[tilespmem:s10+$0x2780] =	vst v0;
	s9 =	simm.s32 $0x0  }
0xf: {  	[tilespmem:s9], [sflag:$0x1] =	stream.linear.gather [hbm4b:s3+s9], $0x2710, $0x38;
	[tilespmem:$0x4F00] =	vst v63  }
0x10: {  	_ =	swait.ge [sflag:s6], $0x2710  }
0x11: {  	[sflag:s6] =	ssyncset.done $0x0  }
0x12: {  	s10 =	simm.s32 $0x0;
	s9 =	simm.s32 $0x40;
	[sflag:s6] =	ssyncadd.s32 $0xFFFFD8F0  }
.LBB2_4:
0x13: {  	p0 =	sne.s32 s9, $0x9C00;
	v2 =	vld [tilespmem:s10+$0x0];
	_ =	sdelay $0x3  }
.Ltmp1:
0x14: {  	(pc) =	sbr.rel @p0 .LBB2_4-.Ltmp1, $2  }
0x15: {  	_ =	sdelay $0x2  }
0x16: {  	s10 =	sshra.s32 s9, $0x2;
	s9 =	sadd.s32 $0x40, s9;
	[tilespmem:v2+s7+$0x0] =	vst.idx.add.f32.msk $0xffff, v1  }
0x17: {  	v2 =	vld [tilespmem:s10+$0x0];
	_ =	sdelay $0x5  }
0x18: {  	s8 =	sadd.s32 $0x1, s8  }
0x19: {  	p0 =	sne.s32 s8, s5  }
.Ltmp2:
0x1a: {  	[tilespmem:v2+s7+$0x0] =	vst.idx.add.f32.msk $0xffff, v1;
	(pc) =	sbr.rel @p0 .LBB2_1-.Ltmp2, $4  }
0x1b: {  	[hbm4b:s4+s2] =	stream.linear.scatter [tilespmem:s7], [sflag:$0x1], $0x2710, $0x38;
	[tilespmem:$0x4F00] =	vst v63  }
0x1c: {  	_ =	swait.ge [sflag:s6], $0x2710  }
0x1d: {  	[sflag:s6] =	ssyncset.done $0x0  }
0x1e: {  	[sflag:s6] =	ssyncadd.s32 $0xFFFFD8F0  }
0x1f: {  	_ =	sfence.sel $0x180000  }
0x20: {  	[bflag:$0x0] =	sbarrier.arrive $0xFFFF  }
0x21: {  	p0 =	sne.s32 s0, $0x0;
	_ =	strace $0x90000047  }
0x22: {  	s0 =	sadd.s32 @!p0 $0x100000, s1;
	[bflag:$0x2] =	sbarrier.arrive $0xFFFF  }
0x23: {  	[sflag:s0] =	ssyncadd.tile.s32 @!p0 $0x1;
	_ =	shalt  }
.Lfunc_end2:
_tile_overlayer_lowered:
.L_overlay_start_2:
0x24: {  	(tag) =	ssettag $0x2  }
0x25: {  	s0 =	rddreg [dreg:$0x0];
	s2 =	stileid.u32  }
0x26: {  	s1 =	rddreg [dreg:$0x1];
	p0 =	sne.s32 s2, $0x0  }
0x27: {  	s3 =	rddreg [dreg:$0x2];
	[bflag:$0x3] =	sbarrier.arrive $0xFFFF;
	s2 =	simm.s32 @!p0 $0x1C01  }
0x28: {  	[timem:s3], [sflag:s2] =	dma.local @!p0 [hbm:s0], s1  }
0x29: {  	s0 =	simm.s32 @!p0 $0x1  }
0x2a: {  	_ =	swait.ge @!p0 [sflag:s0], s1  }
0x2b: {  	s1 =	ssub.s32 @!p0 $0x0, s1;
	[sflag:s0] =	ssyncset.done @!p0 $0x0  }
0x2c: {  	[sflag:s0] =	ssyncadd.s32 @!p0 s1  }
0x2d: {  	[bflag:$0x3] =	sbarrier.arrive $0xFFFF  }
0x2e: {  	_ =	shalt  }

// kernel: kernel.13.cloned.1.call-start
scs
__scs_entry_jumppad:
0x0: {  	(pc) =	sbr.rel $0x88, $3  }
0x1: {  	(tag) =	ssettag $0x0;
	lr =	simm.s32 $0x1  }
0x2: {  	[smem:$0x3F99] =	sst lr;
	_ =	strace $0xD0000000  }
0x3: {  	_ = 	snop  }
0x4: {  	_ = 	snop  }
0x5: {  	_ = 	snop  }
0x6: {  	_ = 	snop  }
0x7: {  	_ = 	snop  }
__scs_overlays_trampoline_lowered:
0x8: {  	[smem:$0x3FA8] =	sst s0  }
0x9: {  	[smem:$0x3FA9] =	sst s1  }
0xa: {  	[smem:$0x3FAA] =	sst s2  }
0xb: {  	[smem:$0x3FAB] =	sst s3  }
0xc: {  	[smem:$0x3FAC] =	sst s4  }
0xd: {  	[smem:$0x3FAD] =	sst s5  }
0xe: {  	[smem:$0x3FAE] =	sst s6  }
0xf: {  	[smem:$0x3FAF] =	sst s7  }
0x10: {  	[smem:$0x3FB0] =	sst s8  }
0x11: {  	[smem:$0x3FB1] =	sst s9;
	s0 =	simm.s32 @!p0 $0x0  }
0x12: {  	s1 =	sld [smem:$0x3F97];
	s0 =	simm.s32 @p0 $0x1  }
0x13: {  	[smem:$0x3FB2] =	sst s0;
	s0 =	simm.s32 @!p1 $0x0  }
0x14: {  	s2 =	sld [smem:$0x3F96];
	s0 =	simm.s32 @p1 $0x1  }
0x15: {  	[smem:$0x3FB3] =	sst s0;
	s0 =	simm.s32 @!p2 $0x0  }
0x16: {  	s3 =	sld [smem:$0x3FDB];
	s0 =	simm.s32 @p2 $0x1  }
0x17: {  	s4 =	simm.s32 $0x1BF5;
	[smem:$0x3FB5] =	sst s0  }
0x18: {  	s0 =	sld [smem:$0x3F98];
	_ =	swait.ge [sflag:s4], $0x0  }
0x19: {  	s7 =	sld [smem:$0x3F99]  }
0x1a: {  	s8 =	sadd.s32 $0xFFFFE003, lr  }
0x1b: {  	s9 =	sadd.s32 $0xFFFFFEF7, lr;
	s5 =	simm.s32 $0xFFFFFFFF;
	p2 =	slt.u32 s8, $0xFFFFF086  }
0x1c: {  	p1 =	slt.u32 s9, $0xF7A;
	s5 =	simm.s32 @!p2 $0x0  }
0x1d: {  	s5 =	simm.s32 @p1 $0x1;
	p0 =	seq.s32 s7, s2  }
0x1e: {  	s7 =	smul.u32 @!p0 $0xF7A, s2;
	p2 =	seq.s32 @!p0 s5, $0x0  }
0x1f: {  	s9 =	smul.u32 $0xF7A, s1;
	s8 =	simm.s32 @!p0 $0x1BF5;
	p2 =	por !p2, p0  }
0x20: {  	[sflag:s8] =	ssyncset.s32 @!p0 $0xFFFFF086;
	s6 =	sadd.s32 @!p0 s3, s7;
	s7 =	simm.s32 @!p0 $0x108  }
0x21: {  	s3 =	sadd.s32 s3, s9;
	s6 =	sadd.s32 @!p0 $0x88, s6;
	s7 =	simm.s32 @p2 $0x1082  }
0x22: {  	[simem:s7], [sflag:s8] =	dma.local @!p0 [hbm:s6], $0xF7A  }
0x23: {  	s9 =	sor.u32 $0xD0000000, s2;
	s6 =	simm.s32 $0x108;
	_ =	swait.ge @!p0 [sflag:s8], $0x0  }
0x24: {  	s3 =	sadd.s32 $0x88, s3;
	s6 =	simm.s32 @!p1 $0x1082;
	[sflag:s4] =	ssyncset.s32 $0xFFFFF086  }
0x25: {  	[simem:s6], [sflag:s4] =	dma.local [hbm:s3], $0xF7A  }
0x26: {  	[smem:$0x3F99] =	sst s1;
	(tag) =	ssettag s2;
	_ =	strace s9  }
0x27: {  	s1 =	sld [smem:$0x3FA9]  }
0x28: {  	s2 =	sld [smem:$0x3FAA]  }
0x29: {  	s4 =	sld [smem:$0x3FAC]  }
0x2a: {  	p0 =	seq.s32 s5, $0x0;
	s5 =	sld [smem:$0x3FAD]  }
0x2b: {  	s6 =	sld [smem:$0x3FAE]  }
0x2c: {  	s7 =	sld [smem:$0x3FAF]  }
0x2d: {  	s3 =	simm.s32 $0x108;
	s8 =	sld [smem:$0x3FB0]  }
0x2e: {  	s3 =	simm.s32 @!p0 $0x1082;
	s9 =	sld [smem:$0x3FB1]  }
0x2f: {  	lr =	sadd.s32 s0, s3;
	s0 =	sld [smem:$0x3FA8]  }
0x30: {  	s3 =	sld [smem:$0x3FAB]  }
0x31: {  	[smem:$0x3FB4] =	sst s10  }
0x32: {  	s10 =	sld [smem:$0x3FB2];
	_ =	sdelay $0x3  }
0x33: {  	p0 =	seq.s32 s10, $0x1;
	s10 =	sld [smem:$0x3FB4];
	_ =	sdelay $0x3  }
0x34: {  	[smem:$0x3FB4] =	sst s10  }
0x35: {  	s10 =	sld [smem:$0x3FB3];
	_ =	sdelay $0x3  }
0x36: {  	p1 =	seq.s32 s10, $0x1;
	s10 =	sld [smem:$0x3FB4];
	_ =	sdelay $0x3  }
0x37: {  	[smem:$0x3FB4] =	sst s10  }
0x38: {  	s10 =	sld [smem:$0x3FB5]  }
0x39: {  	_ = 	snop;
	(pc) =	sbr.ind lr, $3  }
0x3a: {  	_ = 	snop  }
0x3b: {  	_ = 	snop  }
0x3c: {  	p2 =	seq.s32 s10, $0x1;
	s10 =	sld [smem:$0x3FB4]  }
0x3d: {  	_ =	shalt  }
0x3e: {  	_ =	shalt  }
0x3f: {  	_ =	shalt  }
0x40: {  	_ =	shalt  }
0x41: {  	_ =	shalt  }
0x42: {  	_ =	shalt  }
0x43: {  	_ =	shalt  }
0x44: {  	_ =	shalt  }
0x45: {  	_ =	shalt  }
0x46: {  	_ =	shalt  }
0x47: {  	_ =	shalt  }
0x48: {  	_ =	shalt  }
0x49: {  	_ =	shalt  }
0x4a: {  	_ =	shalt  }
0x4b: {  	_ =	shalt  }
0x4c: {  	_ =	shalt  }
0x4d: {  	_ =	shalt  }
0x4e: {  	_ =	shalt  }
0x4f: {  	_ =	shalt  }
0x50: {  	_ =	shalt  }
0x51: {  	_ =	shalt  }
0x52: {  	_ =	shalt  }
0x53: {  	_ =	shalt  }
0x54: {  	_ =	shalt  }
0x55: {  	_ =	shalt  }
0x56: {  	_ =	shalt  }
0x57: {  	_ =	shalt  }
0x58: {  	_ =	shalt  }
0x59: {  	_ =	shalt  }
0x5a: {  	_ =	shalt  }
0x5b: {  	_ =	shalt  }
0x5c: {  	_ =	shalt  }
0x5d: {  	_ =	shalt  }
0x5e: {  	_ =	shalt  }
0x5f: {  	_ =	shalt  }
0x60: {  	_ =	shalt  }
0x61: {  	_ =	shalt  }
0x62: {  	_ =	shalt  }
0x63: {  	_ =	shalt  }
0x64: {  	_ =	shalt  }
0x65: {  	_ =	shalt  }
0x66: {  	_ =	shalt  }
0x67: {  	_ =	shalt  }
0x68: {  	_ =	shalt  }
0x69: {  	_ =	shalt  }
0x6a: {  	_ =	shalt  }
0x6b: {  	_ =	shalt  }
0x6c: {  	_ =	shalt  }
0x6d: {  	_ =	shalt  }
0x6e: {  	_ =	shalt  }
0x6f: {  	_ =	shalt  }
0x70: {  	_ =	shalt  }
0x71: {  	_ =	shalt  }
0x72: {  	_ =	shalt  }
0x73: {  	_ =	shalt  }
0x74: {  	_ =	shalt  }
0x75: {  	_ =	shalt  }
0x76: {  	_ =	shalt  }
0x77: {  	_ =	shalt  }
0x78: {  	_ =	shalt  }
0x79: {  	_ =	shalt  }
0x7a: {  	_ =	shalt  }
0x7b: {  	_ =	shalt  }
0x7c: {  	_ =	shalt  }
0x7d: {  	_ =	shalt  }
0x7e: {  	_ =	shalt  }
0x7f: {  	_ =	shalt  }
0x80: {  	_ =	shalt  }
0x81: {  	_ =	shalt  }
0x82: {  	_ =	shalt  }
0x83: {  	_ =	shalt  }
0x84: {  	_ =	shalt  }
0x85: {  	_ =	shalt  }
0x86: {  	_ =	shalt  }
0x87: {  	_ =	shalt  }
.Lfunc_end0:
.L_simem_size_0:
called_computation.1_lowered:
.L_overlay_start_0:
0x88: {  	s2 =	sld [smem:$0x3FD9]  }
0x89: {  	s3 =	sld [smem:$0x3FFE];
	_ =	sdelay $0x1  }
0x8a: {  	s1 =	srdreg.scid  }
0x8b: {  	s0 =	sand.u32 $0x1, s1  }
0x8c: {  	s17 =	sshll.u32 s0, $0xA;
	s2 =	sadd.s32 s3, s2  }
0x8d: {  	s2 =	sadd.s32 s2, s17  }
0x8e: {  	[smem:$0x3FC0] =	sst s2  }
0x8f: {  	_ = 	snop  }
0x90: {  	s2 =	sld [smem:$0x3FD0];
	(tm) =	ssettm $0x1  }
0x91: {  	s18 =	sld [smem:$0x3FFB];
	_ =	sdelay $0x3  }
0x92: {  	_ =	strace s18  }
0x93: {  	s3 =	sld [smem:$0x3FFC];
	_ =	sdelay $0x3  }
0x94: {  	_ =	strace s3  }
0x95: {  	s3 =	sld [smem:$0x3FFD];
	_ =	sdelay $0x3  }
0x96: {  	_ =	strace s3  }
0x97: {  	_ =	strace $0x8FFFFFFF  }
0x98: {  	s19 =	sld [smem:$0x3FDB];
	_ =	sdelay $0x1  }
0x99: {  	s4 =	simm.s32 $_scs_section_size  }
0x9a: {  	s5 =	simm.s32 $_size__tile_overlayer_lowered;
	s6 =	simm.s32 $_tile_overlayer_lowered  }
0x9b: {  	s22 =	simm.s32 $0x1BFF;
	s21 =	sshll.u32 s6, $0x1;
	s3 =	sadd.s32 s4, s19  }
0x9c: {  	s7 =	simm.s32 $0x0;
	s20 =	sshll.u32 s5, $0x1;
	s5 =	sadd.s32 s21, s3  }
0x9d: {  	[timem:s7], [sflag:s22] =	dma.local [hbm:s5], s20  }
0x9e: {  	_ =	swait.ge [sflag:s22], s20  }
0x9f: {  	s4 =	ssub.s32 $0x0, s20;
	[sflag:s22] =	ssyncset.done $0x0  }
0xa0: {  	[sflag:s22] =	ssyncadd.s32 s4;
	_ =	sdelay $0x1  }
0xa1: {  	s23 =	simm.s32 $0x1B8B  }
0xa2: {  	_ =	swait.ge [sflag:s23], $0x1  }
0xa3: {  	[sflag:s23] =	ssyncset.done $0x0  }
0xa4: {  	s25 =	simm.s32 $0x1B8E;
	s24 =	sld [smem:$0x3FFE];
	[sflag:s23] =	ssyncadd.s32 $0xFFFFFFFF  }
0xa5: {  	s26 =	simm.s32 $execute0_lowered;
	[smem:$0x3FD2] =	sst s25  }
0xa6: {  	s5 =	sshll.u32 s26, $0x1;
	_ =	strace $0x80000049;
	[dreg:$0x1] =	wrdreg $0xFFFFFFFF  }
0xa7: {  	s28 =	simm.s32 $_size_execute0_lowered;
	s3 =	sadd.s32 s3, s5;
	[dreg:$0x0] =	wrdreg $0x0  }
0xa8: {  	s5 =	sshll.u32 s28, $0x1;
	[dreg:$0x2] =	wrdreg s3  }
0xa9: {  	[dreg:$0x3] =	wrdreg s5  }
0xaa: {  	[dreg:$0x4] =	wrdreg $0xC0  }
0xab: {  	_ =	task [dreg:s7], $0x5FFFF  }
0xac: {  	[dreg:$0x1] =	wrdreg $0xFFFFFFFF  }
0xad: {  	[dreg:$0x0] =	wrdreg $0x60  }
0xae: {  	[dreg:$0x2] =	wrdreg s24  }
0xaf: {  	[dreg:$0x3] =	wrdreg s2  }
0xb0: {  	[dreg:$0x4] =	wrdreg $0x88000  }
0xb1: {  	[dreg:$0x5] =	wrdreg $0x9  }
0xb2: {  	_ =	task.clear_ibuf [dreg:s7], $0x6FFFF;
	_ =	strace $0x90000049  }
0xb3: {  	s29 =	simm.s32 $0x9;
	_ =	strace $0x8000004B  }
0xb4: {  	_ =	swait.ge [sflag:s29], $0x1  }
0xb5: {  	[sflag:s29] =	ssyncadd.s32 $0xFFFFFFFF  }
0xb6: {  	_ =	strace $0x9000004B  }
0xb7: {  	_ =	sfence  }
0xb8: {  	s30 =	sld [smem:$0x0];
	_ =	sdelay $0x2  }
0xb9: {  	s31 =	sshll.u32 s1, $0xD;
	s1 =	sshrl.u32 s1, $0x2  }
0xba: {  	s3 =	sand.u32 $0x4000, s31;
	s1 =	sadd.s32 s1, s30  }
0xbb: {  	s0 =	sor.u32 s3, s0;
	s1 =	sshll.u32 s1, $0x11  }
0xbc: {  	s0 =	sor.u32 s1, s0  }
0xbd: {  	s0 =	sadd.s32 $0x8F2B, s0  }
0xbe: {  	[sflag:s0] =	ssyncadd.remote.s32 $0x1  }
0xbf: {  	_ =	sfence.sel $0xFFFF  }
0xc0: {  	[dreg:$0x0] =	wrdreg $0xFFFFFFFF;
	(pc) =	sbr.abs _section_cstart, $3  }
0xc1: {  	[dreg:$0x1] =	wrdreg $0xFFFFFFFF  }
0xc2: {  	_ =	task.clear_ibuf [dreg:s7], $0x2FFFF;
	_ =	strace $0x9FFFFFFF  }
0xc3: {  	(tm) =	ssettm $0x7FFFFFFF  }
tec
execute0_lowered:
.L_overlay_start_1:
0x0: {  	(tag) =	ssettag $0x1  }
0x1: {  	s0 =	rddreg [dreg:$0x0]  }
0x2: {  	s2 =	rddreg [dreg:$0x2]  }
0x3: {  	s4 =	simm.s32 $0x0;
	s1 =	srdreg.scid;
	s11 =	stileid.u32  }
0x4: {  	s28 =	simm.s32 $0x800;
	s29 =	simm.s32 $0x2;
	s30 =	simm.s32 $0x2800  }
0x5: {  	s31 =	simm.s32 $0x3;
	s12 =	simm.s32 $0xB;
	s14 =	simm.s32 $0xC  }
0x6: {  	s16 =	simm.s32 $0xD;
	s15 =	simm.s32 $0x0;
	[smem:$0x7FF] =	sst s4  }
0x7: {  	s1 =	sand.u32 $0x1, s1;
	s3 =	smul.u32 $0x2800, s11;
	s5 =	sshll.u32 s11, $0x1  }
0x8: {  	s9 =	sadd.s32 $0xD800, s0;
	s21 =	smul.u32 $0x50000, s11;
	s11 =	simm.s32 $0x10  }
0x9: {  	_ =	strace $0x8000004A;
	s6 =	smul.u32 $0x28000, s1;
	s7 =	sor.u32 s1, s5  }
0xa: {  	s5 =	sadd.s32 $0x35800, s0;
	s8 =	ssub.s32 $0x2, s1;
	s7 =	smul.u32 $0x1400, s7  }
0xb: {  	s1 =	smul.u32 $0x1400, s1;
	s10 =	sshrl.u32 s8, $0x1;
	s6 =	sadd.s32 s3, s6  }
0xc: {  	s18 =	ssub.s32 s8, s10;
	s3 =	sadd.s32 s3, s9;
	s19 =	sadd.s32 s9, s7  }
0xd: {  	s10 =	simm.s32 $0xA;
	s26 =	smax.u32 s18, $0x1;
	[dreg:$0x4] =	wrdreg s19  }
0xe: {  	s0 =	sadd.s32 s6, s0;
	s7 =	sadd.s32 $0x20, s19;
	[dreg:$0xe] =	wrdreg s26  }
0xf: {  	s17 =	sadd.s32 s1, s3;
	s20 =	sadd.s32 $0x40, s19;
	[dreg:$0x5] =	wrdreg s7  }
0x10: {  	s1 =	simm.s32 $0x4;
	s22 =	sadd.s32 $0x60, s19;
	[dreg:$0x6] =	wrdreg s20  }
0x11: {  	s3 =	simm.s32 $0x6800;
	s23 =	sadd.s32 $0x80, s19;
	[dreg:$0x7] =	wrdreg s22  }
0x12: {  	s6 =	simm.s32 $0x6;
	s24 =	sadd.s32 $0xA0, s19;
	[dreg:$0x8] =	wrdreg s23  }
0x13: {  	s9 =	simm.s32 $0xE;
	s25 =	sadd.s32 $0xC0, s19;
	[dreg:$0x9] =	wrdreg s24  }
0x14: {  	s8 =	sadd.s32 $0xE0, s19;
	s0 =	sadd.s32 $0x5CA00, s0;
	[dreg:$0xa] =	wrdreg s25  }
.Ltmp0:
0x15: {  	s26 =	simm.s32 $0x40;
	[dreg:$0xb] =	wrdreg s8;
	(pc) =	sbr.rel .LBB2_1-.Ltmp0, $4  }
0x16: {  	s7 =	sshrl.u32 s21, $0x2;
	[dreg:$0xd] =	wrdreg s0;
	s22 =	simm.s32 $0x500  }
0x17: {  	s23 =	simm.s32 $0x700;
	s25 =	simm.s32 $0x1;
	s0 =	simm.s32 $0x4800  }
0x18: {  	s24 =	simm.s32 $0x11;
	s8 =	simm.s32 $0x9;
	s7 =	sadd.s32 s7, s2  }
0x19: {  	s21 =	simm.s32 $0x8;
	[dreg:$0xc] =	wrdreg s7;
	s7 =	simm.s32 $0xF  }
.LBB2_4:
0x1a: {  	_ =	swait.ge [sflag:s9], $0x2000  }
0x1b: {  	[sflag:s9] =	ssyncset.done $0x0  }
0x1c: {  	[sflag:s9] =	ssyncadd.s32 $0xFFFFE000  }
0x1d: {  	_ =	swait.ge [sflag:s7], $0x2000  }
0x1e: {  	[sflag:s7] =	ssyncset.done $0x0  }
0x1f: {  	[sflag:s7] =	ssyncadd.s32 $0xFFFFE000  }
0x20: {  	_ =	swait.ge [sflag:s11], $0x2000  }
0x21: {  	[sflag:s11] =	ssyncset.done $0x0  }
0x22: {  	[sflag:s11] =	ssyncadd.s32 $0xFFFFE000  }
0x23: {  	[bflag:$0x0] =	sbarrier.arrive $0xFFFF  }
0x24: {  	s13 =	rddreg [dreg:$0xd]  }
0x25: {  	s15 =	rddreg [dreg:$0x10]  }
0x26: {  	s24 =	simm.s32 $0x11;
	s18 =	rddreg [dreg:$0x11]  }
0x27: {  	[hbm:s13], [sflag:s15] =	dma.local [spmem:s18], $0x2800  }
0x28: {  	_ =	swait.ge [sflag:s24], $0x2800  }
0x29: {  	s20 =	rddreg [dreg:$0xf]  }
0x2a: {  	s22 =	rddreg [dreg:$0xe];
	s15 =	sadd.s32 $0x1, s20  }
0x2b: {  	p0 =	sne.s32 s15, s22  }
.Ltmp1:
0x2c: {  	_ = 	snop;
	(pc) =	sbr.rel @!p0 .LBB2_5-.Ltmp1, $3  }
0x2d: {  	_ =	sdelay $0x1  }
0x2e: {  	[sflag:s24] =	ssyncset.done $0x0  }
0x2f: {  	[sflag:s24] =	ssyncadd.s32 $0xFFFFD800;
	s22 =	simm.s32 $0x500  }
.LBB2_1:
0x30: {  	[dreg:$0xf] =	wrdreg s15  }
0x31: {  	s13 =	rddreg [dreg:$0x4]  }
0x32: {  	[tilespmem:s4], [sflag:$0x1] =	stream.linear.gather [hbm4b:s13+s4], $0x100, $0x38;
	[tilespmem:$0x1C800] =	vst v63  }
0x33: {  	s18 =	rddreg [dreg:$0x5];
	s15 =	simm.s32 $0x100  }
0x34: {  	[tilespmem:s15], [sflag:$0x2] =	stream.linear.gather [hbm4b:s18+s4], $0x100, $0x38;
	[tilespmem:$0x1C800] =	vst v63  }
0x35: {  	s19 =	rddreg [dreg:$0x6];
	s18 =	simm.s32 $0x200  }
0x36: {  	[tilespmem:s18], [sflag:$0x3] =	stream.linear.gather [hbm4b:s19+s4], $0x100, $0x38;
	[tilespmem:$0x1C800] =	vst v63  }
0x37: {  	s20 =	rddreg [dreg:$0x7];
	s19 =	simm.s32 $0x300  }
0x38: {  	[tilespmem:s19], [sflag:$0x4] =	stream.linear.gather [hbm4b:s20+s4], $0x100, $0x38;
	[tilespmem:$0x1C800] =	vst v63  }
0x39: {  	s13 =	rddreg [dreg:$0x8];
	s20 =	simm.s32 $0x400  }
0x3a: {  	[tilespmem:s20], [sflag:$0x5] =	stream.linear.gather [hbm4b:s13+s4], $0x100, $0x38;
	[tilespmem:$0x1C800] =	vst v63  }
0x3b: {  	s20 =	rddreg [dreg:$0x9]  }
0x3c: {  	[tilespmem:s22], [sflag:$0x6] =	stream.linear.gather [hbm4b:s20+s4], $0x100, $0x38;
	[tilespmem:$0x1C800] =	vst v63  }
0x3d: {  	s20 =	rddreg [dreg:$0xa];
	s22 =	simm.s32 $0x600  }
0x3e: {  	[tilespmem:s22], [sflag:$0x7] =	stream.linear.gather [hbm4b:s20+s4], $0x100, $0x38;
	[tilespmem:$0x1C800] =	vst v63  }
0x3f: {  	s22 =	rddreg [dreg:$0xb]  }
0x40: {  	[tilespmem:s23], [sflag:$0x8] =	stream.linear.gather [hbm4b:s22+s4], $0x100, $0x38;
	[tilespmem:$0x1C800] =	vst v63  }
0x41: {  	_ =	swait.ge [sflag:s25], $0x100  }
0x42: {  	[sflag:s25] =	ssyncset.done $0x0  }
0x43: {  	[sflag:s25] =	ssyncadd.s32 $0xFFFFFF00  }
0x44: {  	[tilespmem:s28], [sflag:$0x9] =	stream.indirect.gather [hbm4b:s5+s26], $0x80, s4, s26, $0xb8;
	[tilespmem:$0x1C800] =	vst v63  }
0x45: {  	_ =	swait.ge [sflag:s29], $0x100  }
0x46: {  	[sflag:s29] =	ssyncset.done $0x0  }
0x47: {  	[sflag:s29] =	ssyncadd.s32 $0xFFFFFF00  }
0x48: {  	[tilespmem:s30], [sflag:$0xA] =	stream.indirect.gather [hbm4b:s5+s26], $0x80, s15, s26, $0xb8;
	[tilespmem:$0x1C800] =	vst v63  }
0x49: {  	_ =	swait.ge [sflag:s31], $0x100  }
0x4a: {  	[sflag:s31] =	ssyncset.done $0x0  }
0x4b: {  	[sflag:s31] =	ssyncadd.s32 $0xFFFFFF00  }
0x4c: {  	[tilespmem:s0], [sflag:$0xB] =	stream.indirect.gather [hbm4b:s5+s26], $0x80, s18, s26, $0xb8;
	[tilespmem:$0x1C800] =	vst v63  }
0x4d: {  	_ =	swait.ge [sflag:s1], $0x100  }
0x4e: {  	[sflag:s1] =	ssyncset.done $0x0  }
0x4f: {  	s18 =	stileid.u32;
	s20 =	rddreg [dreg:$0xc];
	[sflag:s1] =	ssyncadd.s32 $0xFFFFFF00  }
0x50: {  	[tilespmem:s3], [sflag:$0xC] =	stream.indirect.gather [hbm4b:s5+s26], $0x80, s19, s26, $0xb8;
	[tilespmem:$0x1C800] =	vst v63  }
0x51: {  	s13 =	sshll.u32 s18, $0x6;
	s22 =	sshrl.u32 s20, $0x3;
	s23 =	rddreg [dreg:$0x1]  }
0x52: {  	s19 =	sor.u32 $0x1C11, s13;
	[dreg:$0x11] =	wrdreg s22  }
0x53: {  	[dreg:$0x10] =	wrdreg s19  }
0x54: {  	[spmem:s22], [sflag:s19] =	dma.local [hbm:s23], $0x2800  }
0x55: {  	_ =	swait.ge [sflag:s24], $0x2800  }
0x56: {  	[sflag:s24] =	ssyncset.done $0x0  }
0x57: {  	[sflag:s24] =	ssyncadd.s32 $0xFFFFD800  }
0x58: {  	s13 =	simm.s32 $0x0;
	s24 =	simm.s32 $0x700;
	[bflag:$0x0] =	sbarrier.arrive $0xFFFF  }
.LBB2_2:
0x59: {  	_ =	swait.ge [sflag:s8], $0x2000  }
0x5a: {  	[sflag:s8] =	ssyncset.done $0x0  }
0x5b: {  	s15 =	simm.s32 $0x80;
	[sflag:s8] =	ssyncadd.s32 $0xFFFFE000  }
0x5c: {  	[spmem:s2] =	stream.indirect.scatter.add.f32 [tilespmem:s28], [sflag:$0xD], $0x80, s15, s26, $0xb8;
	[tilespmem:$0x1C800] =	vst v63  }
0x5d: {  	_ =	swait.ge [sflag:s10], $0x2000  }
0x5e: {  	[sflag:s10] =	ssyncset.done $0x0  }
0x5f: {  	s18 =	simm.s32 $0x180;
	[sflag:s10] =	ssyncadd.s32 $0xFFFFE000  }
0x60: {  	[spmem:s2] =	stream.indirect.scatter.add.f32 [tilespmem:s30], [sflag:$0xE], $0x80, s18, s26, $0xb8;
	[tilespmem:$0x1C800] =	vst v63  }
0x61: {  	_ =	swait.ge [sflag:s12], $0x2000  }
0x62: {  	[sflag:s12] =	ssyncset.done $0x0  }
0x63: {  	s19 =	simm.s32 $0x280;
	[sflag:s12] =	ssyncadd.s32 $0xFFFFE000  }
0x64: {  	[spmem:s2] =	stream.indirect.scatter.add.f32 [tilespmem:s0], [sflag:$0xF], $0x80, s19, s26, $0xb8;
	[tilespmem:$0x1C800] =	vst v63  }
0x65: {  	_ =	swait.ge [sflag:s14], $0x2000  }
0x66: {  	[sflag:s14] =	ssyncset.done $0x0  }
0x67: {  	s20 =	simm.s32 $0x380;
	[sflag:s14] =	ssyncadd.s32 $0xFFFFE000  }
0x68: {  	[spmem:s2] =	stream.indirect.scatter.add.f32 [tilespmem:s3], [sflag:$0x10], $0x80, s20, s26, $0xb8;
	[tilespmem:$0x1C800] =	vst v63  }
0x69: {  	_ =	swait.ge [sflag:s16], $0x2000  }
0x6a: {  	p0 =	seq.s32 s13, $0x1300;
	[sflag:s16] =	ssyncset.done $0x0  }
0x6b: {  	s15 =	simm.s32 @p0 $0x5;
	[sflag:s16] =	ssyncadd.s32 $0xFFFFE000  }
0x6c: {  	_ =	swait.ge @p0 [sflag:s15], $0x100  }
0x6d: {  	s23 =	simm.s32 @p0 $0x400;
	[sflag:s15] =	ssyncset.done @p0 $0x0  }
0x6e: {  	s18 =	simm.s32 @p0 $0x800;
	[sflag:s15] =	ssyncadd.s32 @p0 $0xFFFFFF00;
	s15 =	simm.s32 @p0 $0x40  }
0x6f: {  	[tilespmem:s18], [sflag:$0x9] =	stream.indirect.gather @p0 [hbm4b:s5+s15], $0x80, s23, s15, $0xb8;
	[tilespmem:$0x1C800] =	vst v63  }
0x70: {  	s18 =	simm.s32 @p0 $0xE  }
0x71: {  	_ =	swait.ge @p0 [sflag:s18], $0x2000  }
0x72: {  	s23 =	sadd.s32 @!p0 s13, s17;
	[sflag:s18] =	ssyncset.done @p0 $0x0  }
0x73: {  	s19 =	simm.s32 @!p0 $0x0;
	[sflag:s18] =	ssyncadd.s32 @p0 $0xFFFFE000;
	s18 =	sadd.s32 @!p0 $0x100, s23  }
0x74: {  	[tilespmem:s19], [sflag:$0x1] =	stream.linear.gather @!p0 [hbm4b:s18+s19], $0x100, $0x38;
	[tilespmem:$0x1C800] =	vst v63  }
0x75: {  	s18 =	simm.s32 @!p0 $0x5  }
0x76: {  	_ =	swait.ge @!p0 [sflag:s18], $0x100  }
0x77: {  	s22 =	simm.s32 @!p0 $0x800;
	[sflag:s18] =	ssyncset.done @!p0 $0x0  }
0x78: {  	s20 =	simm.s32 @!p0 $0x400;
	[sflag:s18] =	ssyncadd.s32 @!p0 $0xFFFFFF00;
	s18 =	simm.s32 @!p0 $0x40  }
0x79: {  	[tilespmem:s22], [sflag:$0x9] =	stream.indirect.gather @!p0 [hbm4b:s5+s18], $0x80, s20, s18, $0xb8;
	[tilespmem:$0x1C800] =	vst v63  }
0x7a: {  	s20 =	simm.s32 @!p0 $0xE  }
0x7b: {  	_ =	swait.ge @!p0 [sflag:s20], $0x2000  }
0x7c: {  	[sflag:s20] =	ssyncset.done @!p0 $0x0  }
0x7d: {  	s22 =	simm.s32 @!p0 $0x100;
	[sflag:s20] =	ssyncadd.s32 @!p0 $0xFFFFE000;
	s20 =	sadd.s32 @!p0 $0x120, s23  }
0x7e: {  	[tilespmem:s22], [sflag:$0x2] =	stream.linear.gather @!p0 [hbm4b:s20+s19], $0x100, $0x38;
	[tilespmem:$0x1C800] =	vst v63  }
0x7f: {  	_ =	swait.ge [sflag:s6], $0x100  }
0x80: {  	[sflag:s6] =	ssyncset.done $0x0  }
0x81: {  	s22 =	simm.s32 $0x500;
	[sflag:s6] =	ssyncadd.s32 $0xFFFFFF00  }
0x82: {  	[tilespmem:s30], [sflag:$0xA] =	stream.indirect.gather [hbm4b:s5+s26], $0x80, s22, s26, $0xb8;
	[tilespmem:$0x1C800] =	vst v63  }
0x83: {  	_ =	swait.ge [sflag:s7], $0x2000  }
0x84: {  	[sflag:s7] =	ssyncset.done $0x0  }
0x85: {  	s20 =	simm.s32 @p0 $0x7;
	[sflag:s7] =	ssyncadd.s32 $0xFFFFE000  }
0x86: {  	_ =	swait.ge @p0 [sflag:s20], $0x100  }
0x87: {  	[sflag:s20] =	ssyncset.done @p0 $0x0  }
0x88: {  	s22 =	simm.s32 @p0 $0x4800;
	[sflag:s20] =	ssyncadd.s32 @p0 $0xFFFFFF00;
	s20 =	simm.s32 @p0 $0x600  }
0x89: {  	[tilespmem:s22], [sflag:$0xB] =	stream.indirect.gather @p0 [hbm4b:s5+s15], $0x80, s20, s15, $0xb8;
	[tilespmem:$0x1C800] =	vst v63  }
0x8a: {  	s15 =	simm.s32 @p0 $0x10  }
0x8b: {  	_ =	swait.ge @p0 [sflag:s15], $0x2000  }
0x8c: {  	[sflag:s15] =	ssyncset.done @p0 $0x0  }
0x8d: {  	s20 =	simm.s32 @!p0 $0x200;
	[sflag:s15] =	ssyncadd.s32 @p0 $0xFFFFE000;
	s15 =	sadd.s32 @!p0 $0x140, s23  }
0x8e: {  	[tilespmem:s20], [sflag:$0x3] =	stream.linear.gather @!p0 [hbm4b:s15+s19], $0x100, $0x38;
	[tilespmem:$0x1C800] =	vst v63  }
0x8f: {  	s15 =	simm.s32 @!p0 $0x7  }
0x90: {  	_ =	swait.ge @!p0 [sflag:s15], $0x100  }
0x91: {  	[sflag:s15] =	ssyncset.done @!p0 $0x0  }
0x92: {  	s20 =	simm.s32 @!p0 $0x4800;
	[sflag:s15] =	ssyncadd.s32 @!p0 $0xFFFFFF00;
	s15 =	simm.s32 @!p0 $0x600  }
0x93: {  	[tilespmem:s20], [sflag:$0xB] =	stream.indirect.gather @!p0 [hbm4b:s5+s18], $0x80, s15, s18, $0xb8;
	[tilespmem:$0x1C800] =	vst v63  }
0x94: {  	s15 =	simm.s32 @!p0 $0x10  }
0x95: {  	_ =	swait.ge @!p0 [sflag:s15], $0x2000  }
0x96: {  	[sflag:s15] =	ssyncset.done @!p0 $0x0  }
0x97: {  	s18 =	simm.s32 @!p0 $0x300;
	[sflag:s15] =	ssyncadd.s32 @!p0 $0xFFFFE000;
	s15 =	sadd.s32 @!p0 $0x160, s23  }
0x98: {  	[tilespmem:s18], [sflag:$0x4] =	stream.linear.gather @!p0 [hbm4b:s15+s19], $0x100, $0x38;
	[tilespmem:$0x1C800] =	vst v63  }
0x99: {  	_ =	swait.ge [sflag:s21], $0x100  }
0x9a: {  	[sflag:s21] =	ssyncset.done $0x0  }
0x9b: {  	[sflag:s21] =	ssyncadd.s32 $0xFFFFFF00  }
0x9c: {  	[tilespmem:s3], [sflag:$0xC] =	stream.indirect.gather [hbm4b:s5+s26], $0x80, s24, s26, $0xb8;
	[tilespmem:$0x1C800] =	vst v63  }
0x9d: {  	_ =	swait.ge [sflag:s8], $0x2000  }
0x9e: {  	[sflag:s8] =	ssyncset.done $0x0  }
0x9f: {  	s20 =	simm.s32 $0x480;
	[sflag:s8] =	ssyncadd.s32 $0xFFFFE000  }
0xa0: {  	[spmem:s2] =	stream.indirect.scatter.add.f32 [tilespmem:s28], [sflag:$0xD], $0x80, s20, s26, $0xb8;
	[tilespmem:$0x1C800] =	vst v63  }
0xa1: {  	_ =	swait.ge [sflag:s10], $0x2000  }
0xa2: {  	[sflag:s10] =	ssyncset.done $0x0  }
0xa3: {  	s22 =	simm.s32 $0x580;
	[sflag:s10] =	ssyncadd.s32 $0xFFFFE000  }
0xa4: {  	[spmem:s2] =	stream.indirect.scatter.add.f32 [tilespmem:s30], [sflag:$0xE], $0x80, s22, s26, $0xb8;
	[tilespmem:$0x1C800] =	vst v63  }
0xa5: {  	_ =	swait.ge [sflag:s12], $0x2000  }
0xa6: {  	[sflag:s12] =	ssyncset.done $0x0  }
0xa7: {  	s23 =	simm.s32 $0x680;
	[sflag:s12] =	ssyncadd.s32 $0xFFFFE000  }
0xa8: {  	[spmem:s2] =	stream.indirect.scatter.add.f32 [tilespmem:s0], [sflag:$0xF], $0x80, s23, s26, $0xb8;
	[tilespmem:$0x1C800] =	vst v63  }
0xa9: {  	_ =	swait.ge [sflag:s14], $0x2000  }
0xaa: {  	[sflag:s14] =	ssyncset.done $0x0  }
.Ltmp2:
0xab: {  	s24 =	simm.s32 $0x780;
	[sflag:s14] =	ssyncadd.s32 $0xFFFFE000;
	(pc) =	sbr.rel @p0 .LBB2_4-.Ltmp2, $4  }
0xac: {  	[spmem:s2] =	stream.indirect.scatter.add.f32 [tilespmem:s3], [sflag:$0x10], $0x80, s24, s26, $0xb8;
	[tilespmem:$0x1C800] =	vst v63  }
0xad: {  	_ =	swait.ge [sflag:s16], $0x2000  }
0xae: {  	[sflag:s16] =	ssyncset.done $0x0  }
0xaf: {  	s23 =	simm.s32 $0x700;
	[sflag:s16] =	ssyncadd.s32 $0xFFFFE000  }
0xb0: {  	s15 =	sadd.s32 s13, s17  }
0xb1: {  	s19 =	simm.s32 $0x400;
	s18 =	sadd.s32 $0x180, s15  }
0xb2: {  	[tilespmem:s19], [sflag:$0x5] =	stream.linear.gather [hbm4b:s18+s4], $0x100, $0x38;
	[tilespmem:$0x1C800] =	vst v63  }
0xb3: {  	_ =	swait.ge [sflag:s25], $0x100  }
0xb4: {  	[sflag:s25] =	ssyncset.done $0x0  }
0xb5: {  	[sflag:s25] =	ssyncadd.s32 $0xFFFFFF00  }
0xb6: {  	[tilespmem:s28], [sflag:$0x9] =	stream.indirect.gather [hbm4b:s5+s26], $0x80, s4, s26, $0xb8;
	[tilespmem:$0x1C800] =	vst v63  }
0xb7: {  	_ =	swait.ge [sflag:s9], $0x2000  }
0xb8: {  	[sflag:s9] =	ssyncset.done $0x0  }
0xb9: {  	s22 =	simm.s32 $0x500;
	s20 =	sadd.s32 $0x1A0, s15;
	[sflag:s9] =	ssyncadd.s32 $0xFFFFE000  }
0xba: {  	[tilespmem:s22], [sflag:$0x6] =	stream.linear.gather [hbm4b:s20+s4], $0x100, $0x38;
	[tilespmem:$0x1C800] =	vst v63  }
0xbb: {  	_ =	swait.ge [sflag:s29], $0x100  }
0xbc: {  	[sflag:s29] =	ssyncset.done $0x0  }
0xbd: {  	s24 =	simm.s32 $0x100;
	[sflag:s29] =	ssyncadd.s32 $0xFFFFFF00  }
0xbe: {  	[tilespmem:s30], [sflag:$0xA] =	stream.indirect.gather [hbm4b:s5+s26], $0x80, s24, s26, $0xb8;
	[tilespmem:$0x1C800] =	vst v63  }
0xbf: {  	_ =	swait.ge [sflag:s7], $0x2000  }
0xc0: {  	[sflag:s7] =	ssyncset.done $0x0  }
0xc1: {  	s19 =	sadd.s32 $0x1C0, s15;
	s20 =	simm.s32 $0x600;
	[sflag:s7] =	ssyncadd.s32 $0xFFFFE000  }
0xc2: {  	[tilespmem:s20], [sflag:$0x7] =	stream.linear.gather [hbm4b:s19+s4], $0x100, $0x38;
	[tilespmem:$0x1C800] =	vst v63  }
0xc3: {  	_ =	swait.ge [sflag:s31], $0x100  }
0xc4: {  	[sflag:s31] =	ssyncset.done $0x0  }
0xc5: {  	s22 =	simm.s32 $0x200;
	[sflag:s31] =	ssyncadd.s32 $0xFFFFFF00  }
0xc6: {  	[tilespmem:s0], [sflag:$0xB] =	stream.indirect.gather [hbm4b:s5+s26], $0x80, s22, s26, $0xb8;
	[tilespmem:$0x1C800] =	vst v63  }
0xc7: {  	_ =	swait.ge [sflag:s11], $0x2000  }
0xc8: {  	[sflag:s11] =	ssyncset.done $0x0  }
0xc9: {  	s15 =	sadd.s32 $0x1E0, s15;
	[sflag:s11] =	ssyncadd.s32 $0xFFFFE000  }
0xca: {  	[tilespmem:s23], [sflag:$0x8] =	stream.linear.gather [hbm4b:s15+s4], $0x100, $0x38;
	[tilespmem:$0x1C800] =	vst v63  }
.Ltmp3:
0xcb: {  	_ =	swait.ge [sflag:s1], $0x100;
	(pc) =	sbr.rel .LBB2_2-.Ltmp3, $4  }
0xcc: {  	[sflag:s1] =	ssyncset.done $0x0  }
0xcd: {  	s24 =	simm.s32 $0x300;
	[sflag:s1] =	ssyncadd.s32 $0xFFFFFF00  }
0xce: {  	[tilespmem:s3], [sflag:$0xC] =	stream.indirect.gather [hbm4b:s5+s26], $0x80, s24, s26, $0xb8;
	[tilespmem:$0x1C800] =	vst v63  }
0xcf: {  	s13 =	sadd.s32 $0x100, s13;
	s24 =	simm.s32 $0x700  }
.LBB2_5:
0xd0: {  	_ =	sfence.sel $0x180000  }
0xd1: {  	[bflag:$0x0] =	sbarrier.arrive $0xFFFF  }
0xd2: {  	_ =	strace $0x9000004A  }
0xd3: {  	s0 =	stileid.u32;
	[bflag:$0x2] =	sbarrier.arrive $0xFFFF  }
0xd4: {  	p0 =	sne.s32 s0, $0x0;
	s0 =	rddreg [dreg:$0x3]  }
0xd5: {  	s0 =	sadd.s32 @!p0 $0x100000, s0  }
0xd6: {  	[sflag:s0] =	ssyncadd.tile.s32 @!p0 $0x1;
	_ =	shalt  }
.Lfunc_end2:
_tile_overlayer_lowered:
.L_overlay_start_2:
0xd7: {  	(tag) =	ssettag $0x2  }
0xd8: {  	s0 =	rddreg [dreg:$0x0];
	s2 =	stileid.u32  }
0xd9: {  	s1 =	rddreg [dreg:$0x1];
	p0 =	sne.s32 s2, $0x0  }
0xda: {  	s3 =	rddreg [dreg:$0x2];
	[bflag:$0x3] =	sbarrier.arrive $0xFFFF;
	s2 =	simm.s32 @!p0 $0x1C11  }
0xdb: {  	[timem:s3], [sflag:s2] =	dma.local @!p0 [hbm:s0], s1  }
0xdc: {  	s0 =	simm.s32 @!p0 $0x11  }
0xdd: {  	_ =	swait.ge @!p0 [sflag:s0], s1  }
0xde: {  	s1 =	ssub.s32 @!p0 $0x0, s1;
	[sflag:s0] =	ssyncset.done @!p0 $0x0  }
0xdf: {  	[sflag:s0] =	ssyncadd.s32 @!p0 s1  }
0xe0: {  	[bflag:$0x3] =	sbarrier.arrive $0xFFFF  }
0xe1: {  	_ =	shalt  }

// kernel: kernel.16.cloned.1.call-start
scs
__scs_entry_jumppad:
0x0: {  	(pc) =	sbr.rel $0x88, $3  }
0x1: {  	(tag) =	ssettag $0x0;
	lr =	simm.s32 $0x1  }
0x2: {  	[smem:$0x3F99] =	sst lr;
	_ =	strace $0xD0000000  }
0x3: {  	_ = 	snop  }
0x4: {  	_ = 	snop  }
0x5: {  	_ = 	snop  }
0x6: {  	_ = 	snop  }
0x7: {  	_ = 	snop  }
__scs_overlays_trampoline_lowered:
0x8: {  	[smem:$0x3FA8] =	sst s0  }
0x9: {  	[smem:$0x3FA9] =	sst s1  }
0xa: {  	[smem:$0x3FAA] =	sst s2  }
0xb: {  	[smem:$0x3FAB] =	sst s3  }
0xc: {  	[smem:$0x3FAC] =	sst s4  }
0xd: {  	[smem:$0x3FAD] =	sst s5  }
0xe: {  	[smem:$0x3FAE] =	sst s6  }
0xf: {  	[smem:$0x3FAF] =	sst s7  }
0x10: {  	[smem:$0x3FB0] =	sst s8  }
0x11: {  	[smem:$0x3FB1] =	sst s9;
	s0 =	simm.s32 @!p0 $0x0  }
0x12: {  	s1 =	sld [smem:$0x3F97];
	s0 =	simm.s32 @p0 $0x1  }
0x13: {  	[smem:$0x3FB2] =	sst s0;
	s0 =	simm.s32 @!p1 $0x0  }
0x14: {  	s2 =	sld [smem:$0x3F96];
	s0 =	simm.s32 @p1 $0x1  }
0x15: {  	[smem:$0x3FB3] =	sst s0;
	s0 =	simm.s32 @!p2 $0x0  }
0x16: {  	s3 =	sld [smem:$0x3FDB];
	s0 =	simm.s32 @p2 $0x1  }
0x17: {  	s4 =	simm.s32 $0x1BF5;
	[smem:$0x3FB5] =	sst s0  }
0x18: {  	s0 =	sld [smem:$0x3F98];
	_ =	swait.ge [sflag:s4], $0x0  }
0x19: {  	s7 =	sld [smem:$0x3F99]  }
0x1a: {  	s8 =	sadd.s32 $0xFFFFE003, lr  }
0x1b: {  	s9 =	sadd.s32 $0xFFFFFEF7, lr;
	s5 =	simm.s32 $0xFFFFFFFF;
	p2 =	slt.u32 s8, $0xFFFFF086  }
0x1c: {  	p1 =	slt.u32 s9, $0xF7A;
	s5 =	simm.s32 @!p2 $0x0  }
0x1d: {  	s5 =	simm.s32 @p1 $0x1;
	p0 =	seq.s32 s7, s2  }
0x1e: {  	s7 =	smul.u32 @!p0 $0xF7A, s2;
	p2 =	seq.s32 @!p0 s5, $0x0  }
0x1f: {  	s9 =	smul.u32 $0xF7A, s1;
	s8 =	simm.s32 @!p0 $0x1BF5;
	p2 =	por !p2, p0  }
0x20: {  	[sflag:s8] =	ssyncset.s32 @!p0 $0xFFFFF086;
	s6 =	sadd.s32 @!p0 s3, s7;
	s7 =	simm.s32 @!p0 $0x108  }
0x21: {  	s3 =	sadd.s32 s3, s9;
	s6 =	sadd.s32 @!p0 $0x88, s6;
	s7 =	simm.s32 @p2 $0x1082  }
0x22: {  	[simem:s7], [sflag:s8] =	dma.local @!p0 [hbm:s6], $0xF7A  }
0x23: {  	s9 =	sor.u32 $0xD0000000, s2;
	s6 =	simm.s32 $0x108;
	_ =	swait.ge @!p0 [sflag:s8], $0x0  }
0x24: {  	s3 =	sadd.s32 $0x88, s3;
	s6 =	simm.s32 @!p1 $0x1082;
	[sflag:s4] =	ssyncset.s32 $0xFFFFF086  }
0x25: {  	[simem:s6], [sflag:s4] =	dma.local [hbm:s3], $0xF7A  }
0x26: {  	[smem:$0x3F99] =	sst s1;
	(tag) =	ssettag s2;
	_ =	strace s9  }
0x27: {  	s1 =	sld [smem:$0x3FA9]  }
0x28: {  	s2 =	sld [smem:$0x3FAA]  }
0x29: {  	s4 =	sld [smem:$0x3FAC]  }
0x2a: {  	p0 =	seq.s32 s5, $0x0;
	s5 =	sld [smem:$0x3FAD]  }
0x2b: {  	s6 =	sld [smem:$0x3FAE]  }
0x2c: {  	s7 =	sld [smem:$0x3FAF]  }
0x2d: {  	s3 =	simm.s32 $0x108;
	s8 =	sld [smem:$0x3FB0]  }
0x2e: {  	s3 =	simm.s32 @!p0 $0x1082;
	s9 =	sld [smem:$0x3FB1]  }
0x2f: {  	lr =	sadd.s32 s0, s3;
	s0 =	sld [smem:$0x3FA8]  }
0x30: {  	s3 =	sld [smem:$0x3FAB]  }
0x31: {  	[smem:$0x3FB4] =	sst s10  }
0x32: {  	s10 =	sld [smem:$0x3FB2];
	_ =	sdelay $0x3  }
0x33: {  	p0 =	seq.s32 s10, $0x1;
	s10 =	sld [smem:$0x3FB4];
	_ =	sdelay $0x3  }
0x34: {  	[smem:$0x3FB4] =	sst s10  }
0x35: {  	s10 =	sld [smem:$0x3FB3];
	_ =	sdelay $0x3  }
0x36: {  	p1 =	seq.s32 s10, $0x1;
	s10 =	sld [smem:$0x3FB4];
	_ =	sdelay $0x3  }
0x37: {  	[smem:$0x3FB4] =	sst s10  }
0x38: {  	s10 =	sld [smem:$0x3FB5]  }
0x39: {  	_ = 	snop;
	(pc) =	sbr.ind lr, $3  }
0x3a: {  	_ = 	snop  }
0x3b: {  	_ = 	snop  }
0x3c: {  	p2 =	seq.s32 s10, $0x1;
	s10 =	sld [smem:$0x3FB4]  }
0x3d: {  	_ =	shalt  }
0x3e: {  	_ =	shalt  }
0x3f: {  	_ =	shalt  }
0x40: {  	_ =	shalt  }
0x41: {  	_ =	shalt  }
0x42: {  	_ =	shalt  }
0x43: {  	_ =	shalt  }
0x44: {  	_ =	shalt  }
0x45: {  	_ =	shalt  }
0x46: {  	_ =	shalt  }
0x47: {  	_ =	shalt  }
0x48: {  	_ =	shalt  }
0x49: {  	_ =	shalt  }
0x4a: {  	_ =	shalt  }
0x4b: {  	_ =	shalt  }
0x4c: {  	_ =	shalt  }
0x4d: {  	_ =	shalt  }
0x4e: {  	_ =	shalt  }
0x4f: {  	_ =	shalt  }
0x50: {  	_ =	shalt  }
0x51: {  	_ =	shalt  }
0x52: {  	_ =	shalt  }
0x53: {  	_ =	shalt  }
0x54: {  	_ =	shalt  }
0x55: {  	_ =	shalt  }
0x56: {  	_ =	shalt  }
0x57: {  	_ =	shalt  }
0x58: {  	_ =	shalt  }
0x59: {  	_ =	shalt  }
0x5a: {  	_ =	shalt  }
0x5b: {  	_ =	shalt  }
0x5c: {  	_ =	shalt  }
0x5d: {  	_ =	shalt  }
0x5e: {  	_ =	shalt  }
0x5f: {  	_ =	shalt  }
0x60: {  	_ =	shalt  }
0x61: {  	_ =	shalt  }
0x62: {  	_ =	shalt  }
0x63: {  	_ =	shalt  }
0x64: {  	_ =	shalt  }
0x65: {  	_ =	shalt  }
0x66: {  	_ =	shalt  }
0x67: {  	_ =	shalt  }
0x68: {  	_ =	shalt  }
0x69: {  	_ =	shalt  }
0x6a: {  	_ =	shalt  }
0x6b: {  	_ =	shalt  }
0x6c: {  	_ =	shalt  }
0x6d: {  	_ =	shalt  }
0x6e: {  	_ =	shalt  }
0x6f: {  	_ =	shalt  }
0x70: {  	_ =	shalt  }
0x71: {  	_ =	shalt  }
0x72: {  	_ =	shalt  }
0x73: {  	_ =	shalt  }
0x74: {  	_ =	shalt  }
0x75: {  	_ =	shalt  }
0x76: {  	_ =	shalt  }
0x77: {  	_ =	shalt  }
0x78: {  	_ =	shalt  }
0x79: {  	_ =	shalt  }
0x7a: {  	_ =	shalt  }
0x7b: {  	_ =	shalt  }
0x7c: {  	_ =	shalt  }
0x7d: {  	_ =	shalt  }
0x7e: {  	_ =	shalt  }
0x7f: {  	_ =	shalt  }
0x80: {  	_ =	shalt  }
0x81: {  	_ =	shalt  }
0x82: {  	_ =	shalt  }
0x83: {  	_ =	shalt  }
0x84: {  	_ =	shalt  }
0x85: {  	_ =	shalt  }
0x86: {  	_ =	shalt  }
0x87: {  	_ =	shalt  }
.Lfunc_end0:
.L_simem_size_0:
called_computation.2_lowered:
.L_overlay_start_0:
0x88: {  	s2 =	sld [smem:$0x3FD9]  }
0x89: {  	s3 =	sld [smem:$0x3FFE];
	_ =	sdelay $0x1  }
0x8a: {  	s1 =	srdreg.scid  }
0x8b: {  	s0 =	sand.u32 $0x1, s1  }
0x8c: {  	s17 =	sshll.u32 s0, $0xA;
	s2 =	sadd.s32 s3, s2  }
0x8d: {  	s2 =	sadd.s32 s2, s17  }
0x8e: {  	[smem:$0x3FC0] =	sst s2  }
0x8f: {  	_ = 	snop  }
0x90: {  	s2 =	sld [smem:$0x3FD0];
	(tm) =	ssettm $0x1  }
0x91: {  	s18 =	sld [smem:$0x3FFB];
	_ =	sdelay $0x3  }
0x92: {  	_ =	strace s18  }
0x93: {  	s3 =	sld [smem:$0x3FFC];
	_ =	sdelay $0x3  }
0x94: {  	_ =	strace s3  }
0x95: {  	s3 =	sld [smem:$0x3FFD];
	_ =	sdelay $0x3  }
0x96: {  	_ =	strace s3  }
0x97: {  	_ =	strace $0x8FFFFFFF  }
0x98: {  	s19 =	sld [smem:$0x3FDB];
	_ =	sdelay $0x1  }
0x99: {  	s4 =	simm.s32 $_scs_section_size  }
0x9a: {  	s5 =	simm.s32 $_size__tile_overlayer_lowered;
	s6 =	simm.s32 $_tile_overlayer_lowered  }
0x9b: {  	s22 =	simm.s32 $0x1BFF;
	s21 =	sshll.u32 s6, $0x1;
	s3 =	sadd.s32 s4, s19  }
0x9c: {  	s7 =	simm.s32 $0x0;
	s20 =	sshll.u32 s5, $0x1;
	s5 =	sadd.s32 s21, s3  }
0x9d: {  	[timem:s7], [sflag:s22] =	dma.local [hbm:s5], s20  }
0x9e: {  	_ =	swait.ge [sflag:s22], s20  }
0x9f: {  	s4 =	ssub.s32 $0x0, s20;
	[sflag:s22] =	ssyncset.done $0x0  }
0xa0: {  	[sflag:s22] =	ssyncadd.s32 s4;
	_ =	sdelay $0x1  }
0xa1: {  	s23 =	simm.s32 $0x1B8B  }
0xa2: {  	_ =	swait.ge [sflag:s23], $0x1  }
0xa3: {  	[sflag:s23] =	ssyncset.done $0x0  }
0xa4: {  	s25 =	simm.s32 $0x1B8E;
	s24 =	sld [smem:$0x3FFE];
	[sflag:s23] =	ssyncadd.s32 $0xFFFFFFFF  }
0xa5: {  	s26 =	simm.s32 $execute0_lowered;
	[smem:$0x3FD2] =	sst s25  }
0xa6: {  	s5 =	sshll.u32 s26, $0x1;
	_ =	strace $0x8000004C;
	[dreg:$0x1] =	wrdreg $0xFFFFFFFF  }
0xa7: {  	s28 =	simm.s32 $_size_execute0_lowered;
	s3 =	sadd.s32 s3, s5;
	[dreg:$0x0] =	wrdreg $0x0  }
0xa8: {  	s5 =	sshll.u32 s28, $0x1;
	[dreg:$0x2] =	wrdreg s3  }
0xa9: {  	[dreg:$0x3] =	wrdreg s5  }
0xaa: {  	[dreg:$0x4] =	wrdreg $0xC0  }
0xab: {  	_ =	task [dreg:s7], $0x5FFFF  }
0xac: {  	[dreg:$0x1] =	wrdreg $0xFFFFFFFF  }
0xad: {  	[dreg:$0x0] =	wrdreg $0x60  }
0xae: {  	[dreg:$0x2] =	wrdreg s24  }
0xaf: {  	[dreg:$0x3] =	wrdreg s2  }
0xb0: {  	[dreg:$0x4] =	wrdreg $0x88000  }
0xb1: {  	[dreg:$0x5] =	wrdreg $0x9  }
0xb2: {  	_ =	task.clear_ibuf [dreg:s7], $0x6FFFF;
	_ =	strace $0x9000004C  }
0xb3: {  	s29 =	simm.s32 $0x9;
	_ =	strace $0x8000004E  }
0xb4: {  	_ =	swait.ge [sflag:s29], $0x1  }
0xb5: {  	[sflag:s29] =	ssyncadd.s32 $0xFFFFFFFF  }
0xb6: {  	_ =	strace $0x9000004E  }
0xb7: {  	_ =	sfence  }
0xb8: {  	s30 =	sld [smem:$0x0];
	_ =	sdelay $0x2  }
0xb9: {  	s31 =	sshll.u32 s1, $0xD;
	s1 =	sshrl.u32 s1, $0x2  }
0xba: {  	s3 =	sand.u32 $0x4000, s31;
	s1 =	sadd.s32 s1, s30  }
0xbb: {  	s0 =	sor.u32 s3, s0;
	s1 =	sshll.u32 s1, $0x11  }
0xbc: {  	s0 =	sor.u32 s1, s0  }
0xbd: {  	s0 =	sadd.s32 $0x8F2B, s0  }
0xbe: {  	[sflag:s0] =	ssyncadd.remote.s32 $0x1  }
0xbf: {  	_ =	sfence.sel $0xFFFF  }
0xc0: {  	[dreg:$0x0] =	wrdreg $0xFFFFFFFF;
	(pc) =	sbr.abs _section_cstart, $3  }
0xc1: {  	[dreg:$0x1] =	wrdreg $0xFFFFFFFF  }
0xc2: {  	_ =	task.clear_ibuf [dreg:s7], $0x2FFFF;
	_ =	strace $0x9FFFFFFF  }
0xc3: {  	(tm) =	ssettm $0x7FFFFFFF  }
tec
execute0_lowered:
.L_overlay_start_1:
0x0: {  	(tag) =	ssettag $0x1  }
0x1: {  	s0 =	rddreg [dreg:$0x0]  }
0x2: {  	s2 =	rddreg [dreg:$0x2]  }
0x3: {  	s4 =	simm.s32 $0x0;
	s1 =	srdreg.scid;
	s11 =	stileid.u32  }
0x4: {  	s28 =	simm.s32 $0x800;
	s29 =	simm.s32 $0x2;
	s30 =	simm.s32 $0x2800  }
0x5: {  	s31 =	simm.s32 $0x3;
	s12 =	simm.s32 $0xB;
	s14 =	simm.s32 $0xC  }
0x6: {  	s16 =	simm.s32 $0xD;
	s15 =	simm.s32 $0x0;
	[smem:$0x7FF] =	sst s4  }
0x7: {  	s1 =	sand.u32 $0x1, s1;
	s3 =	smul.u32 $0x2800, s11;
	s5 =	sshll.u32 s11, $0x1  }
0x8: {  	s9 =	sadd.s32 $0xD800, s0;
	s21 =	smul.u32 $0x50000, s11;
	s11 =	simm.s32 $0x10  }
0x9: {  	_ =	strace $0x8000004D;
	s6 =	smul.u32 $0x28000, s1;
	s7 =	sor.u32 s1, s5  }
0xa: {  	s5 =	sadd.s32 $0x35800, s0;
	s8 =	ssub.s32 $0x2, s1;
	s7 =	smul.u32 $0x1400, s7  }
0xb: {  	s1 =	smul.u32 $0x1400, s1;
	s10 =	sshrl.u32 s8, $0x1;
	s6 =	sadd.s32 s3, s6  }
0xc: {  	s18 =	ssub.s32 s8, s10;
	s3 =	sadd.s32 s3, s9;
	s19 =	sadd.s32 s9, s7  }
0xd: {  	s10 =	simm.s32 $0xA;
	s26 =	smax.u32 s18, $0x1;
	[dreg:$0x4] =	wrdreg s19  }
0xe: {  	s0 =	sadd.s32 s6, s0;
	s7 =	sadd.s32 $0x20, s19;
	[dreg:$0xe] =	wrdreg s26  }
0xf: {  	s17 =	sadd.s32 s1, s3;
	s20 =	sadd.s32 $0x40, s19;
	[dreg:$0x5] =	wrdreg s7  }
0x10: {  	s1 =	simm.s32 $0x4;
	s22 =	sadd.s32 $0x60, s19;
	[dreg:$0x6] =	wrdreg s20  }
0x11: {  	s3 =	simm.s32 $0x6800;
	s23 =	sadd.s32 $0x80, s19;
	[dreg:$0x7] =	wrdreg s22  }
0x12: {  	s6 =	simm.s32 $0x6;
	s24 =	sadd.s32 $0xA0, s19;
	[dreg:$0x8] =	wrdreg s23  }
0x13: {  	s9 =	simm.s32 $0xE;
	s25 =	sadd.s32 $0xC0, s19;
	[dreg:$0x9] =	wrdreg s24  }
0x14: {  	s8 =	sadd.s32 $0xE0, s19;
	s0 =	sadd.s32 $0x5CA00, s0;
	[dreg:$0xa] =	wrdreg s25  }
.Ltmp0:
0x15: {  	s26 =	simm.s32 $0x40;
	[dreg:$0xb] =	wrdreg s8;
	(pc) =	sbr.rel .LBB2_1-.Ltmp0, $4  }
0x16: {  	s7 =	sshrl.u32 s21, $0x2;
	[dreg:$0xd] =	wrdreg s0;
	s22 =	simm.s32 $0x500  }
0x17: {  	s23 =	simm.s32 $0x700;
	s25 =	simm.s32 $0x1;
	s0 =	simm.s32 $0x4800  }
0x18: {  	s24 =	simm.s32 $0x11;
	s8 =	simm.s32 $0x9;
	s7 =	sadd.s32 s7, s2  }
0x19: {  	s21 =	simm.s32 $0x8;
	[dreg:$0xc] =	wrdreg s7;
	s7 =	simm.s32 $0xF  }
.LBB2_4:
0x1a: {  	_ =	swait.ge [sflag:s9], $0x2000  }
0x1b: {  	[sflag:s9] =	ssyncset.done $0x0  }
0x1c: {  	[sflag:s9] =	ssyncadd.s32 $0xFFFFE000  }
0x1d: {  	_ =	swait.ge [sflag:s7], $0x2000  }
0x1e: {  	[sflag:s7] =	ssyncset.done $0x0  }
0x1f: {  	[sflag:s7] =	ssyncadd.s32 $0xFFFFE000  }
0x20: {  	_ =	swait.ge [sflag:s11], $0x2000  }
0x21: {  	[sflag:s11] =	ssyncset.done $0x0  }
0x22: {  	[sflag:s11] =	ssyncadd.s32 $0xFFFFE000  }
0x23: {  	[bflag:$0x0] =	sbarrier.arrive $0xFFFF  }
0x24: {  	s13 =	rddreg [dreg:$0xd]  }
0x25: {  	s15 =	rddreg [dreg:$0x10]  }
0x26: {  	s24 =	simm.s32 $0x11;
	s18 =	rddreg [dreg:$0x11]  }
0x27: {  	[hbm:s13], [sflag:s15] =	dma.local [spmem:s18], $0x2800  }
0x28: {  	_ =	swait.ge [sflag:s24], $0x2800  }
0x29: {  	s20 =	rddreg [dreg:$0xf]  }
0x2a: {  	s22 =	rddreg [dreg:$0xe];
	s15 =	sadd.s32 $0x1, s20  }
0x2b: {  	p0 =	sne.s32 s15, s22  }
.Ltmp1:
0x2c: {  	_ = 	snop;
	(pc) =	sbr.rel @!p0 .LBB2_5-.Ltmp1, $3  }
0x2d: {  	_ =	sdelay $0x1  }
0x2e: {  	[sflag:s24] =	ssyncset.done $0x0  }
0x2f: {  	[sflag:s24] =	ssyncadd.s32 $0xFFFFD800;
	s22 =	simm.s32 $0x500  }
.LBB2_1:
0x30: {  	[dreg:$0xf] =	wrdreg s15  }
0x31: {  	s13 =	rddreg [dreg:$0x4]  }
0x32: {  	[tilespmem:s4], [sflag:$0x1] =	stream.linear.gather [hbm4b:s13+s4], $0x100, $0x38;
	[tilespmem:$0x1C800] =	vst v63  }
0x33: {  	s18 =	rddreg [dreg:$0x5];
	s15 =	simm.s32 $0x100  }
0x34: {  	[tilespmem:s15], [sflag:$0x2] =	stream.linear.gather [hbm4b:s18+s4], $0x100, $0x38;
	[tilespmem:$0x1C800] =	vst v63  }
0x35: {  	s19 =	rddreg [dreg:$0x6];
	s18 =	simm.s32 $0x200  }
0x36: {  	[tilespmem:s18], [sflag:$0x3] =	stream.linear.gather [hbm4b:s19+s4], $0x100, $0x38;
	[tilespmem:$0x1C800] =	vst v63  }
0x37: {  	s20 =	rddreg [dreg:$0x7];
	s19 =	simm.s32 $0x300  }
0x38: {  	[tilespmem:s19], [sflag:$0x4] =	stream.linear.gather [hbm4b:s20+s4], $0x100, $0x38;
	[tilespmem:$0x1C800] =	vst v63  }
0x39: {  	s13 =	rddreg [dreg:$0x8];
	s20 =	simm.s32 $0x400  }
0x3a: {  	[tilespmem:s20], [sflag:$0x5] =	stream.linear.gather [hbm4b:s13+s4], $0x100, $0x38;
	[tilespmem:$0x1C800] =	vst v63  }
0x3b: {  	s20 =	rddreg [dreg:$0x9]  }
0x3c: {  	[tilespmem:s22], [sflag:$0x6] =	stream.linear.gather [hbm4b:s20+s4], $0x100, $0x38;
	[tilespmem:$0x1C800] =	vst v63  }
0x3d: {  	s20 =	rddreg [dreg:$0xa];
	s22 =	simm.s32 $0x600  }
0x3e: {  	[tilespmem:s22], [sflag:$0x7] =	stream.linear.gather [hbm4b:s20+s4], $0x100, $0x38;
	[tilespmem:$0x1C800] =	vst v63  }
0x3f: {  	s22 =	rddreg [dreg:$0xb]  }
0x40: {  	[tilespmem:s23], [sflag:$0x8] =	stream.linear.gather [hbm4b:s22+s4], $0x100, $0x38;
	[tilespmem:$0x1C800] =	vst v63  }
0x41: {  	_ =	swait.ge [sflag:s25], $0x100  }
0x42: {  	[sflag:s25] =	ssyncset.done $0x0  }
0x43: {  	[sflag:s25] =	ssyncadd.s32 $0xFFFFFF00  }
0x44: {  	[tilespmem:s28], [sflag:$0x9] =	stream.indirect.gather [hbm4b:s5+s26], $0x80, s4, s26, $0xb8;
	[tilespmem:$0x1C800] =	vst v63  }
0x45: {  	_ =	swait.ge [sflag:s29], $0x100  }
0x46: {  	[sflag:s29] =	ssyncset.done $0x0  }
0x47: {  	[sflag:s29] =	ssyncadd.s32 $0xFFFFFF00  }
0x48: {  	[tilespmem:s30], [sflag:$0xA] =	stream.indirect.gather [hbm4b:s5+s26], $0x80, s15, s26, $0xb8;
	[tilespmem:$0x1C800] =	vst v63  }
0x49: {  	_ =	swait.ge [sflag:s31], $0x100  }
0x4a: {  	[sflag:s31] =	ssyncset.done $0x0  }
0x4b: {  	[sflag:s31] =	ssyncadd.s32 $0xFFFFFF00  }
0x4c: {  	[tilespmem:s0], [sflag:$0xB] =	stream.indirect.gather [hbm4b:s5+s26], $0x80, s18, s26, $0xb8;
	[tilespmem:$0x1C800] =	vst v63  }
0x4d: {  	_ =	swait.ge [sflag:s1], $0x100  }
0x4e: {  	[sflag:s1] =	ssyncset.done $0x0  }
0x4f: {  	s18 =	stileid.u32;
	s20 =	rddreg [dreg:$0xc];
	[sflag:s1] =	ssyncadd.s32 $0xFFFFFF00  }
0x50: {  	[tilespmem:s3], [sflag:$0xC] =	stream.indirect.gather [hbm4b:s5+s26], $0x80, s19, s26, $0xb8;
	[tilespmem:$0x1C800] =	vst v63  }
0x51: {  	s13 =	sshll.u32 s18, $0x6;
	s22 =	sshrl.u32 s20, $0x3;
	s23 =	rddreg [dreg:$0x1]  }
0x52: {  	s19 =	sor.u32 $0x1C11, s13;
	[dreg:$0x11] =	wrdreg s22  }
0x53: {  	[dreg:$0x10] =	wrdreg s19  }
0x54: {  	[spmem:s22], [sflag:s19] =	dma.local [hbm:s23], $0x2800  }
0x55: {  	_ =	swait.ge [sflag:s24], $0x2800  }
0x56: {  	[sflag:s24] =	ssyncset.done $0x0  }
0x57: {  	[sflag:s24] =	ssyncadd.s32 $0xFFFFD800  }
0x58: {  	s13 =	simm.s32 $0x0;
	s24 =	simm.s32 $0x700;
	[bflag:$0x0] =	sbarrier.arrive $0xFFFF  }
.LBB2_2:
0x59: {  	_ =	swait.ge [sflag:s8], $0x2000  }
0x5a: {  	[sflag:s8] =	ssyncset.done $0x0  }
0x5b: {  	s15 =	simm.s32 $0x80;
	[sflag:s8] =	ssyncadd.s32 $0xFFFFE000  }
0x5c: {  	[spmem:s2] =	stream.indirect.scatter.add.f32 [tilespmem:s28], [sflag:$0xD], $0x80, s15, s26, $0xb8;
	[tilespmem:$0x1C800] =	vst v63  }
0x5d: {  	_ =	swait.ge [sflag:s10], $0x2000  }
0x5e: {  	[sflag:s10] =	ssyncset.done $0x0  }
0x5f: {  	s18 =	simm.s32 $0x180;
	[sflag:s10] =	ssyncadd.s32 $0xFFFFE000  }
0x60: {  	[spmem:s2] =	stream.indirect.scatter.add.f32 [tilespmem:s30], [sflag:$0xE], $0x80, s18, s26, $0xb8;
	[tilespmem:$0x1C800] =	vst v63  }
0x61: {  	_ =	swait.ge [sflag:s12], $0x2000  }
0x62: {  	[sflag:s12] =	ssyncset.done $0x0  }
0x63: {  	s19 =	simm.s32 $0x280;
	[sflag:s12] =	ssyncadd.s32 $0xFFFFE000  }
0x64: {  	[spmem:s2] =	stream.indirect.scatter.add.f32 [tilespmem:s0], [sflag:$0xF], $0x80, s19, s26, $0xb8;
	[tilespmem:$0x1C800] =	vst v63  }
0x65: {  	_ =	swait.ge [sflag:s14], $0x2000  }
0x66: {  	[sflag:s14] =	ssyncset.done $0x0  }
0x67: {  	s20 =	simm.s32 $0x380;
	[sflag:s14] =	ssyncadd.s32 $0xFFFFE000  }
0x68: {  	[spmem:s2] =	stream.indirect.scatter.add.f32 [tilespmem:s3], [sflag:$0x10], $0x80, s20, s26, $0xb8;
	[tilespmem:$0x1C800] =	vst v63  }
0x69: {  	_ =	swait.ge [sflag:s16], $0x2000  }
0x6a: {  	p0 =	seq.s32 s13, $0x1300;
	[sflag:s16] =	ssyncset.done $0x0  }
0x6b: {  	s15 =	simm.s32 @p0 $0x5;
	[sflag:s16] =	ssyncadd.s32 $0xFFFFE000  }
0x6c: {  	_ =	swait.ge @p0 [sflag:s15], $0x100  }
0x6d: {  	s23 =	simm.s32 @p0 $0x400;
	[sflag:s15] =	ssyncset.done @p0 $0x0  }
0x6e: {  	s18 =	simm.s32 @p0 $0x800;
	[sflag:s15] =	ssyncadd.s32 @p0 $0xFFFFFF00;
	s15 =	simm.s32 @p0 $0x40  }
0x6f: {  	[tilespmem:s18], [sflag:$0x9] =	stream.indirect.gather @p0 [hbm4b:s5+s15], $0x80, s23, s15, $0xb8;
	[tilespmem:$0x1C800] =	vst v63  }
0x70: {  	s18 =	simm.s32 @p0 $0xE  }
0x71: {  	_ =	swait.ge @p0 [sflag:s18], $0x2000  }
0x72: {  	s23 =	sadd.s32 @!p0 s13, s17;
	[sflag:s18] =	ssyncset.done @p0 $0x0  }
0x73: {  	s19 =	simm.s32 @!p0 $0x0;
	[sflag:s18] =	ssyncadd.s32 @p0 $0xFFFFE000;
	s18 =	sadd.s32 @!p0 $0x100, s23  }
0x74: {  	[tilespmem:s19], [sflag:$0x1] =	stream.linear.gather @!p0 [hbm4b:s18+s19], $0x100, $0x38;
	[tilespmem:$0x1C800] =	vst v63  }
0x75: {  	s18 =	simm.s32 @!p0 $0x5  }
0x76: {  	_ =	swait.ge @!p0 [sflag:s18], $0x100  }
0x77: {  	s22 =	simm.s32 @!p0 $0x800;
	[sflag:s18] =	ssyncset.done @!p0 $0x0  }
0x78: {  	s20 =	simm.s32 @!p0 $0x400;
	[sflag:s18] =	ssyncadd.s32 @!p0 $0xFFFFFF00;
	s18 =	simm.s32 @!p0 $0x40  }
0x79: {  	[tilespmem:s22], [sflag:$0x9] =	stream.indirect.gather @!p0 [hbm4b:s5+s18], $0x80, s20, s18, $0xb8;
	[tilespmem:$0x1C800] =	vst v63  }
0x7a: {  	s20 =	simm.s32 @!p0 $0xE  }
0x7b: {  	_ =	swait.ge @!p0 [sflag:s20], $0x2000  }
0x7c: {  	[sflag:s20] =	ssyncset.done @!p0 $0x0  }
0x7d: {  	s22 =	simm.s32 @!p0 $0x100;
	[sflag:s20] =	ssyncadd.s32 @!p0 $0xFFFFE000;
	s20 =	sadd.s32 @!p0 $0x120, s23  }
0x7e: {  	[tilespmem:s22], [sflag:$0x2] =	stream.linear.gather @!p0 [hbm4b:s20+s19], $0x100, $0x38;
	[tilespmem:$0x1C800] =	vst v63  }
0x7f: {  	_ =	swait.ge [sflag:s6], $0x100  }
0x80: {  	[sflag:s6] =	ssyncset.done $0x0  }
0x81: {  	s22 =	simm.s32 $0x500;
	[sflag:s6] =	ssyncadd.s32 $0xFFFFFF00  }
0x82: {  	[tilespmem:s30], [sflag:$0xA] =	stream.indirect.gather [hbm4b:s5+s26], $0x80, s22, s26, $0xb8;
	[tilespmem:$0x1C800] =	vst v63  }
0x83: {  	_ =	swait.ge [sflag:s7], $0x2000  }
0x84: {  	[sflag:s7] =	ssyncset.done $0x0  }
0x85: {  	s20 =	simm.s32 @p0 $0x7;
	[sflag:s7] =	ssyncadd.s32 $0xFFFFE000  }
0x86: {  	_ =	swait.ge @p0 [sflag:s20], $0x100  }
0x87: {  	[sflag:s20] =	ssyncset.done @p0 $0x0  }
0x88: {  	s22 =	simm.s32 @p0 $0x4800;
	[sflag:s20] =	ssyncadd.s32 @p0 $0xFFFFFF00;
	s20 =	simm.s32 @p0 $0x600  }
0x89: {  	[tilespmem:s22], [sflag:$0xB] =	stream.indirect.gather @p0 [hbm4b:s5+s15], $0x80, s20, s15, $0xb8;
	[tilespmem:$0x1C800] =	vst v63  }
0x8a: {  	s15 =	simm.s32 @p0 $0x10  }
0x8b: {  	_ =	swait.ge @p0 [sflag:s15], $0x2000  }
0x8c: {  	[sflag:s15] =	ssyncset.done @p0 $0x0  }
0x8d: {  	s20 =	simm.s32 @!p0 $0x200;
	[sflag:s15] =	ssyncadd.s32 @p0 $0xFFFFE000;
	s15 =	sadd.s32 @!p0 $0x140, s23  }
0x8e: {  	[tilespmem:s20], [sflag:$0x3] =	stream.linear.gather @!p0 [hbm4b:s15+s19], $0x100, $0x38;
	[tilespmem:$0x1C800] =	vst v63  }
0x8f: {  	s15 =	simm.s32 @!p0 $0x7  }
0x90: {  	_ =	swait.ge @!p0 [sflag:s15], $0x100  }
0x91: {  	[sflag:s15] =	ssyncset.done @!p0 $0x0  }
0x92: {  	s20 =	simm.s32 @!p0 $0x4800;
	[sflag:s15] =	ssyncadd.s32 @!p0 $0xFFFFFF00;
	s15 =	simm.s32 @!p0 $0x600  }
0x93: {  	[tilespmem:s20], [sflag:$0xB] =	stream.indirect.gather @!p0 [hbm4b:s5+s18], $0x80, s15, s18, $0xb8;
	[tilespmem:$0x1C800] =	vst v63  }
0x94: {  	s15 =	simm.s32 @!p0 $0x10  }
0x95: {  	_ =	swait.ge @!p0 [sflag:s15], $0x2000  }
0x96: {  	[sflag:s15] =	ssyncset.done @!p0 $0x0  }
0x97: {  	s18 =	simm.s32 @!p0 $0x300;
	[sflag:s15] =	ssyncadd.s32 @!p0 $0xFFFFE000;
	s15 =	sadd.s32 @!p0 $0x160, s23  }
0x98: {  	[tilespmem:s18], [sflag:$0x4] =	stream.linear.gather @!p0 [hbm4b:s15+s19], $0x100, $0x38;
	[tilespmem:$0x1C800] =	vst v63  }
0x99: {  	_ =	swait.ge [sflag:s21], $0x100  }
0x9a: {  	[sflag:s21] =	ssyncset.done $0x0  }
0x9b: {  	[sflag:s21] =	ssyncadd.s32 $0xFFFFFF00  }
0x9c: {  	[tilespmem:s3], [sflag:$0xC] =	stream.indirect.gather [hbm4b:s5+s26], $0x80, s24, s26, $0xb8;
	[tilespmem:$0x1C800] =	vst v63  }
0x9d: {  	_ =	swait.ge [sflag:s8], $0x2000  }
0x9e: {  	[sflag:s8] =	ssyncset.done $0x0  }
0x9f: {  	s20 =	simm.s32 $0x480;
	[sflag:s8] =	ssyncadd.s32 $0xFFFFE000  }
0xa0: {  	[spmem:s2] =	stream.indirect.scatter.add.f32 [tilespmem:s28], [sflag:$0xD], $0x80, s20, s26, $0xb8;
	[tilespmem:$0x1C800] =	vst v63  }
0xa1: {  	_ =	swait.ge [sflag:s10], $0x2000  }
0xa2: {  	[sflag:s10] =	ssyncset.done $0x0  }
0xa3: {  	s22 =	simm.s32 $0x580;
	[sflag:s10] =	ssyncadd.s32 $0xFFFFE000  }
0xa4: {  	[spmem:s2] =	stream.indirect.scatter.add.f32 [tilespmem:s30], [sflag:$0xE], $0x80, s22, s26, $0xb8;
	[tilespmem:$0x1C800] =	vst v63  }
0xa5: {  	_ =	swait.ge [sflag:s12], $0x2000  }
0xa6: {  	[sflag:s12] =	ssyncset.done $0x0  }
0xa7: {  	s23 =	simm.s32 $0x680;
	[sflag:s12] =	ssyncadd.s32 $0xFFFFE000  }
0xa8: {  	[spmem:s2] =	stream.indirect.scatter.add.f32 [tilespmem:s0], [sflag:$0xF], $0x80, s23, s26, $0xb8;
	[tilespmem:$0x1C800] =	vst v63  }
0xa9: {  	_ =	swait.ge [sflag:s14], $0x2000  }
0xaa: {  	[sflag:s14] =	ssyncset.done $0x0  }
.Ltmp2:
0xab: {  	s24 =	simm.s32 $0x780;
	[sflag:s14] =	ssyncadd.s32 $0xFFFFE000;
	(pc) =	sbr.rel @p0 .LBB2_4-.Ltmp2, $4  }
0xac: {  	[spmem:s2] =	stream.indirect.scatter.add.f32 [tilespmem:s3], [sflag:$0x10], $0x80, s24, s26, $0xb8;
	[tilespmem:$0x1C800] =	vst v63  }
0xad: {  	_ =	swait.ge [sflag:s16], $0x2000  }
0xae: {  	[sflag:s16] =	ssyncset.done $0x0  }
0xaf: {  	s23 =	simm.s32 $0x700;
	[sflag:s16] =	ssyncadd.s32 $0xFFFFE000  }
0xb0: {  	s15 =	sadd.s32 s13, s17  }
0xb1: {  	s19 =	simm.s32 $0x400;
	s18 =	sadd.s32 $0x180, s15  }
0xb2: {  	[tilespmem:s19], [sflag:$0x5] =	stream.linear.gather [hbm4b:s18+s4], $0x100, $0x38;
	[tilespmem:$0x1C800] =	vst v63  }
0xb3: {  	_ =	swait.ge [sflag:s25], $0x100  }
0xb4: {  	[sflag:s25] =	ssyncset.done $0x0  }
0xb5: {  	[sflag:s25] =	ssyncadd.s32 $0xFFFFFF00  }
0xb6: {  	[tilespmem:s28], [sflag:$0x9] =	stream.indirect.gather [hbm4b:s5+s26], $0x80, s4, s26, $0xb8;
	[tilespmem:$0x1C800] =	vst v63  }
0xb7: {  	_ =	swait.ge [sflag:s9], $0x2000  }
0xb8: {  	[sflag:s9] =	ssyncset.done $0x0  }
0xb9: {  	s22 =	simm.s32 $0x500;
	s20 =	sadd.s32 $0x1A0, s15;
	[sflag:s9] =	ssyncadd.s32 $0xFFFFE000  }
0xba: {  	[tilespmem:s22], [sflag:$0x6] =	stream.linear.gather [hbm4b:s20+s4], $0x100, $0x38;
	[tilespmem:$0x1C800] =	vst v63  }
0xbb: {  	_ =	swait.ge [sflag:s29], $0x100  }
0xbc: {  	[sflag:s29] =	ssyncset.done $0x0  }
0xbd: {  	s24 =	simm.s32 $0x100;
	[sflag:s29] =	ssyncadd.s32 $0xFFFFFF00  }
0xbe: {  	[tilespmem:s30], [sflag:$0xA] =	stream.indirect.gather [hbm4b:s5+s26], $0x80, s24, s26, $0xb8;
	[tilespmem:$0x1C800] =	vst v63  }
0xbf: {  	_ =	swait.ge [sflag:s7], $0x2000  }
0xc0: {  	[sflag:s7] =	ssyncset.done $0x0  }
0xc1: {  	s19 =	sadd.s32 $0x1C0, s15;
	s20 =	simm.s32 $0x600;
	[sflag:s7] =	ssyncadd.s32 $0xFFFFE000  }
0xc2: {  	[tilespmem:s20], [sflag:$0x7] =	stream.linear.gather [hbm4b:s19+s4], $0x100, $0x38;
	[tilespmem:$0x1C800] =	vst v63  }
0xc3: {  	_ =	swait.ge [sflag:s31], $0x100  }
0xc4: {  	[sflag:s31] =	ssyncset.done $0x0  }
0xc5: {  	s22 =	simm.s32 $0x200;
	[sflag:s31] =	ssyncadd.s32 $0xFFFFFF00  }
0xc6: {  	[tilespmem:s0], [sflag:$0xB] =	stream.indirect.gather [hbm4b:s5+s26], $0x80, s22, s26, $0xb8;
	[tilespmem:$0x1C800] =	vst v63  }
0xc7: {  	_ =	swait.ge [sflag:s11], $0x2000  }
0xc8: {  	[sflag:s11] =	ssyncset.done $0x0  }
0xc9: {  	s15 =	sadd.s32 $0x1E0, s15;
	[sflag:s11] =	ssyncadd.s32 $0xFFFFE000  }
0xca: {  	[tilespmem:s23], [sflag:$0x8] =	stream.linear.gather [hbm4b:s15+s4], $0x100, $0x38;
	[tilespmem:$0x1C800] =	vst v63  }
.Ltmp3:
0xcb: {  	_ =	swait.ge [sflag:s1], $0x100;
	(pc) =	sbr.rel .LBB2_2-.Ltmp3, $4  }
0xcc: {  	[sflag:s1] =	ssyncset.done $0x0  }
0xcd: {  	s24 =	simm.s32 $0x300;
	[sflag:s1] =	ssyncadd.s32 $0xFFFFFF00  }
0xce: {  	[tilespmem:s3], [sflag:$0xC] =	stream.indirect.gather [hbm4b:s5+s26], $0x80, s24, s26, $0xb8;
	[tilespmem:$0x1C800] =	vst v63  }
0xcf: {  	s13 =	sadd.s32 $0x100, s13;
	s24 =	simm.s32 $0x700  }
.LBB2_5:
0xd0: {  	_ =	sfence.sel $0x180000  }
0xd1: {  	[bflag:$0x0] =	sbarrier.arrive $0xFFFF  }
0xd2: {  	_ =	strace $0x9000004D  }
0xd3: {  	s0 =	stileid.u32;
	[bflag:$0x2] =	sbarrier.arrive $0xFFFF  }
0xd4: {  	p0 =	sne.s32 s0, $0x0;
	s0 =	rddreg [dreg:$0x3]  }
0xd5: {  	s0 =	sadd.s32 @!p0 $0x100000, s0  }
0xd6: {  	[sflag:s0] =	ssyncadd.tile.s32 @!p0 $0x1;
	_ =	shalt  }
.Lfunc_end2:
_tile_overlayer_lowered:
.L_overlay_start_2:
0xd7: {  	(tag) =	ssettag $0x2  }
0xd8: {  	s0 =	rddreg [dreg:$0x0];
	s2 =	stileid.u32  }
0xd9: {  	s1 =	rddreg [dreg:$0x1];
	p0 =	sne.s32 s2, $0x0  }
0xda: {  	s3 =	rddreg [dreg:$0x2];
	[bflag:$0x3] =	sbarrier.arrive $0xFFFF;
	s2 =	simm.s32 @!p0 $0x1C11  }
0xdb: {  	[timem:s3], [sflag:s2] =	dma.local @!p0 [hbm:s0], s1  }
0xdc: {  	s0 =	simm.s32 @!p0 $0x11  }
0xdd: {  	_ =	swait.ge @!p0 [sflag:s0], s1  }
0xde: {  	s1 =	ssub.s32 @!p0 $0x0, s1;
	[sflag:s0] =	ssyncset.done @!p0 $0x0  }
0xdf: {  	[sflag:s0] =	ssyncadd.s32 @!p0 s1  }
0xe0: {  	[bflag:$0x3] =	sbarrier.arrive $0xFFFF  }
0xe1: {  	_ =	shalt  }

// kernel: kernel.19.cloned.1.call-start
scs
__scs_entry_jumppad:
0x0: {  	(pc) =	sbr.rel $0x88, $3  }
0x1: {  	(tag) =	ssettag $0x0;
	lr =	simm.s32 $0x1  }
0x2: {  	[smem:$0x3F99] =	sst lr;
	_ =	strace $0xD0000000  }
0x3: {  	_ = 	snop  }
0x4: {  	_ = 	snop  }
0x5: {  	_ = 	snop  }
0x6: {  	_ = 	snop  }
0x7: {  	_ = 	snop  }
__scs_overlays_trampoline_lowered:
0x8: {  	[smem:$0x3FA8] =	sst s0  }
0x9: {  	[smem:$0x3FA9] =	sst s1  }
0xa: {  	[smem:$0x3FAA] =	sst s2  }
0xb: {  	[smem:$0x3FAB] =	sst s3  }
0xc: {  	[smem:$0x3FAC] =	sst s4  }
0xd: {  	[smem:$0x3FAD] =	sst s5  }
0xe: {  	[smem:$0x3FAE] =	sst s6  }
0xf: {  	[smem:$0x3FAF] =	sst s7  }
0x10: {  	[smem:$0x3FB0] =	sst s8  }
0x11: {  	[smem:$0x3FB1] =	sst s9;
	s0 =	simm.s32 @!p0 $0x0  }
0x12: {  	s1 =	sld [smem:$0x3F97];
	s0 =	simm.s32 @p0 $0x1  }
0x13: {  	[smem:$0x3FB2] =	sst s0;
	s0 =	simm.s32 @!p1 $0x0  }
0x14: {  	s2 =	sld [smem:$0x3F96];
	s0 =	simm.s32 @p1 $0x1  }
0x15: {  	[smem:$0x3FB3] =	sst s0;
	s0 =	simm.s32 @!p2 $0x0  }
0x16: {  	s3 =	sld [smem:$0x3FDB];
	s0 =	simm.s32 @p2 $0x1  }
0x17: {  	s4 =	simm.s32 $0x1BF5;
	[smem:$0x3FB5] =	sst s0  }
0x18: {  	s0 =	sld [smem:$0x3F98];
	_ =	swait.ge [sflag:s4], $0x0  }
0x19: {  	s7 =	sld [smem:$0x3F99]  }
0x1a: {  	s8 =	sadd.s32 $0xFFFFE003, lr  }
0x1b: {  	s9 =	sadd.s32 $0xFFFFFEF7, lr;
	s5 =	simm.s32 $0xFFFFFFFF;
	p2 =	slt.u32 s8, $0xFFFFF086  }
0x1c: {  	p1 =	slt.u32 s9, $0xF7A;
	s5 =	simm.s32 @!p2 $0x0  }
0x1d: {  	s5 =	simm.s32 @p1 $0x1;
	p0 =	seq.s32 s7, s2  }
0x1e: {  	s7 =	smul.u32 @!p0 $0xF7A, s2;
	p2 =	seq.s32 @!p0 s5, $0x0  }
0x1f: {  	s9 =	smul.u32 $0xF7A, s1;
	s8 =	simm.s32 @!p0 $0x1BF5;
	p2 =	por !p2, p0  }
0x20: {  	[sflag:s8] =	ssyncset.s32 @!p0 $0xFFFFF086;
	s6 =	sadd.s32 @!p0 s3, s7;
	s7 =	simm.s32 @!p0 $0x108  }
0x21: {  	s3 =	sadd.s32 s3, s9;
	s6 =	sadd.s32 @!p0 $0x88, s6;
	s7 =	simm.s32 @p2 $0x1082  }
0x22: {  	[simem:s7], [sflag:s8] =	dma.local @!p0 [hbm:s6], $0xF7A  }
0x23: {  	s9 =	sor.u32 $0xD0000000, s2;
	s6 =	simm.s32 $0x108;
	_ =	swait.ge @!p0 [sflag:s8], $0x0  }
0x24: {  	s3 =	sadd.s32 $0x88, s3;
	s6 =	simm.s32 @!p1 $0x1082;
	[sflag:s4] =	ssyncset.s32 $0xFFFFF086  }
0x25: {  	[simem:s6], [sflag:s4] =	dma.local [hbm:s3], $0xF7A  }
0x26: {  	[smem:$0x3F99] =	sst s1;
	(tag) =	ssettag s2;
	_ =	strace s9  }
0x27: {  	s1 =	sld [smem:$0x3FA9]  }
0x28: {  	s2 =	sld [smem:$0x3FAA]  }
0x29: {  	s4 =	sld [smem:$0x3FAC]  }
0x2a: {  	p0 =	seq.s32 s5, $0x0;
	s5 =	sld [smem:$0x3FAD]  }
0x2b: {  	s6 =	sld [smem:$0x3FAE]  }
0x2c: {  	s7 =	sld [smem:$0x3FAF]  }
0x2d: {  	s3 =	simm.s32 $0x108;
	s8 =	sld [smem:$0x3FB0]  }
0x2e: {  	s3 =	simm.s32 @!p0 $0x1082;
	s9 =	sld [smem:$0x3FB1]  }
0x2f: {  	lr =	sadd.s32 s0, s3;
	s0 =	sld [smem:$0x3FA8]  }
0x30: {  	s3 =	sld [smem:$0x3FAB]  }
0x31: {  	[smem:$0x3FB4] =	sst s10  }
0x32: {  	s10 =	sld [smem:$0x3FB2];
	_ =	sdelay $0x3  }
0x33: {  	p0 =	seq.s32 s10, $0x1;
	s10 =	sld [smem:$0x3FB4];
	_ =	sdelay $0x3  }
0x34: {  	[smem:$0x3FB4] =	sst s10  }
0x35: {  	s10 =	sld [smem:$0x3FB3];
	_ =	sdelay $0x3  }
0x36: {  	p1 =	seq.s32 s10, $0x1;
	s10 =	sld [smem:$0x3FB4];
	_ =	sdelay $0x3  }
0x37: {  	[smem:$0x3FB4] =	sst s10  }
0x38: {  	s10 =	sld [smem:$0x3FB5]  }
0x39: {  	_ = 	snop;
	(pc) =	sbr.ind lr, $3  }
0x3a: {  	_ = 	snop  }
0x3b: {  	_ = 	snop  }
0x3c: {  	p2 =	seq.s32 s10, $0x1;
	s10 =	sld [smem:$0x3FB4]  }
0x3d: {  	_ =	shalt  }
0x3e: {  	_ =	shalt  }
0x3f: {  	_ =	shalt  }
0x40: {  	_ =	shalt  }
0x41: {  	_ =	shalt  }
0x42: {  	_ =	shalt  }
0x43: {  	_ =	shalt  }
0x44: {  	_ =	shalt  }
0x45: {  	_ =	shalt  }
0x46: {  	_ =	shalt  }
0x47: {  	_ =	shalt  }
0x48: {  	_ =	shalt  }
0x49: {  	_ =	shalt  }
0x4a: {  	_ =	shalt  }
0x4b: {  	_ =	shalt  }
0x4c: {  	_ =	shalt  }
0x4d: {  	_ =	shalt  }
0x4e: {  	_ =	shalt  }
0x4f: {  	_ =	shalt  }
0x50: {  	_ =	shalt  }
0x51: {  	_ =	shalt  }
0x52: {  	_ =	shalt  }
0x53: {  	_ =	shalt  }
0x54: {  	_ =	shalt  }
0x55: {  	_ =	shalt  }
0x56: {  	_ =	shalt  }
0x57: {  	_ =	shalt  }
0x58: {  	_ =	shalt  }
0x59: {  	_ =	shalt  }
0x5a: {  	_ =	shalt  }
0x5b: {  	_ =	shalt  }
0x5c: {  	_ =	shalt  }
0x5d: {  	_ =	shalt  }
0x5e: {  	_ =	shalt  }
0x5f: {  	_ =	shalt  }
0x60: {  	_ =	shalt  }
0x61: {  	_ =	shalt  }
0x62: {  	_ =	shalt  }
0x63: {  	_ =	shalt  }
0x64: {  	_ =	shalt  }
0x65: {  	_ =	shalt  }
0x66: {  	_ =	shalt  }
0x67: {  	_ =	shalt  }
0x68: {  	_ =	shalt  }
0x69: {  	_ =	shalt  }
0x6a: {  	_ =	shalt  }
0x6b: {  	_ =	shalt  }
0x6c: {  	_ =	shalt  }
0x6d: {  	_ =	shalt  }
0x6e: {  	_ =	shalt  }
0x6f: {  	_ =	shalt  }
0x70: {  	_ =	shalt  }
0x71: {  	_ =	shalt  }
0x72: {  	_ =	shalt  }
0x73: {  	_ =	shalt  }
0x74: {  	_ =	shalt  }
0x75: {  	_ =	shalt  }
0x76: {  	_ =	shalt  }
0x77: {  	_ =	shalt  }
0x78: {  	_ =	shalt  }
0x79: {  	_ =	shalt  }
0x7a: {  	_ =	shalt  }
0x7b: {  	_ =	shalt  }
0x7c: {  	_ =	shalt  }
0x7d: {  	_ =	shalt  }
0x7e: {  	_ =	shalt  }
0x7f: {  	_ =	shalt  }
0x80: {  	_ =	shalt  }
0x81: {  	_ =	shalt  }
0x82: {  	_ =	shalt  }
0x83: {  	_ =	shalt  }
0x84: {  	_ =	shalt  }
0x85: {  	_ =	shalt  }
0x86: {  	_ =	shalt  }
0x87: {  	_ =	shalt  }
.Lfunc_end0:
.L_simem_size_0:
called_computation.3_lowered:
.L_overlay_start_0:
0x88: {  	s2 =	sld [smem:$0x3FD9]  }
0x89: {  	s3 =	sld [smem:$0x3FFE];
	_ =	sdelay $0x1  }
0x8a: {  	s1 =	srdreg.scid  }
0x8b: {  	s0 =	sand.u32 $0x1, s1  }
0x8c: {  	s17 =	sshll.u32 s0, $0xA;
	s2 =	sadd.s32 s3, s2  }
0x8d: {  	s2 =	sadd.s32 s2, s17  }
0x8e: {  	[smem:$0x3FC0] =	sst s2  }
0x8f: {  	_ = 	snop  }
0x90: {  	s2 =	sld [smem:$0x3FD0];
	(tm) =	ssettm $0x1  }
0x91: {  	s18 =	sld [smem:$0x3FFB];
	_ =	sdelay $0x3  }
0x92: {  	_ =	strace s18  }
0x93: {  	s3 =	sld [smem:$0x3FFC];
	_ =	sdelay $0x3  }
0x94: {  	_ =	strace s3  }
0x95: {  	s3 =	sld [smem:$0x3FFD];
	_ =	sdelay $0x3  }
0x96: {  	_ =	strace s3  }
0x97: {  	_ =	strace $0x8FFFFFFF  }
0x98: {  	s19 =	sld [smem:$0x3FDB];
	_ =	sdelay $0x1  }
0x99: {  	s4 =	simm.s32 $_scs_section_size  }
0x9a: {  	s5 =	simm.s32 $_size__tile_overlayer_lowered;
	s6 =	simm.s32 $_tile_overlayer_lowered  }
0x9b: {  	s22 =	simm.s32 $0x1BFF;
	s21 =	sshll.u32 s6, $0x1;
	s3 =	sadd.s32 s4, s19  }
0x9c: {  	s7 =	simm.s32 $0x0;
	s20 =	sshll.u32 s5, $0x1;
	s5 =	sadd.s32 s21, s3  }
0x9d: {  	[timem:s7], [sflag:s22] =	dma.local [hbm:s5], s20  }
0x9e: {  	_ =	swait.ge [sflag:s22], s20  }
0x9f: {  	s4 =	ssub.s32 $0x0, s20;
	[sflag:s22] =	ssyncset.done $0x0  }
0xa0: {  	[sflag:s22] =	ssyncadd.s32 s4;
	_ =	sdelay $0x1  }
0xa1: {  	s23 =	simm.s32 $0x1B8B  }
0xa2: {  	_ =	swait.ge [sflag:s23], $0x1  }
0xa3: {  	[sflag:s23] =	ssyncset.done $0x0  }
0xa4: {  	s25 =	simm.s32 $0x1B8E;
	s24 =	sld [smem:$0x3FFE];
	[sflag:s23] =	ssyncadd.s32 $0xFFFFFFFF  }
0xa5: {  	s26 =	simm.s32 $execute0_lowered;
	[smem:$0x3FD2] =	sst s25  }
0xa6: {  	s5 =	sshll.u32 s26, $0x1;
	_ =	strace $0x8000004F;
	[dreg:$0x1] =	wrdreg $0xFFFFFFFF  }
0xa7: {  	s28 =	simm.s32 $_size_execute0_lowered;
	s3 =	sadd.s32 s3, s5;
	[dreg:$0x0] =	wrdreg $0x0  }
0xa8: {  	s5 =	sshll.u32 s28, $0x1;
	[dreg:$0x2] =	wrdreg s3  }
0xa9: {  	[dreg:$0x3] =	wrdreg s5  }
0xaa: {  	[dreg:$0x4] =	wrdreg $0xC0  }
0xab: {  	_ =	task [dreg:s7], $0x5FFFF  }
0xac: {  	[dreg:$0x1] =	wrdreg $0xFFFFFFFF  }
0xad: {  	[dreg:$0x0] =	wrdreg $0x60  }
0xae: {  	[dreg:$0x2] =	wrdreg s24  }
0xaf: {  	[dreg:$0x3] =	wrdreg s2  }
0xb0: {  	[dreg:$0x4] =	wrdreg $0x88000  }
0xb1: {  	[dreg:$0x5] =	wrdreg $0x9  }
0xb2: {  	_ =	task.clear_ibuf [dreg:s7], $0x6FFFF;
	_ =	strace $0x9000004F  }
0xb3: {  	s29 =	simm.s32 $0x9;
	_ =	strace $0x80000051  }
0xb4: {  	_ =	swait.ge [sflag:s29], $0x1  }
0xb5: {  	[sflag:s29] =	ssyncadd.s32 $0xFFFFFFFF  }
0xb6: {  	_ =	strace $0x90000051  }
0xb7: {  	_ =	sfence  }
0xb8: {  	s30 =	sld [smem:$0x0];
	_ =	sdelay $0x2  }
0xb9: {  	s31 =	sshll.u32 s1, $0xD;
	s1 =	sshrl.u32 s1, $0x2  }
0xba: {  	s3 =	sand.u32 $0x4000, s31;
	s1 =	sadd.s32 s1, s30  }
0xbb: {  	s0 =	sor.u32 s3, s0;
	s1 =	sshll.u32 s1, $0x11  }
0xbc: {  	s0 =	sor.u32 s1, s0  }
0xbd: {  	s0 =	sadd.s32 $0x8F2B, s0  }
0xbe: {  	[sflag:s0] =	ssyncadd.remote.s32 $0x1  }
0xbf: {  	_ =	sfence.sel $0xFFFF  }
0xc0: {  	[dreg:$0x0] =	wrdreg $0xFFFFFFFF;
	(pc) =	sbr.abs _section_cstart, $3  }
0xc1: {  	[dreg:$0x1] =	wrdreg $0xFFFFFFFF  }
0xc2: {  	_ =	task.clear_ibuf [dreg:s7], $0x2FFFF;
	_ =	strace $0x9FFFFFFF  }
0xc3: {  	(tm) =	ssettm $0x7FFFFFFF  }
tec
execute0_lowered:
.L_overlay_start_1:
0x0: {  	(tag) =	ssettag $0x1  }
0x1: {  	s0 =	rddreg [dreg:$0x0]  }
0x2: {  	s2 =	rddreg [dreg:$0x2]  }
0x3: {  	s4 =	simm.s32 $0x0;
	s1 =	srdreg.scid;
	s11 =	stileid.u32  }
0x4: {  	s28 =	simm.s32 $0x800;
	s29 =	simm.s32 $0x2;
	s30 =	simm.s32 $0x2800  }
0x5: {  	s31 =	simm.s32 $0x3;
	s12 =	simm.s32 $0xB;
	s14 =	simm.s32 $0xC  }
0x6: {  	s16 =	simm.s32 $0xD;
	s15 =	simm.s32 $0x0;
	[smem:$0x7FF] =	sst s4  }
0x7: {  	s1 =	sand.u32 $0x1, s1;
	s3 =	smul.u32 $0x2800, s11;
	s5 =	sshll.u32 s11, $0x1  }
0x8: {  	s9 =	sadd.s32 $0xD800, s0;
	s21 =	smul.u32 $0x50000, s11;
	s11 =	simm.s32 $0x10  }
0x9: {  	_ =	strace $0x80000050;
	s6 =	smul.u32 $0x28000, s1;
	s7 =	sor.u32 s1, s5  }
0xa: {  	s5 =	sadd.s32 $0x35800, s0;
	s8 =	ssub.s32 $0x2, s1;
	s7 =	smul.u32 $0x1400, s7  }
0xb: {  	s1 =	smul.u32 $0x1400, s1;
	s10 =	sshrl.u32 s8, $0x1;
	s6 =	sadd.s32 s3, s6  }
0xc: {  	s18 =	ssub.s32 s8, s10;
	s3 =	sadd.s32 s3, s9;
	s19 =	sadd.s32 s9, s7  }
0xd: {  	s10 =	simm.s32 $0xA;
	s26 =	smax.u32 s18, $0x1;
	[dreg:$0x4] =	wrdreg s19  }
0xe: {  	s0 =	sadd.s32 s6, s0;
	s7 =	sadd.s32 $0x20, s19;
	[dreg:$0xe] =	wrdreg s26  }
0xf: {  	s17 =	sadd.s32 s1, s3;
	s20 =	sadd.s32 $0x40, s19;
	[dreg:$0x5] =	wrdreg s7  }
0x10: {  	s1 =	simm.s32 $0x4;
	s22 =	sadd.s32 $0x60, s19;
	[dreg:$0x6] =	wrdreg s20  }
0x11: {  	s3 =	simm.s32 $0x6800;
	s23 =	sadd.s32 $0x80, s19;
	[dreg:$0x7] =	wrdreg s22  }
0x12: {  	s6 =	simm.s32 $0x6;
	s24 =	sadd.s32 $0xA0, s19;
	[dreg:$0x8] =	wrdreg s23  }
0x13: {  	s9 =	simm.s32 $0xE;
	s25 =	sadd.s32 $0xC0, s19;
	[dreg:$0x9] =	wrdreg s24  }
0x14: {  	s8 =	sadd.s32 $0xE0, s19;
	s0 =	sadd.s32 $0x5CA00, s0;
	[dreg:$0xa] =	wrdreg s25  }
.Ltmp0:
0x15: {  	s26 =	simm.s32 $0x40;
	[dreg:$0xb] =	wrdreg s8;
	(pc) =	sbr.rel .LBB2_1-.Ltmp0, $4  }
0x16: {  	s7 =	sshrl.u32 s21, $0x2;
	[dreg:$0xd] =	wrdreg s0;
	s22 =	simm.s32 $0x500  }
0x17: {  	s23 =	simm.s32 $0x700;
	s25 =	simm.s32 $0x1;
	s0 =	simm.s32 $0x4800  }
0x18: {  	s24 =	simm.s32 $0x11;
	s8 =	simm.s32 $0x9;
	s7 =	sadd.s32 s7, s2  }
0x19: {  	s21 =	simm.s32 $0x8;
	[dreg:$0xc] =	wrdreg s7;
	s7 =	simm.s32 $0xF  }
.LBB2_4:
0x1a: {  	_ =	swait.ge [sflag:s9], $0x2000  }
0x1b: {  	[sflag:s9] =	ssyncset.done $0x0  }
0x1c: {  	[sflag:s9] =	ssyncadd.s32 $0xFFFFE000  }
0x1d: {  	_ =	swait.ge [sflag:s7], $0x2000  }
0x1e: {  	[sflag:s7] =	ssyncset.done $0x0  }
0x1f: {  	[sflag:s7] =	ssyncadd.s32 $0xFFFFE000  }
0x20: {  	_ =	swait.ge [sflag:s11], $0x2000  }
0x21: {  	[sflag:s11] =	ssyncset.done $0x0  }
0x22: {  	[sflag:s11] =	ssyncadd.s32 $0xFFFFE000  }
0x23: {  	[bflag:$0x0] =	sbarrier.arrive $0xFFFF  }
0x24: {  	s13 =	rddreg [dreg:$0xd]  }
0x25: {  	s15 =	rddreg [dreg:$0x10]  }
0x26: {  	s24 =	simm.s32 $0x11;
	s18 =	rddreg [dreg:$0x11]  }
0x27: {  	[hbm:s13], [sflag:s15] =	dma.local [spmem:s18], $0x2800  }
0x28: {  	_ =	swait.ge [sflag:s24], $0x2800  }
0x29: {  	s20 =	rddreg [dreg:$0xf]  }
0x2a: {  	s22 =	rddreg [dreg:$0xe];
	s15 =	sadd.s32 $0x1, s20  }
0x2b: {  	p0 =	sne.s32 s15, s22  }
.Ltmp1:
0x2c: {  	_ = 	snop;
	(pc) =	sbr.rel @!p0 .LBB2_5-.Ltmp1, $3  }
0x2d: {  	_ =	sdelay $0x1  }
0x2e: {  	[sflag:s24] =	ssyncset.done $0x0  }
0x2f: {  	[sflag:s24] =	ssyncadd.s32 $0xFFFFD800;
	s22 =	simm.s32 $0x500  }
.LBB2_1:
0x30: {  	[dreg:$0xf] =	wrdreg s15  }
0x31: {  	s13 =	rddreg [dreg:$0x4]  }
0x32: {  	[tilespmem:s4], [sflag:$0x1] =	stream.linear.gather [hbm4b:s13+s4], $0x100, $0x38;
	[tilespmem:$0x1C800] =	vst v63  }
0x33: {  	s18 =	rddreg [dreg:$0x5];
	s15 =	simm.s32 $0x100  }
0x34: {  	[tilespmem:s15], [sflag:$0x2] =	stream.linear.gather [hbm4b:s18+s4], $0x100, $0x38;
	[tilespmem:$0x1C800] =	vst v63  }
0x35: {  	s19 =	rddreg [dreg:$0x6];
	s18 =	simm.s32 $0x200  }
0x36: {  	[tilespmem:s18], [sflag:$0x3] =	stream.linear.gather [hbm4b:s19+s4], $0x100, $0x38;
	[tilespmem:$0x1C800] =	vst v63  }
0x37: {  	s20 =	rddreg [dreg:$0x7];
	s19 =	simm.s32 $0x300  }
0x38: {  	[tilespmem:s19], [sflag:$0x4] =	stream.linear.gather [hbm4b:s20+s4], $0x100, $0x38;
	[tilespmem:$0x1C800] =	vst v63  }
0x39: {  	s13 =	rddreg [dreg:$0x8];
	s20 =	simm.s32 $0x400  }
0x3a: {  	[tilespmem:s20], [sflag:$0x5] =	stream.linear.gather [hbm4b:s13+s4], $0x100, $0x38;
	[tilespmem:$0x1C800] =	vst v63  }
0x3b: {  	s20 =	rddreg [dreg:$0x9]  }
0x3c: {  	[tilespmem:s22], [sflag:$0x6] =	stream.linear.gather [hbm4b:s20+s4], $0x100, $0x38;
	[tilespmem:$0x1C800] =	vst v63  }
0x3d: {  	s20 =	rddreg [dreg:$0xa];
	s22 =	simm.s32 $0x600  }
0x3e: {  	[tilespmem:s22], [sflag:$0x7] =	stream.linear.gather [hbm4b:s20+s4], $0x100, $0x38;
	[tilespmem:$0x1C800] =	vst v63  }
0x3f: {  	s22 =	rddreg [dreg:$0xb]  }
0x40: {  	[tilespmem:s23], [sflag:$0x8] =	stream.linear.gather [hbm4b:s22+s4], $0x100, $0x38;
	[tilespmem:$0x1C800] =	vst v63  }
0x41: {  	_ =	swait.ge [sflag:s25], $0x100  }
0x42: {  	[sflag:s25] =	ssyncset.done $0x0  }
0x43: {  	[sflag:s25] =	ssyncadd.s32 $0xFFFFFF00  }
0x44: {  	[tilespmem:s28], [sflag:$0x9] =	stream.indirect.gather [hbm4b:s5+s26], $0x80, s4, s26, $0xb8;
	[tilespmem:$0x1C800] =	vst v63  }
0x45: {  	_ =	swait.ge [sflag:s29], $0x100  }
0x46: {  	[sflag:s29] =	ssyncset.done $0x0  }
0x47: {  	[sflag:s29] =	ssyncadd.s32 $0xFFFFFF00  }
0x48: {  	[tilespmem:s30], [sflag:$0xA] =	stream.indirect.gather [hbm4b:s5+s26], $0x80, s15, s26, $0xb8;
	[tilespmem:$0x1C800] =	vst v63  }
0x49: {  	_ =	swait.ge [sflag:s31], $0x100  }
0x4a: {  	[sflag:s31] =	ssyncset.done $0x0  }
0x4b: {  	[sflag:s31] =	ssyncadd.s32 $0xFFFFFF00  }
0x4c: {  	[tilespmem:s0], [sflag:$0xB] =	stream.indirect.gather [hbm4b:s5+s26], $0x80, s18, s26, $0xb8;
	[tilespmem:$0x1C800] =	vst v63  }
0x4d: {  	_ =	swait.ge [sflag:s1], $0x100  }
0x4e: {  	[sflag:s1] =	ssyncset.done $0x0  }
0x4f: {  	s18 =	stileid.u32;
	s20 =	rddreg [dreg:$0xc];
	[sflag:s1] =	ssyncadd.s32 $0xFFFFFF00  }
0x50: {  	[tilespmem:s3], [sflag:$0xC] =	stream.indirect.gather [hbm4b:s5+s26], $0x80, s19, s26, $0xb8;
	[tilespmem:$0x1C800] =	vst v63  }
0x51: {  	s13 =	sshll.u32 s18, $0x6;
	s22 =	sshrl.u32 s20, $0x3;
	s23 =	rddreg [dreg:$0x1]  }
0x52: {  	s19 =	sor.u32 $0x1C11, s13;
	[dreg:$0x11] =	wrdreg s22  }
0x53: {  	[dreg:$0x10] =	wrdreg s19  }
0x54: {  	[spmem:s22], [sflag:s19] =	dma.local [hbm:s23], $0x2800  }
0x55: {  	_ =	swait.ge [sflag:s24], $0x2800  }
0x56: {  	[sflag:s24] =	ssyncset.done $0x0  }
0x57: {  	[sflag:s24] =	ssyncadd.s32 $0xFFFFD800  }
0x58: {  	s13 =	simm.s32 $0x0;
	s24 =	simm.s32 $0x700;
	[bflag:$0x0] =	sbarrier.arrive $0xFFFF  }
.LBB2_2:
0x59: {  	_ =	swait.ge [sflag:s8], $0x2000  }
0x5a: {  	[sflag:s8] =	ssyncset.done $0x0  }
0x5b: {  	s15 =	simm.s32 $0x80;
	[sflag:s8] =	ssyncadd.s32 $0xFFFFE000  }
0x5c: {  	[spmem:s2] =	stream.indirect.scatter.add.f32 [tilespmem:s28], [sflag:$0xD], $0x80, s15, s26, $0xb8;
	[tilespmem:$0x1C800] =	vst v63  }
0x5d: {  	_ =	swait.ge [sflag:s10], $0x2000  }
0x5e: {  	[sflag:s10] =	ssyncset.done $0x0  }
0x5f: {  	s18 =	simm.s32 $0x180;
	[sflag:s10] =	ssyncadd.s32 $0xFFFFE000  }
0x60: {  	[spmem:s2] =	stream.indirect.scatter.add.f32 [tilespmem:s30], [sflag:$0xE], $0x80, s18, s26, $0xb8;
	[tilespmem:$0x1C800] =	vst v63  }
0x61: {  	_ =	swait.ge [sflag:s12], $0x2000  }
0x62: {  	[sflag:s12] =	ssyncset.done $0x0  }
0x63: {  	s19 =	simm.s32 $0x280;
	[sflag:s12] =	ssyncadd.s32 $0xFFFFE000  }
0x64: {  	[spmem:s2] =	stream.indirect.scatter.add.f32 [tilespmem:s0], [sflag:$0xF], $0x80, s19, s26, $0xb8;
	[tilespmem:$0x1C800] =	vst v63  }
0x65: {  	_ =	swait.ge [sflag:s14], $0x2000  }
0x66: {  	[sflag:s14] =	ssyncset.done $0x0  }
0x67: {  	s20 =	simm.s32 $0x380;
	[sflag:s14] =	ssyncadd.s32 $0xFFFFE000  }
0x68: {  	[spmem:s2] =	stream.indirect.scatter.add.f32 [tilespmem:s3], [sflag:$0x10], $0x80, s20, s26, $0xb8;
	[tilespmem:$0x1C800] =	vst v63  }
0x69: {  	_ =	swait.ge [sflag:s16], $0x2000  }
0x6a: {  	p0 =	seq.s32 s13, $0x1300;
	[sflag:s16] =	ssyncset.done $0x0  }
0x6b: {  	s15 =	simm.s32 @p0 $0x5;
	[sflag:s16] =	ssyncadd.s32 $0xFFFFE000  }
0x6c: {  	_ =	swait.ge @p0 [sflag:s15], $0x100  }
0x6d: {  	s23 =	simm.s32 @p0 $0x400;
	[sflag:s15] =	ssyncset.done @p0 $0x0  }
0x6e: {  	s18 =	simm.s32 @p0 $0x800;
	[sflag:s15] =	ssyncadd.s32 @p0 $0xFFFFFF00;
	s15 =	simm.s32 @p0 $0x40  }
0x6f: {  	[tilespmem:s18], [sflag:$0x9] =	stream.indirect.gather @p0 [hbm4b:s5+s15], $0x80, s23, s15, $0xb8;
	[tilespmem:$0x1C800] =	vst v63  }
0x70: {  	s18 =	simm.s32 @p0 $0xE  }
0x71: {  	_ =	swait.ge @p0 [sflag:s18], $0x2000  }
0x72: {  	s23 =	sadd.s32 @!p0 s13, s17;
	[sflag:s18] =	ssyncset.done @p0 $0x0  }
0x73: {  	s19 =	simm.s32 @!p0 $0x0;
	[sflag:s18] =	ssyncadd.s32 @p0 $0xFFFFE000;
	s18 =	sadd.s32 @!p0 $0x100, s23  }
0x74: {  	[tilespmem:s19], [sflag:$0x1] =	stream.linear.gather @!p0 [hbm4b:s18+s19], $0x100, $0x38;
	[tilespmem:$0x1C800] =	vst v63  }
0x75: {  	s18 =	simm.s32 @!p0 $0x5  }
0x76: {  	_ =	swait.ge @!p0 [sflag:s18], $0x100  }
0x77: {  	s22 =	simm.s32 @!p0 $0x800;
	[sflag:s18] =	ssyncset.done @!p0 $0x0  }
0x78: {  	s20 =	simm.s32 @!p0 $0x400;
	[sflag:s18] =	ssyncadd.s32 @!p0 $0xFFFFFF00;
	s18 =	simm.s32 @!p0 $0x40  }
0x79: {  	[tilespmem:s22], [sflag:$0x9] =	stream.indirect.gather @!p0 [hbm4b:s5+s18], $0x80, s20, s18, $0xb8;
	[tilespmem:$0x1C800] =	vst v63  }
0x7a: {  	s20 =	simm.s32 @!p0 $0xE  }
0x7b: {  	_ =	swait.ge @!p0 [sflag:s20], $0x2000  }
0x7c: {  	[sflag:s20] =	ssyncset.done @!p0 $0x0  }
0x7d: {  	s22 =	simm.s32 @!p0 $0x100;
	[sflag:s20] =	ssyncadd.s32 @!p0 $0xFFFFE000;
	s20 =	sadd.s32 @!p0 $0x120, s23  }
0x7e: {  	[tilespmem:s22], [sflag:$0x2] =	stream.linear.gather @!p0 [hbm4b:s20+s19], $0x100, $0x38;
	[tilespmem:$0x1C800] =	vst v63  }
0x7f: {  	_ =	swait.ge [sflag:s6], $0x100  }
0x80: {  	[sflag:s6] =	ssyncset.done $0x0  }
0x81: {  	s22 =	simm.s32 $0x500;
	[sflag:s6] =	ssyncadd.s32 $0xFFFFFF00  }
0x82: {  	[tilespmem:s30], [sflag:$0xA] =	stream.indirect.gather [hbm4b:s5+s26], $0x80, s22, s26, $0xb8;
	[tilespmem:$0x1C800] =	vst v63  }
0x83: {  	_ =	swait.ge [sflag:s7], $0x2000  }
0x84: {  	[sflag:s7] =	ssyncset.done $0x0  }
0x85: {  	s20 =	simm.s32 @p0 $0x7;
	[sflag:s7] =	ssyncadd.s32 $0xFFFFE000  }
0x86: {  	_ =	swait.ge @p0 [sflag:s20], $0x100  }
0x87: {  	[sflag:s20] =	ssyncset.done @p0 $0x0  }
0x88: {  	s22 =	simm.s32 @p0 $0x4800;
	[sflag:s20] =	ssyncadd.s32 @p0 $0xFFFFFF00;
	s20 =	simm.s32 @p0 $0x600  }
0x89: {  	[tilespmem:s22], [sflag:$0xB] =	stream.indirect.gather @p0 [hbm4b:s5+s15], $0x80, s20, s15, $0xb8;
	[tilespmem:$0x1C800] =	vst v63  }
0x8a: {  	s15 =	simm.s32 @p0 $0x10  }
0x8b: {  	_ =	swait.ge @p0 [sflag:s15], $0x2000  }
0x8c: {  	[sflag:s15] =	ssyncset.done @p0 $0x0  }
0x8d: {  	s20 =	simm.s32 @!p0 $0x200;
	[sflag:s15] =	ssyncadd.s32 @p0 $0xFFFFE000;
	s15 =	sadd.s32 @!p0 $0x140, s23  }
0x8e: {  	[tilespmem:s20], [sflag:$0x3] =	stream.linear.gather @!p0 [hbm4b:s15+s19], $0x100, $0x38;
	[tilespmem:$0x1C800] =	vst v63  }
0x8f: {  	s15 =	simm.s32 @!p0 $0x7  }
0x90: {  	_ =	swait.ge @!p0 [sflag:s15], $0x100  }
0x91: {  	[sflag:s15] =	ssyncset.done @!p0 $0x0  }
0x92: {  	s20 =	simm.s32 @!p0 $0x4800;
	[sflag:s15] =	ssyncadd.s32 @!p0 $0xFFFFFF00;
	s15 =	simm.s32 @!p0 $0x600  }
0x93: {  	[tilespmem:s20], [sflag:$0xB] =	stream.indirect.gather @!p0 [hbm4b:s5+s18], $0x80, s15, s18, $0xb8;
	[tilespmem:$0x1C800] =	vst v63  }
0x94: {  	s15 =	simm.s32 @!p0 $0x10  }
0x95: {  	_ =	swait.ge @!p0 [sflag:s15], $0x2000  }
0x96: {  	[sflag:s15] =	ssyncset.done @!p0 $0x0  }
0x97: {  	s18 =	simm.s32 @!p0 $0x300;
	[sflag:s15] =	ssyncadd.s32 @!p0 $0xFFFFE000;
	s15 =	sadd.s32 @!p0 $0x160, s23  }
0x98: {  	[tilespmem:s18], [sflag:$0x4] =	stream.linear.gather @!p0 [hbm4b:s15+s19], $0x100, $0x38;
	[tilespmem:$0x1C800] =	vst v63  }
0x99: {  	_ =	swait.ge [sflag:s21], $0x100  }
0x9a: {  	[sflag:s21] =	ssyncset.done $0x0  }
0x9b: {  	[sflag:s21] =	ssyncadd.s32 $0xFFFFFF00  }
0x9c: {  	[tilespmem:s3], [sflag:$0xC] =	stream.indirect.gather [hbm4b:s5+s26], $0x80, s24, s26, $0xb8;
	[tilespmem:$0x1C800] =	vst v63  }
0x9d: {  	_ =	swait.ge [sflag:s8], $0x2000  }
0x9e: {  	[sflag:s8] =	ssyncset.done $0x0  }
0x9f: {  	s20 =	simm.s32 $0x480;
	[sflag:s8] =	ssyncadd.s32 $0xFFFFE000  }
0xa0: {  	[spmem:s2] =	stream.indirect.scatter.add.f32 [tilespmem:s28], [sflag:$0xD], $0x80, s20, s26, $0xb8;
	[tilespmem:$0x1C800] =	vst v63  }
0xa1: {  	_ =	swait.ge [sflag:s10], $0x2000  }
0xa2: {  	[sflag:s10] =	ssyncset.done $0x0  }
0xa3: {  	s22 =	simm.s32 $0x580;
	[sflag:s10] =	ssyncadd.s32 $0xFFFFE000  }
0xa4: {  	[spmem:s2] =	stream.indirect.scatter.add.f32 [tilespmem:s30], [sflag:$0xE], $0x80, s22, s26, $0xb8;
	[tilespmem:$0x1C800] =	vst v63  }
0xa5: {  	_ =	swait.ge [sflag:s12], $0x2000  }
0xa6: {  	[sflag:s12] =	ssyncset.done $0x0  }
0xa7: {  	s23 =	simm.s32 $0x680;
	[sflag:s12] =	ssyncadd.s32 $0xFFFFE000  }
0xa8: {  	[spmem:s2] =	stream.indirect.scatter.add.f32 [tilespmem:s0], [sflag:$0xF], $0x80, s23, s26, $0xb8;
	[tilespmem:$0x1C800] =	vst v63  }
0xa9: {  	_ =	swait.ge [sflag:s14], $0x2000  }
0xaa: {  	[sflag:s14] =	ssyncset.done $0x0  }
.Ltmp2:
0xab: {  	s24 =	simm.s32 $0x780;
	[sflag:s14] =	ssyncadd.s32 $0xFFFFE000;
	(pc) =	sbr.rel @p0 .LBB2_4-.Ltmp2, $4  }
0xac: {  	[spmem:s2] =	stream.indirect.scatter.add.f32 [tilespmem:s3], [sflag:$0x10], $0x80, s24, s26, $0xb8;
	[tilespmem:$0x1C800] =	vst v63  }
0xad: {  	_ =	swait.ge [sflag:s16], $0x2000  }
0xae: {  	[sflag:s16] =	ssyncset.done $0x0  }
0xaf: {  	s23 =	simm.s32 $0x700;
	[sflag:s16] =	ssyncadd.s32 $0xFFFFE000  }
0xb0: {  	s15 =	sadd.s32 s13, s17  }
0xb1: {  	s19 =	simm.s32 $0x400;
	s18 =	sadd.s32 $0x180, s15  }
0xb2: {  	[tilespmem:s19], [sflag:$0x5] =	stream.linear.gather [hbm4b:s18+s4], $0x100, $0x38;
	[tilespmem:$0x1C800] =	vst v63  }
0xb3: {  	_ =	swait.ge [sflag:s25], $0x100  }
0xb4: {  	[sflag:s25] =	ssyncset.done $0x0  }
0xb5: {  	[sflag:s25] =	ssyncadd.s32 $0xFFFFFF00  }
0xb6: {  	[tilespmem:s28], [sflag:$0x9] =	stream.indirect.gather [hbm4b:s5+s26], $0x80, s4, s26, $0xb8;
	[tilespmem:$0x1C800] =	vst v63  }
0xb7: {  	_ =	swait.ge [sflag:s9], $0x2000  }
0xb8: {  	[sflag:s9] =	ssyncset.done $0x0  }
0xb9: {  	s22 =	simm.s32 $0x500;
	s20 =	sadd.s32 $0x1A0, s15;
	[sflag:s9] =	ssyncadd.s32 $0xFFFFE000  }
0xba: {  	[tilespmem:s22], [sflag:$0x6] =	stream.linear.gather [hbm4b:s20+s4], $0x100, $0x38;
	[tilespmem:$0x1C800] =	vst v63  }
0xbb: {  	_ =	swait.ge [sflag:s29], $0x100  }
0xbc: {  	[sflag:s29] =	ssyncset.done $0x0  }
0xbd: {  	s24 =	simm.s32 $0x100;
	[sflag:s29] =	ssyncadd.s32 $0xFFFFFF00  }
0xbe: {  	[tilespmem:s30], [sflag:$0xA] =	stream.indirect.gather [hbm4b:s5+s26], $0x80, s24, s26, $0xb8;
	[tilespmem:$0x1C800] =	vst v63  }
0xbf: {  	_ =	swait.ge [sflag:s7], $0x2000  }
0xc0: {  	[sflag:s7] =	ssyncset.done $0x0  }
0xc1: {  	s19 =	sadd.s32 $0x1C0, s15;
	s20 =	simm.s32 $0x600;
	[sflag:s7] =	ssyncadd.s32 $0xFFFFE000  }
0xc2: {  	[tilespmem:s20], [sflag:$0x7] =	stream.linear.gather [hbm4b:s19+s4], $0x100, $0x38;
	[tilespmem:$0x1C800] =	vst v63  }
0xc3: {  	_ =	swait.ge [sflag:s31], $0x100  }
0xc4: {  	[sflag:s31] =	ssyncset.done $0x0  }
0xc5: {  	s22 =	simm.s32 $0x200;
	[sflag:s31] =	ssyncadd.s32 $0xFFFFFF00  }
0xc6: {  	[tilespmem:s0], [sflag:$0xB] =	stream.indirect.gather [hbm4b:s5+s26], $0x80, s22, s26, $0xb8;
	[tilespmem:$0x1C800] =	vst v63  }
0xc7: {  	_ =	swait.ge [sflag:s11], $0x2000  }
0xc8: {  	[sflag:s11] =	ssyncset.done $0x0  }
0xc9: {  	s15 =	sadd.s32 $0x1E0, s15;
	[sflag:s11] =	ssyncadd.s32 $0xFFFFE000  }
0xca: {  	[tilespmem:s23], [sflag:$0x8] =	stream.linear.gather [hbm4b:s15+s4], $0x100, $0x38;
	[tilespmem:$0x1C800] =	vst v63  }
.Ltmp3:
0xcb: {  	_ =	swait.ge [sflag:s1], $0x100;
	(pc) =	sbr.rel .LBB2_2-.Ltmp3, $4  }
0xcc: {  	[sflag:s1] =	ssyncset.done $0x0  }
0xcd: {  	s24 =	simm.s32 $0x300;
	[sflag:s1] =	ssyncadd.s32 $0xFFFFFF00  }
0xce: {  	[tilespmem:s3], [sflag:$0xC] =	stream.indirect.gather [hbm4b:s5+s26], $0x80, s24, s26, $0xb8;
	[tilespmem:$0x1C800] =	vst v63  }
0xcf: {  	s13 =	sadd.s32 $0x100, s13;
	s24 =	simm.s32 $0x700  }
.LBB2_5:
0xd0: {  	_ =	sfence.sel $0x180000  }
0xd1: {  	[bflag:$0x0] =	sbarrier.arrive $0xFFFF  }
0xd2: {  	_ =	strace $0x90000050  }
0xd3: {  	s0 =	stileid.u32;
	[bflag:$0x2] =	sbarrier.arrive $0xFFFF  }
0xd4: {  	p0 =	sne.s32 s0, $0x0;
	s0 =	rddreg [dreg:$0x3]  }
0xd5: {  	s0 =	sadd.s32 @!p0 $0x100000, s0  }
0xd6: {  	[sflag:s0] =	ssyncadd.tile.s32 @!p0 $0x1;
	_ =	shalt  }
.Lfunc_end2:
_tile_overlayer_lowered:
.L_overlay_start_2:
0xd7: {  	(tag) =	ssettag $0x2  }
0xd8: {  	s0 =	rddreg [dreg:$0x0];
	s2 =	stileid.u32  }
0xd9: {  	s1 =	rddreg [dreg:$0x1];
	p0 =	sne.s32 s2, $0x0  }
0xda: {  	s3 =	rddreg [dreg:$0x2];
	[bflag:$0x3] =	sbarrier.arrive $0xFFFF;
	s2 =	simm.s32 @!p0 $0x1C11  }
0xdb: {  	[timem:s3], [sflag:s2] =	dma.local @!p0 [hbm:s0], s1  }
0xdc: {  	s0 =	simm.s32 @!p0 $0x11  }
0xdd: {  	_ =	swait.ge @!p0 [sflag:s0], s1  }
0xde: {  	s1 =	ssub.s32 @!p0 $0x0, s1;
	[sflag:s0] =	ssyncset.done @!p0 $0x0  }
0xdf: {  	[sflag:s0] =	ssyncadd.s32 @!p0 s1  }
0xe0: {  	[bflag:$0x3] =	sbarrier.arrive $0xFFFF  }
0xe1: {  	_ =	shalt  }

</sc_bundles>
